<compile_context>
chip_gen: v7x
topology: tpu7x:2x2x1
jax: 0.10.2.dev20260603
libtpu: 0.0.44.dev20260713+nightly
codegen_flags: <defaults>
</compile_context>

<pallas_src>
import jax
import jax.numpy as jnp
from jax import lax
from jax.experimental import pallas as pl
from jax.experimental.pallas import tpu as pltpu
from jax.experimental.pallas import tpu_sc as plsc

B = 16384
D = 32
NC = 2
NS = 16
L = 16
NW = NC * NS
BPW = B // NW
NG = BPW // L
WPG = 2 * L
NSET = 8
BLK = 128
SLOT = 2 * BLK


def _fpmc_body(uid_hbm, lic_hbm, nit_hbm, ui_hbm, iu_hbm, li_hbm, il_hbm,
               out_hbm, idx_u, idx_l, idx_n, blk0, blk1, blk2, blk3, blk4,
               blk5, blk6, blk7, out_v, sem0, sem1, sem2, sem3, sem4, sem5,
               sem6, sem7):
    wid = lax.axis_index("s") * NC + lax.axis_index("c")
    base = wid * BPW

    pltpu.sync_copy(uid_hbm.at[pl.ds(base, BPW)], idx_u)
    pltpu.sync_copy(lic_hbm.at[pl.ds(base, BPW)], idx_l)
    pltpu.sync_copy(nit_hbm.at[pl.ds(base, BPW)], idx_n)

    lanes = lax.iota(jnp.int32, L)
    tabs = (ui_hbm, iu_hbm, li_hbm, il_hbm)
    bufs = (blk0, blk1, blk2, blk3, blk4, blk5, blk6, blk7)
    sems = (sem0, sem1, sem2, sem3, sem4, sem5, sem6, sem7)

    def load_vecs(g):
        s = pl.ds(g * L, L)
        return idx_u[s], idx_l[s], idx_n[s]

    def fire(vecs, w2, pb):
        uvec, lvec, nvec = vecs
        buf, sem = bufs[pb], sems[pb]
        lane = w2 // 2
        if w2 % 2 == 0:
            vs = (uvec[lane], nvec[lane])
            tt = (tabs[0], tabs[1])
        else:
            vs = (lvec[lane], nvec[lane])
            tt = (tabs[2], tabs[3])
        for t in range(2):
            j = pl.multiple_of((vs[t] >> 7) * BLK, BLK)
            pltpu.async_copy(tt[t].at[:, pl.ds(j, BLK)],
                             buf.at[:, pl.ds(t * BLK, BLK)], sem)

    def drain(pb):
        buf, sem = bufs[pb], sems[pb]
        for i in range(2):
            pltpu.make_async_copy(ui_hbm.at[:, pl.ds(0, BLK)],
                                  buf.at[:, pl.ds(i * BLK, BLK)], sem).wait()

    def compute(vecs, w2, score):
        uvec, lvec, nvec = vecs
        lane = w2 // 2
        vs = (uvec[lane], nvec[lane], lvec[lane], nvec[lane])
        bsel = (bufs[(w2 - 1) % NSET], bufs[(w2 - 1) % NSET],
                bufs[w2 % NSET], bufs[w2 % NSET])
        cols = []
        for t in range(4):
            c = jnp.broadcast_to(vs[t] & (BLK - 1), (L,))
            col = c + (t % 2) * BLK
            lo = plsc.load_gather(bsel[t], [lanes, col])
            hi = plsc.load_gather(bsel[t], [lanes + L, col])
            cols.append((lo, hi))
        p = (cols[0][0] * cols[1][0] + cols[0][1] * cols[1][1] +
             cols[2][0] * cols[3][0] + cols[2][1] * cols[3][1])
        s = jnp.sum(p)
        return jnp.where(lanes == lane, s, score)

    AHEAD = NSET - 1

    def group_body(g, carry):
        vecs = load_vecs(g)
        vecs_next = load_vecs(jnp.minimum(g + 1, NG - 1))
        score = jnp.zeros((L,), jnp.float32)
        for w2 in range(WPG):
            drain(w2 % NSET)
            if w2 % 2 == 1:
                score = compute(vecs, w2, score)
            tgt = w2 + AHEAD
            if tgt < WPG:
                fire(vecs, tgt, tgt % NSET)
            else:
                @pl.when(g + 1 < NG)
                def _():
                    fire(vecs_next, tgt - WPG, (tgt - WPG) % NSET)
        out_v[pl.ds(g * L, L)] = 1.0 / (1.0 + jnp.exp(-score))
        return carry

    first = load_vecs(0)
    for w2 in range(AHEAD):
        fire(first, w2, w2 % NSET)
    lax.fori_loop(0, NG, group_body, 0)
    pltpu.sync_copy(out_v, out_hbm.at[pl.ds(base, BPW)])


@jax.jit
def _fpmc(uid, lic, nit, UIt, IUt, LIt, ILt):
    fn = pl.kernel(
        _fpmc_body,
        out_type=jax.ShapeDtypeStruct((B,), jnp.float32),
        mesh=plsc.VectorSubcoreMesh(core_axis_name="c", subcore_axis_name="s",
                                    num_cores=NC, num_subcores=NS),
        scratch_types=[
            pltpu.VMEM((BPW,), jnp.int32),
            pltpu.VMEM((BPW,), jnp.int32),
            pltpu.VMEM((BPW,), jnp.int32),
            pltpu.VMEM((D, SLOT), jnp.float32),
            pltpu.VMEM((D, SLOT), jnp.float32),
            pltpu.VMEM((D, SLOT), jnp.float32),
            pltpu.VMEM((D, SLOT), jnp.float32),
            pltpu.VMEM((D, SLOT), jnp.float32),
            pltpu.VMEM((D, SLOT), jnp.float32),
            pltpu.VMEM((D, SLOT), jnp.float32),
            pltpu.VMEM((D, SLOT), jnp.float32),
            pltpu.VMEM((BPW,), jnp.float32),
            pltpu.SemaphoreType.DMA,
            pltpu.SemaphoreType.DMA,
            pltpu.SemaphoreType.DMA,
            pltpu.SemaphoreType.DMA,
            pltpu.SemaphoreType.DMA,
            pltpu.SemaphoreType.DMA,
            pltpu.SemaphoreType.DMA,
            pltpu.SemaphoreType.DMA,
        ],
        compiler_params=pltpu.CompilerParams(use_tc_tiling_on_sc=True,
                                             needs_layout_passes=False),
    )
    return fn(uid, lic, nit, UIt, IUt, LIt, ILt)


def kernel(user_id, item_last_click, next_item, UI, IU, LI, IL):
    uid = user_id.reshape(-1).astype(jnp.int32)
    lic = item_last_click.reshape(-1).astype(jnp.int32)
    nit = next_item.reshape(-1).astype(jnp.int32)
    return _fpmc(uid, lic, nit, UI.T, IU.T, LI.T, IL.T)

# --- scband reference (transcript-rebuilt; emitter-appended) ---
"""Pipeline reference for scband-fpmc-25348896981771 (READ-ONLY COPY).

The authoritative reference and input builder live on the scoring server;
editing this copy changes nothing except your own understanding.
"""

import jax, jax.numpy as jnp
import numpy as np

B = 16384
N_USERS = 1000000
N_ITEMS = 1000000
D = 32

def setup_inputs(seed: int = 0) -> dict:
    key = jax.random.key(seed)
    k1, k2, k3, k4, k5, k6, k7 = jax.random.split(key, 7)
    user_id = jax.random.randint(k1, (B, 1), 0, N_USERS, dtype=jnp.int64) if jax.config.read('jax_enable_x64') else jax.random.randint(k1, (B, 1), 0, N_USERS).astype(jnp.int32)
    item_last_click = jax.random.randint(k2, (B, 1), 0, N_ITEMS).astype(user_id.dtype)
    next_item = jax.random.randint(k3, (B, 1), 0, N_ITEMS).astype(user_id.dtype)
    UI = jax.random.normal(k4, (N_USERS, D), dtype=jnp.float32) * 0.05
    IU = jax.random.normal(k5, (N_ITEMS, D), dtype=jnp.float32) * 0.05
    LI = jax.random.normal(k6, (N_ITEMS, D), dtype=jnp.float32) * 0.05
    IL = jax.random.normal(k7, (N_ITEMS, D), dtype=jnp.float32) * 0.05
    return {"user_id": user_id, "item_last_click": item_last_click, "next_item": next_item, "UI": UI, "IU": IU, "LI": LI, "IL": IL}

def reference(user_id, item_last_click, next_item, UI, IU, LI, IL):
    # Embedding lookups (gather) -> [B, 1, D]
    item_seq_emb = jnp.take(LI, item_last_click, axis=0)
    user_emb = jnp.take(UI, user_id, axis=0)
    iu_emb = jnp.take(IU, next_item, axis=0)
    il_emb = jnp.take(IL, next_item, axis=0)
    # MF part: [B,1,D] @ [B,D,1] -> [B,1,1] -> squeeze axis=1 -> [B,1]
    mf = jnp.matmul(user_emb, jnp.transpose(iu_emb, (0, 2, 1)))
    mf = jnp.squeeze(mf, axis=1)
    # FMC part
    fmc = jnp.matmul(il_emb, jnp.transpose(item_seq_emb, (0, 2, 1)))
    fmc = jnp.squeeze(fmc, axis=1)
    score = mf + fmc
    score = jnp.squeeze(score)
    output = jax.nn.sigmoid(score)
    return output

if __name__ == "__main__":
    import jax
    _d = setup_inputs()
    print(jax.jit(kernel)(*tuple(_d.values())))

</pallas_src>

<mosaic_0001>
#map = affine_map<(d0, d1) -> (0)>
#map1 = affine_map<(d0, d1) -> (0, 0)>
module attributes {stable_mosaic.version = 14 : i64} {
  func.func @_fpmc_body(%arg0: i32, %arg1: i32, %arg2: memref<16384xi32, #tpu.memory_space<hbm>>, %arg3: memref<16384xi32, #tpu.memory_space<hbm>>, %arg4: memref<16384xi32, #tpu.memory_space<hbm>>, %arg5: memref<32x1000000xf32, #tpu.memory_space<hbm>>, %arg6: memref<32x1000000xf32, #tpu.memory_space<hbm>>, %arg7: memref<32x1000000xf32, #tpu.memory_space<hbm>>, %arg8: memref<32x1000000xf32, #tpu.memory_space<hbm>>, %arg9: memref<16384xf32, #tpu.memory_space<hbm>>, %arg10: memref<512xi32, #tpu.memory_space<vmem>>, %arg11: memref<512xi32, #tpu.memory_space<vmem>>, %arg12: memref<512xi32, #tpu.memory_space<vmem>>, %arg13: memref<32x256xf32, #tpu.memory_space<vmem>>, %arg14: memref<32x256xf32, #tpu.memory_space<vmem>>, %arg15: memref<32x256xf32, #tpu.memory_space<vmem>>, %arg16: memref<32x256xf32, #tpu.memory_space<vmem>>, %arg17: memref<32x256xf32, #tpu.memory_space<vmem>>, %arg18: memref<32x256xf32, #tpu.memory_space<vmem>>, %arg19: memref<32x256xf32, #tpu.memory_space<vmem>>, %arg20: memref<32x256xf32, #tpu.memory_space<vmem>>, %arg21: memref<512xf32, #tpu.memory_space<vmem>>, %arg22: memref<!tpu.dma_semaphore, #tpu.memory_space<semaphore_mem>>, %arg23: memref<!tpu.dma_semaphore, #tpu.memory_space<semaphore_mem>>, %arg24: memref<!tpu.dma_semaphore, #tpu.memory_space<semaphore_mem>>, %arg25: memref<!tpu.dma_semaphore, #tpu.memory_space<semaphore_mem>>, %arg26: memref<!tpu.dma_semaphore, #tpu.memory_space<semaphore_mem>>, %arg27: memref<!tpu.dma_semaphore, #tpu.memory_space<semaphore_mem>>, %arg28: memref<!tpu.dma_semaphore, #tpu.memory_space<semaphore_mem>>, %arg29: memref<!tpu.dma_semaphore, #tpu.memory_space<semaphore_mem>>) attributes {dimension_semantics = [#tpu.dimension_semantics<core_parallel>, #tpu.dimension_semantics<subcore_parallel>], iteration_bounds = array<i64: 2, 16>, scalar_prefetch = 0 : i64, scratch_operands = 20 : i64, tpu.core_type = #tpu.core_type<sc_vector_subcore>, window_params = [{transform_indices = #map}, {transform_indices = #map}, {transform_indices = #map}, {transform_indices = #map1}, {transform_indices = #map1}, {transform_indices = #map1}, {transform_indices = #map1}, {transform_indices = #map}]} {
    %mul3A = arith.constant 2 : i32
    %mul3A_0 = arith.muli %arg1, %mul3A : i32
    %add3A = arith.addi %mul3A_0, %arg0 : i32
    %mul3A_1 = arith.constant 512 : i32
    %mul3A_2 = arith.muli %add3A, %mul3A_1 : i32
    "tpu.region"() ({
      %run_scoped3A = tpu.sem_alloc : memref<!tpu.dma_semaphore, #tpu.memory_space<semaphore_mem>>
      %dma_start3A_246 = tpu.memref_slice %arg2[%mul3A_2] : memref<16384xi32, #tpu.memory_space<hbm>> -> memref<512xi32, #tpu.memory_space<hbm>>
      %dma_start3A_247 = tpu.memref_slice %arg2[%mul3A_2] : memref<16384xi32, #tpu.memory_space<hbm>> -> memref<512xi32, #tpu.memory_space<hbm>>
      tpu.enqueue_dma source(%dma_start3A_247 : memref<512xi32, #tpu.memory_space<hbm>>) target(%arg10 : memref<512xi32, #tpu.memory_space<vmem>>) target_semaphore(%run_scoped3A : memref<!tpu.dma_semaphore, #tpu.memory_space<semaphore_mem>>)
      %dma_wait3A = tpu.memref_slice %arg2[%mul3A_2] : memref<16384xi32, #tpu.memory_space<hbm>> -> memref<512xi32, #tpu.memory_space<hbm>>
      %dma_wait3A_248 = tpu.memref_slice %arg2[%mul3A_2] : memref<16384xi32, #tpu.memory_space<hbm>> -> memref<512xi32, #tpu.memory_space<hbm>>
      tpu.wait_dma2 semaphore(%run_scoped3A : memref<!tpu.dma_semaphore, #tpu.memory_space<semaphore_mem>>) src(%dma_wait3A_248 : memref<512xi32, #tpu.memory_space<hbm>>) dst(%arg10 : memref<512xi32, #tpu.memory_space<vmem>>)
      tpu.yield
    }) : () -> ()
    "tpu.region"() ({
      %run_scoped3A = tpu.sem_alloc : memref<!tpu.dma_semaphore, #tpu.memory_space<semaphore_mem>>
      %dma_start3A_246 = tpu.memref_slice %arg3[%mul3A_2] : memref<16384xi32, #tpu.memory_space<hbm>> -> memref<512xi32, #tpu.memory_space<hbm>>
      %dma_start3A_247 = tpu.memref_slice %arg3[%mul3A_2] : memref<16384xi32, #tpu.memory_space<hbm>> -> memref<512xi32, #tpu.memory_space<hbm>>
      tpu.enqueue_dma source(%dma_start3A_247 : memref<512xi32, #tpu.memory_space<hbm>>) target(%arg11 : memref<512xi32, #tpu.memory_space<vmem>>) target_semaphore(%run_scoped3A : memref<!tpu.dma_semaphore, #tpu.memory_space<semaphore_mem>>)
      %dma_wait3A = tpu.memref_slice %arg3[%mul3A_2] : memref<16384xi32, #tpu.memory_space<hbm>> -> memref<512xi32, #tpu.memory_space<hbm>>
      %dma_wait3A_248 = tpu.memref_slice %arg3[%mul3A_2] : memref<16384xi32, #tpu.memory_space<hbm>> -> memref<512xi32, #tpu.memory_space<hbm>>
      tpu.wait_dma2 semaphore(%run_scoped3A : memref<!tpu.dma_semaphore, #tpu.memory_space<semaphore_mem>>) src(%dma_wait3A_248 : memref<512xi32, #tpu.memory_space<hbm>>) dst(%arg11 : memref<512xi32, #tpu.memory_space<vmem>>)
      tpu.yield
    }) : () -> ()
    "tpu.region"() ({
      %run_scoped3A = tpu.sem_alloc : memref<!tpu.dma_semaphore, #tpu.memory_space<semaphore_mem>>
      %dma_start3A_246 = tpu.memref_slice %arg4[%mul3A_2] : memref<16384xi32, #tpu.memory_space<hbm>> -> memref<512xi32, #tpu.memory_space<hbm>>
      %dma_start3A_247 = tpu.memref_slice %arg4[%mul3A_2] : memref<16384xi32, #tpu.memory_space<hbm>> -> memref<512xi32, #tpu.memory_space<hbm>>
      tpu.enqueue_dma source(%dma_start3A_247 : memref<512xi32, #tpu.memory_space<hbm>>) target(%arg12 : memref<512xi32, #tpu.memory_space<vmem>>) target_semaphore(%run_scoped3A : memref<!tpu.dma_semaphore, #tpu.memory_space<semaphore_mem>>)
      %dma_wait3A = tpu.memref_slice %arg4[%mul3A_2] : memref<16384xi32, #tpu.memory_space<hbm>> -> memref<512xi32, #tpu.memory_space<hbm>>
      %dma_wait3A_248 = tpu.memref_slice %arg4[%mul3A_2] : memref<16384xi32, #tpu.memory_space<hbm>> -> memref<512xi32, #tpu.memory_space<hbm>>
      tpu.wait_dma2 semaphore(%run_scoped3A : memref<!tpu.dma_semaphore, #tpu.memory_space<semaphore_mem>>) src(%dma_wait3A_248 : memref<512xi32, #tpu.memory_space<hbm>>) dst(%arg12 : memref<512xi32, #tpu.memory_space<vmem>>)
      tpu.yield
    }) : () -> ()
    %iota3A = tpu.iota {dimensions = array<i32: 0>} : vector<16xi32>
    %get3A = arith.constant 0 : index
    %get3A_3 = tpu.vector_load %arg10[%get3A] {strides = array<i32>} : memref<512xi32, #tpu.memory_space<vmem>>, vector<16xi32>,
    %get3A_4 = arith.constant 0 : index
    %get3A_5 = tpu.vector_load %arg11[%get3A_4] {strides = array<i32>} : memref<512xi32, #tpu.memory_space<vmem>>, vector<16xi32>,
    %get3A_6 = arith.constant 0 : index
    %get3A_7 = tpu.vector_load %arg12[%get3A_6] {strides = array<i32>} : memref<512xi32, #tpu.memory_space<vmem>>, vector<16xi32>,
    %slice3A = vector.extract_strided_slice %get3A_3 {offsets = [0], sizes = [1], strides = [1]} : vector<16xi32> to vector<1xi32>
    %squeeze3A = vector.extract %slice3A[0] : i32 from vector<1xi32>
    %slice3A_8 = vector.extract_strided_slice %get3A_7 {offsets = [0], sizes = [1], strides = [1]} : vector<16xi32> to vector<1xi32>
    %squeeze3A_9 = vector.extract %slice3A_8[0] : i32 from vector<1xi32>
    %shift_right_arithmetic3A = arith.constant 7 : i32
    %shift_right_arithmetic3A_10 = arith.shrsi %squeeze3A, %shift_right_arithmetic3A : i32
    %mul3A_11 = arith.constant 128 : i32
    %mul3A_12 = arith.muli %shift_right_arithmetic3A_10, %mul3A_11 : i32
    %multiple_of3A = tpu.assume_multiple %mul3A_12, 128 : i32
    %dma_start3A = arith.constant 0 : i32
    %dma_start3A_13 = arith.constant 0 : i32
    %dma_start3A_14 = tpu.memref_slice %arg13[%dma_start3A, %dma_start3A_13] : memref<32x256xf32, #tpu.memory_space<vmem>> -> memref<32x128xf32, #tpu.memory_space<vmem>>
    %dma_start3A_15 = arith.constant 0 : i32
    %dma_start3A_16 = tpu.memref_slice %arg5[%dma_start3A_15, %multiple_of3A] : memref<32x1000000xf32, #tpu.memory_space<hbm>> -> memref<32x128xf32, #tpu.memory_space<hbm>>
    %dma_start3A_17 = arith.constant 0 : i32
    %dma_start3A_18 = arith.constant 0 : i32
    %dma_start3A_19 = tpu.memref_slice %arg13[%dma_start3A_17, %dma_start3A_18] : memref<32x256xf32, #tpu.memory_space<vmem>> -> memref<32x128xf32, #tpu.memory_space<vmem>>
    %dma_start3A_20 = arith.constant 0 : i32
    %dma_start3A_21 = tpu.memref_slice %arg5[%dma_start3A_20, %multiple_of3A] : memref<32x1000000xf32, #tpu.memory_space<hbm>> -> memref<32x128xf32, #tpu.memory_space<hbm>>
    tpu.enqueue_dma source(%dma_start3A_21 : memref<32x128xf32, #tpu.memory_space<hbm>>) target(%dma_start3A_19 : memref<32x128xf32, #tpu.memory_space<vmem>>) target_semaphore(%arg22 : memref<!tpu.dma_semaphore, #tpu.memory_space<semaphore_mem>>)
    %shift_right_arithmetic3A_22 = arith.constant 7 : i32
    %shift_right_arithmetic3A_23 = arith.shrsi %squeeze3A_9, %shift_right_arithmetic3A_22 : i32
    %mul3A_24 = arith.constant 128 : i32
    %mul3A_25 = arith.muli %shift_right_arithmetic3A_23, %mul3A_24 : i32
    %multiple_of3A_26 = tpu.assume_multiple %mul3A_25, 128 : i32
    %dma_start3A_27 = arith.constant 0 : i32
    %dma_start3A_28 = arith.constant 128 : i32
    %dma_start3A_29 = tpu.memref_slice %arg13[%dma_start3A_27, %dma_start3A_28] : memref<32x256xf32, #tpu.memory_space<vmem>> -> memref<32x128xf32, #tpu.memory_space<vmem>>
    %dma_start3A_30 = arith.constant 0 : i32
    %dma_start3A_31 = tpu.memref_slice %arg6[%dma_start3A_30, %multiple_of3A_26] : memref<32x1000000xf32, #tpu.memory_space<hbm>> -> memref<32x128xf32, #tpu.memory_space<hbm>>
    %dma_start3A_32 = arith.constant 0 : i32
    %dma_start3A_33 = arith.constant 128 : i32
    %dma_start3A_34 = tpu.memref_slice %arg13[%dma_start3A_32, %dma_start3A_33] : memref<32x256xf32, #tpu.memory_space<vmem>> -> memref<32x128xf32, #tpu.memory_space<vmem>>
    %dma_start3A_35 = arith.constant 0 : i32
    %dma_start3A_36 = tpu.memref_slice %arg6[%dma_start3A_35, %multiple_of3A_26] : memref<32x1000000xf32, #tpu.memory_space<hbm>> -> memref<32x128xf32, #tpu.memory_space<hbm>>
    tpu.enqueue_dma source(%dma_start3A_36 : memref<32x128xf32, #tpu.memory_space<hbm>>) target(%dma_start3A_34 : memref<32x128xf32, #tpu.memory_space<vmem>>) target_semaphore(%arg22 : memref<!tpu.dma_semaphore, #tpu.memory_space<semaphore_mem>>)
    %slice3A_37 = vector.extract_strided_slice %get3A_5 {offsets = [0], sizes = [1], strides = [1]} : vector<16xi32> to vector<1xi32>
    %squeeze3A_38 = vector.extract %slice3A_37[0] : i32 from vector<1xi32>
    %slice3A_39 = vector.extract_strided_slice %get3A_7 {offsets = [0], sizes = [1], strides = [1]} : vector<16xi32> to vector<1xi32>
    %squeeze3A_40 = vector.extract %slice3A_39[0] : i32 from vector<1xi32>
    %shift_right_arithmetic3A_41 = arith.constant 7 : i32
    %shift_right_arithmetic3A_42 = arith.shrsi %squeeze3A_38, %shift_right_arithmetic3A_41 : i32
    %mul3A_43 = arith.constant 128 : i32
    %mul3A_44 = arith.muli %shift_right_arithmetic3A_42, %mul3A_43 : i32
    %multiple_of3A_45 = tpu.assume_multiple %mul3A_44, 128 : i32
    %dma_start3A_46 = arith.constant 0 : i32
    %dma_start3A_47 = arith.constant 0 : i32
    %dma_start3A_48 = tpu.memref_slice %arg14[%dma_start3A_46, %dma_start3A_47] : memref<32x256xf32, #tpu.memory_space<vmem>> -> memref<32x128xf32, #tpu.memory_space<vmem>>
    %dma_start3A_49 = arith.constant 0 : i32
    %dma_start3A_50 = tpu.memref_slice %arg7[%dma_start3A_49, %multiple_of3A_45] : memref<32x1000000xf32, #tpu.memory_space<hbm>> -> memref<32x128xf32, #tpu.memory_space<hbm>>
    %dma_start3A_51 = arith.constant 0 : i32
    %dma_start3A_52 = arith.constant 0 : i32
    %dma_start3A_53 = tpu.memref_slice %arg14[%dma_start3A_51, %dma_start3A_52] : memref<32x256xf32, #tpu.memory_space<vmem>> -> memref<32x128xf32, #tpu.memory_space<vmem>>
    %dma_start3A_54 = arith.constant 0 : i32
    %dma_start3A_55 = tpu.memref_slice %arg7[%dma_start3A_54, %multiple_of3A_45] : memref<32x1000000xf32, #tpu.memory_space<hbm>> -> memref<32x128xf32, #tpu.memory_space<hbm>>
    tpu.enqueue_dma source(%dma_start3A_55 : memref<32x128xf32, #tpu.memory_space<hbm>>) target(%dma_start3A_53 : memref<32x128xf32, #tpu.memory_space<vmem>>) target_semaphore(%arg23 : memref<!tpu.dma_semaphore, #tpu.memory_space<semaphore_mem>>)
    %shift_right_arithmetic3A_56 = arith.constant 7 : i32
    %shift_right_arithmetic3A_57 = arith.shrsi %squeeze3A_40, %shift_right_arithmetic3A_56 : i32
    %mul3A_58 = arith.constant 128 : i32
    %mul3A_59 = arith.muli %shift_right_arithmetic3A_57, %mul3A_58 : i32
    %multiple_of3A_60 = tpu.assume_multiple %mul3A_59, 128 : i32
    %dma_start3A_61 = arith.constant 0 : i32
    %dma_start3A_62 = arith.constant 128 : i32
    %dma_start3A_63 = tpu.memref_slice %arg14[%dma_start3A_61, %dma_start3A_62] : memref<32x256xf32, #tpu.memory_space<vmem>> -> memref<32x128xf32, #tpu.memory_space<vmem>>
    %dma_start3A_64 = arith.constant 0 : i32
    %dma_start3A_65 = tpu.memref_slice %arg8[%dma_start3A_64, %multiple_of3A_60] : memref<32x1000000xf32, #tpu.memory_space<hbm>> -> memref<32x128xf32, #tpu.memory_space<hbm>>
    %dma_start3A_66 = arith.constant 0 : i32
    %dma_start3A_67 = arith.constant 128 : i32
    %dma_start3A_68 = tpu.memref_slice %arg14[%dma_start3A_66, %dma_start3A_67] : memref<32x256xf32, #tpu.memory_space<vmem>> -> memref<32x128xf32, #tpu.memory_space<vmem>>
    %dma_start3A_69 = arith.constant 0 : i32
    %dma_start3A_70 = tpu.memref_slice %arg8[%dma_start3A_69, %multiple_of3A_60] : memref<32x1000000xf32, #tpu.memory_space<hbm>> -> memref<32x128xf32, #tpu.memory_space<hbm>>
    tpu.enqueue_dma source(%dma_start3A_70 : memref<32x128xf32, #tpu.memory_space<hbm>>) target(%dma_start3A_68 : memref<32x128xf32, #tpu.memory_space<vmem>>) target_semaphore(%arg23 : memref<!tpu.dma_semaphore, #tpu.memory_space<semaphore_mem>>)
    %slice3A_71 = vector.extract_strided_slice %get3A_3 {offsets = [1], sizes = [1], strides = [1]} : vector<16xi32> to vector<1xi32>
    %squeeze3A_72 = vector.extract %slice3A_71[0] : i32 from vector<1xi32>
    %slice3A_73 = vector.extract_strided_slice %get3A_7 {offsets = [1], sizes = [1], strides = [1]} : vector<16xi32> to vector<1xi32>
    %squeeze3A_74 = vector.extract %slice3A_73[0] : i32 from vector<1xi32>
    %shift_right_arithmetic3A_75 = arith.constant 7 : i32
    %shift_right_arithmetic3A_76 = arith.shrsi %squeeze3A_72, %shift_right_arithmetic3A_75 : i32
    %mul3A_77 = arith.constant 128 : i32
    %mul3A_78 = arith.muli %shift_right_arithmetic3A_76, %mul3A_77 : i32
    %multiple_of3A_79 = tpu.assume_multiple %mul3A_78, 128 : i32
    %dma_start3A_80 = arith.constant 0 : i32
    %dma_start3A_81 = arith.constant 0 : i32
    %dma_start3A_82 = tpu.memref_slice %arg15[%dma_start3A_80, %dma_start3A_81] : memref<32x256xf32, #tpu.memory_space<vmem>> -> memref<32x128xf32, #tpu.memory_space<vmem>>
    %dma_start3A_83 = arith.constant 0 : i32
    %dma_start3A_84 = tpu.memref_slice %arg5[%dma_start3A_83, %multiple_of3A_79] : memref<32x1000000xf32, #tpu.memory_space<hbm>> -> memref<32x128xf32, #tpu.memory_space<hbm>>
    %dma_start3A_85 = arith.constant 0 : i32
    %dma_start3A_86 = arith.constant 0 : i32
    %dma_start3A_87 = tpu.memref_slice %arg15[%dma_start3A_85, %dma_start3A_86] : memref<32x256xf32, #tpu.memory_space<vmem>> -> memref<32x128xf32, #tpu.memory_space<vmem>>
    %dma_start3A_88 = arith.constant 0 : i32
    %dma_start3A_89 = tpu.memref_slice %arg5[%dma_start3A_88, %multiple_of3A_79] : memref<32x1000000xf32, #tpu.memory_space<hbm>> -> memref<32x128xf32, #tpu.memory_space<hbm>>
    tpu.enqueue_dma source(%dma_start3A_89 : memref<32x128xf32, #tpu.memory_space<hbm>>) target(%dma_start3A_87 : memref<32x128xf32, #tpu.memory_space<vmem>>) target_semaphore(%arg24 : memref<!tpu.dma_semaphore, #tpu.memory_space<semaphore_mem>>)
    %shift_right_arithmetic3A_90 = arith.constant 7 : i32
    %shift_right_arithmetic3A_91 = arith.shrsi %squeeze3A_74, %shift_right_arithmetic3A_90 : i32
    %mul3A_92 = arith.constant 128 : i32
    %mul3A_93 = arith.muli %shift_right_arithmetic3A_91, %mul3A_92 : i32
    %multiple_of3A_94 = tpu.assume_multiple %mul3A_93, 128 : i32
    %dma_start3A_95 = arith.constant 0 : i32
    %dma_start3A_96 = arith.constant 128 : i32
    %dma_start3A_97 = tpu.memref_slice %arg15[%dma_start3A_95, %dma_start3A_96] : memref<32x256xf32, #tpu.memory_space<vmem>> -> memref<32x128xf32, #tpu.memory_space<vmem>>
    %dma_start3A_98 = arith.constant 0 : i32
    %dma_start3A_99 = tpu.memref_slice %arg6[%dma_start3A_98, %multiple_of3A_94] : memref<32x1000000xf32, #tpu.memory_space<hbm>> -> memref<32x128xf32, #tpu.memory_space<hbm>>
    %dma_start3A_100 = arith.constant 0 : i32
    %dma_start3A_101 = arith.constant 128 : i32
    %dma_start3A_102 = tpu.memref_slice %arg15[%dma_start3A_100, %dma_start3A_101] : memref<32x256xf32, #tpu.memory_space<vmem>> -> memref<32x128xf32, #tpu.memory_space<vmem>>
    %dma_start3A_103 = arith.constant 0 : i32
    %dma_start3A_104 = tpu.memref_slice %arg6[%dma_start3A_103, %multiple_of3A_94] : memref<32x1000000xf32, #tpu.memory_space<hbm>> -> memref<32x128xf32, #tpu.memory_space<hbm>>
    tpu.enqueue_dma source(%dma_start3A_104 : memref<32x128xf32, #tpu.memory_space<hbm>>) target(%dma_start3A_102 : memref<32x128xf32, #tpu.memory_space<vmem>>) target_semaphore(%arg24 : memref<!tpu.dma_semaphore, #tpu.memory_space<semaphore_mem>>)
    %slice3A_105 = vector.extract_strided_slice %get3A_5 {offsets = [1], sizes = [1], strides = [1]} : vector<16xi32> to vector<1xi32>
    %squeeze3A_106 = vector.extract %slice3A_105[0] : i32 from vector<1xi32>
    %slice3A_107 = vector.extract_strided_slice %get3A_7 {offsets = [1], sizes = [1], strides = [1]} : vector<16xi32> to vector<1xi32>
    %squeeze3A_108 = vector.extract %slice3A_107[0] : i32 from vector<1xi32>
    %shift_right_arithmetic3A_109 = arith.constant 7 : i32
    %shift_right_arithmetic3A_110 = arith.shrsi %squeeze3A_106, %shift_right_arithmetic3A_109 : i32
    %mul3A_111 = arith.constant 128 : i32
    %mul3A_112 = arith.muli %shift_right_arithmetic3A_110, %mul3A_111 : i32
    %multiple_of3A_113 = tpu.assume_multiple %mul3A_112, 128 : i32
    %dma_start3A_114 = arith.constant 0 : i32
    %dma_start3A_115 = arith.constant 0 : i32
    %dma_start3A_116 = tpu.memref_slice %arg16[%dma_start3A_114, %dma_start3A_115] : memref<32x256xf32, #tpu.memory_space<vmem>> -> memref<32x128xf32, #tpu.memory_space<vmem>>
    %dma_start3A_117 = arith.constant 0 : i32
    %dma_start3A_118 = tpu.memref_slice %arg7[%dma_start3A_117, %multiple_of3A_113] : memref<32x1000000xf32, #tpu.memory_space<hbm>> -> memref<32x128xf32, #tpu.memory_space<hbm>>
    %dma_start3A_119 = arith.constant 0 : i32
    %dma_start3A_120 = arith.constant 0 : i32
    %dma_start3A_121 = tpu.memref_slice %arg16[%dma_start3A_119, %dma_start3A_120] : memref<32x256xf32, #tpu.memory_space<vmem>> -> memref<32x128xf32, #tpu.memory_space<vmem>>
    %dma_start3A_122 = arith.constant 0 : i32
    %dma_start3A_123 = tpu.memref_slice %arg7[%dma_start3A_122, %multiple_of3A_113] : memref<32x1000000xf32, #tpu.memory_space<hbm>> -> memref<32x128xf32, #tpu.memory_space<hbm>>
    tpu.enqueue_dma source(%dma_start3A_123 : memref<32x128xf32, #tpu.memory_space<hbm>>) target(%dma_start3A_121 : memref<32x128xf32, #tpu.memory_space<vmem>>) target_semaphore(%arg25 : memref<!tpu.dma_semaphore, #tpu.memory_space<semaphore_mem>>)
    %shift_right_arithmetic3A_124 = arith.constant 7 : i32
    %shift_right_arithmetic3A_125 = arith.shrsi %squeeze3A_108, %shift_right_arithmetic3A_124 : i32
    %mul3A_126 = arith.constant 128 : i32
    %mul3A_127 = arith.muli %shift_right_arithmetic3A_125, %mul3A_126 : i32
    %multiple_of3A_128 = tpu.assume_multiple %mul3A_127, 128 : i32
    %dma_start3A_129 = arith.constant 0 : i32
    %dma_start3A_130 = arith.constant 128 : i32
    %dma_start3A_131 = tpu.memref_slice %arg16[%dma_start3A_129, %dma_start3A_130] : memref<32x256xf32, #tpu.memory_space<vmem>> -> memref<32x128xf32, #tpu.memory_space<vmem>>
    %dma_start3A_132 = arith.constant 0 : i32
    %dma_start3A_133 = tpu.memref_slice %arg8[%dma_start3A_132, %multiple_of3A_128] : memref<32x1000000xf32, #tpu.memory_space<hbm>> -> memref<32x128xf32, #tpu.memory_space<hbm>>
    %dma_start3A_134 = arith.constant 0 : i32
    %dma_start3A_135 = arith.constant 128 : i32
    %dma_start3A_136 = tpu.memref_slice %arg16[%dma_start3A_134, %dma_start3A_135] : memref<32x256xf32, #tpu.memory_space<vmem>> -> memref<32x128xf32, #tpu.memory_space<vmem>>
    %dma_start3A_137 = arith.constant 0 : i32
    %dma_start3A_138 = tpu.memref_slice %arg8[%dma_start3A_137, %multiple_of3A_128] : memref<32x1000000xf32, #tpu.memory_space<hbm>> -> memref<32x128xf32, #tpu.memory_space<hbm>>
    tpu.enqueue_dma source(%dma_start3A_138 : memref<32x128xf32, #tpu.memory_space<hbm>>) target(%dma_start3A_136 : memref<32x128xf32, #tpu.memory_space<vmem>>) target_semaphore(%arg25 : memref<!tpu.dma_semaphore, #tpu.memory_space<semaphore_mem>>)
    %slice3A_139 = vector.extract_strided_slice %get3A_3 {offsets = [2], sizes = [1], strides = [1]} : vector<16xi32> to vector<1xi32>
    %squeeze3A_140 = vector.extract %slice3A_139[0] : i32 from vector<1xi32>
    %slice3A_141 = vector.extract_strided_slice %get3A_7 {offsets = [2], sizes = [1], strides = [1]} : vector<16xi32> to vector<1xi32>
    %squeeze3A_142 = vector.extract %slice3A_141[0] : i32 from vector<1xi32>
    %shift_right_arithmetic3A_143 = arith.constant 7 : i32
    %shift_right_arithmetic3A_144 = arith.shrsi %squeeze3A_140, %shift_right_arithmetic3A_143 : i32
    %mul3A_145 = arith.constant 128 : i32
    %mul3A_146 = arith.muli %shift_right_arithmetic3A_144, %mul3A_145 : i32
    %multiple_of3A_147 = tpu.assume_multiple %mul3A_146, 128 : i32
    %dma_start3A_148 = arith.constant 0 : i32
    %dma_start3A_149 = arith.constant 0 : i32
    %dma_start3A_150 = tpu.memref_slice %arg17[%dma_start3A_148, %dma_start3A_149] : memref<32x256xf32, #tpu.memory_space<vmem>> -> memref<32x128xf32, #tpu.memory_space<vmem>>
    %dma_start3A_151 = arith.constant 0 : i32
    %dma_start3A_152 = tpu.memref_slice %arg5[%dma_start3A_151, %multiple_of3A_147] : memref<32x1000000xf32, #tpu.memory_space<hbm>> -> memref<32x128xf32, #tpu.memory_space<hbm>>
    %dma_start3A_153 = arith.constant 0 : i32
    %dma_start3A_154 = arith.constant 0 : i32
    %dma_start3A_155 = tpu.memref_slice %arg17[%dma_start3A_153, %dma_start3A_154] : memref<32x256xf32, #tpu.memory_space<vmem>> -> memref<32x128xf32, #tpu.memory_space<vmem>>
    %dma_start3A_156 = arith.constant 0 : i32
    %dma_start3A_157 = tpu.memref_slice %arg5[%dma_start3A_156, %multiple_of3A_147] : memref<32x1000000xf32, #tpu.memory_space<hbm>> -> memref<32x128xf32, #tpu.memory_space<hbm>>
    tpu.enqueue_dma source(%dma_start3A_157 : memref<32x128xf32, #tpu.memory_space<hbm>>) target(%dma_start3A_155 : memref<32x128xf32, #tpu.memory_space<vmem>>) target_semaphore(%arg26 : memref<!tpu.dma_semaphore, #tpu.memory_space<semaphore_mem>>)
    %shift_right_arithmetic3A_158 = arith.constant 7 : i32
    %shift_right_arithmetic3A_159 = arith.shrsi %squeeze3A_142, %shift_right_arithmetic3A_158 : i32
    %mul3A_160 = arith.constant 128 : i32
    %mul3A_161 = arith.muli %shift_right_arithmetic3A_159, %mul3A_160 : i32
    %multiple_of3A_162 = tpu.assume_multiple %mul3A_161, 128 : i32
    %dma_start3A_163 = arith.constant 0 : i32
    %dma_start3A_164 = arith.constant 128 : i32
    %dma_start3A_165 = tpu.memref_slice %arg17[%dma_start3A_163, %dma_start3A_164] : memref<32x256xf32, #tpu.memory_space<vmem>> -> memref<32x128xf32, #tpu.memory_space<vmem>>
    %dma_start3A_166 = arith.constant 0 : i32
    %dma_start3A_167 = tpu.memref_slice %arg6[%dma_start3A_166, %multiple_of3A_162] : memref<32x1000000xf32, #tpu.memory_space<hbm>> -> memref<32x128xf32, #tpu.memory_space<hbm>>
    %dma_start3A_168 = arith.constant 0 : i32
    %dma_start3A_169 = arith.constant 128 : i32
    %dma_start3A_170 = tpu.memref_slice %arg17[%dma_start3A_168, %dma_start3A_169] : memref<32x256xf32, #tpu.memory_space<vmem>> -> memref<32x128xf32, #tpu.memory_space<vmem>>
    %dma_start3A_171 = arith.constant 0 : i32
    %dma_start3A_172 = tpu.memref_slice %arg6[%dma_start3A_171, %multiple_of3A_162] : memref<32x1000000xf32, #tpu.memory_space<hbm>> -> memref<32x128xf32, #tpu.memory_space<hbm>>
    tpu.enqueue_dma source(%dma_start3A_172 : memref<32x128xf32, #tpu.memory_space<hbm>>) target(%dma_start3A_170 : memref<32x128xf32, #tpu.memory_space<vmem>>) target_semaphore(%arg26 : memref<!tpu.dma_semaphore, #tpu.memory_space<semaphore_mem>>)
    %slice3A_173 = vector.extract_strided_slice %get3A_5 {offsets = [2], sizes = [1], strides = [1]} : vector<16xi32> to vector<1xi32>
    %squeeze3A_174 = vector.extract %slice3A_173[0] : i32 from vector<1xi32>
    %slice3A_175 = vector.extract_strided_slice %get3A_7 {offsets = [2], sizes = [1], strides = [1]} : vector<16xi32> to vector<1xi32>
    %squeeze3A_176 = vector.extract %slice3A_175[0] : i32 from vector<1xi32>
    %shift_right_arithmetic3A_177 = arith.constant 7 : i32
    %shift_right_arithmetic3A_178 = arith.shrsi %squeeze3A_174, %shift_right_arithmetic3A_177 : i32
    %mul3A_179 = arith.constant 128 : i32
    %mul3A_180 = arith.muli %shift_right_arithmetic3A_178, %mul3A_179 : i32
    %multiple_of3A_181 = tpu.assume_multiple %mul3A_180, 128 : i32
    %dma_start3A_182 = arith.constant 0 : i32
    %dma_start3A_183 = arith.constant 0 : i32
    %dma_start3A_184 = tpu.memref_slice %arg18[%dma_start3A_182, %dma_start3A_183] : memref<32x256xf32, #tpu.memory_space<vmem>> -> memref<32x128xf32, #tpu.memory_space<vmem>>
    %dma_start3A_185 = arith.constant 0 : i32
    %dma_start3A_186 = tpu.memref_slice %arg7[%dma_start3A_185, %multiple_of3A_181] : memref<32x1000000xf32, #tpu.memory_space<hbm>> -> memref<32x128xf32, #tpu.memory_space<hbm>>
    %dma_start3A_187 = arith.constant 0 : i32
    %dma_start3A_188 = arith.constant 0 : i32
    %dma_start3A_189 = tpu.memref_slice %arg18[%dma_start3A_187, %dma_start3A_188] : memref<32x256xf32, #tpu.memory_space<vmem>> -> memref<32x128xf32, #tpu.memory_space<vmem>>
    %dma_start3A_190 = arith.constant 0 : i32
    %dma_start3A_191 = tpu.memref_slice %arg7[%dma_start3A_190, %multiple_of3A_181] : memref<32x1000000xf32, #tpu.memory_space<hbm>> -> memref<32x128xf32, #tpu.memory_space<hbm>>
    tpu.enqueue_dma source(%dma_start3A_191 : memref<32x128xf32, #tpu.memory_space<hbm>>) target(%dma_start3A_189 : memref<32x128xf32, #tpu.memory_space<vmem>>) target_semaphore(%arg27 : memref<!tpu.dma_semaphore, #tpu.memory_space<semaphore_mem>>)
    %shift_right_arithmetic3A_192 = arith.constant 7 : i32
    %shift_right_arithmetic3A_193 = arith.shrsi %squeeze3A_176, %shift_right_arithmetic3A_192 : i32
    %mul3A_194 = arith.constant 128 : i32
    %mul3A_195 = arith.muli %shift_right_arithmetic3A_193, %mul3A_194 : i32
    %multiple_of3A_196 = tpu.assume_multiple %mul3A_195, 128 : i32
    %dma_start3A_197 = arith.constant 0 : i32
    %dma_start3A_198 = arith.constant 128 : i32
    %dma_start3A_199 = tpu.memref_slice %arg18[%dma_start3A_197, %dma_start3A_198] : memref<32x256xf32, #tpu.memory_space<vmem>> -> memref<32x128xf32, #tpu.memory_space<vmem>>
    %dma_start3A_200 = arith.constant 0 : i32
    %dma_start3A_201 = tpu.memref_slice %arg8[%dma_start3A_200, %multiple_of3A_196] : memref<32x1000000xf32, #tpu.memory_space<hbm>> -> memref<32x128xf32, #tpu.memory_space<hbm>>
    %dma_start3A_202 = arith.constant 0 : i32
    %dma_start3A_203 = arith.constant 128 : i32
    %dma_start3A_204 = tpu.memref_slice %arg18[%dma_start3A_202, %dma_start3A_203] : memref<32x256xf32, #tpu.memory_space<vmem>> -> memref<32x128xf32, #tpu.memory_space<vmem>>
    %dma_start3A_205 = arith.constant 0 : i32
    %dma_start3A_206 = tpu.memref_slice %arg8[%dma_start3A_205, %multiple_of3A_196] : memref<32x1000000xf32, #tpu.memory_space<hbm>> -> memref<32x128xf32, #tpu.memory_space<hbm>>
    tpu.enqueue_dma source(%dma_start3A_206 : memref<32x128xf32, #tpu.memory_space<hbm>>) target(%dma_start3A_204 : memref<32x128xf32, #tpu.memory_space<vmem>>) target_semaphore(%arg27 : memref<!tpu.dma_semaphore, #tpu.memory_space<semaphore_mem>>)
    %slice3A_207 = vector.extract_strided_slice %get3A_3 {offsets = [3], sizes = [1], strides = [1]} : vector<16xi32> to vector<1xi32>
    %squeeze3A_208 = vector.extract %slice3A_207[0] : i32 from vector<1xi32>
    %slice3A_209 = vector.extract_strided_slice %get3A_7 {offsets = [3], sizes = [1], strides = [1]} : vector<16xi32> to vector<1xi32>
    %squeeze3A_210 = vector.extract %slice3A_209[0] : i32 from vector<1xi32>
    %shift_right_arithmetic3A_211 = arith.constant 7 : i32
    %shift_right_arithmetic3A_212 = arith.shrsi %squeeze3A_208, %shift_right_arithmetic3A_211 : i32
    %mul3A_213 = arith.constant 128 : i32
    %mul3A_214 = arith.muli %shift_right_arithmetic3A_212, %mul3A_213 : i32
    %multiple_of3A_215 = tpu.assume_multiple %mul3A_214, 128 : i32
    %dma_start3A_216 = arith.constant 0 : i32
    %dma_start3A_217 = arith.constant 0 : i32
    %dma_start3A_218 = tpu.memref_slice %arg19[%dma_start3A_216, %dma_start3A_217] : memref<32x256xf32, #tpu.memory_space<vmem>> -> memref<32x128xf32, #tpu.memory_space<vmem>>
    %dma_start3A_219 = arith.constant 0 : i32
    %dma_start3A_220 = tpu.memref_slice %arg5[%dma_start3A_219, %multiple_of3A_215] : memref<32x1000000xf32, #tpu.memory_space<hbm>> -> memref<32x128xf32, #tpu.memory_space<hbm>>
    %dma_start3A_221 = arith.constant 0 : i32
    %dma_start3A_222 = arith.constant 0 : i32
    %dma_start3A_223 = tpu.memref_slice %arg19[%dma_start3A_221, %dma_start3A_222] : memref<32x256xf32, #tpu.memory_space<vmem>> -> memref<32x128xf32, #tpu.memory_space<vmem>>
    %dma_start3A_224 = arith.constant 0 : i32
    %dma_start3A_225 = tpu.memref_slice %arg5[%dma_start3A_224, %multiple_of3A_215] : memref<32x1000000xf32, #tpu.memory_space<hbm>> -> memref<32x128xf32, #tpu.memory_space<hbm>>
    tpu.enqueue_dma source(%dma_start3A_225 : memref<32x128xf32, #tpu.memory_space<hbm>>) target(%dma_start3A_223 : memref<32x128xf32, #tpu.memory_space<vmem>>) target_semaphore(%arg28 : memref<!tpu.dma_semaphore, #tpu.memory_space<semaphore_mem>>)
    %shift_right_arithmetic3A_226 = arith.constant 7 : i32
    %shift_right_arithmetic3A_227 = arith.shrsi %squeeze3A_210, %shift_right_arithmetic3A_226 : i32
    %mul3A_228 = arith.constant 128 : i32
    %mul3A_229 = arith.muli %shift_right_arithmetic3A_227, %mul3A_228 : i32
    %multiple_of3A_230 = tpu.assume_multiple %mul3A_229, 128 : i32
    %dma_start3A_231 = arith.constant 0 : i32
    %dma_start3A_232 = arith.constant 128 : i32
    %dma_start3A_233 = tpu.memref_slice %arg19[%dma_start3A_231, %dma_start3A_232] : memref<32x256xf32, #tpu.memory_space<vmem>> -> memref<32x128xf32, #tpu.memory_space<vmem>>
    %dma_start3A_234 = arith.constant 0 : i32
    %dma_start3A_235 = tpu.memref_slice %arg6[%dma_start3A_234, %multiple_of3A_230] : memref<32x1000000xf32, #tpu.memory_space<hbm>> -> memref<32x128xf32, #tpu.memory_space<hbm>>
    %dma_start3A_236 = arith.constant 0 : i32
    %dma_start3A_237 = arith.constant 128 : i32
    %dma_start3A_238 = tpu.memref_slice %arg19[%dma_start3A_236, %dma_start3A_237] : memref<32x256xf32, #tpu.memory_space<vmem>> -> memref<32x128xf32, #tpu.memory_space<vmem>>
    %dma_start3A_239 = arith.constant 0 : i32
    %dma_start3A_240 = tpu.memref_slice %arg6[%dma_start3A_239, %multiple_of3A_230] : memref<32x1000000xf32, #tpu.memory_space<hbm>> -> memref<32x128xf32, #tpu.memory_space<hbm>>
    tpu.enqueue_dma source(%dma_start3A_240 : memref<32x128xf32, #tpu.memory_space<hbm>>) target(%dma_start3A_238 : memref<32x128xf32, #tpu.memory_space<vmem>>) target_semaphore(%arg28 : memref<!tpu.dma_semaphore, #tpu.memory_space<semaphore_mem>>)
    %scan3A = arith.constant 0 : i32
    %scan3A_241 = arith.constant 0 : i32
    %scan3A_242 = arith.constant 32 : i32
    %scan3A_243 = arith.addi %scan3A_241, %scan3A_242 : i32
    %scan3A_244 = arith.constant 1 : i32
    scf.for %scan3A_246 = %scan3A_241 to %scan3A_243 step %scan3A_244  : i32 {
      %mul3A_247 = arith.constant 16 : i32
      %mul3A_248 = arith.muli %scan3A_246, %mul3A_247 : i32
      %get3A_249 = arith.index_cast %mul3A_248 : i32 to index
      %get3A_250 = tpu.vector_load %arg10[%get3A_249] {strides = array<i32>} : memref<512xi32, #tpu.memory_space<vmem>>, vector<16xi32>,
      %get3A_251 = arith.index_cast %mul3A_248 : i32 to index
      %get3A_252 = tpu.vector_load %arg11[%get3A_251] {strides = array<i32>} : memref<512xi32, #tpu.memory_space<vmem>>, vector<16xi32>,
      %get3A_253 = arith.index_cast %mul3A_248 : i32 to index
      %get3A_254 = tpu.vector_load %arg12[%get3A_253] {strides = array<i32>} : memref<512xi32, #tpu.memory_space<vmem>>, vector<16xi32>,
      %add3A_255 = arith.constant 1 : i32
      %add3A_256 = arith.addi %scan3A_246, %add3A_255 : i32
      %min3A = arith.constant 31 : i32
      %min3A_257 = arith.minsi %add3A_256, %min3A : i32
      %mul3A_258 = arith.constant 16 : i32
      %mul3A_259 = arith.muli %min3A_257, %mul3A_258 : i32
      %get3A_260 = arith.index_cast %mul3A_259 : i32 to index
      %get3A_261 = tpu.vector_load %arg10[%get3A_260] {strides = array<i32>} : memref<512xi32, #tpu.memory_space<vmem>>, vector<16xi32>,
      %get3A_262 = arith.index_cast %mul3A_259 : i32 to index
      %get3A_263 = tpu.vector_load %arg11[%get3A_262] {strides = array<i32>} : memref<512xi32, #tpu.memory_space<vmem>>, vector<16xi32>,
      %get3A_264 = arith.index_cast %mul3A_259 : i32 to index
      %get3A_265 = tpu.vector_load %arg12[%get3A_264] {strides = array<i32>} : memref<512xi32, #tpu.memory_space<vmem>>, vector<16xi32>,
      %broadcast_in_dim3A = arith.constant 0.000000e+00 : f32
      %broadcast_in_dim3A_266 = vector.broadcast %broadcast_in_dim3A : f32 to vector<16xf32>
      %dma_wait3A = arith.constant 0 : i32
      %dma_wait3A_267 = arith.constant 0 : i32
      %dma_wait3A_268 = tpu.memref_slice %arg13[%dma_wait3A, %dma_wait3A_267] : memref<32x256xf32, #tpu.memory_space<vmem>> -> memref<32x128xf32, #tpu.memory_space<vmem>>
      %dma_wait3A_269 = arith.constant 0 : i32
      %dma_wait3A_270 = arith.constant 0 : i32
      %dma_wait3A_271 = tpu.memref_slice %arg5[%dma_wait3A_269, %dma_wait3A_270] : memref<32x1000000xf32, #tpu.memory_space<hbm>> -> memref<32x128xf32, #tpu.memory_space<hbm>>
      %dma_wait3A_272 = arith.constant 0 : i32
      %dma_wait3A_273 = arith.constant 0 : i32
      %dma_wait3A_274 = tpu.memref_slice %arg13[%dma_wait3A_272, %dma_wait3A_273] : memref<32x256xf32, #tpu.memory_space<vmem>> -> memref<32x128xf32, #tpu.memory_space<vmem>>
      %dma_wait3A_275 = arith.constant 0 : i32
      %dma_wait3A_276 = arith.constant 0 : i32
      %dma_wait3A_277 = tpu.memref_slice %arg5[%dma_wait3A_275, %dma_wait3A_276] : memref<32x1000000xf32, #tpu.memory_space<hbm>> -> memref<32x128xf32, #tpu.memory_space<hbm>>
      tpu.wait_dma2 semaphore(%arg22 : memref<!tpu.dma_semaphore, #tpu.memory_space<semaphore_mem>>) src(%dma_wait3A_277 : memref<32x128xf32, #tpu.memory_space<hbm>>) dst(%dma_wait3A_274 : memref<32x128xf32, #tpu.memory_space<vmem>>)
      %dma_wait3A_278 = arith.constant 0 : i32
      %dma_wait3A_279 = arith.constant 128 : i32
      %dma_wait3A_280 = tpu.memref_slice %arg13[%dma_wait3A_278, %dma_wait3A_279] : memref<32x256xf32, #tpu.memory_space<vmem>> -> memref<32x128xf32, #tpu.memory_space<vmem>>
      %dma_wait3A_281 = arith.constant 0 : i32
      %dma_wait3A_282 = arith.constant 0 : i32
      %dma_wait3A_283 = tpu.memref_slice %arg5[%dma_wait3A_281, %dma_wait3A_282] : memref<32x1000000xf32, #tpu.memory_space<hbm>> -> memref<32x128xf32, #tpu.memory_space<hbm>>
      %dma_wait3A_284 = arith.constant 0 : i32
      %dma_wait3A_285 = arith.constant 128 : i32
      %dma_wait3A_286 = tpu.memref_slice %arg13[%dma_wait3A_284, %dma_wait3A_285] : memref<32x256xf32, #tpu.memory_space<vmem>> -> memref<32x128xf32, #tpu.memory_space<vmem>>
      %dma_wait3A_287 = arith.constant 0 : i32
      %dma_wait3A_288 = arith.constant 0 : i32
      %dma_wait3A_289 = tpu.memref_slice %arg5[%dma_wait3A_287, %dma_wait3A_288] : memref<32x1000000xf32, #tpu.memory_space<hbm>> -> memref<32x128xf32, #tpu.memory_space<hbm>>
      tpu.wait_dma2 semaphore(%arg22 : memref<!tpu.dma_semaphore, #tpu.memory_space<semaphore_mem>>) src(%dma_wait3A_289 : memref<32x128xf32, #tpu.memory_space<hbm>>) dst(%dma_wait3A_286 : memref<32x128xf32, #tpu.memory_space<vmem>>)
      %slice3A_290 = vector.extract_strided_slice %get3A_252 {offsets = [3], sizes = [1], strides = [1]} : vector<16xi32> to vector<1xi32>
      %squeeze3A_291 = vector.extract %slice3A_290[0] : i32 from vector<1xi32>
      %slice3A_292 = vector.extract_strided_slice %get3A_254 {offsets = [3], sizes = [1], strides = [1]} : vector<16xi32> to vector<1xi32>
      %squeeze3A_293 = vector.extract %slice3A_292[0] : i32 from vector<1xi32>
      %shift_right_arithmetic3A_294 = arith.constant 7 : i32
      %shift_right_arithmetic3A_295 = arith.shrsi %squeeze3A_291, %shift_right_arithmetic3A_294 : i32
      %mul3A_296 = arith.constant 128 : i32
      %mul3A_297 = arith.muli %shift_right_arithmetic3A_295, %mul3A_296 : i32
      %multiple_of3A_298 = tpu.assume_multiple %mul3A_297, 128 : i32
      %dma_start3A_299 = arith.constant 0 : i32
      %dma_start3A_300 = arith.constant 0 : i32
      %dma_start3A_301 = tpu.memref_slice %arg20[%dma_start3A_299, %dma_start3A_300] : memref<32x256xf32, #tpu.memory_space<vmem>> -> memref<32x128xf32, #tpu.memory_space<vmem>>
      %dma_start3A_302 = arith.constant 0 : i32
      %dma_start3A_303 = tpu.memref_slice %arg7[%dma_start3A_302, %multiple_of3A_298] : memref<32x1000000xf32, #tpu.memory_space<hbm>> -> memref<32x128xf32, #tpu.memory_space<hbm>>
      %dma_start3A_304 = arith.constant 0 : i32
      %dma_start3A_305 = arith.constant 0 : i32
      %dma_start3A_306 = tpu.memref_slice %arg20[%dma_start3A_304, %dma_start3A_305] : memref<32x256xf32, #tpu.memory_space<vmem>> -> memref<32x128xf32, #tpu.memory_space<vmem>>
      %dma_start3A_307 = arith.constant 0 : i32
      %dma_start3A_308 = tpu.memref_slice %arg7[%dma_start3A_307, %multiple_of3A_298] : memref<32x1000000xf32, #tpu.memory_space<hbm>> -> memref<32x128xf32, #tpu.memory_space<hbm>>
      tpu.enqueue_dma source(%dma_start3A_308 : memref<32x128xf32, #tpu.memory_space<hbm>>) target(%dma_start3A_306 : memref<32x128xf32, #tpu.memory_space<vmem>>) target_semaphore(%arg29 : memref<!tpu.dma_semaphore, #tpu.memory_space<semaphore_mem>>)
      %shift_right_arithmetic3A_309 = arith.constant 7 : i32
      %shift_right_arithmetic3A_310 = arith.shrsi %squeeze3A_293, %shift_right_arithmetic3A_309 : i32
      %mul3A_311 = arith.constant 128 : i32
      %mul3A_312 = arith.muli %shift_right_arithmetic3A_310, %mul3A_311 : i32
      %multiple_of3A_313 = tpu.assume_multiple %mul3A_312, 128 : i32
      %dma_start3A_314 = arith.constant 0 : i32
      %dma_start3A_315 = arith.constant 128 : i32
      %dma_start3A_316 = tpu.memref_slice %arg20[%dma_start3A_314, %dma_start3A_315] : memref<32x256xf32, #tpu.memory_space<vmem>> -> memref<32x128xf32, #tpu.memory_space<vmem>>
      %dma_start3A_317 = arith.constant 0 : i32
      %dma_start3A_318 = tpu.memref_slice %arg8[%dma_start3A_317, %multiple_of3A_313] : memref<32x1000000xf32, #tpu.memory_space<hbm>> -> memref<32x128xf32, #tpu.memory_space<hbm>>
      %dma_start3A_319 = arith.constant 0 : i32
      %dma_start3A_320 = arith.constant 128 : i32
      %dma_start3A_321 = tpu.memref_slice %arg20[%dma_start3A_319, %dma_start3A_320] : memref<32x256xf32, #tpu.memory_space<vmem>> -> memref<32x128xf32, #tpu.memory_space<vmem>>
      %dma_start3A_322 = arith.constant 0 : i32
      %dma_start3A_323 = tpu.memref_slice %arg8[%dma_start3A_322, %multiple_of3A_313] : memref<32x1000000xf32, #tpu.memory_space<hbm>> -> memref<32x128xf32, #tpu.memory_space<hbm>>
      tpu.enqueue_dma source(%dma_start3A_323 : memref<32x128xf32, #tpu.memory_space<hbm>>) target(%dma_start3A_321 : memref<32x128xf32, #tpu.memory_space<vmem>>) target_semaphore(%arg29 : memref<!tpu.dma_semaphore, #tpu.memory_space<semaphore_mem>>)
      %dma_wait3A_324 = arith.constant 0 : i32
      %dma_wait3A_325 = arith.constant 0 : i32
      %dma_wait3A_326 = tpu.memref_slice %arg14[%dma_wait3A_324, %dma_wait3A_325] : memref<32x256xf32, #tpu.memory_space<vmem>> -> memref<32x128xf32, #tpu.memory_space<vmem>>
      %dma_wait3A_327 = arith.constant 0 : i32
      %dma_wait3A_328 = arith.constant 0 : i32
      %dma_wait3A_329 = tpu.memref_slice %arg5[%dma_wait3A_327, %dma_wait3A_328] : memref<32x1000000xf32, #tpu.memory_space<hbm>> -> memref<32x128xf32, #tpu.memory_space<hbm>>
      %dma_wait3A_330 = arith.constant 0 : i32
      %dma_wait3A_331 = arith.constant 0 : i32
      %dma_wait3A_332 = tpu.memref_slice %arg14[%dma_wait3A_330, %dma_wait3A_331] : memref<32x256xf32, #tpu.memory_space<vmem>> -> memref<32x128xf32, #tpu.memory_space<vmem>>
      %dma_wait3A_333 = arith.constant 0 : i32
      %dma_wait3A_334 = arith.constant 0 : i32
      %dma_wait3A_335 = tpu.memref_slice %arg5[%dma_wait3A_333, %dma_wait3A_334] : memref<32x1000000xf32, #tpu.memory_space<hbm>> -> memref<32x128xf32, #tpu.memory_space<hbm>>
      tpu.wait_dma2 semaphore(%arg23 : memref<!tpu.dma_semaphore, #tpu.memory_space<semaphore_mem>>) src(%dma_wait3A_335 : memref<32x128xf32, #tpu.memory_space<hbm>>) dst(%dma_wait3A_332 : memref<32x128xf32, #tpu.memory_space<vmem>>)
      %dma_wait3A_336 = arith.constant 0 : i32
      %dma_wait3A_337 = arith.constant 128 : i32
      %dma_wait3A_338 = tpu.memref_slice %arg14[%dma_wait3A_336, %dma_wait3A_337] : memref<32x256xf32, #tpu.memory_space<vmem>> -> memref<32x128xf32, #tpu.memory_space<vmem>>
      %dma_wait3A_339 = arith.constant 0 : i32
      %dma_wait3A_340 = arith.constant 0 : i32
      %dma_wait3A_341 = tpu.memref_slice %arg5[%dma_wait3A_339, %dma_wait3A_340] : memref<32x1000000xf32, #tpu.memory_space<hbm>> -> memref<32x128xf32, #tpu.memory_space<hbm>>
      %dma_wait3A_342 = arith.constant 0 : i32
      %dma_wait3A_343 = arith.constant 128 : i32
      %dma_wait3A_344 = tpu.memref_slice %arg14[%dma_wait3A_342, %dma_wait3A_343] : memref<32x256xf32, #tpu.memory_space<vmem>> -> memref<32x128xf32, #tpu.memory_space<vmem>>
      %dma_wait3A_345 = arith.constant 0 : i32
      %dma_wait3A_346 = arith.constant 0 : i32
      %dma_wait3A_347 = tpu.memref_slice %arg5[%dma_wait3A_345, %dma_wait3A_346] : memref<32x1000000xf32, #tpu.memory_space<hbm>> -> memref<32x128xf32, #tpu.memory_space<hbm>>
      tpu.wait_dma2 semaphore(%arg23 : memref<!tpu.dma_semaphore, #tpu.memory_space<semaphore_mem>>) src(%dma_wait3A_347 : memref<32x128xf32, #tpu.memory_space<hbm>>) dst(%dma_wait3A_344 : memref<32x128xf32, #tpu.memory_space<vmem>>)
      %slice3A_348 = vector.extract_strided_slice %get3A_250 {offsets = [0], sizes = [1], strides = [1]} : vector<16xi32> to vector<1xi32>
      %squeeze3A_349 = vector.extract %slice3A_348[0] : i32 from vector<1xi32>
      %slice3A_350 = vector.extract_strided_slice %get3A_254 {offsets = [0], sizes = [1], strides = [1]} : vector<16xi32> to vector<1xi32>
      %squeeze3A_351 = vector.extract %slice3A_350[0] : i32 from vector<1xi32>
      %slice3A_352 = vector.extract_strided_slice %get3A_252 {offsets = [0], sizes = [1], strides = [1]} : vector<16xi32> to vector<1xi32>
      %squeeze3A_353 = vector.extract %slice3A_352[0] : i32 from vector<1xi32>
      %slice3A_354 = vector.extract_strided_slice %get3A_254 {offsets = [0], sizes = [1], strides = [1]} : vector<16xi32> to vector<1xi32>
      %squeeze3A_355 = vector.extract %slice3A_354[0] : i32 from vector<1xi32>
      %and3A = arith.constant 127 : i32
      %and3A_356 = arith.andi %squeeze3A_349, %and3A : i32
      %broadcast_in_dim3A_357 = vector.broadcast %and3A_356 : i32 to vector<16xi32>
      %add3A_358 = arith.constant 0 : i32
      %add3A_359 = vector.broadcast %add3A_358 : i32 to vector<16xi32>
      %add3A_360 = arith.addi %broadcast_in_dim3A_357, %add3A_359 : vector<16xi32>
      %gather3A = tpu.vector_load_idx %arg13[%iota3A, %add3A_360] : memref<32x256xf32, #tpu.memory_space<vmem>>[vector<16xi32>, vector<16xi32>], vector<16xf32>,
      %add3A_361 = arith.constant 16 : i32
      %add3A_362 = vector.broadcast %add3A_361 : i32 to vector<16xi32>
      %add3A_363 = arith.addi %iota3A, %add3A_362 : vector<16xi32>
      %gather3A_364 = tpu.vector_load_idx %arg13[%add3A_363, %add3A_360] : memref<32x256xf32, #tpu.memory_space<vmem>>[vector<16xi32>, vector<16xi32>], vector<16xf32>,
      %and3A_365 = arith.constant 127 : i32
      %and3A_366 = arith.andi %squeeze3A_351, %and3A_365 : i32
      %broadcast_in_dim3A_367 = vector.broadcast %and3A_366 : i32 to vector<16xi32>
      %add3A_368 = arith.constant 128 : i32
      %add3A_369 = vector.broadcast %add3A_368 : i32 to vector<16xi32>
      %add3A_370 = arith.addi %broadcast_in_dim3A_367, %add3A_369 : vector<16xi32>
      %gather3A_371 = tpu.vector_load_idx %arg13[%iota3A, %add3A_370] : memref<32x256xf32, #tpu.memory_space<vmem>>[vector<16xi32>, vector<16xi32>], vector<16xf32>,
      %add3A_372 = arith.constant 16 : i32
      %add3A_373 = vector.broadcast %add3A_372 : i32 to vector<16xi32>
      %add3A_374 = arith.addi %iota3A, %add3A_373 : vector<16xi32>
      %gather3A_375 = tpu.vector_load_idx %arg13[%add3A_374, %add3A_370] : memref<32x256xf32, #tpu.memory_space<vmem>>[vector<16xi32>, vector<16xi32>], vector<16xf32>,
      %and3A_376 = arith.constant 127 : i32
      %and3A_377 = arith.andi %squeeze3A_353, %and3A_376 : i32
      %broadcast_in_dim3A_378 = vector.broadcast %and3A_377 : i32 to vector<16xi32>
      %add3A_379 = arith.constant 0 : i32
      %add3A_380 = vector.broadcast %add3A_379 : i32 to vector<16xi32>
      %add3A_381 = arith.addi %broadcast_in_dim3A_378, %add3A_380 : vector<16xi32>
      %gather3A_382 = tpu.vector_load_idx %arg14[%iota3A, %add3A_381] : memref<32x256xf32, #tpu.memory_space<vmem>>[vector<16xi32>, vector<16xi32>], vector<16xf32>,
      %add3A_383 = arith.constant 16 : i32
      %add3A_384 = vector.broadcast %add3A_383 : i32 to vector<16xi32>
      %add3A_385 = arith.addi %iota3A, %add3A_384 : vector<16xi32>
      %gather3A_386 = tpu.vector_load_idx %arg14[%add3A_385, %add3A_381] : memref<32x256xf32, #tpu.memory_space<vmem>>[vector<16xi32>, vector<16xi32>], vector<16xf32>,
      %and3A_387 = arith.constant 127 : i32
      %and3A_388 = arith.andi %squeeze3A_355, %and3A_387 : i32
      %broadcast_in_dim3A_389 = vector.broadcast %and3A_388 : i32 to vector<16xi32>
      %add3A_390 = arith.constant 128 : i32
      %add3A_391 = vector.broadcast %add3A_390 : i32 to vector<16xi32>
      %add3A_392 = arith.addi %broadcast_in_dim3A_389, %add3A_391 : vector<16xi32>
      %gather3A_393 = tpu.vector_load_idx %arg14[%iota3A, %add3A_392] : memref<32x256xf32, #tpu.memory_space<vmem>>[vector<16xi32>, vector<16xi32>], vector<16xf32>,
      %add3A_394 = arith.constant 16 : i32
      %add3A_395 = vector.broadcast %add3A_394 : i32 to vector<16xi32>
      %add3A_396 = arith.addi %iota3A, %add3A_395 : vector<16xi32>
      %gather3A_397 = tpu.vector_load_idx %arg14[%add3A_396, %add3A_392] : memref<32x256xf32, #tpu.memory_space<vmem>>[vector<16xi32>, vector<16xi32>], vector<16xf32>,
      %mul3A_398 = arith.mulf %gather3A, %gather3A_371 : vector<16xf32>
      %mul3A_399 = arith.mulf %gather3A_364, %gather3A_375 : vector<16xf32>
      %add3A_400 = arith.addf %mul3A_398, %mul3A_399 : vector<16xf32>
      %mul3A_401 = arith.mulf %gather3A_382, %gather3A_393 : vector<16xf32>
      %add3A_402 = arith.addf %add3A_400, %mul3A_401 : vector<16xf32>
      %mul3A_403 = arith.mulf %gather3A_386, %gather3A_397 : vector<16xf32>
      %add3A_404 = arith.addf %add3A_402, %mul3A_403 : vector<16xf32>
      %reduce_sum3A = arith.constant true
      %reduce_sum3A_405 = vector.broadcast %reduce_sum3A : i1 to vector<16xi1>
      %reduce_sum3A_406 = tpu.scan <sum>, %add3A_404 masked %reduce_sum3A_405 : vector<16xf32>, vector<16xi1> -> vector<16xf32>
      %reduce_sum3A_407 = vector.extract %reduce_sum3A_406[15] : f32 from vector<16xf32>
      %eq3A = arith.constant 0 : i32
      %eq3A_408 = vector.broadcast %eq3A : i32 to vector<16xi32>
      %eq3A_409 = arith.cmpi eq, %iota3A, %eq3A_408 : vector<16xi32>
      %broadcast_in_dim3A_410 = vector.broadcast %reduce_sum3A_407 : f32 to vector<16xf32>
      %select_n3A = arith.select %eq3A_409, %broadcast_in_dim3A_410, %broadcast_in_dim3A_266 : vector<16xi1>, vector<16xf32>
      %slice3A_411 = vector.extract_strided_slice %get3A_250 {offsets = [4], sizes = [1], strides = [1]} : vector<16xi32> to vector<1xi32>
      %squeeze3A_412 = vector.extract %slice3A_411[0] : i32 from vector<1xi32>
      %slice3A_413 = vector.extract_strided_slice %get3A_254 {offsets = [4], sizes = [1], strides = [1]} : vector<16xi32> to vector<1xi32>
      %squeeze3A_414 = vector.extract %slice3A_413[0] : i32 from vector<1xi32>
      %shift_right_arithmetic3A_415 = arith.constant 7 : i32
      %shift_right_arithmetic3A_416 = arith.shrsi %squeeze3A_412, %shift_right_arithmetic3A_415 : i32
      %mul3A_417 = arith.constant 128 : i32
      %mul3A_418 = arith.muli %shift_right_arithmetic3A_416, %mul3A_417 : i32
      %multiple_of3A_419 = tpu.assume_multiple %mul3A_418, 128 : i32
      %dma_start3A_420 = arith.constant 0 : i32
      %dma_start3A_421 = arith.constant 0 : i32
      %dma_start3A_422 = tpu.memref_slice %arg13[%dma_start3A_420, %dma_start3A_421] : memref<32x256xf32, #tpu.memory_space<vmem>> -> memref<32x128xf32, #tpu.memory_space<vmem>>
      %dma_start3A_423 = arith.constant 0 : i32
      %dma_start3A_424 = tpu.memref_slice %arg5[%dma_start3A_423, %multiple_of3A_419] : memref<32x1000000xf32, #tpu.memory_space<hbm>> -> memref<32x128xf32, #tpu.memory_space<hbm>>
      %dma_start3A_425 = arith.constant 0 : i32
      %dma_start3A_426 = arith.constant 0 : i32
      %dma_start3A_427 = tpu.memref_slice %arg13[%dma_start3A_425, %dma_start3A_426] : memref<32x256xf32, #tpu.memory_space<vmem>> -> memref<32x128xf32, #tpu.memory_space<vmem>>
      %dma_start3A_428 = arith.constant 0 : i32
      %dma_start3A_429 = tpu.memref_slice %arg5[%dma_start3A_428, %multiple_of3A_419] : memref<32x1000000xf32, #tpu.memory_space<hbm>> -> memref<32x128xf32, #tpu.memory_space<hbm>>
      tpu.enqueue_dma source(%dma_start3A_429 : memref<32x128xf32, #tpu.memory_space<hbm>>) target(%dma_start3A_427 : memref<32x128xf32, #tpu.memory_space<vmem>>) target_semaphore(%arg22 : memref<!tpu.dma_semaphore, #tpu.memory_space<semaphore_mem>>)
      %shift_right_arithmetic3A_430 = arith.constant 7 : i32
      %shift_right_arithmetic3A_431 = arith.shrsi %squeeze3A_414, %shift_right_arithmetic3A_430 : i32
      %mul3A_432 = arith.constant 128 : i32
      %mul3A_433 = arith.muli %shift_right_arithmetic3A_431, %mul3A_432 : i32
      %multiple_of3A_434 = tpu.assume_multiple %mul3A_433, 128 : i32
      %dma_start3A_435 = arith.constant 0 : i32
      %dma_start3A_436 = arith.constant 128 : i32
      %dma_start3A_437 = tpu.memref_slice %arg13[%dma_start3A_435, %dma_start3A_436] : memref<32x256xf32, #tpu.memory_space<vmem>> -> memref<32x128xf32, #tpu.memory_space<vmem>>
      %dma_start3A_438 = arith.constant 0 : i32
      %dma_start3A_439 = tpu.memref_slice %arg6[%dma_start3A_438, %multiple_of3A_434] : memref<32x1000000xf32, #tpu.memory_space<hbm>> -> memref<32x128xf32, #tpu.memory_space<hbm>>
      %dma_start3A_440 = arith.constant 0 : i32
      %dma_start3A_441 = arith.constant 128 : i32
      %dma_start3A_442 = tpu.memref_slice %arg13[%dma_start3A_440, %dma_start3A_441] : memref<32x256xf32, #tpu.memory_space<vmem>> -> memref<32x128xf32, #tpu.memory_space<vmem>>
      %dma_start3A_443 = arith.constant 0 : i32
      %dma_start3A_444 = tpu.memref_slice %arg6[%dma_start3A_443, %multiple_of3A_434] : memref<32x1000000xf32, #tpu.memory_space<hbm>> -> memref<32x128xf32, #tpu.memory_space<hbm>>
      tpu.enqueue_dma source(%dma_start3A_444 : memref<32x128xf32, #tpu.memory_space<hbm>>) target(%dma_start3A_442 : memref<32x128xf32, #tpu.memory_space<vmem>>) target_semaphore(%arg22 : memref<!tpu.dma_semaphore, #tpu.memory_space<semaphore_mem>>)
      %dma_wait3A_445 = arith.constant 0 : i32
      %dma_wait3A_446 = arith.constant 0 : i32
      %dma_wait3A_447 = tpu.memref_slice %arg15[%dma_wait3A_445, %dma_wait3A_446] : memref<32x256xf32, #tpu.memory_space<vmem>> -> memref<32x128xf32, #tpu.memory_space<vmem>>
      %dma_wait3A_448 = arith.constant 0 : i32
      %dma_wait3A_449 = arith.constant 0 : i32
      %dma_wait3A_450 = tpu.memref_slice %arg5[%dma_wait3A_448, %dma_wait3A_449] : memref<32x1000000xf32, #tpu.memory_space<hbm>> -> memref<32x128xf32, #tpu.memory_space<hbm>>
      %dma_wait3A_451 = arith.constant 0 : i32
      %dma_wait3A_452 = arith.constant 0 : i32
      %dma_wait3A_453 = tpu.memref_slice %arg15[%dma_wait3A_451, %dma_wait3A_452] : memref<32x256xf32, #tpu.memory_space<vmem>> -> memref<32x128xf32, #tpu.memory_space<vmem>>
      %dma_wait3A_454 = arith.constant 0 : i32
      %dma_wait3A_455 = arith.constant 0 : i32
      %dma_wait3A_456 = tpu.memref_slice %arg5[%dma_wait3A_454, %dma_wait3A_455] : memref<32x1000000xf32, #tpu.memory_space<hbm>> -> memref<32x128xf32, #tpu.memory_space<hbm>>
      tpu.wait_dma2 semaphore(%arg24 : memref<!tpu.dma_semaphore, #tpu.memory_space<semaphore_mem>>) src(%dma_wait3A_456 : memref<32x128xf32, #tpu.memory_space<hbm>>) dst(%dma_wait3A_453 : memref<32x128xf32, #tpu.memory_space<vmem>>)
      %dma_wait3A_457 = arith.constant 0 : i32
      %dma_wait3A_458 = arith.constant 128 : i32
      %dma_wait3A_459 = tpu.memref_slice %arg15[%dma_wait3A_457, %dma_wait3A_458] : memref<32x256xf32, #tpu.memory_space<vmem>> -> memref<32x128xf32, #tpu.memory_space<vmem>>
      %dma_wait3A_460 = arith.constant 0 : i32
      %dma_wait3A_461 = arith.constant 0 : i32
      %dma_wait3A_462 = tpu.memref_slice %arg5[%dma_wait3A_460, %dma_wait3A_461] : memref<32x1000000xf32, #tpu.memory_space<hbm>> -> memref<32x128xf32, #tpu.memory_space<hbm>>
      %dma_wait3A_463 = arith.constant 0 : i32
      %dma_wait3A_464 = arith.constant 128 : i32
      %dma_wait3A_465 = tpu.memref_slice %arg15[%dma_wait3A_463, %dma_wait3A_464] : memref<32x256xf32, #tpu.memory_space<vmem>> -> memref<32x128xf32, #tpu.memory_space<vmem>>
      %dma_wait3A_466 = arith.constant 0 : i32
      %dma_wait3A_467 = arith.constant 0 : i32
      %dma_wait3A_468 = tpu.memref_slice %arg5[%dma_wait3A_466, %dma_wait3A_467] : memref<32x1000000xf32, #tpu.memory_space<hbm>> -> memref<32x128xf32, #tpu.memory_space<hbm>>
      tpu.wait_dma2 semaphore(%arg24 : memref<!tpu.dma_semaphore, #tpu.memory_space<semaphore_mem>>) src(%dma_wait3A_468 : memref<32x128xf32, #tpu.memory_space<hbm>>) dst(%dma_wait3A_465 : memref<32x128xf32, #tpu.memory_space<vmem>>)
      %slice3A_469 = vector.extract_strided_slice %get3A_252 {offsets = [4], sizes = [1], strides = [1]} : vector<16xi32> to vector<1xi32>
      %squeeze3A_470 = vector.extract %slice3A_469[0] : i32 from vector<1xi32>
      %slice3A_471 = vector.extract_strided_slice %get3A_254 {offsets = [4], sizes = [1], strides = [1]} : vector<16xi32> to vector<1xi32>
      %squeeze3A_472 = vector.extract %slice3A_471[0] : i32 from vector<1xi32>
      %shift_right_arithmetic3A_473 = arith.constant 7 : i32
      %shift_right_arithmetic3A_474 = arith.shrsi %squeeze3A_470, %shift_right_arithmetic3A_473 : i32
      %mul3A_475 = arith.constant 128 : i32
      %mul3A_476 = arith.muli %shift_right_arithmetic3A_474, %mul3A_475 : i32
      %multiple_of3A_477 = tpu.assume_multiple %mul3A_476, 128 : i32
      %dma_start3A_478 = arith.constant 0 : i32
      %dma_start3A_479 = arith.constant 0 : i32
      %dma_start3A_480 = tpu.memref_slice %arg14[%dma_start3A_478, %dma_start3A_479] : memref<32x256xf32, #tpu.memory_space<vmem>> -> memref<32x128xf32, #tpu.memory_space<vmem>>
      %dma_start3A_481 = arith.constant 0 : i32
      %dma_start3A_482 = tpu.memref_slice %arg7[%dma_start3A_481, %multiple_of3A_477] : memref<32x1000000xf32, #tpu.memory_space<hbm>> -> memref<32x128xf32, #tpu.memory_space<hbm>>
      %dma_start3A_483 = arith.constant 0 : i32
      %dma_start3A_484 = arith.constant 0 : i32
      %dma_start3A_485 = tpu.memref_slice %arg14[%dma_start3A_483, %dma_start3A_484] : memref<32x256xf32, #tpu.memory_space<vmem>> -> memref<32x128xf32, #tpu.memory_space<vmem>>
      %dma_start3A_486 = arith.constant 0 : i32
      %dma_start3A_487 = tpu.memref_slice %arg7[%dma_start3A_486, %multiple_of3A_477] : memref<32x1000000xf32, #tpu.memory_space<hbm>> -> memref<32x128xf32, #tpu.memory_space<hbm>>
      tpu.enqueue_dma source(%dma_start3A_487 : memref<32x128xf32, #tpu.memory_space<hbm>>) target(%dma_start3A_485 : memref<32x128xf32, #tpu.memory_space<vmem>>) target_semaphore(%arg23 : memref<!tpu.dma_semaphore, #tpu.memory_space<semaphore_mem>>)
      %shift_right_arithmetic3A_488 = arith.constant 7 : i32
      %shift_right_arithmetic3A_489 = arith.shrsi %squeeze3A_472, %shift_right_arithmetic3A_488 : i32
      %mul3A_490 = arith.constant 128 : i32
      %mul3A_491 = arith.muli %shift_right_arithmetic3A_489, %mul3A_490 : i32
      %multiple_of3A_492 = tpu.assume_multiple %mul3A_491, 128 : i32
      %dma_start3A_493 = arith.constant 0 : i32
      %dma_start3A_494 = arith.constant 128 : i32
      %dma_start3A_495 = tpu.memref_slice %arg14[%dma_start3A_493, %dma_start3A_494] : memref<32x256xf32, #tpu.memory_space<vmem>> -> memref<32x128xf32, #tpu.memory_space<vmem>>
      %dma_start3A_496 = arith.constant 0 : i32
      %dma_start3A_497 = tpu.memref_slice %arg8[%dma_start3A_496, %multiple_of3A_492] : memref<32x1000000xf32, #tpu.memory_space<hbm>> -> memref<32x128xf32, #tpu.memory_space<hbm>>
      %dma_start3A_498 = arith.constant 0 : i32
      %dma_start3A_499 = arith.constant 128 : i32
      %dma_start3A_500 = tpu.memref_slice %arg14[%dma_start3A_498, %dma_start3A_499] : memref<32x256xf32, #tpu.memory_space<vmem>> -> memref<32x128xf32, #tpu.memory_space<vmem>>
      %dma_start3A_501 = arith.constant 0 : i32
      %dma_start3A_502 = tpu.memref_slice %arg8[%dma_start3A_501, %multiple_of3A_492] : memref<32x1000000xf32, #tpu.memory_space<hbm>> -> memref<32x128xf32, #tpu.memory_space<hbm>>
      tpu.enqueue_dma source(%dma_start3A_502 : memref<32x128xf32, #tpu.memory_space<hbm>>) target(%dma_start3A_500 : memref<32x128xf32, #tpu.memory_space<vmem>>) target_semaphore(%arg23 : memref<!tpu.dma_semaphore, #tpu.memory_space<semaphore_mem>>)
      %dma_wait3A_503 = arith.constant 0 : i32
      %dma_wait3A_504 = arith.constant 0 : i32
      %dma_wait3A_505 = tpu.memref_slice %arg16[%dma_wait3A_503, %dma_wait3A_504] : memref<32x256xf32, #tpu.memory_space<vmem>> -> memref<32x128xf32, #tpu.memory_space<vmem>>
      %dma_wait3A_506 = arith.constant 0 : i32
      %dma_wait3A_507 = arith.constant 0 : i32
      %dma_wait3A_508 = tpu.memref_slice %arg5[%dma_wait3A_506, %dma_wait3A_507] : memref<32x1000000xf32, #tpu.memory_space<hbm>> -> memref<32x128xf32, #tpu.memory_space<hbm>>
      %dma_wait3A_509 = arith.constant 0 : i32
      %dma_wait3A_510 = arith.constant 0 : i32
      %dma_wait3A_511 = tpu.memref_slice %arg16[%dma_wait3A_509, %dma_wait3A_510] : memref<32x256xf32, #tpu.memory_space<vmem>> -> memref<32x128xf32, #tpu.memory_space<vmem>>
      %dma_wait3A_512 = arith.constant 0 : i32
      %dma_wait3A_513 = arith.constant 0 : i32
      %dma_wait3A_514 = tpu.memref_slice %arg5[%dma_wait3A_512, %dma_wait3A_513] : memref<32x1000000xf32, #tpu.memory_space<hbm>> -> memref<32x128xf32, #tpu.memory_space<hbm>>
      tpu.wait_dma2 semaphore(%arg25 : memref<!tpu.dma_semaphore, #tpu.memory_space<semaphore_mem>>) src(%dma_wait3A_514 : memref<32x128xf32, #tpu.memory_space<hbm>>) dst(%dma_wait3A_511 : memref<32x128xf32, #tpu.memory_space<vmem>>)
      %dma_wait3A_515 = arith.constant 0 : i32
      %dma_wait3A_516 = arith.constant 128 : i32
      %dma_wait3A_517 = tpu.memref_slice %arg16[%dma_wait3A_515, %dma_wait3A_516] : memref<32x256xf32, #tpu.memory_space<vmem>> -> memref<32x128xf32, #tpu.memory_space<vmem>>
      %dma_wait3A_518 = arith.constant 0 : i32
      %dma_wait3A_519 = arith.constant 0 : i32
      %dma_wait3A_520 = tpu.memref_slice %arg5[%dma_wait3A_518, %dma_wait3A_519] : memref<32x1000000xf32, #tpu.memory_space<hbm>> -> memref<32x128xf32, #tpu.memory_space<hbm>>
      %dma_wait3A_521 = arith.constant 0 : i32
      %dma_wait3A_522 = arith.constant 128 : i32
      %dma_wait3A_523 = tpu.memref_slice %arg16[%dma_wait3A_521, %dma_wait3A_522] : memref<32x256xf32, #tpu.memory_space<vmem>> -> memref<32x128xf32, #tpu.memory_space<vmem>>
      %dma_wait3A_524 = arith.constant 0 : i32
      %dma_wait3A_525 = arith.constant 0 : i32
      %dma_wait3A_526 = tpu.memref_slice %arg5[%dma_wait3A_524, %dma_wait3A_525] : memref<32x1000000xf32, #tpu.memory_space<hbm>> -> memref<32x128xf32, #tpu.memory_space<hbm>>
      tpu.wait_dma2 semaphore(%arg25 : memref<!tpu.dma_semaphore, #tpu.memory_space<semaphore_mem>>) src(%dma_wait3A_526 : memref<32x128xf32, #tpu.memory_space<hbm>>) dst(%dma_wait3A_523 : memref<32x128xf32, #tpu.memory_space<vmem>>)
      %slice3A_527 = vector.extract_strided_slice %get3A_250 {offsets = [1], sizes = [1], strides = [1]} : vector<16xi32> to vector<1xi32>
      %squeeze3A_528 = vector.extract %slice3A_527[0] : i32 from vector<1xi32>
      %slice3A_529 = vector.extract_strided_slice %get3A_254 {offsets = [1], sizes = [1], strides = [1]} : vector<16xi32> to vector<1xi32>
      %squeeze3A_530 = vector.extract %slice3A_529[0] : i32 from vector<1xi32>
      %slice3A_531 = vector.extract_strided_slice %get3A_252 {offsets = [1], sizes = [1], strides = [1]} : vector<16xi32> to vector<1xi32>
      %squeeze3A_532 = vector.extract %slice3A_531[0] : i32 from vector<1xi32>
      %slice3A_533 = vector.extract_strided_slice %get3A_254 {offsets = [1], sizes = [1], strides = [1]} : vector<16xi32> to vector<1xi32>
      %squeeze3A_534 = vector.extract %slice3A_533[0] : i32 from vector<1xi32>
      %and3A_535 = arith.constant 127 : i32
      %and3A_536 = arith.andi %squeeze3A_528, %and3A_535 : i32
      %broadcast_in_dim3A_537 = vector.broadcast %and3A_536 : i32 to vector<16xi32>
      %add3A_538 = arith.constant 0 : i32
      %add3A_539 = vector.broadcast %add3A_538 : i32 to vector<16xi32>
      %add3A_540 = arith.addi %broadcast_in_dim3A_537, %add3A_539 : vector<16xi32>
      %gather3A_541 = tpu.vector_load_idx %arg15[%iota3A, %add3A_540] : memref<32x256xf32, #tpu.memory_space<vmem>>[vector<16xi32>, vector<16xi32>], vector<16xf32>,
      %add3A_542 = arith.constant 16 : i32
      %add3A_543 = vector.broadcast %add3A_542 : i32 to vector<16xi32>
      %add3A_544 = arith.addi %iota3A, %add3A_543 : vector<16xi32>
      %gather3A_545 = tpu.vector_load_idx %arg15[%add3A_544, %add3A_540] : memref<32x256xf32, #tpu.memory_space<vmem>>[vector<16xi32>, vector<16xi32>], vector<16xf32>,
      %and3A_546 = arith.constant 127 : i32
      %and3A_547 = arith.andi %squeeze3A_530, %and3A_546 : i32
      %broadcast_in_dim3A_548 = vector.broadcast %and3A_547 : i32 to vector<16xi32>
      %add3A_549 = arith.constant 128 : i32
      %add3A_550 = vector.broadcast %add3A_549 : i32 to vector<16xi32>
      %add3A_551 = arith.addi %broadcast_in_dim3A_548, %add3A_550 : vector<16xi32>
      %gather3A_552 = tpu.vector_load_idx %arg15[%iota3A, %add3A_551] : memref<32x256xf32, #tpu.memory_space<vmem>>[vector<16xi32>, vector<16xi32>], vector<16xf32>,
      %add3A_553 = arith.constant 16 : i32
      %add3A_554 = vector.broadcast %add3A_553 : i32 to vector<16xi32>
      %add3A_555 = arith.addi %iota3A, %add3A_554 : vector<16xi32>
      %gather3A_556 = tpu.vector_load_idx %arg15[%add3A_555, %add3A_551] : memref<32x256xf32, #tpu.memory_space<vmem>>[vector<16xi32>, vector<16xi32>], vector<16xf32>,
      %and3A_557 = arith.constant 127 : i32
      %and3A_558 = arith.andi %squeeze3A_532, %and3A_557 : i32
      %broadcast_in_dim3A_559 = vector.broadcast %and3A_558 : i32 to vector<16xi32>
      %add3A_560 = arith.constant 0 : i32
      %add3A_561 = vector.broadcast %add3A_560 : i32 to vector<16xi32>
      %add3A_562 = arith.addi %broadcast_in_dim3A_559, %add3A_561 : vector<16xi32>
      %gather3A_563 = tpu.vector_load_idx %arg16[%iota3A, %add3A_562] : memref<32x256xf32, #tpu.memory_space<vmem>>[vector<16xi32>, vector<16xi32>], vector<16xf32>,
      %add3A_564 = arith.constant 16 : i32
      %add3A_565 = vector.broadcast %add3A_564 : i32 to vector<16xi32>
      %add3A_566 = arith.addi %iota3A, %add3A_565 : vector<16xi32>
      %gather3A_567 = tpu.vector_load_idx %arg16[%add3A_566, %add3A_562] : memref<32x256xf32, #tpu.memory_space<vmem>>[vector<16xi32>, vector<16xi32>], vector<16xf32>,
      %and3A_568 = arith.constant 127 : i32
      %and3A_569 = arith.andi %squeeze3A_534, %and3A_568 : i32
      %broadcast_in_dim3A_570 = vector.broadcast %and3A_569 : i32 to vector<16xi32>
      %add3A_571 = arith.constant 128 : i32
      %add3A_572 = vector.broadcast %add3A_571 : i32 to vector<16xi32>
      %add3A_573 = arith.addi %broadcast_in_dim3A_570, %add3A_572 : vector<16xi32>
      %gather3A_574 = tpu.vector_load_idx %arg16[%iota3A, %add3A_573] : memref<32x256xf32, #tpu.memory_space<vmem>>[vector<16xi32>, vector<16xi32>], vector<16xf32>,
      %add3A_575 = arith.constant 16 : i32
      %add3A_576 = vector.broadcast %add3A_575 : i32 to vector<16xi32>
      %add3A_577 = arith.addi %iota3A, %add3A_576 : vector<16xi32>
      %gather3A_578 = tpu.vector_load_idx %arg16[%add3A_577, %add3A_573] : memref<32x256xf32, #tpu.memory_space<vmem>>[vector<16xi32>, vector<16xi32>], vector<16xf32>,
      %mul3A_579 = arith.mulf %gather3A_541, %gather3A_552 : vector<16xf32>
      %mul3A_580 = arith.mulf %gather3A_545, %gather3A_556 : vector<16xf32>
      %add3A_581 = arith.addf %mul3A_579, %mul3A_580 : vector<16xf32>
      %mul3A_582 = arith.mulf %gather3A_563, %gather3A_574 : vector<16xf32>
      %add3A_583 = arith.addf %add3A_581, %mul3A_582 : vector<16xf32>
      %mul3A_584 = arith.mulf %gather3A_567, %gather3A_578 : vector<16xf32>
      %add3A_585 = arith.addf %add3A_583, %mul3A_584 : vector<16xf32>
      %reduce_sum3A_586 = arith.constant true
      %reduce_sum3A_587 = vector.broadcast %reduce_sum3A_586 : i1 to vector<16xi1>
      %reduce_sum3A_588 = tpu.scan <sum>, %add3A_585 masked %reduce_sum3A_587 : vector<16xf32>, vector<16xi1> -> vector<16xf32>
      %reduce_sum3A_589 = vector.extract %reduce_sum3A_588[15] : f32 from vector<16xf32>
      %eq3A_590 = arith.constant 1 : i32
      %eq3A_591 = vector.broadcast %eq3A_590 : i32 to vector<16xi32>
      %eq3A_592 = arith.cmpi eq, %iota3A, %eq3A_591 : vector<16xi32>
      %broadcast_in_dim3A_593 = vector.broadcast %reduce_sum3A_589 : f32 to vector<16xf32>
      %select_n3A_594 = arith.select %eq3A_592, %broadcast_in_dim3A_593, %select_n3A : vector<16xi1>, vector<16xf32>
      %slice3A_595 = vector.extract_strided_slice %get3A_250 {offsets = [5], sizes = [1], strides = [1]} : vector<16xi32> to vector<1xi32>
      %squeeze3A_596 = vector.extract %slice3A_595[0] : i32 from vector<1xi32>
      %slice3A_597 = vector.extract_strided_slice %get3A_254 {offsets = [5], sizes = [1], strides = [1]} : vector<16xi32> to vector<1xi32>
      %squeeze3A_598 = vector.extract %slice3A_597[0] : i32 from vector<1xi32>
      %shift_right_arithmetic3A_599 = arith.constant 7 : i32
      %shift_right_arithmetic3A_600 = arith.shrsi %squeeze3A_596, %shift_right_arithmetic3A_599 : i32
      %mul3A_601 = arith.constant 128 : i32
      %mul3A_602 = arith.muli %shift_right_arithmetic3A_600, %mul3A_601 : i32
      %multiple_of3A_603 = tpu.assume_multiple %mul3A_602, 128 : i32
      %dma_start3A_604 = arith.constant 0 : i32
      %dma_start3A_605 = arith.constant 0 : i32
      %dma_start3A_606 = tpu.memref_slice %arg15[%dma_start3A_604, %dma_start3A_605] : memref<32x256xf32, #tpu.memory_space<vmem>> -> memref<32x128xf32, #tpu.memory_space<vmem>>
      %dma_start3A_607 = arith.constant 0 : i32
      %dma_start3A_608 = tpu.memref_slice %arg5[%dma_start3A_607, %multiple_of3A_603] : memref<32x1000000xf32, #tpu.memory_space<hbm>> -> memref<32x128xf32, #tpu.memory_space<hbm>>
      %dma_start3A_609 = arith.constant 0 : i32
      %dma_start3A_610 = arith.constant 0 : i32
      %dma_start3A_611 = tpu.memref_slice %arg15[%dma_start3A_609, %dma_start3A_610] : memref<32x256xf32, #tpu.memory_space<vmem>> -> memref<32x128xf32, #tpu.memory_space<vmem>>
      %dma_start3A_612 = arith.constant 0 : i32
      %dma_start3A_613 = tpu.memref_slice %arg5[%dma_start3A_612, %multiple_of3A_603] : memref<32x1000000xf32, #tpu.memory_space<hbm>> -> memref<32x128xf32, #tpu.memory_space<hbm>>
      tpu.enqueue_dma source(%dma_start3A_613 : memref<32x128xf32, #tpu.memory_space<hbm>>) target(%dma_start3A_611 : memref<32x128xf32, #tpu.memory_space<vmem>>) target_semaphore(%arg24 : memref<!tpu.dma_semaphore, #tpu.memory_space<semaphore_mem>>)
      %shift_right_arithmetic3A_614 = arith.constant 7 : i32
      %shift_right_arithmetic3A_615 = arith.shrsi %squeeze3A_598, %shift_right_arithmetic3A_614 : i32
      %mul3A_616 = arith.constant 128 : i32
      %mul3A_617 = arith.muli %shift_right_arithmetic3A_615, %mul3A_616 : i32
      %multiple_of3A_618 = tpu.assume_multiple %mul3A_617, 128 : i32
      %dma_start3A_619 = arith.constant 0 : i32
      %dma_start3A_620 = arith.constant 128 : i32
      %dma_start3A_621 = tpu.memref_slice %arg15[%dma_start3A_619, %dma_start3A_620] : memref<32x256xf32, #tpu.memory_space<vmem>> -> memref<32x128xf32, #tpu.memory_space<vmem>>
      %dma_start3A_622 = arith.constant 0 : i32
      %dma_start3A_623 = tpu.memref_slice %arg6[%dma_start3A_622, %multiple_of3A_618] : memref<32x1000000xf32, #tpu.memory_space<hbm>> -> memref<32x128xf32, #tpu.memory_space<hbm>>
      %dma_start3A_624 = arith.constant 0 : i32
      %dma_start3A_625 = arith.constant 128 : i32
      %dma_start3A_626 = tpu.memref_slice %arg15[%dma_start3A_624, %dma_start3A_625] : memref<32x256xf32, #tpu.memory_space<vmem>> -> memref<32x128xf32, #tpu.memory_space<vmem>>
      %dma_start3A_627 = arith.constant 0 : i32
      %dma_start3A_628 = tpu.memref_slice %arg6[%dma_start3A_627, %multiple_of3A_618] : memref<32x1000000xf32, #tpu.memory_space<hbm>> -> memref<32x128xf32, #tpu.memory_space<hbm>>
      tpu.enqueue_dma source(%dma_start3A_628 : memref<32x128xf32, #tpu.memory_space<hbm>>) target(%dma_start3A_626 : memref<32x128xf32, #tpu.memory_space<vmem>>) target_semaphore(%arg24 : memref<!tpu.dma_semaphore, #tpu.memory_space<semaphore_mem>>)
      %dma_wait3A_629 = arith.constant 0 : i32
      %dma_wait3A_630 = arith.constant 0 : i32
      %dma_wait3A_631 = tpu.memref_slice %arg17[%dma_wait3A_629, %dma_wait3A_630] : memref<32x256xf32, #tpu.memory_space<vmem>> -> memref<32x128xf32, #tpu.memory_space<vmem>>
      %dma_wait3A_632 = arith.constant 0 : i32
      %dma_wait3A_633 = arith.constant 0 : i32
      %dma_wait3A_634 = tpu.memref_slice %arg5[%dma_wait3A_632, %dma_wait3A_633] : memref<32x1000000xf32, #tpu.memory_space<hbm>> -> memref<32x128xf32, #tpu.memory_space<hbm>>
      %dma_wait3A_635 = arith.constant 0 : i32
      %dma_wait3A_636 = arith.constant 0 : i32
      %dma_wait3A_637 = tpu.memref_slice %arg17[%dma_wait3A_635, %dma_wait3A_636] : memref<32x256xf32, #tpu.memory_space<vmem>> -> memref<32x128xf32, #tpu.memory_space<vmem>>
      %dma_wait3A_638 = arith.constant 0 : i32
      %dma_wait3A_639 = arith.constant 0 : i32
      %dma_wait3A_640 = tpu.memref_slice %arg5[%dma_wait3A_638, %dma_wait3A_639] : memref<32x1000000xf32, #tpu.memory_space<hbm>> -> memref<32x128xf32, #tpu.memory_space<hbm>>
      tpu.wait_dma2 semaphore(%arg26 : memref<!tpu.dma_semaphore, #tpu.memory_space<semaphore_mem>>) src(%dma_wait3A_640 : memref<32x128xf32, #tpu.memory_space<hbm>>) dst(%dma_wait3A_637 : memref<32x128xf32, #tpu.memory_space<vmem>>)
      %dma_wait3A_641 = arith.constant 0 : i32
      %dma_wait3A_642 = arith.constant 128 : i32
      %dma_wait3A_643 = tpu.memref_slice %arg17[%dma_wait3A_641, %dma_wait3A_642] : memref<32x256xf32, #tpu.memory_space<vmem>> -> memref<32x128xf32, #tpu.memory_space<vmem>>
      %dma_wait3A_644 = arith.constant 0 : i32
      %dma_wait3A_645 = arith.constant 0 : i32
      %dma_wait3A_646 = tpu.memref_slice %arg5[%dma_wait3A_644, %dma_wait3A_645] : memref<32x1000000xf32, #tpu.memory_space<hbm>> -> memref<32x128xf32, #tpu.memory_space<hbm>>
      %dma_wait3A_647 = arith.constant 0 : i32
      %dma_wait3A_648 = arith.constant 128 : i32
      %dma_wait3A_649 = tpu.memref_slice %arg17[%dma_wait3A_647, %dma_wait3A_648] : memref<32x256xf32, #tpu.memory_space<vmem>> -> memref<32x128xf32, #tpu.memory_space<vmem>>
      %dma_wait3A_650 = arith.constant 0 : i32
      %dma_wait3A_651 = arith.constant 0 : i32
      %dma_wait3A_652 = tpu.memref_slice %arg5[%dma_wait3A_650, %dma_wait3A_651] : memref<32x1000000xf32, #tpu.memory_space<hbm>> -> memref<32x128xf32, #tpu.memory_space<hbm>>
      tpu.wait_dma2 semaphore(%arg26 : memref<!tpu.dma_semaphore, #tpu.memory_space<semaphore_mem>>) src(%dma_wait3A_652 : memref<32x128xf32, #tpu.memory_space<hbm>>) dst(%dma_wait3A_649 : memref<32x128xf32, #tpu.memory_space<vmem>>)
      %slice3A_653 = vector.extract_strided_slice %get3A_252 {offsets = [5], sizes = [1], strides = [1]} : vector<16xi32> to vector<1xi32>
      %squeeze3A_654 = vector.extract %slice3A_653[0] : i32 from vector<1xi32>
      %slice3A_655 = vector.extract_strided_slice %get3A_254 {offsets = [5], sizes = [1], strides = [1]} : vector<16xi32> to vector<1xi32>
      %squeeze3A_656 = vector.extract %slice3A_655[0] : i32 from vector<1xi32>
      %shift_right_arithmetic3A_657 = arith.constant 7 : i32
      %shift_right_arithmetic3A_658 = arith.shrsi %squeeze3A_654, %shift_right_arithmetic3A_657 : i32
      %mul3A_659 = arith.constant 128 : i32
      %mul3A_660 = arith.muli %shift_right_arithmetic3A_658, %mul3A_659 : i32
      %multiple_of3A_661 = tpu.assume_multiple %mul3A_660, 128 : i32
      %dma_start3A_662 = arith.constant 0 : i32
      %dma_start3A_663 = arith.constant 0 : i32
      %dma_start3A_664 = tpu.memref_slice %arg16[%dma_start3A_662, %dma_start3A_663] : memref<32x256xf32, #tpu.memory_space<vmem>> -> memref<32x128xf32, #tpu.memory_space<vmem>>
      %dma_start3A_665 = arith.constant 0 : i32
      %dma_start3A_666 = tpu.memref_slice %arg7[%dma_start3A_665, %multiple_of3A_661] : memref<32x1000000xf32, #tpu.memory_space<hbm>> -> memref<32x128xf32, #tpu.memory_space<hbm>>
      %dma_start3A_667 = arith.constant 0 : i32
      %dma_start3A_668 = arith.constant 0 : i32
      %dma_start3A_669 = tpu.memref_slice %arg16[%dma_start3A_667, %dma_start3A_668] : memref<32x256xf32, #tpu.memory_space<vmem>> -> memref<32x128xf32, #tpu.memory_space<vmem>>
      %dma_start3A_670 = arith.constant 0 : i32
      %dma_start3A_671 = tpu.memref_slice %arg7[%dma_start3A_670, %multiple_of3A_661] : memref<32x1000000xf32, #tpu.memory_space<hbm>> -> memref<32x128xf32, #tpu.memory_space<hbm>>
      tpu.enqueue_dma source(%dma_start3A_671 : memref<32x128xf32, #tpu.memory_space<hbm>>) target(%dma_start3A_669 : memref<32x128xf32, #tpu.memory_space<vmem>>) target_semaphore(%arg25 : memref<!tpu.dma_semaphore, #tpu.memory_space<semaphore_mem>>)
      %shift_right_arithmetic3A_672 = arith.constant 7 : i32
      %shift_right_arithmetic3A_673 = arith.shrsi %squeeze3A_656, %shift_right_arithmetic3A_672 : i32
      %mul3A_674 = arith.constant 128 : i32
      %mul3A_675 = arith.muli %shift_right_arithmetic3A_673, %mul3A_674 : i32
      %multiple_of3A_676 = tpu.assume_multiple %mul3A_675, 128 : i32
      %dma_start3A_677 = arith.constant 0 : i32
      %dma_start3A_678 = arith.constant 128 : i32
      %dma_start3A_679 = tpu.memref_slice %arg16[%dma_start3A_677, %dma_start3A_678] : memref<32x256xf32, #tpu.memory_space<vmem>> -> memref<32x128xf32, #tpu.memory_space<vmem>>
      %dma_start3A_680 = arith.constant 0 : i32
      %dma_start3A_681 = tpu.memref_slice %arg8[%dma_start3A_680, %multiple_of3A_676] : memref<32x1000000xf32, #tpu.memory_space<hbm>> -> memref<32x128xf32, #tpu.memory_space<hbm>>
      %dma_start3A_682 = arith.constant 0 : i32
      %dma_start3A_683 = arith.constant 128 : i32
      %dma_start3A_684 = tpu.memref_slice %arg16[%dma_start3A_682, %dma_start3A_683] : memref<32x256xf32, #tpu.memory_space<vmem>> -> memref<32x128xf32, #tpu.memory_space<vmem>>
      %dma_start3A_685 = arith.constant 0 : i32
      %dma_start3A_686 = tpu.memref_slice %arg8[%dma_start3A_685, %multiple_of3A_676] : memref<32x1000000xf32, #tpu.memory_space<hbm>> -> memref<32x128xf32, #tpu.memory_space<hbm>>
      tpu.enqueue_dma source(%dma_start3A_686 : memref<32x128xf32, #tpu.memory_space<hbm>>) target(%dma_start3A_684 : memref<32x128xf32, #tpu.memory_space<vmem>>) target_semaphore(%arg25 : memref<!tpu.dma_semaphore, #tpu.memory_space<semaphore_mem>>)
      %dma_wait3A_687 = arith.constant 0 : i32
      %dma_wait3A_688 = arith.constant 0 : i32
      %dma_wait3A_689 = tpu.memref_slice %arg18[%dma_wait3A_687, %dma_wait3A_688] : memref<32x256xf32, #tpu.memory_space<vmem>> -> memref<32x128xf32, #tpu.memory_space<vmem>>
      %dma_wait3A_690 = arith.constant 0 : i32
      %dma_wait3A_691 = arith.constant 0 : i32
      %dma_wait3A_692 = tpu.memref_slice %arg5[%dma_wait3A_690, %dma_wait3A_691] : memref<32x1000000xf32, #tpu.memory_space<hbm>> -> memref<32x128xf32, #tpu.memory_space<hbm>>
      %dma_wait3A_693 = arith.constant 0 : i32
      %dma_wait3A_694 = arith.constant 0 : i32
      %dma_wait3A_695 = tpu.memref_slice %arg18[%dma_wait3A_693, %dma_wait3A_694] : memref<32x256xf32, #tpu.memory_space<vmem>> -> memref<32x128xf32, #tpu.memory_space<vmem>>
      %dma_wait3A_696 = arith.constant 0 : i32
      %dma_wait3A_697 = arith.constant 0 : i32
      %dma_wait3A_698 = tpu.memref_slice %arg5[%dma_wait3A_696, %dma_wait3A_697] : memref<32x1000000xf32, #tpu.memory_space<hbm>> -> memref<32x128xf32, #tpu.memory_space<hbm>>
      tpu.wait_dma2 semaphore(%arg27 : memref<!tpu.dma_semaphore, #tpu.memory_space<semaphore_mem>>) src(%dma_wait3A_698 : memref<32x128xf32, #tpu.memory_space<hbm>>) dst(%dma_wait3A_695 : memref<32x128xf32, #tpu.memory_space<vmem>>)
      %dma_wait3A_699 = arith.constant 0 : i32
      %dma_wait3A_700 = arith.constant 128 : i32
      %dma_wait3A_701 = tpu.memref_slice %arg18[%dma_wait3A_699, %dma_wait3A_700] : memref<32x256xf32, #tpu.memory_space<vmem>> -> memref<32x128xf32, #tpu.memory_space<vmem>>
      %dma_wait3A_702 = arith.constant 0 : i32
      %dma_wait3A_703 = arith.constant 0 : i32
      %dma_wait3A_704 = tpu.memref_slice %arg5[%dma_wait3A_702, %dma_wait3A_703] : memref<32x1000000xf32, #tpu.memory_space<hbm>> -> memref<32x128xf32, #tpu.memory_space<hbm>>
      %dma_wait3A_705 = arith.constant 0 : i32
      %dma_wait3A_706 = arith.constant 128 : i32
      %dma_wait3A_707 = tpu.memref_slice %arg18[%dma_wait3A_705, %dma_wait3A_706] : memref<32x256xf32, #tpu.memory_space<vmem>> -> memref<32x128xf32, #tpu.memory_space<vmem>>
      %dma_wait3A_708 = arith.constant 0 : i32
      %dma_wait3A_709 = arith.constant 0 : i32
      %dma_wait3A_710 = tpu.memref_slice %arg5[%dma_wait3A_708, %dma_wait3A_709] : memref<32x1000000xf32, #tpu.memory_space<hbm>> -> memref<32x128xf32, #tpu.memory_space<hbm>>
      tpu.wait_dma2 semaphore(%arg27 : memref<!tpu.dma_semaphore, #tpu.memory_space<semaphore_mem>>) src(%dma_wait3A_710 : memref<32x128xf32, #tpu.memory_space<hbm>>) dst(%dma_wait3A_707 : memref<32x128xf32, #tpu.memory_space<vmem>>)
      %slice3A_711 = vector.extract_strided_slice %get3A_250 {offsets = [2], sizes = [1], strides = [1]} : vector<16xi32> to vector<1xi32>
      %squeeze3A_712 = vector.extract %slice3A_711[0] : i32 from vector<1xi32>
      %slice3A_713 = vector.extract_strided_slice %get3A_254 {offsets = [2], sizes = [1], strides = [1]} : vector<16xi32> to vector<1xi32>
      %squeeze3A_714 = vector.extract %slice3A_713[0] : i32 from vector<1xi32>
      %slice3A_715 = vector.extract_strided_slice %get3A_252 {offsets = [2], sizes = [1], strides = [1]} : vector<16xi32> to vector<1xi32>
      %squeeze3A_716 = vector.extract %slice3A_715[0] : i32 from vector<1xi32>
      %slice3A_717 = vector.extract_strided_slice %get3A_254 {offsets = [2], sizes = [1], strides = [1]} : vector<16xi32> to vector<1xi32>
      %squeeze3A_718 = vector.extract %slice3A_717[0] : i32 from vector<1xi32>
      %and3A_719 = arith.constant 127 : i32
      %and3A_720 = arith.andi %squeeze3A_712, %and3A_719 : i32
      %broadcast_in_dim3A_721 = vector.broadcast %and3A_720 : i32 to vector<16xi32>
      %add3A_722 = arith.constant 0 : i32
      %add3A_723 = vector.broadcast %add3A_722 : i32 to vector<16xi32>
      %add3A_724 = arith.addi %broadcast_in_dim3A_721, %add3A_723 : vector<16xi32>
      %gather3A_725 = tpu.vector_load_idx %arg17[%iota3A, %add3A_724] : memref<32x256xf32, #tpu.memory_space<vmem>>[vector<16xi32>, vector<16xi32>], vector<16xf32>,
      %add3A_726 = arith.constant 16 : i32
      %add3A_727 = vector.broadcast %add3A_726 : i32 to vector<16xi32>
      %add3A_728 = arith.addi %iota3A, %add3A_727 : vector<16xi32>
      %gather3A_729 = tpu.vector_load_idx %arg17[%add3A_728, %add3A_724] : memref<32x256xf32, #tpu.memory_space<vmem>>[vector<16xi32>, vector<16xi32>], vector<16xf32>,
      %and3A_730 = arith.constant 127 : i32
      %and3A_731 = arith.andi %squeeze3A_714, %and3A_730 : i32
      %broadcast_in_dim3A_732 = vector.broadcast %and3A_731 : i32 to vector<16xi32>
      %add3A_733 = arith.constant 128 : i32
      %add3A_734 = vector.broadcast %add3A_733 : i32 to vector<16xi32>
      %add3A_735 = arith.addi %broadcast_in_dim3A_732, %add3A_734 : vector<16xi32>
      %gather3A_736 = tpu.vector_load_idx %arg17[%iota3A, %add3A_735] : memref<32x256xf32, #tpu.memory_space<vmem>>[vector<16xi32>, vector<16xi32>], vector<16xf32>,
      %add3A_737 = arith.constant 16 : i32
      %add3A_738 = vector.broadcast %add3A_737 : i32 to vector<16xi32>
      %add3A_739 = arith.addi %iota3A, %add3A_738 : vector<16xi32>
      %gather3A_740 = tpu.vector_load_idx %arg17[%add3A_739, %add3A_735] : memref<32x256xf32, #tpu.memory_space<vmem>>[vector<16xi32>, vector<16xi32>], vector<16xf32>,
      %and3A_741 = arith.constant 127 : i32
      %and3A_742 = arith.andi %squeeze3A_716, %and3A_741 : i32
      %broadcast_in_dim3A_743 = vector.broadcast %and3A_742 : i32 to vector<16xi32>
      %add3A_744 = arith.constant 0 : i32
      %add3A_745 = vector.broadcast %add3A_744 : i32 to vector<16xi32>
      %add3A_746 = arith.addi %broadcast_in_dim3A_743, %add3A_745 : vector<16xi32>
      %gather3A_747 = tpu.vector_load_idx %arg18[%iota3A, %add3A_746] : memref<32x256xf32, #tpu.memory_space<vmem>>[vector<16xi32>, vector<16xi32>], vector<16xf32>,
      %add3A_748 = arith.constant 16 : i32
      %add3A_749 = vector.broadcast %add3A_748 : i32 to vector<16xi32>
      %add3A_750 = arith.addi %iota3A, %add3A_749 : vector<16xi32>
      %gather3A_751 = tpu.vector_load_idx %arg18[%add3A_750, %add3A_746] : memref<32x256xf32, #tpu.memory_space<vmem>>[vector<16xi32>, vector<16xi32>], vector<16xf32>,
      %and3A_752 = arith.constant 127 : i32
      %and3A_753 = arith.andi %squeeze3A_718, %and3A_752 : i32
      %broadcast_in_dim3A_754 = vector.broadcast %and3A_753 : i32 to vector<16xi32>
      %add3A_755 = arith.constant 128 : i32
      %add3A_756 = vector.broadcast %add3A_755 : i32 to vector<16xi32>
      %add3A_757 = arith.addi %broadcast_in_dim3A_754, %add3A_756 : vector<16xi32>
      %gather3A_758 = tpu.vector_load_idx %arg18[%iota3A, %add3A_757] : memref<32x256xf32, #tpu.memory_space<vmem>>[vector<16xi32>, vector<16xi32>], vector<16xf32>,
      %add3A_759 = arith.constant 16 : i32
      %add3A_760 = vector.broadcast %add3A_759 : i32 to vector<16xi32>
      %add3A_761 = arith.addi %iota3A, %add3A_760 : vector<16xi32>
      %gather3A_762 = tpu.vector_load_idx %arg18[%add3A_761, %add3A_757] : memref<32x256xf32, #tpu.memory_space<vmem>>[vector<16xi32>, vector<16xi32>], vector<16xf32>,
      %mul3A_763 = arith.mulf %gather3A_725, %gather3A_736 : vector<16xf32>
      %mul3A_764 = arith.mulf %gather3A_729, %gather3A_740 : vector<16xf32>
      %add3A_765 = arith.addf %mul3A_763, %mul3A_764 : vector<16xf32>
      %mul3A_766 = arith.mulf %gather3A_747, %gather3A_758 : vector<16xf32>
      %add3A_767 = arith.addf %add3A_765, %mul3A_766 : vector<16xf32>
      %mul3A_768 = arith.mulf %gather3A_751, %gather3A_762 : vector<16xf32>
      %add3A_769 = arith.addf %add3A_767, %mul3A_768 : vector<16xf32>
      %reduce_sum3A_770 = arith.constant true
      %reduce_sum3A_771 = vector.broadcast %reduce_sum3A_770 : i1 to vector<16xi1>
      %reduce_sum3A_772 = tpu.scan <sum>, %add3A_769 masked %reduce_sum3A_771 : vector<16xf32>, vector<16xi1> -> vector<16xf32>
      %reduce_sum3A_773 = vector.extract %reduce_sum3A_772[15] : f32 from vector<16xf32>
      %eq3A_774 = arith.constant 2 : i32
      %eq3A_775 = vector.broadcast %eq3A_774 : i32 to vector<16xi32>
      %eq3A_776 = arith.cmpi eq, %iota3A, %eq3A_775 : vector<16xi32>
      %broadcast_in_dim3A_777 = vector.broadcast %reduce_sum3A_773 : f32 to vector<16xf32>
      %select_n3A_778 = arith.select %eq3A_776, %broadcast_in_dim3A_777, %select_n3A_594 : vector<16xi1>, vector<16xf32>
      %slice3A_779 = vector.extract_strided_slice %get3A_250 {offsets = [6], sizes = [1], strides = [1]} : vector<16xi32> to vector<1xi32>
      %squeeze3A_780 = vector.extract %slice3A_779[0] : i32 from vector<1xi32>
      %slice3A_781 = vector.extract_strided_slice %get3A_254 {offsets = [6], sizes = [1], strides = [1]} : vector<16xi32> to vector<1xi32>
      %squeeze3A_782 = vector.extract %slice3A_781[0] : i32 from vector<1xi32>
      %shift_right_arithmetic3A_783 = arith.constant 7 : i32
      %shift_right_arithmetic3A_784 = arith.shrsi %squeeze3A_780, %shift_right_arithmetic3A_783 : i32
      %mul3A_785 = arith.constant 128 : i32
      %mul3A_786 = arith.muli %shift_right_arithmetic3A_784, %mul3A_785 : i32
      %multiple_of3A_787 = tpu.assume_multiple %mul3A_786, 128 : i32
      %dma_start3A_788 = arith.constant 0 : i32
      %dma_start3A_789 = arith.constant 0 : i32
      %dma_start3A_790 = tpu.memref_slice %arg17[%dma_start3A_788, %dma_start3A_789] : memref<32x256xf32, #tpu.memory_space<vmem>> -> memref<32x128xf32, #tpu.memory_space<vmem>>
      %dma_start3A_791 = arith.constant 0 : i32
      %dma_start3A_792 = tpu.memref_slice %arg5[%dma_start3A_791, %multiple_of3A_787] : memref<32x1000000xf32, #tpu.memory_space<hbm>> -> memref<32x128xf32, #tpu.memory_space<hbm>>
      %dma_start3A_793 = arith.constant 0 : i32
      %dma_start3A_794 = arith.constant 0 : i32
      %dma_start3A_795 = tpu.memref_slice %arg17[%dma_start3A_793, %dma_start3A_794] : memref<32x256xf32, #tpu.memory_space<vmem>> -> memref<32x128xf32, #tpu.memory_space<vmem>>
      %dma_start3A_796 = arith.constant 0 : i32
      %dma_start3A_797 = tpu.memref_slice %arg5[%dma_start3A_796, %multiple_of3A_787] : memref<32x1000000xf32, #tpu.memory_space<hbm>> -> memref<32x128xf32, #tpu.memory_space<hbm>>
      tpu.enqueue_dma source(%dma_start3A_797 : memref<32x128xf32, #tpu.memory_space<hbm>>) target(%dma_start3A_795 : memref<32x128xf32, #tpu.memory_space<vmem>>) target_semaphore(%arg26 : memref<!tpu.dma_semaphore, #tpu.memory_space<semaphore_mem>>)
      %shift_right_arithmetic3A_798 = arith.constant 7 : i32
      %shift_right_arithmetic3A_799 = arith.shrsi %squeeze3A_782, %shift_right_arithmetic3A_798 : i32
      %mul3A_800 = arith.constant 128 : i32
      %mul3A_801 = arith.muli %shift_right_arithmetic3A_799, %mul3A_800 : i32
      %multiple_of3A_802 = tpu.assume_multiple %mul3A_801, 128 : i32
      %dma_start3A_803 = arith.constant 0 : i32
      %dma_start3A_804 = arith.constant 128 : i32
      %dma_start3A_805 = tpu.memref_slice %arg17[%dma_start3A_803, %dma_start3A_804] : memref<32x256xf32, #tpu.memory_space<vmem>> -> memref<32x128xf32, #tpu.memory_space<vmem>>
      %dma_start3A_806 = arith.constant 0 : i32
      %dma_start3A_807 = tpu.memref_slice %arg6[%dma_start3A_806, %multiple_of3A_802] : memref<32x1000000xf32, #tpu.memory_space<hbm>> -> memref<32x128xf32, #tpu.memory_space<hbm>>
      %dma_start3A_808 = arith.constant 0 : i32
      %dma_start3A_809 = arith.constant 128 : i32
      %dma_start3A_810 = tpu.memref_slice %arg17[%dma_start3A_808, %dma_start3A_809] : memref<32x256xf32, #tpu.memory_space<vmem>> -> memref<32x128xf32, #tpu.memory_space<vmem>>
      %dma_start3A_811 = arith.constant 0 : i32
      %dma_start3A_812 = tpu.memref_slice %arg6[%dma_start3A_811, %multiple_of3A_802] : memref<32x1000000xf32, #tpu.memory_space<hbm>> -> memref<32x128xf32, #tpu.memory_space<hbm>>
      tpu.enqueue_dma source(%dma_start3A_812 : memref<32x128xf32, #tpu.memory_space<hbm>>) target(%dma_start3A_810 : memref<32x128xf32, #tpu.memory_space<vmem>>) target_semaphore(%arg26 : memref<!tpu.dma_semaphore, #tpu.memory_space<semaphore_mem>>)
      %dma_wait3A_813 = arith.constant 0 : i32
      %dma_wait3A_814 = arith.constant 0 : i32
      %dma_wait3A_815 = tpu.memref_slice %arg19[%dma_wait3A_813, %dma_wait3A_814] : memref<32x256xf32, #tpu.memory_space<vmem>> -> memref<32x128xf32, #tpu.memory_space<vmem>>
      %dma_wait3A_816 = arith.constant 0 : i32
      %dma_wait3A_817 = arith.constant 0 : i32
      %dma_wait3A_818 = tpu.memref_slice %arg5[%dma_wait3A_816, %dma_wait3A_817] : memref<32x1000000xf32, #tpu.memory_space<hbm>> -> memref<32x128xf32, #tpu.memory_space<hbm>>
      %dma_wait3A_819 = arith.constant 0 : i32
      %dma_wait3A_820 = arith.constant 0 : i32
      %dma_wait3A_821 = tpu.memref_slice %arg19[%dma_wait3A_819, %dma_wait3A_820] : memref<32x256xf32, #tpu.memory_space<vmem>> -> memref<32x128xf32, #tpu.memory_space<vmem>>
      %dma_wait3A_822 = arith.constant 0 : i32
      %dma_wait3A_823 = arith.constant 0 : i32
      %dma_wait3A_824 = tpu.memref_slice %arg5[%dma_wait3A_822, %dma_wait3A_823] : memref<32x1000000xf32, #tpu.memory_space<hbm>> -> memref<32x128xf32, #tpu.memory_space<hbm>>
      tpu.wait_dma2 semaphore(%arg28 : memref<!tpu.dma_semaphore, #tpu.memory_space<semaphore_mem>>) src(%dma_wait3A_824 : memref<32x128xf32, #tpu.memory_space<hbm>>) dst(%dma_wait3A_821 : memref<32x128xf32, #tpu.memory_space<vmem>>)
      %dma_wait3A_825 = arith.constant 0 : i32
      %dma_wait3A_826 = arith.constant 128 : i32
      %dma_wait3A_827 = tpu.memref_slice %arg19[%dma_wait3A_825, %dma_wait3A_826] : memref<32x256xf32, #tpu.memory_space<vmem>> -> memref<32x128xf32, #tpu.memory_space<vmem>>
      %dma_wait3A_828 = arith.constant 0 : i32
      %dma_wait3A_829 = arith.constant 0 : i32
      %dma_wait3A_830 = tpu.memref_slice %arg5[%dma_wait3A_828, %dma_wait3A_829] : memref<32x1000000xf32, #tpu.memory_space<hbm>> -> memref<32x128xf32, #tpu.memory_space<hbm>>
      %dma_wait3A_831 = arith.constant 0 : i32
      %dma_wait3A_832 = arith.constant 128 : i32
      %dma_wait3A_833 = tpu.memref_slice %arg19[%dma_wait3A_831, %dma_wait3A_832] : memref<32x256xf32, #tpu.memory_space<vmem>> -> memref<32x128xf32, #tpu.memory_space<vmem>>
      %dma_wait3A_834 = arith.constant 0 : i32
      %dma_wait3A_835 = arith.constant 0 : i32
      %dma_wait3A_836 = tpu.memref_slice %arg5[%dma_wait3A_834, %dma_wait3A_835] : memref<32x1000000xf32, #tpu.memory_space<hbm>> -> memref<32x128xf32, #tpu.memory_space<hbm>>
      tpu.wait_dma2 semaphore(%arg28 : memref<!tpu.dma_semaphore, #tpu.memory_space<semaphore_mem>>) src(%dma_wait3A_836 : memref<32x128xf32, #tpu.memory_space<hbm>>) dst(%dma_wait3A_833 : memref<32x128xf32, #tpu.memory_space<vmem>>)
      %slice3A_837 = vector.extract_strided_slice %get3A_252 {offsets = [6], sizes = [1], strides = [1]} : vector<16xi32> to vector<1xi32>
      %squeeze3A_838 = vector.extract %slice3A_837[0] : i32 from vector<1xi32>
      %slice3A_839 = vector.extract_strided_slice %get3A_254 {offsets = [6], sizes = [1], strides = [1]} : vector<16xi32> to vector<1xi32>
      %squeeze3A_840 = vector.extract %slice3A_839[0] : i32 from vector<1xi32>
      %shift_right_arithmetic3A_841 = arith.constant 7 : i32
      %shift_right_arithmetic3A_842 = arith.shrsi %squeeze3A_838, %shift_right_arithmetic3A_841 : i32
      %mul3A_843 = arith.constant 128 : i32
      %mul3A_844 = arith.muli %shift_right_arithmetic3A_842, %mul3A_843 : i32
      %multiple_of3A_845 = tpu.assume_multiple %mul3A_844, 128 : i32
      %dma_start3A_846 = arith.constant 0 : i32
      %dma_start3A_847 = arith.constant 0 : i32
      %dma_start3A_848 = tpu.memref_slice %arg18[%dma_start3A_846, %dma_start3A_847] : memref<32x256xf32, #tpu.memory_space<vmem>> -> memref<32x128xf32, #tpu.memory_space<vmem>>
      %dma_start3A_849 = arith.constant 0 : i32
      %dma_start3A_850 = tpu.memref_slice %arg7[%dma_start3A_849, %multiple_of3A_845] : memref<32x1000000xf32, #tpu.memory_space<hbm>> -> memref<32x128xf32, #tpu.memory_space<hbm>>
      %dma_start3A_851 = arith.constant 0 : i32
      %dma_start3A_852 = arith.constant 0 : i32
      %dma_start3A_853 = tpu.memref_slice %arg18[%dma_start3A_851, %dma_start3A_852] : memref<32x256xf32, #tpu.memory_space<vmem>> -> memref<32x128xf32, #tpu.memory_space<vmem>>
      %dma_start3A_854 = arith.constant 0 : i32
      %dma_start3A_855 = tpu.memref_slice %arg7[%dma_start3A_854, %multiple_of3A_845] : memref<32x1000000xf32, #tpu.memory_space<hbm>> -> memref<32x128xf32, #tpu.memory_space<hbm>>
      tpu.enqueue_dma source(%dma_start3A_855 : memref<32x128xf32, #tpu.memory_space<hbm>>) target(%dma_start3A_853 : memref<32x128xf32, #tpu.memory_space<vmem>>) target_semaphore(%arg27 : memref<!tpu.dma_semaphore, #tpu.memory_space<semaphore_mem>>)
      %shift_right_arithmetic3A_856 = arith.constant 7 : i32
      %shift_right_arithmetic3A_857 = arith.shrsi %squeeze3A_840, %shift_right_arithmetic3A_856 : i32
      %mul3A_858 = arith.constant 128 : i32
      %mul3A_859 = arith.muli %shift_right_arithmetic3A_857, %mul3A_858 : i32
      %multiple_of3A_860 = tpu.assume_multiple %mul3A_859, 128 : i32
      %dma_start3A_861 = arith.constant 0 : i32
      %dma_start3A_862 = arith.constant 128 : i32
      %dma_start3A_863 = tpu.memref_slice %arg18[%dma_start3A_861, %dma_start3A_862] : memref<32x256xf32, #tpu.memory_space<vmem>> -> memref<32x128xf32, #tpu.memory_space<vmem>>
      %dma_start3A_864 = arith.constant 0 : i32
      %dma_start3A_865 = tpu.memref_slice %arg8[%dma_start3A_864, %multiple_of3A_860] : memref<32x1000000xf32, #tpu.memory_space<hbm>> -> memref<32x128xf32, #tpu.memory_space<hbm>>
      %dma_start3A_866 = arith.constant 0 : i32
      %dma_start3A_867 = arith.constant 128 : i32
      %dma_start3A_868 = tpu.memref_slice %arg18[%dma_start3A_866, %dma_start3A_867] : memref<32x256xf32, #tpu.memory_space<vmem>> -> memref<32x128xf32, #tpu.memory_space<vmem>>
      %dma_start3A_869 = arith.constant 0 : i32
      %dma_start3A_870 = tpu.memref_slice %arg8[%dma_start3A_869, %multiple_of3A_860] : memref<32x1000000xf32, #tpu.memory_space<hbm>> -> memref<32x128xf32, #tpu.memory_space<hbm>>
      tpu.enqueue_dma source(%dma_start3A_870 : memref<32x128xf32, #tpu.memory_space<hbm>>) target(%dma_start3A_868 : memref<32x128xf32, #tpu.memory_space<vmem>>) target_semaphore(%arg27 : memref<!tpu.dma_semaphore, #tpu.memory_space<semaphore_mem>>)
      %dma_wait3A_871 = arith.constant 0 : i32
      %dma_wait3A_872 = arith.constant 0 : i32
      %dma_wait3A_873 = tpu.memref_slice %arg20[%dma_wait3A_871, %dma_wait3A_872] : memref<32x256xf32, #tpu.memory_space<vmem>> -> memref<32x128xf32, #tpu.memory_space<vmem>>
      %dma_wait3A_874 = arith.constant 0 : i32
      %dma_wait3A_875 = arith.constant 0 : i32
      %dma_wait3A_876 = tpu.memref_slice %arg5[%dma_wait3A_874, %dma_wait3A_875] : memref<32x1000000xf32, #tpu.memory_space<hbm>> -> memref<32x128xf32, #tpu.memory_space<hbm>>
      %dma_wait3A_877 = arith.constant 0 : i32
      %dma_wait3A_878 = arith.constant 0 : i32
      %dma_wait3A_879 = tpu.memref_slice %arg20[%dma_wait3A_877, %dma_wait3A_878] : memref<32x256xf32, #tpu.memory_space<vmem>> -> memref<32x128xf32, #tpu.memory_space<vmem>>
      %dma_wait3A_880 = arith.constant 0 : i32
      %dma_wait3A_881 = arith.constant 0 : i32
      %dma_wait3A_882 = tpu.memref_slice %arg5[%dma_wait3A_880, %dma_wait3A_881] : memref<32x1000000xf32, #tpu.memory_space<hbm>> -> memref<32x128xf32, #tpu.memory_space<hbm>>
      tpu.wait_dma2 semaphore(%arg29 : memref<!tpu.dma_semaphore, #tpu.memory_space<semaphore_mem>>) src(%dma_wait3A_882 : memref<32x128xf32, #tpu.memory_space<hbm>>) dst(%dma_wait3A_879 : memref<32x128xf32, #tpu.memory_space<vmem>>)
      %dma_wait3A_883 = arith.constant 0 : i32
      %dma_wait3A_884 = arith.constant 128 : i32
      %dma_wait3A_885 = tpu.memref_slice %arg20[%dma_wait3A_883, %dma_wait3A_884] : memref<32x256xf32, #tpu.memory_space<vmem>> -> memref<32x128xf32, #tpu.memory_space<vmem>>
      %dma_wait3A_886 = arith.constant 0 : i32
      %dma_wait3A_887 = arith.constant 0 : i32
      %dma_wait3A_888 = tpu.memref_slice %arg5[%dma_wait3A_886, %dma_wait3A_887] : memref<32x1000000xf32, #tpu.memory_space<hbm>> -> memref<32x128xf32, #tpu.memory_space<hbm>>
      %dma_wait3A_889 = arith.constant 0 : i32
      %dma_wait3A_890 = arith.constant 128 : i32
      %dma_wait3A_891 = tpu.memref_slice %arg20[%dma_wait3A_889, %dma_wait3A_890] : memref<32x256xf32, #tpu.memory_space<vmem>> -> memref<32x128xf32, #tpu.memory_space<vmem>>
      %dma_wait3A_892 = arith.constant 0 : i32
      %dma_wait3A_893 = arith.constant 0 : i32
      %dma_wait3A_894 = tpu.memref_slice %arg5[%dma_wait3A_892, %dma_wait3A_893] : memref<32x1000000xf32, #tpu.memory_space<hbm>> -> memref<32x128xf32, #tpu.memory_space<hbm>>
      tpu.wait_dma2 semaphore(%arg29 : memref<!tpu.dma_semaphore, #tpu.memory_space<semaphore_mem>>) src(%dma_wait3A_894 : memref<32x128xf32, #tpu.memory_space<hbm>>) dst(%dma_wait3A_891 : memref<32x128xf32, #tpu.memory_space<vmem>>)
      %slice3A_895 = vector.extract_strided_slice %get3A_250 {offsets = [3], sizes = [1], strides = [1]} : vector<16xi32> to vector<1xi32>
      %squeeze3A_896 = vector.extract %slice3A_895[0] : i32 from vector<1xi32>
      %slice3A_897 = vector.extract_strided_slice %get3A_254 {offsets = [3], sizes = [1], strides = [1]} : vector<16xi32> to vector<1xi32>
      %squeeze3A_898 = vector.extract %slice3A_897[0] : i32 from vector<1xi32>
      %slice3A_899 = vector.extract_strided_slice %get3A_252 {offsets = [3], sizes = [1], strides = [1]} : vector<16xi32> to vector<1xi32>
      %squeeze3A_900 = vector.extract %slice3A_899[0] : i32 from vector<1xi32>
      %slice3A_901 = vector.extract_strided_slice %get3A_254 {offsets = [3], sizes = [1], strides = [1]} : vector<16xi32> to vector<1xi32>
      %squeeze3A_902 = vector.extract %slice3A_901[0] : i32 from vector<1xi32>
      %and3A_903 = arith.constant 127 : i32
      %and3A_904 = arith.andi %squeeze3A_896, %and3A_903 : i32
      %broadcast_in_dim3A_905 = vector.broadcast %and3A_904 : i32 to vector<16xi32>
      %add3A_906 = arith.constant 0 : i32
      %add3A_907 = vector.broadcast %add3A_906 : i32 to vector<16xi32>
      %add3A_908 = arith.addi %broadcast_in_dim3A_905, %add3A_907 : vector<16xi32>
      %gather3A_909 = tpu.vector_load_idx %arg19[%iota3A, %add3A_908] : memref<32x256xf32, #tpu.memory_space<vmem>>[vector<16xi32>, vector<16xi32>], vector<16xf32>,
      %add3A_910 = arith.constant 16 : i32
      %add3A_911 = vector.broadcast %add3A_910 : i32 to vector<16xi32>
      %add3A_912 = arith.addi %iota3A, %add3A_911 : vector<16xi32>
      %gather3A_913 = tpu.vector_load_idx %arg19[%add3A_912, %add3A_908] : memref<32x256xf32, #tpu.memory_space<vmem>>[vector<16xi32>, vector<16xi32>], vector<16xf32>,
      %and3A_914 = arith.constant 127 : i32
      %and3A_915 = arith.andi %squeeze3A_898, %and3A_914 : i32
      %broadcast_in_dim3A_916 = vector.broadcast %and3A_915 : i32 to vector<16xi32>
      %add3A_917 = arith.constant 128 : i32
      %add3A_918 = vector.broadcast %add3A_917 : i32 to vector<16xi32>
      %add3A_919 = arith.addi %broadcast_in_dim3A_916, %add3A_918 : vector<16xi32>
      %gather3A_920 = tpu.vector_load_idx %arg19[%iota3A, %add3A_919] : memref<32x256xf32, #tpu.memory_space<vmem>>[vector<16xi32>, vector<16xi32>], vector<16xf32>,
      %add3A_921 = arith.constant 16 : i32
      %add3A_922 = vector.broadcast %add3A_921 : i32 to vector<16xi32>
      %add3A_923 = arith.addi %iota3A, %add3A_922 : vector<16xi32>
      %gather3A_924 = tpu.vector_load_idx %arg19[%add3A_923, %add3A_919] : memref<32x256xf32, #tpu.memory_space<vmem>>[vector<16xi32>, vector<16xi32>], vector<16xf32>,
      %and3A_925 = arith.constant 127 : i32
      %and3A_926 = arith.andi %squeeze3A_900, %and3A_925 : i32
      %broadcast_in_dim3A_927 = vector.broadcast %and3A_926 : i32 to vector<16xi32>
      %add3A_928 = arith.constant 0 : i32
      %add3A_929 = vector.broadcast %add3A_928 : i32 to vector<16xi32>
      %add3A_930 = arith.addi %broadcast_in_dim3A_927, %add3A_929 : vector<16xi32>
      %gather3A_931 = tpu.vector_load_idx %arg20[%iota3A, %add3A_930] : memref<32x256xf32, #tpu.memory_space<vmem>>[vector<16xi32>, vector<16xi32>], vector<16xf32>,
      %add3A_932 = arith.constant 16 : i32
      %add3A_933 = vector.broadcast %add3A_932 : i32 to vector<16xi32>
      %add3A_934 = arith.addi %iota3A, %add3A_933 : vector<16xi32>
      %gather3A_935 = tpu.vector_load_idx %arg20[%add3A_934, %add3A_930] : memref<32x256xf32, #tpu.memory_space<vmem>>[vector<16xi32>, vector<16xi32>], vector<16xf32>,
      %and3A_936 = arith.constant 127 : i32
      %and3A_937 = arith.andi %squeeze3A_902, %and3A_936 : i32
      %broadcast_in_dim3A_938 = vector.broadcast %and3A_937 : i32 to vector<16xi32>
      %add3A_939 = arith.constant 128 : i32
      %add3A_940 = vector.broadcast %add3A_939 : i32 to vector<16xi32>
      %add3A_941 = arith.addi %broadcast_in_dim3A_938, %add3A_940 : vector<16xi32>
      %gather3A_942 = tpu.vector_load_idx %arg20[%iota3A, %add3A_941] : memref<32x256xf32, #tpu.memory_space<vmem>>[vector<16xi32>, vector<16xi32>], vector<16xf32>,
      %add3A_943 = arith.constant 16 : i32
      %add3A_944 = vector.broadcast %add3A_943 : i32 to vector<16xi32>
      %add3A_945 = arith.addi %iota3A, %add3A_944 : vector<16xi32>
      %gather3A_946 = tpu.vector_load_idx %arg20[%add3A_945, %add3A_941] : memref<32x256xf32, #tpu.memory_space<vmem>>[vector<16xi32>, vector<16xi32>], vector<16xf32>,
      %mul3A_947 = arith.mulf %gather3A_909, %gather3A_920 : vector<16xf32>
      %mul3A_948 = arith.mulf %gather3A_913, %gather3A_924 : vector<16xf32>
      %add3A_949 = arith.addf %mul3A_947, %mul3A_948 : vector<16xf32>
      %mul3A_950 = arith.mulf %gather3A_931, %gather3A_942 : vector<16xf32>
      %add3A_951 = arith.addf %add3A_949, %mul3A_950 : vector<16xf32>
      %mul3A_952 = arith.mulf %gather3A_935, %gather3A_946 : vector<16xf32>
      %add3A_953 = arith.addf %add3A_951, %mul3A_952 : vector<16xf32>
      %reduce_sum3A_954 = arith.constant true
      %reduce_sum3A_955 = vector.broadcast %reduce_sum3A_954 : i1 to vector<16xi1>
      %reduce_sum3A_956 = tpu.scan <sum>, %add3A_953 masked %reduce_sum3A_955 : vector<16xf32>, vector<16xi1> -> vector<16xf32>
      %reduce_sum3A_957 = vector.extract %reduce_sum3A_956[15] : f32 from vector<16xf32>
      %eq3A_958 = arith.constant 3 : i32
      %eq3A_959 = vector.broadcast %eq3A_958 : i32 to vector<16xi32>
      %eq3A_960 = arith.cmpi eq, %iota3A, %eq3A_959 : vector<16xi32>
      %broadcast_in_dim3A_961 = vector.broadcast %reduce_sum3A_957 : f32 to vector<16xf32>
      %select_n3A_962 = arith.select %eq3A_960, %broadcast_in_dim3A_961, %select_n3A_778 : vector<16xi1>, vector<16xf32>
      %slice3A_963 = vector.extract_strided_slice %get3A_250 {offsets = [7], sizes = [1], strides = [1]} : vector<16xi32> to vector<1xi32>
      %squeeze3A_964 = vector.extract %slice3A_963[0] : i32 from vector<1xi32>
      %slice3A_965 = vector.extract_strided_slice %get3A_254 {offsets = [7], sizes = [1], strides = [1]} : vector<16xi32> to vector<1xi32>
      %squeeze3A_966 = vector.extract %slice3A_965[0] : i32 from vector<1xi32>
      %shift_right_arithmetic3A_967 = arith.constant 7 : i32
      %shift_right_arithmetic3A_968 = arith.shrsi %squeeze3A_964, %shift_right_arithmetic3A_967 : i32
      %mul3A_969 = arith.constant 128 : i32
      %mul3A_970 = arith.muli %shift_right_arithmetic3A_968, %mul3A_969 : i32
      %multiple_of3A_971 = tpu.assume_multiple %mul3A_970, 128 : i32
      %dma_start3A_972 = arith.constant 0 : i32
      %dma_start3A_973 = arith.constant 0 : i32
      %dma_start3A_974 = tpu.memref_slice %arg19[%dma_start3A_972, %dma_start3A_973] : memref<32x256xf32, #tpu.memory_space<vmem>> -> memref<32x128xf32, #tpu.memory_space<vmem>>
      %dma_start3A_975 = arith.constant 0 : i32
      %dma_start3A_976 = tpu.memref_slice %arg5[%dma_start3A_975, %multiple_of3A_971] : memref<32x1000000xf32, #tpu.memory_space<hbm>> -> memref<32x128xf32, #tpu.memory_space<hbm>>
      %dma_start3A_977 = arith.constant 0 : i32
      %dma_start3A_978 = arith.constant 0 : i32
      %dma_start3A_979 = tpu.memref_slice %arg19[%dma_start3A_977, %dma_start3A_978] : memref<32x256xf32, #tpu.memory_space<vmem>> -> memref<32x128xf32, #tpu.memory_space<vmem>>
      %dma_start3A_980 = arith.constant 0 : i32
      %dma_start3A_981 = tpu.memref_slice %arg5[%dma_start3A_980, %multiple_of3A_971] : memref<32x1000000xf32, #tpu.memory_space<hbm>> -> memref<32x128xf32, #tpu.memory_space<hbm>>
      tpu.enqueue_dma source(%dma_start3A_981 : memref<32x128xf32, #tpu.memory_space<hbm>>) target(%dma_start3A_979 : memref<32x128xf32, #tpu.memory_space<vmem>>) target_semaphore(%arg28 : memref<!tpu.dma_semaphore, #tpu.memory_space<semaphore_mem>>)
      %shift_right_arithmetic3A_982 = arith.constant 7 : i32
      %shift_right_arithmetic3A_983 = arith.shrsi %squeeze3A_966, %shift_right_arithmetic3A_982 : i32
      %mul3A_984 = arith.constant 128 : i32
      %mul3A_985 = arith.muli %shift_right_arithmetic3A_983, %mul3A_984 : i32
      %multiple_of3A_986 = tpu.assume_multiple %mul3A_985, 128 : i32
      %dma_start3A_987 = arith.constant 0 : i32
      %dma_start3A_988 = arith.constant 128 : i32
      %dma_start3A_989 = tpu.memref_slice %arg19[%dma_start3A_987, %dma_start3A_988] : memref<32x256xf32, #tpu.memory_space<vmem>> -> memref<32x128xf32, #tpu.memory_space<vmem>>
      %dma_start3A_990 = arith.constant 0 : i32
      %dma_start3A_991 = tpu.memref_slice %arg6[%dma_start3A_990, %multiple_of3A_986] : memref<32x1000000xf32, #tpu.memory_space<hbm>> -> memref<32x128xf32, #tpu.memory_space<hbm>>
      %dma_start3A_992 = arith.constant 0 : i32
      %dma_start3A_993 = arith.constant 128 : i32
      %dma_start3A_994 = tpu.memref_slice %arg19[%dma_start3A_992, %dma_start3A_993] : memref<32x256xf32, #tpu.memory_space<vmem>> -> memref<32x128xf32, #tpu.memory_space<vmem>>
      %dma_start3A_995 = arith.constant 0 : i32
      %dma_start3A_996 = tpu.memref_slice %arg6[%dma_start3A_995, %multiple_of3A_986] : memref<32x1000000xf32, #tpu.memory_space<hbm>> -> memref<32x128xf32, #tpu.memory_space<hbm>>
      tpu.enqueue_dma source(%dma_start3A_996 : memref<32x128xf32, #tpu.memory_space<hbm>>) target(%dma_start3A_994 : memref<32x128xf32, #tpu.memory_space<vmem>>) target_semaphore(%arg28 : memref<!tpu.dma_semaphore, #tpu.memory_space<semaphore_mem>>)
      %dma_wait3A_997 = arith.constant 0 : i32
      %dma_wait3A_998 = arith.constant 0 : i32
      %dma_wait3A_999 = tpu.memref_slice %arg13[%dma_wait3A_997, %dma_wait3A_998] : memref<32x256xf32, #tpu.memory_space<vmem>> -> memref<32x128xf32, #tpu.memory_space<vmem>>
      %dma_wait3A_1000 = arith.constant 0 : i32
      %dma_wait3A_1001 = arith.constant 0 : i32
      %dma_wait3A_1002 = tpu.memref_slice %arg5[%dma_wait3A_1000, %dma_wait3A_1001] : memref<32x1000000xf32, #tpu.memory_space<hbm>> -> memref<32x128xf32, #tpu.memory_space<hbm>>
      %dma_wait3A_1003 = arith.constant 0 : i32
      %dma_wait3A_1004 = arith.constant 0 : i32
      %dma_wait3A_1005 = tpu.memref_slice %arg13[%dma_wait3A_1003, %dma_wait3A_1004] : memref<32x256xf32, #tpu.memory_space<vmem>> -> memref<32x128xf32, #tpu.memory_space<vmem>>
      %dma_wait3A_1006 = arith.constant 0 : i32
      %dma_wait3A_1007 = arith.constant 0 : i32
      %dma_wait3A_1008 = tpu.memref_slice %arg5[%dma_wait3A_1006, %dma_wait3A_1007] : memref<32x1000000xf32, #tpu.memory_space<hbm>> -> memref<32x128xf32, #tpu.memory_space<hbm>>
      tpu.wait_dma2 semaphore(%arg22 : memref<!tpu.dma_semaphore, #tpu.memory_space<semaphore_mem>>) src(%dma_wait3A_1008 : memref<32x128xf32, #tpu.memory_space<hbm>>) dst(%dma_wait3A_1005 : memref<32x128xf32, #tpu.memory_space<vmem>>)
      %dma_wait3A_1009 = arith.constant 0 : i32
      %dma_wait3A_1010 = arith.constant 128 : i32
      %dma_wait3A_1011 = tpu.memref_slice %arg13[%dma_wait3A_1009, %dma_wait3A_1010] : memref<32x256xf32, #tpu.memory_space<vmem>> -> memref<32x128xf32, #tpu.memory_space<vmem>>
      %dma_wait3A_1012 = arith.constant 0 : i32
      %dma_wait3A_1013 = arith.constant 0 : i32
      %dma_wait3A_1014 = tpu.memref_slice %arg5[%dma_wait3A_1012, %dma_wait3A_1013] : memref<32x1000000xf32, #tpu.memory_space<hbm>> -> memref<32x128xf32, #tpu.memory_space<hbm>>
      %dma_wait3A_1015 = arith.constant 0 : i32
      %dma_wait3A_1016 = arith.constant 128 : i32
      %dma_wait3A_1017 = tpu.memref_slice %arg13[%dma_wait3A_1015, %dma_wait3A_1016] : memref<32x256xf32, #tpu.memory_space<vmem>> -> memref<32x128xf32, #tpu.memory_space<vmem>>
      %dma_wait3A_1018 = arith.constant 0 : i32
      %dma_wait3A_1019 = arith.constant 0 : i32
      %dma_wait3A_1020 = tpu.memref_slice %arg5[%dma_wait3A_1018, %dma_wait3A_1019] : memref<32x1000000xf32, #tpu.memory_space<hbm>> -> memref<32x128xf32, #tpu.memory_space<hbm>>
      tpu.wait_dma2 semaphore(%arg22 : memref<!tpu.dma_semaphore, #tpu.memory_space<semaphore_mem>>) src(%dma_wait3A_1020 : memref<32x128xf32, #tpu.memory_space<hbm>>) dst(%dma_wait3A_1017 : memref<32x128xf32, #tpu.memory_space<vmem>>)
      %slice3A_1021 = vector.extract_strided_slice %get3A_252 {offsets = [7], sizes = [1], strides = [1]} : vector<16xi32> to vector<1xi32>
      %squeeze3A_1022 = vector.extract %slice3A_1021[0] : i32 from vector<1xi32>
      %slice3A_1023 = vector.extract_strided_slice %get3A_254 {offsets = [7], sizes = [1], strides = [1]} : vector<16xi32> to vector<1xi32>
      %squeeze3A_1024 = vector.extract %slice3A_1023[0] : i32 from vector<1xi32>
      %shift_right_arithmetic3A_1025 = arith.constant 7 : i32
      %shift_right_arithmetic3A_1026 = arith.shrsi %squeeze3A_1022, %shift_right_arithmetic3A_1025 : i32
      %mul3A_1027 = arith.constant 128 : i32
      %mul3A_1028 = arith.muli %shift_right_arithmetic3A_1026, %mul3A_1027 : i32
      %multiple_of3A_1029 = tpu.assume_multiple %mul3A_1028, 128 : i32
      %dma_start3A_1030 = arith.constant 0 : i32
      %dma_start3A_1031 = arith.constant 0 : i32
      %dma_start3A_1032 = tpu.memref_slice %arg20[%dma_start3A_1030, %dma_start3A_1031] : memref<32x256xf32, #tpu.memory_space<vmem>> -> memref<32x128xf32, #tpu.memory_space<vmem>>
      %dma_start3A_1033 = arith.constant 0 : i32
      %dma_start3A_1034 = tpu.memref_slice %arg7[%dma_start3A_1033, %multiple_of3A_1029] : memref<32x1000000xf32, #tpu.memory_space<hbm>> -> memref<32x128xf32, #tpu.memory_space<hbm>>
      %dma_start3A_1035 = arith.constant 0 : i32
      %dma_start3A_1036 = arith.constant 0 : i32
      %dma_start3A_1037 = tpu.memref_slice %arg20[%dma_start3A_1035, %dma_start3A_1036] : memref<32x256xf32, #tpu.memory_space<vmem>> -> memref<32x128xf32, #tpu.memory_space<vmem>>
      %dma_start3A_1038 = arith.constant 0 : i32
      %dma_start3A_1039 = tpu.memref_slice %arg7[%dma_start3A_1038, %multiple_of3A_1029] : memref<32x1000000xf32, #tpu.memory_space<hbm>> -> memref<32x128xf32, #tpu.memory_space<hbm>>
      tpu.enqueue_dma source(%dma_start3A_1039 : memref<32x128xf32, #tpu.memory_space<hbm>>) target(%dma_start3A_1037 : memref<32x128xf32, #tpu.memory_space<vmem>>) target_semaphore(%arg29 : memref<!tpu.dma_semaphore, #tpu.memory_space<semaphore_mem>>)
      %shift_right_arithmetic3A_1040 = arith.constant 7 : i32
      %shift_right_arithmetic3A_1041 = arith.shrsi %squeeze3A_1024, %shift_right_arithmetic3A_1040 : i32
      %mul3A_1042 = arith.constant 128 : i32
      %mul3A_1043 = arith.muli %shift_right_arithmetic3A_1041, %mul3A_1042 : i32
      %multiple_of3A_1044 = tpu.assume_multiple %mul3A_1043, 128 : i32
      %dma_start3A_1045 = arith.constant 0 : i32
      %dma_start3A_1046 = arith.constant 128 : i32
      %dma_start3A_1047 = tpu.memref_slice %arg20[%dma_start3A_1045, %dma_start3A_1046] : memref<32x256xf32, #tpu.memory_space<vmem>> -> memref<32x128xf32, #tpu.memory_space<vmem>>
      %dma_start3A_1048 = arith.constant 0 : i32
      %dma_start3A_1049 = tpu.memref_slice %arg8[%dma_start3A_1048, %multiple_of3A_1044] : memref<32x1000000xf32, #tpu.memory_space<hbm>> -> memref<32x128xf32, #tpu.memory_space<hbm>>
      %dma_start3A_1050 = arith.constant 0 : i32
      %dma_start3A_1051 = arith.constant 128 : i32
      %dma_start3A_1052 = tpu.memref_slice %arg20[%dma_start3A_1050, %dma_start3A_1051] : memref<32x256xf32, #tpu.memory_space<vmem>> -> memref<32x128xf32, #tpu.memory_space<vmem>>
      %dma_start3A_1053 = arith.constant 0 : i32
      %dma_start3A_1054 = tpu.memref_slice %arg8[%dma_start3A_1053, %multiple_of3A_1044] : memref<32x1000000xf32, #tpu.memory_space<hbm>> -> memref<32x128xf32, #tpu.memory_space<hbm>>
      tpu.enqueue_dma source(%dma_start3A_1054 : memref<32x128xf32, #tpu.memory_space<hbm>>) target(%dma_start3A_1052 : memref<32x128xf32, #tpu.memory_space<vmem>>) target_semaphore(%arg29 : memref<!tpu.dma_semaphore, #tpu.memory_space<semaphore_mem>>)
      %dma_wait3A_1055 = arith.constant 0 : i32
      %dma_wait3A_1056 = arith.constant 0 : i32
      %dma_wait3A_1057 = tpu.memref_slice %arg14[%dma_wait3A_1055, %dma_wait3A_1056] : memref<32x256xf32, #tpu.memory_space<vmem>> -> memref<32x128xf32, #tpu.memory_space<vmem>>
      %dma_wait3A_1058 = arith.constant 0 : i32
      %dma_wait3A_1059 = arith.constant 0 : i32
      %dma_wait3A_1060 = tpu.memref_slice %arg5[%dma_wait3A_1058, %dma_wait3A_1059] : memref<32x1000000xf32, #tpu.memory_space<hbm>> -> memref<32x128xf32, #tpu.memory_space<hbm>>
      %dma_wait3A_1061 = arith.constant 0 : i32
      %dma_wait3A_1062 = arith.constant 0 : i32
      %dma_wait3A_1063 = tpu.memref_slice %arg14[%dma_wait3A_1061, %dma_wait3A_1062] : memref<32x256xf32, #tpu.memory_space<vmem>> -> memref<32x128xf32, #tpu.memory_space<vmem>>
      %dma_wait3A_1064 = arith.constant 0 : i32
      %dma_wait3A_1065 = arith.constant 0 : i32
      %dma_wait3A_1066 = tpu.memref_slice %arg5[%dma_wait3A_1064, %dma_wait3A_1065] : memref<32x1000000xf32, #tpu.memory_space<hbm>> -> memref<32x128xf32, #tpu.memory_space<hbm>>
      tpu.wait_dma2 semaphore(%arg23 : memref<!tpu.dma_semaphore, #tpu.memory_space<semaphore_mem>>) src(%dma_wait3A_1066 : memref<32x128xf32, #tpu.memory_space<hbm>>) dst(%dma_wait3A_1063 : memref<32x128xf32, #tpu.memory_space<vmem>>)
      %dma_wait3A_1067 = arith.constant 0 : i32
      %dma_wait3A_1068 = arith.constant 128 : i32
      %dma_wait3A_1069 = tpu.memref_slice %arg14[%dma_wait3A_1067, %dma_wait3A_1068] : memref<32x256xf32, #tpu.memory_space<vmem>> -> memref<32x128xf32, #tpu.memory_space<vmem>>
      %dma_wait3A_1070 = arith.constant 0 : i32
      %dma_wait3A_1071 = arith.constant 0 : i32
      %dma_wait3A_1072 = tpu.memref_slice %arg5[%dma_wait3A_1070, %dma_wait3A_1071] : memref<32x1000000xf32, #tpu.memory_space<hbm>> -> memref<32x128xf32, #tpu.memory_space<hbm>>
      %dma_wait3A_1073 = arith.constant 0 : i32
      %dma_wait3A_1074 = arith.constant 128 : i32
      %dma_wait3A_1075 = tpu.memref_slice %arg14[%dma_wait3A_1073, %dma_wait3A_1074] : memref<32x256xf32, #tpu.memory_space<vmem>> -> memref<32x128xf32, #tpu.memory_space<vmem>>
      %dma_wait3A_1076 = arith.constant 0 : i32
      %dma_wait3A_1077 = arith.constant 0 : i32
      %dma_wait3A_1078 = tpu.memref_slice %arg5[%dma_wait3A_1076, %dma_wait3A_1077] : memref<32x1000000xf32, #tpu.memory_space<hbm>> -> memref<32x128xf32, #tpu.memory_space<hbm>>
      tpu.wait_dma2 semaphore(%arg23 : memref<!tpu.dma_semaphore, #tpu.memory_space<semaphore_mem>>) src(%dma_wait3A_1078 : memref<32x128xf32, #tpu.memory_space<hbm>>) dst(%dma_wait3A_1075 : memref<32x128xf32, #tpu.memory_space<vmem>>)
      %slice3A_1079 = vector.extract_strided_slice %get3A_250 {offsets = [4], sizes = [1], strides = [1]} : vector<16xi32> to vector<1xi32>
      %squeeze3A_1080 = vector.extract %slice3A_1079[0] : i32 from vector<1xi32>
      %slice3A_1081 = vector.extract_strided_slice %get3A_254 {offsets = [4], sizes = [1], strides = [1]} : vector<16xi32> to vector<1xi32>
      %squeeze3A_1082 = vector.extract %slice3A_1081[0] : i32 from vector<1xi32>
      %slice3A_1083 = vector.extract_strided_slice %get3A_252 {offsets = [4], sizes = [1], strides = [1]} : vector<16xi32> to vector<1xi32>
      %squeeze3A_1084 = vector.extract %slice3A_1083[0] : i32 from vector<1xi32>
      %slice3A_1085 = vector.extract_strided_slice %get3A_254 {offsets = [4], sizes = [1], strides = [1]} : vector<16xi32> to vector<1xi32>
      %squeeze3A_1086 = vector.extract %slice3A_1085[0] : i32 from vector<1xi32>
      %and3A_1087 = arith.constant 127 : i32
      %and3A_1088 = arith.andi %squeeze3A_1080, %and3A_1087 : i32
      %broadcast_in_dim3A_1089 = vector.broadcast %and3A_1088 : i32 to vector<16xi32>
      %add3A_1090 = arith.constant 0 : i32
      %add3A_1091 = vector.broadcast %add3A_1090 : i32 to vector<16xi32>
      %add3A_1092 = arith.addi %broadcast_in_dim3A_1089, %add3A_1091 : vector<16xi32>
      %gather3A_1093 = tpu.vector_load_idx %arg13[%iota3A, %add3A_1092] : memref<32x256xf32, #tpu.memory_space<vmem>>[vector<16xi32>, vector<16xi32>], vector<16xf32>,
      %add3A_1094 = arith.constant 16 : i32
      %add3A_1095 = vector.broadcast %add3A_1094 : i32 to vector<16xi32>
      %add3A_1096 = arith.addi %iota3A, %add3A_1095 : vector<16xi32>
      %gather3A_1097 = tpu.vector_load_idx %arg13[%add3A_1096, %add3A_1092] : memref<32x256xf32, #tpu.memory_space<vmem>>[vector<16xi32>, vector<16xi32>], vector<16xf32>,
      %and3A_1098 = arith.constant 127 : i32
      %and3A_1099 = arith.andi %squeeze3A_1082, %and3A_1098 : i32
      %broadcast_in_dim3A_1100 = vector.broadcast %and3A_1099 : i32 to vector<16xi32>
      %add3A_1101 = arith.constant 128 : i32
      %add3A_1102 = vector.broadcast %add3A_1101 : i32 to vector<16xi32>
      %add3A_1103 = arith.addi %broadcast_in_dim3A_1100, %add3A_1102 : vector<16xi32>
      %gather3A_1104 = tpu.vector_load_idx %arg13[%iota3A, %add3A_1103] : memref<32x256xf32, #tpu.memory_space<vmem>>[vector<16xi32>, vector<16xi32>], vector<16xf32>,
      %add3A_1105 = arith.constant 16 : i32
      %add3A_1106 = vector.broadcast %add3A_1105 : i32 to vector<16xi32>
      %add3A_1107 = arith.addi %iota3A, %add3A_1106 : vector<16xi32>
      %gather3A_1108 = tpu.vector_load_idx %arg13[%add3A_1107, %add3A_1103] : memref<32x256xf32, #tpu.memory_space<vmem>>[vector<16xi32>, vector<16xi32>], vector<16xf32>,
      %and3A_1109 = arith.constant 127 : i32
      %and3A_1110 = arith.andi %squeeze3A_1084, %and3A_1109 : i32
      %broadcast_in_dim3A_1111 = vector.broadcast %and3A_1110 : i32 to vector<16xi32>
      %add3A_1112 = arith.constant 0 : i32
      %add3A_1113 = vector.broadcast %add3A_1112 : i32 to vector<16xi32>
      %add3A_1114 = arith.addi %broadcast_in_dim3A_1111, %add3A_1113 : vector<16xi32>
      %gather3A_1115 = tpu.vector_load_idx %arg14[%iota3A, %add3A_1114] : memref<32x256xf32, #tpu.memory_space<vmem>>[vector<16xi32>, vector<16xi32>], vector<16xf32>,
      %add3A_1116 = arith.constant 16 : i32
      %add3A_1117 = vector.broadcast %add3A_1116 : i32 to vector<16xi32>
      %add3A_1118 = arith.addi %iota3A, %add3A_1117 : vector<16xi32>
      %gather3A_1119 = tpu.vector_load_idx %arg14[%add3A_1118, %add3A_1114] : memref<32x256xf32, #tpu.memory_space<vmem>>[vector<16xi32>, vector<16xi32>], vector<16xf32>,
      %and3A_1120 = arith.constant 127 : i32
      %and3A_1121 = arith.andi %squeeze3A_1086, %and3A_1120 : i32
      %broadcast_in_dim3A_1122 = vector.broadcast %and3A_1121 : i32 to vector<16xi32>
      %add3A_1123 = arith.constant 128 : i32
      %add3A_1124 = vector.broadcast %add3A_1123 : i32 to vector<16xi32>
      %add3A_1125 = arith.addi %broadcast_in_dim3A_1122, %add3A_1124 : vector<16xi32>
      %gather3A_1126 = tpu.vector_load_idx %arg14[%iota3A, %add3A_1125] : memref<32x256xf32, #tpu.memory_space<vmem>>[vector<16xi32>, vector<16xi32>], vector<16xf32>,
      %add3A_1127 = arith.constant 16 : i32
      %add3A_1128 = vector.broadcast %add3A_1127 : i32 to vector<16xi32>
      %add3A_1129 = arith.addi %iota3A, %add3A_1128 : vector<16xi32>
      %gather3A_1130 = tpu.vector_load_idx %arg14[%add3A_1129, %add3A_1125] : memref<32x256xf32, #tpu.memory_space<vmem>>[vector<16xi32>, vector<16xi32>], vector<16xf32>,
      %mul3A_1131 = arith.mulf %gather3A_1093, %gather3A_1104 : vector<16xf32>
      %mul3A_1132 = arith.mulf %gather3A_1097, %gather3A_1108 : vector<16xf32>
      %add3A_1133 = arith.addf %mul3A_1131, %mul3A_1132 : vector<16xf32>
      %mul3A_1134 = arith.mulf %gather3A_1115, %gather3A_1126 : vector<16xf32>
      %add3A_1135 = arith.addf %add3A_1133, %mul3A_1134 : vector<16xf32>
      %mul3A_1136 = arith.mulf %gather3A_1119, %gather3A_1130 : vector<16xf32>
      %add3A_1137 = arith.addf %add3A_1135, %mul3A_1136 : vector<16xf32>
      %reduce_sum3A_1138 = arith.constant true
      %reduce_sum3A_1139 = vector.broadcast %reduce_sum3A_1138 : i1 to vector<16xi1>
      %reduce_sum3A_1140 = tpu.scan <sum>, %add3A_1137 masked %reduce_sum3A_1139 : vector<16xf32>, vector<16xi1> -> vector<16xf32>
      %reduce_sum3A_1141 = vector.extract %reduce_sum3A_1140[15] : f32 from vector<16xf32>
      %eq3A_1142 = arith.constant 4 : i32
      %eq3A_1143 = vector.broadcast %eq3A_1142 : i32 to vector<16xi32>
      %eq3A_1144 = arith.cmpi eq, %iota3A, %eq3A_1143 : vector<16xi32>
      %broadcast_in_dim3A_1145 = vector.broadcast %reduce_sum3A_1141 : f32 to vector<16xf32>
      %select_n3A_1146 = arith.select %eq3A_1144, %broadcast_in_dim3A_1145, %select_n3A_962 : vector<16xi1>, vector<16xf32>
      %slice3A_1147 = vector.extract_strided_slice %get3A_250 {offsets = [8], sizes = [1], strides = [1]} : vector<16xi32> to vector<1xi32>
      %squeeze3A_1148 = vector.extract %slice3A_1147[0] : i32 from vector<1xi32>
      %slice3A_1149 = vector.extract_strided_slice %get3A_254 {offsets = [8], sizes = [1], strides = [1]} : vector<16xi32> to vector<1xi32>
      %squeeze3A_1150 = vector.extract %slice3A_1149[0] : i32 from vector<1xi32>
      %shift_right_arithmetic3A_1151 = arith.constant 7 : i32
      %shift_right_arithmetic3A_1152 = arith.shrsi %squeeze3A_1148, %shift_right_arithmetic3A_1151 : i32
      %mul3A_1153 = arith.constant 128 : i32
      %mul3A_1154 = arith.muli %shift_right_arithmetic3A_1152, %mul3A_1153 : i32
      %multiple_of3A_1155 = tpu.assume_multiple %mul3A_1154, 128 : i32
      %dma_start3A_1156 = arith.constant 0 : i32
      %dma_start3A_1157 = arith.constant 0 : i32
      %dma_start3A_1158 = tpu.memref_slice %arg13[%dma_start3A_1156, %dma_start3A_1157] : memref<32x256xf32, #tpu.memory_space<vmem>> -> memref<32x128xf32, #tpu.memory_space<vmem>>
      %dma_start3A_1159 = arith.constant 0 : i32
      %dma_start3A_1160 = tpu.memref_slice %arg5[%dma_start3A_1159, %multiple_of3A_1155] : memref<32x1000000xf32, #tpu.memory_space<hbm>> -> memref<32x128xf32, #tpu.memory_space<hbm>>
      %dma_start3A_1161 = arith.constant 0 : i32
      %dma_start3A_1162 = arith.constant 0 : i32
      %dma_start3A_1163 = tpu.memref_slice %arg13[%dma_start3A_1161, %dma_start3A_1162] : memref<32x256xf32, #tpu.memory_space<vmem>> -> memref<32x128xf32, #tpu.memory_space<vmem>>
      %dma_start3A_1164 = arith.constant 0 : i32
      %dma_start3A_1165 = tpu.memref_slice %arg5[%dma_start3A_1164, %multiple_of3A_1155] : memref<32x1000000xf32, #tpu.memory_space<hbm>> -> memref<32x128xf32, #tpu.memory_space<hbm>>
      tpu.enqueue_dma source(%dma_start3A_1165 : memref<32x128xf32, #tpu.memory_space<hbm>>) target(%dma_start3A_1163 : memref<32x128xf32, #tpu.memory_space<vmem>>) target_semaphore(%arg22 : memref<!tpu.dma_semaphore, #tpu.memory_space<semaphore_mem>>)
      %shift_right_arithmetic3A_1166 = arith.constant 7 : i32
      %shift_right_arithmetic3A_1167 = arith.shrsi %squeeze3A_1150, %shift_right_arithmetic3A_1166 : i32
      %mul3A_1168 = arith.constant 128 : i32
      %mul3A_1169 = arith.muli %shift_right_arithmetic3A_1167, %mul3A_1168 : i32
      %multiple_of3A_1170 = tpu.assume_multiple %mul3A_1169, 128 : i32
      %dma_start3A_1171 = arith.constant 0 : i32
      %dma_start3A_1172 = arith.constant 128 : i32
      %dma_start3A_1173 = tpu.memref_slice %arg13[%dma_start3A_1171, %dma_start3A_1172] : memref<32x256xf32, #tpu.memory_space<vmem>> -> memref<32x128xf32, #tpu.memory_space<vmem>>
      %dma_start3A_1174 = arith.constant 0 : i32
      %dma_start3A_1175 = tpu.memref_slice %arg6[%dma_start3A_1174, %multiple_of3A_1170] : memref<32x1000000xf32, #tpu.memory_space<hbm>> -> memref<32x128xf32, #tpu.memory_space<hbm>>
      %dma_start3A_1176 = arith.constant 0 : i32
      %dma_start3A_1177 = arith.constant 128 : i32
      %dma_start3A_1178 = tpu.memref_slice %arg13[%dma_start3A_1176, %dma_start3A_1177] : memref<32x256xf32, #tpu.memory_space<vmem>> -> memref<32x128xf32, #tpu.memory_space<vmem>>
      %dma_start3A_1179 = arith.constant 0 : i32
      %dma_start3A_1180 = tpu.memref_slice %arg6[%dma_start3A_1179, %multiple_of3A_1170] : memref<32x1000000xf32, #tpu.memory_space<hbm>> -> memref<32x128xf32, #tpu.memory_space<hbm>>
      tpu.enqueue_dma source(%dma_start3A_1180 : memref<32x128xf32, #tpu.memory_space<hbm>>) target(%dma_start3A_1178 : memref<32x128xf32, #tpu.memory_space<vmem>>) target_semaphore(%arg22 : memref<!tpu.dma_semaphore, #tpu.memory_space<semaphore_mem>>)
      %dma_wait3A_1181 = arith.constant 0 : i32
      %dma_wait3A_1182 = arith.constant 0 : i32
      %dma_wait3A_1183 = tpu.memref_slice %arg15[%dma_wait3A_1181, %dma_wait3A_1182] : memref<32x256xf32, #tpu.memory_space<vmem>> -> memref<32x128xf32, #tpu.memory_space<vmem>>
      %dma_wait3A_1184 = arith.constant 0 : i32
      %dma_wait3A_1185 = arith.constant 0 : i32
      %dma_wait3A_1186 = tpu.memref_slice %arg5[%dma_wait3A_1184, %dma_wait3A_1185] : memref<32x1000000xf32, #tpu.memory_space<hbm>> -> memref<32x128xf32, #tpu.memory_space<hbm>>
      %dma_wait3A_1187 = arith.constant 0 : i32
      %dma_wait3A_1188 = arith.constant 0 : i32
      %dma_wait3A_1189 = tpu.memref_slice %arg15[%dma_wait3A_1187, %dma_wait3A_1188] : memref<32x256xf32, #tpu.memory_space<vmem>> -> memref<32x128xf32, #tpu.memory_space<vmem>>
      %dma_wait3A_1190 = arith.constant 0 : i32
      %dma_wait3A_1191 = arith.constant 0 : i32
      %dma_wait3A_1192 = tpu.memref_slice %arg5[%dma_wait3A_1190, %dma_wait3A_1191] : memref<32x1000000xf32, #tpu.memory_space<hbm>> -> memref<32x128xf32, #tpu.memory_space<hbm>>
      tpu.wait_dma2 semaphore(%arg24 : memref<!tpu.dma_semaphore, #tpu.memory_space<semaphore_mem>>) src(%dma_wait3A_1192 : memref<32x128xf32, #tpu.memory_space<hbm>>) dst(%dma_wait3A_1189 : memref<32x128xf32, #tpu.memory_space<vmem>>)
      %dma_wait3A_1193 = arith.constant 0 : i32
      %dma_wait3A_1194 = arith.constant 128 : i32
      %dma_wait3A_1195 = tpu.memref_slice %arg15[%dma_wait3A_1193, %dma_wait3A_1194] : memref<32x256xf32, #tpu.memory_space<vmem>> -> memref<32x128xf32, #tpu.memory_space<vmem>>
      %dma_wait3A_1196 = arith.constant 0 : i32
      %dma_wait3A_1197 = arith.constant 0 : i32
      %dma_wait3A_1198 = tpu.memref_slice %arg5[%dma_wait3A_1196, %dma_wait3A_1197] : memref<32x1000000xf32, #tpu.memory_space<hbm>> -> memref<32x128xf32, #tpu.memory_space<hbm>>
      %dma_wait3A_1199 = arith.constant 0 : i32
      %dma_wait3A_1200 = arith.constant 128 : i32
      %dma_wait3A_1201 = tpu.memref_slice %arg15[%dma_wait3A_1199, %dma_wait3A_1200] : memref<32x256xf32, #tpu.memory_space<vmem>> -> memref<32x128xf32, #tpu.memory_space<vmem>>
      %dma_wait3A_1202 = arith.constant 0 : i32
      %dma_wait3A_1203 = arith.constant 0 : i32
      %dma_wait3A_1204 = tpu.memref_slice %arg5[%dma_wait3A_1202, %dma_wait3A_1203] : memref<32x1000000xf32, #tpu.memory_space<hbm>> -> memref<32x128xf32, #tpu.memory_space<hbm>>
      tpu.wait_dma2 semaphore(%arg24 : memref<!tpu.dma_semaphore, #tpu.memory_space<semaphore_mem>>) src(%dma_wait3A_1204 : memref<32x128xf32, #tpu.memory_space<hbm>>) dst(%dma_wait3A_1201 : memref<32x128xf32, #tpu.memory_space<vmem>>)
      %slice3A_1205 = vector.extract_strided_slice %get3A_252 {offsets = [8], sizes = [1], strides = [1]} : vector<16xi32> to vector<1xi32>
      %squeeze3A_1206 = vector.extract %slice3A_1205[0] : i32 from vector<1xi32>
      %slice3A_1207 = vector.extract_strided_slice %get3A_254 {offsets = [8], sizes = [1], strides = [1]} : vector<16xi32> to vector<1xi32>
      %squeeze3A_1208 = vector.extract %slice3A_1207[0] : i32 from vector<1xi32>
      %shift_right_arithmetic3A_1209 = arith.constant 7 : i32
      %shift_right_arithmetic3A_1210 = arith.shrsi %squeeze3A_1206, %shift_right_arithmetic3A_1209 : i32
      %mul3A_1211 = arith.constant 128 : i32
      %mul3A_1212 = arith.muli %shift_right_arithmetic3A_1210, %mul3A_1211 : i32
      %multiple_of3A_1213 = tpu.assume_multiple %mul3A_1212, 128 : i32
      %dma_start3A_1214 = arith.constant 0 : i32
      %dma_start3A_1215 = arith.constant 0 : i32
      %dma_start3A_1216 = tpu.memref_slice %arg14[%dma_start3A_1214, %dma_start3A_1215] : memref<32x256xf32, #tpu.memory_space<vmem>> -> memref<32x128xf32, #tpu.memory_space<vmem>>
      %dma_start3A_1217 = arith.constant 0 : i32
      %dma_start3A_1218 = tpu.memref_slice %arg7[%dma_start3A_1217, %multiple_of3A_1213] : memref<32x1000000xf32, #tpu.memory_space<hbm>> -> memref<32x128xf32, #tpu.memory_space<hbm>>
      %dma_start3A_1219 = arith.constant 0 : i32
      %dma_start3A_1220 = arith.constant 0 : i32
      %dma_start3A_1221 = tpu.memref_slice %arg14[%dma_start3A_1219, %dma_start3A_1220] : memref<32x256xf32, #tpu.memory_space<vmem>> -> memref<32x128xf32, #tpu.memory_space<vmem>>
      %dma_start3A_1222 = arith.constant 0 : i32
      %dma_start3A_1223 = tpu.memref_slice %arg7[%dma_start3A_1222, %multiple_of3A_1213] : memref<32x1000000xf32, #tpu.memory_space<hbm>> -> memref<32x128xf32, #tpu.memory_space<hbm>>
      tpu.enqueue_dma source(%dma_start3A_1223 : memref<32x128xf32, #tpu.memory_space<hbm>>) target(%dma_start3A_1221 : memref<32x128xf32, #tpu.memory_space<vmem>>) target_semaphore(%arg23 : memref<!tpu.dma_semaphore, #tpu.memory_space<semaphore_mem>>)
      %shift_right_arithmetic3A_1224 = arith.constant 7 : i32
      %shift_right_arithmetic3A_1225 = arith.shrsi %squeeze3A_1208, %shift_right_arithmetic3A_1224 : i32
      %mul3A_1226 = arith.constant 128 : i32
      %mul3A_1227 = arith.muli %shift_right_arithmetic3A_1225, %mul3A_1226 : i32
      %multiple_of3A_1228 = tpu.assume_multiple %mul3A_1227, 128 : i32
      %dma_start3A_1229 = arith.constant 0 : i32
      %dma_start3A_1230 = arith.constant 128 : i32
      %dma_start3A_1231 = tpu.memref_slice %arg14[%dma_start3A_1229, %dma_start3A_1230] : memref<32x256xf32, #tpu.memory_space<vmem>> -> memref<32x128xf32, #tpu.memory_space<vmem>>
      %dma_start3A_1232 = arith.constant 0 : i32
      %dma_start3A_1233 = tpu.memref_slice %arg8[%dma_start3A_1232, %multiple_of3A_1228] : memref<32x1000000xf32, #tpu.memory_space<hbm>> -> memref<32x128xf32, #tpu.memory_space<hbm>>
      %dma_start3A_1234 = arith.constant 0 : i32
      %dma_start3A_1235 = arith.constant 128 : i32
      %dma_start3A_1236 = tpu.memref_slice %arg14[%dma_start3A_1234, %dma_start3A_1235] : memref<32x256xf32, #tpu.memory_space<vmem>> -> memref<32x128xf32, #tpu.memory_space<vmem>>
      %dma_start3A_1237 = arith.constant 0 : i32
      %dma_start3A_1238 = tpu.memref_slice %arg8[%dma_start3A_1237, %multiple_of3A_1228] : memref<32x1000000xf32, #tpu.memory_space<hbm>> -> memref<32x128xf32, #tpu.memory_space<hbm>>
      tpu.enqueue_dma source(%dma_start3A_1238 : memref<32x128xf32, #tpu.memory_space<hbm>>) target(%dma_start3A_1236 : memref<32x128xf32, #tpu.memory_space<vmem>>) target_semaphore(%arg23 : memref<!tpu.dma_semaphore, #tpu.memory_space<semaphore_mem>>)
      %dma_wait3A_1239 = arith.constant 0 : i32
      %dma_wait3A_1240 = arith.constant 0 : i32
      %dma_wait3A_1241 = tpu.memref_slice %arg16[%dma_wait3A_1239, %dma_wait3A_1240] : memref<32x256xf32, #tpu.memory_space<vmem>> -> memref<32x128xf32, #tpu.memory_space<vmem>>
      %dma_wait3A_1242 = arith.constant 0 : i32
      %dma_wait3A_1243 = arith.constant 0 : i32
      %dma_wait3A_1244 = tpu.memref_slice %arg5[%dma_wait3A_1242, %dma_wait3A_1243] : memref<32x1000000xf32, #tpu.memory_space<hbm>> -> memref<32x128xf32, #tpu.memory_space<hbm>>
      %dma_wait3A_1245 = arith.constant 0 : i32
      %dma_wait3A_1246 = arith.constant 0 : i32
      %dma_wait3A_1247 = tpu.memref_slice %arg16[%dma_wait3A_1245, %dma_wait3A_1246] : memref<32x256xf32, #tpu.memory_space<vmem>> -> memref<32x128xf32, #tpu.memory_space<vmem>>
      %dma_wait3A_1248 = arith.constant 0 : i32
      %dma_wait3A_1249 = arith.constant 0 : i32
      %dma_wait3A_1250 = tpu.memref_slice %arg5[%dma_wait3A_1248, %dma_wait3A_1249] : memref<32x1000000xf32, #tpu.memory_space<hbm>> -> memref<32x128xf32, #tpu.memory_space<hbm>>
      tpu.wait_dma2 semaphore(%arg25 : memref<!tpu.dma_semaphore, #tpu.memory_space<semaphore_mem>>) src(%dma_wait3A_1250 : memref<32x128xf32, #tpu.memory_space<hbm>>) dst(%dma_wait3A_1247 : memref<32x128xf32, #tpu.memory_space<vmem>>)
      %dma_wait3A_1251 = arith.constant 0 : i32
      %dma_wait3A_1252 = arith.constant 128 : i32
      %dma_wait3A_1253 = tpu.memref_slice %arg16[%dma_wait3A_1251, %dma_wait3A_1252] : memref<32x256xf32, #tpu.memory_space<vmem>> -> memref<32x128xf32, #tpu.memory_space<vmem>>
      %dma_wait3A_1254 = arith.constant 0 : i32
      %dma_wait3A_1255 = arith.constant 0 : i32
      %dma_wait3A_1256 = tpu.memref_slice %arg5[%dma_wait3A_1254, %dma_wait3A_1255] : memref<32x1000000xf32, #tpu.memory_space<hbm>> -> memref<32x128xf32, #tpu.memory_space<hbm>>
      %dma_wait3A_1257 = arith.constant 0 : i32
      %dma_wait3A_1258 = arith.constant 128 : i32
      %dma_wait3A_1259 = tpu.memref_slice %arg16[%dma_wait3A_1257, %dma_wait3A_1258] : memref<32x256xf32, #tpu.memory_space<vmem>> -> memref<32x128xf32, #tpu.memory_space<vmem>>
      %dma_wait3A_1260 = arith.constant 0 : i32
      %dma_wait3A_1261 = arith.constant 0 : i32
      %dma_wait3A_1262 = tpu.memref_slice %arg5[%dma_wait3A_1260, %dma_wait3A_1261] : memref<32x1000000xf32, #tpu.memory_space<hbm>> -> memref<32x128xf32, #tpu.memory_space<hbm>>
      tpu.wait_dma2 semaphore(%arg25 : memref<!tpu.dma_semaphore, #tpu.memory_space<semaphore_mem>>) src(%dma_wait3A_1262 : memref<32x128xf32, #tpu.memory_space<hbm>>) dst(%dma_wait3A_1259 : memref<32x128xf32, #tpu.memory_space<vmem>>)
      %slice3A_1263 = vector.extract_strided_slice %get3A_250 {offsets = [5], sizes = [1], strides = [1]} : vector<16xi32> to vector<1xi32>
      %squeeze3A_1264 = vector.extract %slice3A_1263[0] : i32 from vector<1xi32>
      %slice3A_1265 = vector.extract_strided_slice %get3A_254 {offsets = [5], sizes = [1], strides = [1]} : vector<16xi32> to vector<1xi32>
      %squeeze3A_1266 = vector.extract %slice3A_1265[0] : i32 from vector<1xi32>
      %slice3A_1267 = vector.extract_strided_slice %get3A_252 {offsets = [5], sizes = [1], strides = [1]} : vector<16xi32> to vector<1xi32>
      %squeeze3A_1268 = vector.extract %slice3A_1267[0] : i32 from vector<1xi32>
      %slice3A_1269 = vector.extract_strided_slice %get3A_254 {offsets = [5], sizes = [1], strides = [1]} : vector<16xi32> to vector<1xi32>
      %squeeze3A_1270 = vector.extract %slice3A_1269[0] : i32 from vector<1xi32>
      %and3A_1271 = arith.constant 127 : i32
      %and3A_1272 = arith.andi %squeeze3A_1264, %and3A_1271 : i32
      %broadcast_in_dim3A_1273 = vector.broadcast %and3A_1272 : i32 to vector<16xi32>
      %add3A_1274 = arith.constant 0 : i32
      %add3A_1275 = vector.broadcast %add3A_1274 : i32 to vector<16xi32>
      %add3A_1276 = arith.addi %broadcast_in_dim3A_1273, %add3A_1275 : vector<16xi32>
      %gather3A_1277 = tpu.vector_load_idx %arg15[%iota3A, %add3A_1276] : memref<32x256xf32, #tpu.memory_space<vmem>>[vector<16xi32>, vector<16xi32>], vector<16xf32>,
      %add3A_1278 = arith.constant 16 : i32
      %add3A_1279 = vector.broadcast %add3A_1278 : i32 to vector<16xi32>
      %add3A_1280 = arith.addi %iota3A, %add3A_1279 : vector<16xi32>
      %gather3A_1281 = tpu.vector_load_idx %arg15[%add3A_1280, %add3A_1276] : memref<32x256xf32, #tpu.memory_space<vmem>>[vector<16xi32>, vector<16xi32>], vector<16xf32>,
      %and3A_1282 = arith.constant 127 : i32
      %and3A_1283 = arith.andi %squeeze3A_1266, %and3A_1282 : i32
      %broadcast_in_dim3A_1284 = vector.broadcast %and3A_1283 : i32 to vector<16xi32>
      %add3A_1285 = arith.constant 128 : i32
      %add3A_1286 = vector.broadcast %add3A_1285 : i32 to vector<16xi32>
      %add3A_1287 = arith.addi %broadcast_in_dim3A_1284, %add3A_1286 : vector<16xi32>
      %gather3A_1288 = tpu.vector_load_idx %arg15[%iota3A, %add3A_1287] : memref<32x256xf32, #tpu.memory_space<vmem>>[vector<16xi32>, vector<16xi32>], vector<16xf32>,
      %add3A_1289 = arith.constant 16 : i32
      %add3A_1290 = vector.broadcast %add3A_1289 : i32 to vector<16xi32>
      %add3A_1291 = arith.addi %iota3A, %add3A_1290 : vector<16xi32>
      %gather3A_1292 = tpu.vector_load_idx %arg15[%add3A_1291, %add3A_1287] : memref<32x256xf32, #tpu.memory_space<vmem>>[vector<16xi32>, vector<16xi32>], vector<16xf32>,
      %and3A_1293 = arith.constant 127 : i32
      %and3A_1294 = arith.andi %squeeze3A_1268, %and3A_1293 : i32
      %broadcast_in_dim3A_1295 = vector.broadcast %and3A_1294 : i32 to vector<16xi32>
      %add3A_1296 = arith.constant 0 : i32
      %add3A_1297 = vector.broadcast %add3A_1296 : i32 to vector<16xi32>
      %add3A_1298 = arith.addi %broadcast_in_dim3A_1295, %add3A_1297 : vector<16xi32>
      %gather3A_1299 = tpu.vector_load_idx %arg16[%iota3A, %add3A_1298] : memref<32x256xf32, #tpu.memory_space<vmem>>[vector<16xi32>, vector<16xi32>], vector<16xf32>,
      %add3A_1300 = arith.constant 16 : i32
      %add3A_1301 = vector.broadcast %add3A_1300 : i32 to vector<16xi32>
      %add3A_1302 = arith.addi %iota3A, %add3A_1301 : vector<16xi32>
      %gather3A_1303 = tpu.vector_load_idx %arg16[%add3A_1302, %add3A_1298] : memref<32x256xf32, #tpu.memory_space<vmem>>[vector<16xi32>, vector<16xi32>], vector<16xf32>,
      %and3A_1304 = arith.constant 127 : i32
      %and3A_1305 = arith.andi %squeeze3A_1270, %and3A_1304 : i32
      %broadcast_in_dim3A_1306 = vector.broadcast %and3A_1305 : i32 to vector<16xi32>
      %add3A_1307 = arith.constant 128 : i32
      %add3A_1308 = vector.broadcast %add3A_1307 : i32 to vector<16xi32>
      %add3A_1309 = arith.addi %broadcast_in_dim3A_1306, %add3A_1308 : vector<16xi32>
      %gather3A_1310 = tpu.vector_load_idx %arg16[%iota3A, %add3A_1309] : memref<32x256xf32, #tpu.memory_space<vmem>>[vector<16xi32>, vector<16xi32>], vector<16xf32>,
      %add3A_1311 = arith.constant 16 : i32
      %add3A_1312 = vector.broadcast %add3A_1311 : i32 to vector<16xi32>
      %add3A_1313 = arith.addi %iota3A, %add3A_1312 : vector<16xi32>
      %gather3A_1314 = tpu.vector_load_idx %arg16[%add3A_1313, %add3A_1309] : memref<32x256xf32, #tpu.memory_space<vmem>>[vector<16xi32>, vector<16xi32>], vector<16xf32>,
      %mul3A_1315 = arith.mulf %gather3A_1277, %gather3A_1288 : vector<16xf32>
      %mul3A_1316 = arith.mulf %gather3A_1281, %gather3A_1292 : vector<16xf32>
      %add3A_1317 = arith.addf %mul3A_1315, %mul3A_1316 : vector<16xf32>
      %mul3A_1318 = arith.mulf %gather3A_1299, %gather3A_1310 : vector<16xf32>
      %add3A_1319 = arith.addf %add3A_1317, %mul3A_1318 : vector<16xf32>
      %mul3A_1320 = arith.mulf %gather3A_1303, %gather3A_1314 : vector<16xf32>
      %add3A_1321 = arith.addf %add3A_1319, %mul3A_1320 : vector<16xf32>
      %reduce_sum3A_1322 = arith.constant true
      %reduce_sum3A_1323 = vector.broadcast %reduce_sum3A_1322 : i1 to vector<16xi1>
      %reduce_sum3A_1324 = tpu.scan <sum>, %add3A_1321 masked %reduce_sum3A_1323 : vector<16xf32>, vector<16xi1> -> vector<16xf32>
      %reduce_sum3A_1325 = vector.extract %reduce_sum3A_1324[15] : f32 from vector<16xf32>
      %eq3A_1326 = arith.constant 5 : i32
      %eq3A_1327 = vector.broadcast %eq3A_1326 : i32 to vector<16xi32>
      %eq3A_1328 = arith.cmpi eq, %iota3A, %eq3A_1327 : vector<16xi32>
      %broadcast_in_dim3A_1329 = vector.broadcast %reduce_sum3A_1325 : f32 to vector<16xf32>
      %select_n3A_1330 = arith.select %eq3A_1328, %broadcast_in_dim3A_1329, %select_n3A_1146 : vector<16xi1>, vector<16xf32>
      %slice3A_1331 = vector.extract_strided_slice %get3A_250 {offsets = [9], sizes = [1], strides = [1]} : vector<16xi32> to vector<1xi32>
      %squeeze3A_1332 = vector.extract %slice3A_1331[0] : i32 from vector<1xi32>
      %slice3A_1333 = vector.extract_strided_slice %get3A_254 {offsets = [9], sizes = [1], strides = [1]} : vector<16xi32> to vector<1xi32>
      %squeeze3A_1334 = vector.extract %slice3A_1333[0] : i32 from vector<1xi32>
      %shift_right_arithmetic3A_1335 = arith.constant 7 : i32
      %shift_right_arithmetic3A_1336 = arith.shrsi %squeeze3A_1332, %shift_right_arithmetic3A_1335 : i32
      %mul3A_1337 = arith.constant 128 : i32
      %mul3A_1338 = arith.muli %shift_right_arithmetic3A_1336, %mul3A_1337 : i32
      %multiple_of3A_1339 = tpu.assume_multiple %mul3A_1338, 128 : i32
      %dma_start3A_1340 = arith.constant 0 : i32
      %dma_start3A_1341 = arith.constant 0 : i32
      %dma_start3A_1342 = tpu.memref_slice %arg15[%dma_start3A_1340, %dma_start3A_1341] : memref<32x256xf32, #tpu.memory_space<vmem>> -> memref<32x128xf32, #tpu.memory_space<vmem>>
      %dma_start3A_1343 = arith.constant 0 : i32
      %dma_start3A_1344 = tpu.memref_slice %arg5[%dma_start3A_1343, %multiple_of3A_1339] : memref<32x1000000xf32, #tpu.memory_space<hbm>> -> memref<32x128xf32, #tpu.memory_space<hbm>>
      %dma_start3A_1345 = arith.constant 0 : i32
      %dma_start3A_1346 = arith.constant 0 : i32
      %dma_start3A_1347 = tpu.memref_slice %arg15[%dma_start3A_1345, %dma_start3A_1346] : memref<32x256xf32, #tpu.memory_space<vmem>> -> memref<32x128xf32, #tpu.memory_space<vmem>>
      %dma_start3A_1348 = arith.constant 0 : i32
      %dma_start3A_1349 = tpu.memref_slice %arg5[%dma_start3A_1348, %multiple_of3A_1339] : memref<32x1000000xf32, #tpu.memory_space<hbm>> -> memref<32x128xf32, #tpu.memory_space<hbm>>
      tpu.enqueue_dma source(%dma_start3A_1349 : memref<32x128xf32, #tpu.memory_space<hbm>>) target(%dma_start3A_1347 : memref<32x128xf32, #tpu.memory_space<vmem>>) target_semaphore(%arg24 : memref<!tpu.dma_semaphore, #tpu.memory_space<semaphore_mem>>)
      %shift_right_arithmetic3A_1350 = arith.constant 7 : i32
      %shift_right_arithmetic3A_1351 = arith.shrsi %squeeze3A_1334, %shift_right_arithmetic3A_1350 : i32
      %mul3A_1352 = arith.constant 128 : i32
      %mul3A_1353 = arith.muli %shift_right_arithmetic3A_1351, %mul3A_1352 : i32
      %multiple_of3A_1354 = tpu.assume_multiple %mul3A_1353, 128 : i32
      %dma_start3A_1355 = arith.constant 0 : i32
      %dma_start3A_1356 = arith.constant 128 : i32
      %dma_start3A_1357 = tpu.memref_slice %arg15[%dma_start3A_1355, %dma_start3A_1356] : memref<32x256xf32, #tpu.memory_space<vmem>> -> memref<32x128xf32, #tpu.memory_space<vmem>>
      %dma_start3A_1358 = arith.constant 0 : i32
      %dma_start3A_1359 = tpu.memref_slice %arg6[%dma_start3A_1358, %multiple_of3A_1354] : memref<32x1000000xf32, #tpu.memory_space<hbm>> -> memref<32x128xf32, #tpu.memory_space<hbm>>
      %dma_start3A_1360 = arith.constant 0 : i32
      %dma_start3A_1361 = arith.constant 128 : i32
      %dma_start3A_1362 = tpu.memref_slice %arg15[%dma_start3A_1360, %dma_start3A_1361] : memref<32x256xf32, #tpu.memory_space<vmem>> -> memref<32x128xf32, #tpu.memory_space<vmem>>
      %dma_start3A_1363 = arith.constant 0 : i32
      %dma_start3A_1364 = tpu.memref_slice %arg6[%dma_start3A_1363, %multiple_of3A_1354] : memref<32x1000000xf32, #tpu.memory_space<hbm>> -> memref<32x128xf32, #tpu.memory_space<hbm>>
      tpu.enqueue_dma source(%dma_start3A_1364 : memref<32x128xf32, #tpu.memory_space<hbm>>) target(%dma_start3A_1362 : memref<32x128xf32, #tpu.memory_space<vmem>>) target_semaphore(%arg24 : memref<!tpu.dma_semaphore, #tpu.memory_space<semaphore_mem>>)
      %dma_wait3A_1365 = arith.constant 0 : i32
      %dma_wait3A_1366 = arith.constant 0 : i32
      %dma_wait3A_1367 = tpu.memref_slice %arg17[%dma_wait3A_1365, %dma_wait3A_1366] : memref<32x256xf32, #tpu.memory_space<vmem>> -> memref<32x128xf32, #tpu.memory_space<vmem>>
      %dma_wait3A_1368 = arith.constant 0 : i32
      %dma_wait3A_1369 = arith.constant 0 : i32
      %dma_wait3A_1370 = tpu.memref_slice %arg5[%dma_wait3A_1368, %dma_wait3A_1369] : memref<32x1000000xf32, #tpu.memory_space<hbm>> -> memref<32x128xf32, #tpu.memory_space<hbm>>
      %dma_wait3A_1371 = arith.constant 0 : i32
      %dma_wait3A_1372 = arith.constant 0 : i32
      %dma_wait3A_1373 = tpu.memref_slice %arg17[%dma_wait3A_1371, %dma_wait3A_1372] : memref<32x256xf32, #tpu.memory_space<vmem>> -> memref<32x128xf32, #tpu.memory_space<vmem>>
      %dma_wait3A_1374 = arith.constant 0 : i32
      %dma_wait3A_1375 = arith.constant 0 : i32
      %dma_wait3A_1376 = tpu.memref_slice %arg5[%dma_wait3A_1374, %dma_wait3A_1375] : memref<32x1000000xf32, #tpu.memory_space<hbm>> -> memref<32x128xf32, #tpu.memory_space<hbm>>
      tpu.wait_dma2 semaphore(%arg26 : memref<!tpu.dma_semaphore, #tpu.memory_space<semaphore_mem>>) src(%dma_wait3A_1376 : memref<32x128xf32, #tpu.memory_space<hbm>>) dst(%dma_wait3A_1373 : memref<32x128xf32, #tpu.memory_space<vmem>>)
      %dma_wait3A_1377 = arith.constant 0 : i32
      %dma_wait3A_1378 = arith.constant 128 : i32
      %dma_wait3A_1379 = tpu.memref_slice %arg17[%dma_wait3A_1377, %dma_wait3A_1378] : memref<32x256xf32, #tpu.memory_space<vmem>> -> memref<32x128xf32, #tpu.memory_space<vmem>>
      %dma_wait3A_1380 = arith.constant 0 : i32
      %dma_wait3A_1381 = arith.constant 0 : i32
      %dma_wait3A_1382 = tpu.memref_slice %arg5[%dma_wait3A_1380, %dma_wait3A_1381] : memref<32x1000000xf32, #tpu.memory_space<hbm>> -> memref<32x128xf32, #tpu.memory_space<hbm>>
      %dma_wait3A_1383 = arith.constant 0 : i32
      %dma_wait3A_1384 = arith.constant 128 : i32
      %dma_wait3A_1385 = tpu.memref_slice %arg17[%dma_wait3A_1383, %dma_wait3A_1384] : memref<32x256xf32, #tpu.memory_space<vmem>> -> memref<32x128xf32, #tpu.memory_space<vmem>>
      %dma_wait3A_1386 = arith.constant 0 : i32
      %dma_wait3A_1387 = arith.constant 0 : i32
      %dma_wait3A_1388 = tpu.memref_slice %arg5[%dma_wait3A_1386, %dma_wait3A_1387] : memref<32x1000000xf32, #tpu.memory_space<hbm>> -> memref<32x128xf32, #tpu.memory_space<hbm>>
      tpu.wait_dma2 semaphore(%arg26 : memref<!tpu.dma_semaphore, #tpu.memory_space<semaphore_mem>>) src(%dma_wait3A_1388 : memref<32x128xf32, #tpu.memory_space<hbm>>) dst(%dma_wait3A_1385 : memref<32x128xf32, #tpu.memory_space<vmem>>)
      %slice3A_1389 = vector.extract_strided_slice %get3A_252 {offsets = [9], sizes = [1], strides = [1]} : vector<16xi32> to vector<1xi32>
      %squeeze3A_1390 = vector.extract %slice3A_1389[0] : i32 from vector<1xi32>
      %slice3A_1391 = vector.extract_strided_slice %get3A_254 {offsets = [9], sizes = [1], strides = [1]} : vector<16xi32> to vector<1xi32>
      %squeeze3A_1392 = vector.extract %slice3A_1391[0] : i32 from vector<1xi32>
      %shift_right_arithmetic3A_1393 = arith.constant 7 : i32
      %shift_right_arithmetic3A_1394 = arith.shrsi %squeeze3A_1390, %shift_right_arithmetic3A_1393 : i32
      %mul3A_1395 = arith.constant 128 : i32
      %mul3A_1396 = arith.muli %shift_right_arithmetic3A_1394, %mul3A_1395 : i32
      %multiple_of3A_1397 = tpu.assume_multiple %mul3A_1396, 128 : i32
      %dma_start3A_1398 = arith.constant 0 : i32
      %dma_start3A_1399 = arith.constant 0 : i32
      %dma_start3A_1400 = tpu.memref_slice %arg16[%dma_start3A_1398, %dma_start3A_1399] : memref<32x256xf32, #tpu.memory_space<vmem>> -> memref<32x128xf32, #tpu.memory_space<vmem>>
      %dma_start3A_1401 = arith.constant 0 : i32
      %dma_start3A_1402 = tpu.memref_slice %arg7[%dma_start3A_1401, %multiple_of3A_1397] : memref<32x1000000xf32, #tpu.memory_space<hbm>> -> memref<32x128xf32, #tpu.memory_space<hbm>>
      %dma_start3A_1403 = arith.constant 0 : i32
      %dma_start3A_1404 = arith.constant 0 : i32
      %dma_start3A_1405 = tpu.memref_slice %arg16[%dma_start3A_1403, %dma_start3A_1404] : memref<32x256xf32, #tpu.memory_space<vmem>> -> memref<32x128xf32, #tpu.memory_space<vmem>>
      %dma_start3A_1406 = arith.constant 0 : i32
      %dma_start3A_1407 = tpu.memref_slice %arg7[%dma_start3A_1406, %multiple_of3A_1397] : memref<32x1000000xf32, #tpu.memory_space<hbm>> -> memref<32x128xf32, #tpu.memory_space<hbm>>
      tpu.enqueue_dma source(%dma_start3A_1407 : memref<32x128xf32, #tpu.memory_space<hbm>>) target(%dma_start3A_1405 : memref<32x128xf32, #tpu.memory_space<vmem>>) target_semaphore(%arg25 : memref<!tpu.dma_semaphore, #tpu.memory_space<semaphore_mem>>)
      %shift_right_arithmetic3A_1408 = arith.constant 7 : i32
      %shift_right_arithmetic3A_1409 = arith.shrsi %squeeze3A_1392, %shift_right_arithmetic3A_1408 : i32
      %mul3A_1410 = arith.constant 128 : i32
      %mul3A_1411 = arith.muli %shift_right_arithmetic3A_1409, %mul3A_1410 : i32
      %multiple_of3A_1412 = tpu.assume_multiple %mul3A_1411, 128 : i32
      %dma_start3A_1413 = arith.constant 0 : i32
      %dma_start3A_1414 = arith.constant 128 : i32
      %dma_start3A_1415 = tpu.memref_slice %arg16[%dma_start3A_1413, %dma_start3A_1414] : memref<32x256xf32, #tpu.memory_space<vmem>> -> memref<32x128xf32, #tpu.memory_space<vmem>>
      %dma_start3A_1416 = arith.constant 0 : i32
      %dma_start3A_1417 = tpu.memref_slice %arg8[%dma_start3A_1416, %multiple_of3A_1412] : memref<32x1000000xf32, #tpu.memory_space<hbm>> -> memref<32x128xf32, #tpu.memory_space<hbm>>
      %dma_start3A_1418 = arith.constant 0 : i32
      %dma_start3A_1419 = arith.constant 128 : i32
      %dma_start3A_1420 = tpu.memref_slice %arg16[%dma_start3A_1418, %dma_start3A_1419] : memref<32x256xf32, #tpu.memory_space<vmem>> -> memref<32x128xf32, #tpu.memory_space<vmem>>
      %dma_start3A_1421 = arith.constant 0 : i32
      %dma_start3A_1422 = tpu.memref_slice %arg8[%dma_start3A_1421, %multiple_of3A_1412] : memref<32x1000000xf32, #tpu.memory_space<hbm>> -> memref<32x128xf32, #tpu.memory_space<hbm>>
      tpu.enqueue_dma source(%dma_start3A_1422 : memref<32x128xf32, #tpu.memory_space<hbm>>) target(%dma_start3A_1420 : memref<32x128xf32, #tpu.memory_space<vmem>>) target_semaphore(%arg25 : memref<!tpu.dma_semaphore, #tpu.memory_space<semaphore_mem>>)
      %dma_wait3A_1423 = arith.constant 0 : i32
      %dma_wait3A_1424 = arith.constant 0 : i32
      %dma_wait3A_1425 = tpu.memref_slice %arg18[%dma_wait3A_1423, %dma_wait3A_1424] : memref<32x256xf32, #tpu.memory_space<vmem>> -> memref<32x128xf32, #tpu.memory_space<vmem>>
      %dma_wait3A_1426 = arith.constant 0 : i32
      %dma_wait3A_1427 = arith.constant 0 : i32
      %dma_wait3A_1428 = tpu.memref_slice %arg5[%dma_wait3A_1426, %dma_wait3A_1427] : memref<32x1000000xf32, #tpu.memory_space<hbm>> -> memref<32x128xf32, #tpu.memory_space<hbm>>
      %dma_wait3A_1429 = arith.constant 0 : i32
      %dma_wait3A_1430 = arith.constant 0 : i32
      %dma_wait3A_1431 = tpu.memref_slice %arg18[%dma_wait3A_1429, %dma_wait3A_1430] : memref<32x256xf32, #tpu.memory_space<vmem>> -> memref<32x128xf32, #tpu.memory_space<vmem>>
      %dma_wait3A_1432 = arith.constant 0 : i32
      %dma_wait3A_1433 = arith.constant 0 : i32
      %dma_wait3A_1434 = tpu.memref_slice %arg5[%dma_wait3A_1432, %dma_wait3A_1433] : memref<32x1000000xf32, #tpu.memory_space<hbm>> -> memref<32x128xf32, #tpu.memory_space<hbm>>
      tpu.wait_dma2 semaphore(%arg27 : memref<!tpu.dma_semaphore, #tpu.memory_space<semaphore_mem>>) src(%dma_wait3A_1434 : memref<32x128xf32, #tpu.memory_space<hbm>>) dst(%dma_wait3A_1431 : memref<32x128xf32, #tpu.memory_space<vmem>>)
      %dma_wait3A_1435 = arith.constant 0 : i32
      %dma_wait3A_1436 = arith.constant 128 : i32
      %dma_wait3A_1437 = tpu.memref_slice %arg18[%dma_wait3A_1435, %dma_wait3A_1436] : memref<32x256xf32, #tpu.memory_space<vmem>> -> memref<32x128xf32, #tpu.memory_space<vmem>>
      %dma_wait3A_1438 = arith.constant 0 : i32
      %dma_wait3A_1439 = arith.constant 0 : i32
      %dma_wait3A_1440 = tpu.memref_slice %arg5[%dma_wait3A_1438, %dma_wait3A_1439] : memref<32x1000000xf32, #tpu.memory_space<hbm>> -> memref<32x128xf32, #tpu.memory_space<hbm>>
      %dma_wait3A_1441 = arith.constant 0 : i32
      %dma_wait3A_1442 = arith.constant 128 : i32
      %dma_wait3A_1443 = tpu.memref_slice %arg18[%dma_wait3A_1441, %dma_wait3A_1442] : memref<32x256xf32, #tpu.memory_space<vmem>> -> memref<32x128xf32, #tpu.memory_space<vmem>>
      %dma_wait3A_1444 = arith.constant 0 : i32
      %dma_wait3A_1445 = arith.constant 0 : i32
      %dma_wait3A_1446 = tpu.memref_slice %arg5[%dma_wait3A_1444, %dma_wait3A_1445] : memref<32x1000000xf32, #tpu.memory_space<hbm>> -> memref<32x128xf32, #tpu.memory_space<hbm>>
      tpu.wait_dma2 semaphore(%arg27 : memref<!tpu.dma_semaphore, #tpu.memory_space<semaphore_mem>>) src(%dma_wait3A_1446 : memref<32x128xf32, #tpu.memory_space<hbm>>) dst(%dma_wait3A_1443 : memref<32x128xf32, #tpu.memory_space<vmem>>)
      %slice3A_1447 = vector.extract_strided_slice %get3A_250 {offsets = [6], sizes = [1], strides = [1]} : vector<16xi32> to vector<1xi32>
      %squeeze3A_1448 = vector.extract %slice3A_1447[0] : i32 from vector<1xi32>
      %slice3A_1449 = vector.extract_strided_slice %get3A_254 {offsets = [6], sizes = [1], strides = [1]} : vector<16xi32> to vector<1xi32>
      %squeeze3A_1450 = vector.extract %slice3A_1449[0] : i32 from vector<1xi32>
      %slice3A_1451 = vector.extract_strided_slice %get3A_252 {offsets = [6], sizes = [1], strides = [1]} : vector<16xi32> to vector<1xi32>
      %squeeze3A_1452 = vector.extract %slice3A_1451[0] : i32 from vector<1xi32>
      %slice3A_1453 = vector.extract_strided_slice %get3A_254 {offsets = [6], sizes = [1], strides = [1]} : vector<16xi32> to vector<1xi32>
      %squeeze3A_1454 = vector.extract %slice3A_1453[0] : i32 from vector<1xi32>
      %and3A_1455 = arith.constant 127 : i32
      %and3A_1456 = arith.andi %squeeze3A_1448, %and3A_1455 : i32
      %broadcast_in_dim3A_1457 = vector.broadcast %and3A_1456 : i32 to vector<16xi32>
      %add3A_1458 = arith.constant 0 : i32
      %add3A_1459 = vector.broadcast %add3A_1458 : i32 to vector<16xi32>
      %add3A_1460 = arith.addi %broadcast_in_dim3A_1457, %add3A_1459 : vector<16xi32>
      %gather3A_1461 = tpu.vector_load_idx %arg17[%iota3A, %add3A_1460] : memref<32x256xf32, #tpu.memory_space<vmem>>[vector<16xi32>, vector<16xi32>], vector<16xf32>,
      %add3A_1462 = arith.constant 16 : i32
      %add3A_1463 = vector.broadcast %add3A_1462 : i32 to vector<16xi32>
      %add3A_1464 = arith.addi %iota3A, %add3A_1463 : vector<16xi32>
      %gather3A_1465 = tpu.vector_load_idx %arg17[%add3A_1464, %add3A_1460] : memref<32x256xf32, #tpu.memory_space<vmem>>[vector<16xi32>, vector<16xi32>], vector<16xf32>,
      %and3A_1466 = arith.constant 127 : i32
      %and3A_1467 = arith.andi %squeeze3A_1450, %and3A_1466 : i32
      %broadcast_in_dim3A_1468 = vector.broadcast %and3A_1467 : i32 to vector<16xi32>
      %add3A_1469 = arith.constant 128 : i32
      %add3A_1470 = vector.broadcast %add3A_1469 : i32 to vector<16xi32>
      %add3A_1471 = arith.addi %broadcast_in_dim3A_1468, %add3A_1470 : vector<16xi32>
      %gather3A_1472 = tpu.vector_load_idx %arg17[%iota3A, %add3A_1471] : memref<32x256xf32, #tpu.memory_space<vmem>>[vector<16xi32>, vector<16xi32>], vector<16xf32>,
      %add3A_1473 = arith.constant 16 : i32
      %add3A_1474 = vector.broadcast %add3A_1473 : i32 to vector<16xi32>
      %add3A_1475 = arith.addi %iota3A, %add3A_1474 : vector<16xi32>
      %gather3A_1476 = tpu.vector_load_idx %arg17[%add3A_1475, %add3A_1471] : memref<32x256xf32, #tpu.memory_space<vmem>>[vector<16xi32>, vector<16xi32>], vector<16xf32>,
      %and3A_1477 = arith.constant 127 : i32
      %and3A_1478 = arith.andi %squeeze3A_1452, %and3A_1477 : i32
      %broadcast_in_dim3A_1479 = vector.broadcast %and3A_1478 : i32 to vector<16xi32>
      %add3A_1480 = arith.constant 0 : i32
      %add3A_1481 = vector.broadcast %add3A_1480 : i32 to vector<16xi32>
      %add3A_1482 = arith.addi %broadcast_in_dim3A_1479, %add3A_1481 : vector<16xi32>
      %gather3A_1483 = tpu.vector_load_idx %arg18[%iota3A, %add3A_1482] : memref<32x256xf32, #tpu.memory_space<vmem>>[vector<16xi32>, vector<16xi32>], vector<16xf32>,
      %add3A_1484 = arith.constant 16 : i32
      %add3A_1485 = vector.broadcast %add3A_1484 : i32 to vector<16xi32>
      %add3A_1486 = arith.addi %iota3A, %add3A_1485 : vector<16xi32>
      %gather3A_1487 = tpu.vector_load_idx %arg18[%add3A_1486, %add3A_1482] : memref<32x256xf32, #tpu.memory_space<vmem>>[vector<16xi32>, vector<16xi32>], vector<16xf32>,
      %and3A_1488 = arith.constant 127 : i32
      %and3A_1489 = arith.andi %squeeze3A_1454, %and3A_1488 : i32
      %broadcast_in_dim3A_1490 = vector.broadcast %and3A_1489 : i32 to vector<16xi32>
      %add3A_1491 = arith.constant 128 : i32
      %add3A_1492 = vector.broadcast %add3A_1491 : i32 to vector<16xi32>
      %add3A_1493 = arith.addi %broadcast_in_dim3A_1490, %add3A_1492 : vector<16xi32>
      %gather3A_1494 = tpu.vector_load_idx %arg18[%iota3A, %add3A_1493] : memref<32x256xf32, #tpu.memory_space<vmem>>[vector<16xi32>, vector<16xi32>], vector<16xf32>,
      %add3A_1495 = arith.constant 16 : i32
      %add3A_1496 = vector.broadcast %add3A_1495 : i32 to vector<16xi32>
      %add3A_1497 = arith.addi %iota3A, %add3A_1496 : vector<16xi32>
      %gather3A_1498 = tpu.vector_load_idx %arg18[%add3A_1497, %add3A_1493] : memref<32x256xf32, #tpu.memory_space<vmem>>[vector<16xi32>, vector<16xi32>], vector<16xf32>,
      %mul3A_1499 = arith.mulf %gather3A_1461, %gather3A_1472 : vector<16xf32>
      %mul3A_1500 = arith.mulf %gather3A_1465, %gather3A_1476 : vector<16xf32>
      %add3A_1501 = arith.addf %mul3A_1499, %mul3A_1500 : vector<16xf32>
      %mul3A_1502 = arith.mulf %gather3A_1483, %gather3A_1494 : vector<16xf32>
      %add3A_1503 = arith.addf %add3A_1501, %mul3A_1502 : vector<16xf32>
      %mul3A_1504 = arith.mulf %gather3A_1487, %gather3A_1498 : vector<16xf32>
      %add3A_1505 = arith.addf %add3A_1503, %mul3A_1504 : vector<16xf32>
      %reduce_sum3A_1506 = arith.constant true
      %reduce_sum3A_1507 = vector.broadcast %reduce_sum3A_1506 : i1 to vector<16xi1>
      %reduce_sum3A_1508 = tpu.scan <sum>, %add3A_1505 masked %reduce_sum3A_1507 : vector<16xf32>, vector<16xi1> -> vector<16xf32>
      %reduce_sum3A_1509 = vector.extract %reduce_sum3A_1508[15] : f32 from vector<16xf32>
      %eq3A_1510 = arith.constant 6 : i32
      %eq3A_1511 = vector.broadcast %eq3A_1510 : i32 to vector<16xi32>
      %eq3A_1512 = arith.cmpi eq, %iota3A, %eq3A_1511 : vector<16xi32>
      %broadcast_in_dim3A_1513 = vector.broadcast %reduce_sum3A_1509 : f32 to vector<16xf32>
      %select_n3A_1514 = arith.select %eq3A_1512, %broadcast_in_dim3A_1513, %select_n3A_1330 : vector<16xi1>, vector<16xf32>
      %slice3A_1515 = vector.extract_strided_slice %get3A_250 {offsets = [10], sizes = [1], strides = [1]} : vector<16xi32> to vector<1xi32>
      %squeeze3A_1516 = vector.extract %slice3A_1515[0] : i32 from vector<1xi32>
      %slice3A_1517 = vector.extract_strided_slice %get3A_254 {offsets = [10], sizes = [1], strides = [1]} : vector<16xi32> to vector<1xi32>
      %squeeze3A_1518 = vector.extract %slice3A_1517[0] : i32 from vector<1xi32>
      %shift_right_arithmetic3A_1519 = arith.constant 7 : i32
      %shift_right_arithmetic3A_1520 = arith.shrsi %squeeze3A_1516, %shift_right_arithmetic3A_1519 : i32
      %mul3A_1521 = arith.constant 128 : i32
      %mul3A_1522 = arith.muli %shift_right_arithmetic3A_1520, %mul3A_1521 : i32
      %multiple_of3A_1523 = tpu.assume_multiple %mul3A_1522, 128 : i32
      %dma_start3A_1524 = arith.constant 0 : i32
      %dma_start3A_1525 = arith.constant 0 : i32
      %dma_start3A_1526 = tpu.memref_slice %arg17[%dma_start3A_1524, %dma_start3A_1525] : memref<32x256xf32, #tpu.memory_space<vmem>> -> memref<32x128xf32, #tpu.memory_space<vmem>>
      %dma_start3A_1527 = arith.constant 0 : i32
      %dma_start3A_1528 = tpu.memref_slice %arg5[%dma_start3A_1527, %multiple_of3A_1523] : memref<32x1000000xf32, #tpu.memory_space<hbm>> -> memref<32x128xf32, #tpu.memory_space<hbm>>
      %dma_start3A_1529 = arith.constant 0 : i32
      %dma_start3A_1530 = arith.constant 0 : i32
      %dma_start3A_1531 = tpu.memref_slice %arg17[%dma_start3A_1529, %dma_start3A_1530] : memref<32x256xf32, #tpu.memory_space<vmem>> -> memref<32x128xf32, #tpu.memory_space<vmem>>
      %dma_start3A_1532 = arith.constant 0 : i32
      %dma_start3A_1533 = tpu.memref_slice %arg5[%dma_start3A_1532, %multiple_of3A_1523] : memref<32x1000000xf32, #tpu.memory_space<hbm>> -> memref<32x128xf32, #tpu.memory_space<hbm>>
      tpu.enqueue_dma source(%dma_start3A_1533 : memref<32x128xf32, #tpu.memory_space<hbm>>) target(%dma_start3A_1531 : memref<32x128xf32, #tpu.memory_space<vmem>>) target_semaphore(%arg26 : memref<!tpu.dma_semaphore, #tpu.memory_space<semaphore_mem>>)
      %shift_right_arithmetic3A_1534 = arith.constant 7 : i32
      %shift_right_arithmetic3A_1535 = arith.shrsi %squeeze3A_1518, %shift_right_arithmetic3A_1534 : i32
      %mul3A_1536 = arith.constant 128 : i32
      %mul3A_1537 = arith.muli %shift_right_arithmetic3A_1535, %mul3A_1536 : i32
      %multiple_of3A_1538 = tpu.assume_multiple %mul3A_1537, 128 : i32
      %dma_start3A_1539 = arith.constant 0 : i32
      %dma_start3A_1540 = arith.constant 128 : i32
      %dma_start3A_1541 = tpu.memref_slice %arg17[%dma_start3A_1539, %dma_start3A_1540] : memref<32x256xf32, #tpu.memory_space<vmem>> -> memref<32x128xf32, #tpu.memory_space<vmem>>
      %dma_start3A_1542 = arith.constant 0 : i32
      %dma_start3A_1543 = tpu.memref_slice %arg6[%dma_start3A_1542, %multiple_of3A_1538] : memref<32x1000000xf32, #tpu.memory_space<hbm>> -> memref<32x128xf32, #tpu.memory_space<hbm>>
      %dma_start3A_1544 = arith.constant 0 : i32
      %dma_start3A_1545 = arith.constant 128 : i32
      %dma_start3A_1546 = tpu.memref_slice %arg17[%dma_start3A_1544, %dma_start3A_1545] : memref<32x256xf32, #tpu.memory_space<vmem>> -> memref<32x128xf32, #tpu.memory_space<vmem>>
      %dma_start3A_1547 = arith.constant 0 : i32
      %dma_start3A_1548 = tpu.memref_slice %arg6[%dma_start3A_1547, %multiple_of3A_1538] : memref<32x1000000xf32, #tpu.memory_space<hbm>> -> memref<32x128xf32, #tpu.memory_space<hbm>>
      tpu.enqueue_dma source(%dma_start3A_1548 : memref<32x128xf32, #tpu.memory_space<hbm>>) target(%dma_start3A_1546 : memref<32x128xf32, #tpu.memory_space<vmem>>) target_semaphore(%arg26 : memref<!tpu.dma_semaphore, #tpu.memory_space<semaphore_mem>>)
      %dma_wait3A_1549 = arith.constant 0 : i32
      %dma_wait3A_1550 = arith.constant 0 : i32
      %dma_wait3A_1551 = tpu.memref_slice %arg19[%dma_wait3A_1549, %dma_wait3A_1550] : memref<32x256xf32, #tpu.memory_space<vmem>> -> memref<32x128xf32, #tpu.memory_space<vmem>>
      %dma_wait3A_1552 = arith.constant 0 : i32
      %dma_wait3A_1553 = arith.constant 0 : i32
      %dma_wait3A_1554 = tpu.memref_slice %arg5[%dma_wait3A_1552, %dma_wait3A_1553] : memref<32x1000000xf32, #tpu.memory_space<hbm>> -> memref<32x128xf32, #tpu.memory_space<hbm>>
      %dma_wait3A_1555 = arith.constant 0 : i32
      %dma_wait3A_1556 = arith.constant 0 : i32
      %dma_wait3A_1557 = tpu.memref_slice %arg19[%dma_wait3A_1555, %dma_wait3A_1556] : memref<32x256xf32, #tpu.memory_space<vmem>> -> memref<32x128xf32, #tpu.memory_space<vmem>>
      %dma_wait3A_1558 = arith.constant 0 : i32
      %dma_wait3A_1559 = arith.constant 0 : i32
      %dma_wait3A_1560 = tpu.memref_slice %arg5[%dma_wait3A_1558, %dma_wait3A_1559] : memref<32x1000000xf32, #tpu.memory_space<hbm>> -> memref<32x128xf32, #tpu.memory_space<hbm>>
      tpu.wait_dma2 semaphore(%arg28 : memref<!tpu.dma_semaphore, #tpu.memory_space<semaphore_mem>>) src(%dma_wait3A_1560 : memref<32x128xf32, #tpu.memory_space<hbm>>) dst(%dma_wait3A_1557 : memref<32x128xf32, #tpu.memory_space<vmem>>)
      %dma_wait3A_1561 = arith.constant 0 : i32
      %dma_wait3A_1562 = arith.constant 128 : i32
      %dma_wait3A_1563 = tpu.memref_slice %arg19[%dma_wait3A_1561, %dma_wait3A_1562] : memref<32x256xf32, #tpu.memory_space<vmem>> -> memref<32x128xf32, #tpu.memory_space<vmem>>
      %dma_wait3A_1564 = arith.constant 0 : i32
      %dma_wait3A_1565 = arith.constant 0 : i32
      %dma_wait3A_1566 = tpu.memref_slice %arg5[%dma_wait3A_1564, %dma_wait3A_1565] : memref<32x1000000xf32, #tpu.memory_space<hbm>> -> memref<32x128xf32, #tpu.memory_space<hbm>>
      %dma_wait3A_1567 = arith.constant 0 : i32
      %dma_wait3A_1568 = arith.constant 128 : i32
      %dma_wait3A_1569 = tpu.memref_slice %arg19[%dma_wait3A_1567, %dma_wait3A_1568] : memref<32x256xf32, #tpu.memory_space<vmem>> -> memref<32x128xf32, #tpu.memory_space<vmem>>
      %dma_wait3A_1570 = arith.constant 0 : i32
      %dma_wait3A_1571 = arith.constant 0 : i32
      %dma_wait3A_1572 = tpu.memref_slice %arg5[%dma_wait3A_1570, %dma_wait3A_1571] : memref<32x1000000xf32, #tpu.memory_space<hbm>> -> memref<32x128xf32, #tpu.memory_space<hbm>>
      tpu.wait_dma2 semaphore(%arg28 : memref<!tpu.dma_semaphore, #tpu.memory_space<semaphore_mem>>) src(%dma_wait3A_1572 : memref<32x128xf32, #tpu.memory_space<hbm>>) dst(%dma_wait3A_1569 : memref<32x128xf32, #tpu.memory_space<vmem>>)
      %slice3A_1573 = vector.extract_strided_slice %get3A_252 {offsets = [10], sizes = [1], strides = [1]} : vector<16xi32> to vector<1xi32>
      %squeeze3A_1574 = vector.extract %slice3A_1573[0] : i32 from vector<1xi32>
      %slice3A_1575 = vector.extract_strided_slice %get3A_254 {offsets = [10], sizes = [1], strides = [1]} : vector<16xi32> to vector<1xi32>
      %squeeze3A_1576 = vector.extract %slice3A_1575[0] : i32 from vector<1xi32>
      %shift_right_arithmetic3A_1577 = arith.constant 7 : i32
      %shift_right_arithmetic3A_1578 = arith.shrsi %squeeze3A_1574, %shift_right_arithmetic3A_1577 : i32
      %mul3A_1579 = arith.constant 128 : i32
      %mul3A_1580 = arith.muli %shift_right_arithmetic3A_1578, %mul3A_1579 : i32
      %multiple_of3A_1581 = tpu.assume_multiple %mul3A_1580, 128 : i32
      %dma_start3A_1582 = arith.constant 0 : i32
      %dma_start3A_1583 = arith.constant 0 : i32
      %dma_start3A_1584 = tpu.memref_slice %arg18[%dma_start3A_1582, %dma_start3A_1583] : memref<32x256xf32, #tpu.memory_space<vmem>> -> memref<32x128xf32, #tpu.memory_space<vmem>>
      %dma_start3A_1585 = arith.constant 0 : i32
      %dma_start3A_1586 = tpu.memref_slice %arg7[%dma_start3A_1585, %multiple_of3A_1581] : memref<32x1000000xf32, #tpu.memory_space<hbm>> -> memref<32x128xf32, #tpu.memory_space<hbm>>
      %dma_start3A_1587 = arith.constant 0 : i32
      %dma_start3A_1588 = arith.constant 0 : i32
      %dma_start3A_1589 = tpu.memref_slice %arg18[%dma_start3A_1587, %dma_start3A_1588] : memref<32x256xf32, #tpu.memory_space<vmem>> -> memref<32x128xf32, #tpu.memory_space<vmem>>
      %dma_start3A_1590 = arith.constant 0 : i32
      %dma_start3A_1591 = tpu.memref_slice %arg7[%dma_start3A_1590, %multiple_of3A_1581] : memref<32x1000000xf32, #tpu.memory_space<hbm>> -> memref<32x128xf32, #tpu.memory_space<hbm>>
      tpu.enqueue_dma source(%dma_start3A_1591 : memref<32x128xf32, #tpu.memory_space<hbm>>) target(%dma_start3A_1589 : memref<32x128xf32, #tpu.memory_space<vmem>>) target_semaphore(%arg27 : memref<!tpu.dma_semaphore, #tpu.memory_space<semaphore_mem>>)
      %shift_right_arithmetic3A_1592 = arith.constant 7 : i32
      %shift_right_arithmetic3A_1593 = arith.shrsi %squeeze3A_1576, %shift_right_arithmetic3A_1592 : i32
      %mul3A_1594 = arith.constant 128 : i32
      %mul3A_1595 = arith.muli %shift_right_arithmetic3A_1593, %mul3A_1594 : i32
      %multiple_of3A_1596 = tpu.assume_multiple %mul3A_1595, 128 : i32
      %dma_start3A_1597 = arith.constant 0 : i32
      %dma_start3A_1598 = arith.constant 128 : i32
      %dma_start3A_1599 = tpu.memref_slice %arg18[%dma_start3A_1597, %dma_start3A_1598] : memref<32x256xf32, #tpu.memory_space<vmem>> -> memref<32x128xf32, #tpu.memory_space<vmem>>
      %dma_start3A_1600 = arith.constant 0 : i32
      %dma_start3A_1601 = tpu.memref_slice %arg8[%dma_start3A_1600, %multiple_of3A_1596] : memref<32x1000000xf32, #tpu.memory_space<hbm>> -> memref<32x128xf32, #tpu.memory_space<hbm>>
      %dma_start3A_1602 = arith.constant 0 : i32
      %dma_start3A_1603 = arith.constant 128 : i32
      %dma_start3A_1604 = tpu.memref_slice %arg18[%dma_start3A_1602, %dma_start3A_1603] : memref<32x256xf32, #tpu.memory_space<vmem>> -> memref<32x128xf32, #tpu.memory_space<vmem>>
      %dma_start3A_1605 = arith.constant 0 : i32
      %dma_start3A_1606 = tpu.memref_slice %arg8[%dma_start3A_1605, %multiple_of3A_1596] : memref<32x1000000xf32, #tpu.memory_space<hbm>> -> memref<32x128xf32, #tpu.memory_space<hbm>>
      tpu.enqueue_dma source(%dma_start3A_1606 : memref<32x128xf32, #tpu.memory_space<hbm>>) target(%dma_start3A_1604 : memref<32x128xf32, #tpu.memory_space<vmem>>) target_semaphore(%arg27 : memref<!tpu.dma_semaphore, #tpu.memory_space<semaphore_mem>>)
      %dma_wait3A_1607 = arith.constant 0 : i32
      %dma_wait3A_1608 = arith.constant 0 : i32
      %dma_wait3A_1609 = tpu.memref_slice %arg20[%dma_wait3A_1607, %dma_wait3A_1608] : memref<32x256xf32, #tpu.memory_space<vmem>> -> memref<32x128xf32, #tpu.memory_space<vmem>>
      %dma_wait3A_1610 = arith.constant 0 : i32
      %dma_wait3A_1611 = arith.constant 0 : i32
      %dma_wait3A_1612 = tpu.memref_slice %arg5[%dma_wait3A_1610, %dma_wait3A_1611] : memref<32x1000000xf32, #tpu.memory_space<hbm>> -> memref<32x128xf32, #tpu.memory_space<hbm>>
      %dma_wait3A_1613 = arith.constant 0 : i32
      %dma_wait3A_1614 = arith.constant 0 : i32
      %dma_wait3A_1615 = tpu.memref_slice %arg20[%dma_wait3A_1613, %dma_wait3A_1614] : memref<32x256xf32, #tpu.memory_space<vmem>> -> memref<32x128xf32, #tpu.memory_space<vmem>>
      %dma_wait3A_1616 = arith.constant 0 : i32
      %dma_wait3A_1617 = arith.constant 0 : i32
      %dma_wait3A_1618 = tpu.memref_slice %arg5[%dma_wait3A_1616, %dma_wait3A_1617] : memref<32x1000000xf32, #tpu.memory_space<hbm>> -> memref<32x128xf32, #tpu.memory_space<hbm>>
      tpu.wait_dma2 semaphore(%arg29 : memref<!tpu.dma_semaphore, #tpu.memory_space<semaphore_mem>>) src(%dma_wait3A_1618 : memref<32x128xf32, #tpu.memory_space<hbm>>) dst(%dma_wait3A_1615 : memref<32x128xf32, #tpu.memory_space<vmem>>)
      %dma_wait3A_1619 = arith.constant 0 : i32
      %dma_wait3A_1620 = arith.constant 128 : i32
      %dma_wait3A_1621 = tpu.memref_slice %arg20[%dma_wait3A_1619, %dma_wait3A_1620] : memref<32x256xf32, #tpu.memory_space<vmem>> -> memref<32x128xf32, #tpu.memory_space<vmem>>
      %dma_wait3A_1622 = arith.constant 0 : i32
      %dma_wait3A_1623 = arith.constant 0 : i32
      %dma_wait3A_1624 = tpu.memref_slice %arg5[%dma_wait3A_1622, %dma_wait3A_1623] : memref<32x1000000xf32, #tpu.memory_space<hbm>> -> memref<32x128xf32, #tpu.memory_space<hbm>>
      %dma_wait3A_1625 = arith.constant 0 : i32
      %dma_wait3A_1626 = arith.constant 128 : i32
      %dma_wait3A_1627 = tpu.memref_slice %arg20[%dma_wait3A_1625, %dma_wait3A_1626] : memref<32x256xf32, #tpu.memory_space<vmem>> -> memref<32x128xf32, #tpu.memory_space<vmem>>
      %dma_wait3A_1628 = arith.constant 0 : i32
      %dma_wait3A_1629 = arith.constant 0 : i32
      %dma_wait3A_1630 = tpu.memref_slice %arg5[%dma_wait3A_1628, %dma_wait3A_1629] : memref<32x1000000xf32, #tpu.memory_space<hbm>> -> memref<32x128xf32, #tpu.memory_space<hbm>>
      tpu.wait_dma2 semaphore(%arg29 : memref<!tpu.dma_semaphore, #tpu.memory_space<semaphore_mem>>) src(%dma_wait3A_1630 : memref<32x128xf32, #tpu.memory_space<hbm>>) dst(%dma_wait3A_1627 : memref<32x128xf32, #tpu.memory_space<vmem>>)
      %slice3A_1631 = vector.extract_strided_slice %get3A_250 {offsets = [7], sizes = [1], strides = [1]} : vector<16xi32> to vector<1xi32>
      %squeeze3A_1632 = vector.extract %slice3A_1631[0] : i32 from vector<1xi32>
      %slice3A_1633 = vector.extract_strided_slice %get3A_254 {offsets = [7], sizes = [1], strides = [1]} : vector<16xi32> to vector<1xi32>
      %squeeze3A_1634 = vector.extract %slice3A_1633[0] : i32 from vector<1xi32>
      %slice3A_1635 = vector.extract_strided_slice %get3A_252 {offsets = [7], sizes = [1], strides = [1]} : vector<16xi32> to vector<1xi32>
      %squeeze3A_1636 = vector.extract %slice3A_1635[0] : i32 from vector<1xi32>
      %slice3A_1637 = vector.extract_strided_slice %get3A_254 {offsets = [7], sizes = [1], strides = [1]} : vector<16xi32> to vector<1xi32>
      %squeeze3A_1638 = vector.extract %slice3A_1637[0] : i32 from vector<1xi32>
      %and3A_1639 = arith.constant 127 : i32
      %and3A_1640 = arith.andi %squeeze3A_1632, %and3A_1639 : i32
      %broadcast_in_dim3A_1641 = vector.broadcast %and3A_1640 : i32 to vector<16xi32>
      %add3A_1642 = arith.constant 0 : i32
      %add3A_1643 = vector.broadcast %add3A_1642 : i32 to vector<16xi32>
      %add3A_1644 = arith.addi %broadcast_in_dim3A_1641, %add3A_1643 : vector<16xi32>
      %gather3A_1645 = tpu.vector_load_idx %arg19[%iota3A, %add3A_1644] : memref<32x256xf32, #tpu.memory_space<vmem>>[vector<16xi32>, vector<16xi32>], vector<16xf32>,
      %add3A_1646 = arith.constant 16 : i32
      %add3A_1647 = vector.broadcast %add3A_1646 : i32 to vector<16xi32>
      %add3A_1648 = arith.addi %iota3A, %add3A_1647 : vector<16xi32>
      %gather3A_1649 = tpu.vector_load_idx %arg19[%add3A_1648, %add3A_1644] : memref<32x256xf32, #tpu.memory_space<vmem>>[vector<16xi32>, vector<16xi32>], vector<16xf32>,
      %and3A_1650 = arith.constant 127 : i32
      %and3A_1651 = arith.andi %squeeze3A_1634, %and3A_1650 : i32
      %broadcast_in_dim3A_1652 = vector.broadcast %and3A_1651 : i32 to vector<16xi32>
      %add3A_1653 = arith.constant 128 : i32
      %add3A_1654 = vector.broadcast %add3A_1653 : i32 to vector<16xi32>
      %add3A_1655 = arith.addi %broadcast_in_dim3A_1652, %add3A_1654 : vector<16xi32>
      %gather3A_1656 = tpu.vector_load_idx %arg19[%iota3A, %add3A_1655] : memref<32x256xf32, #tpu.memory_space<vmem>>[vector<16xi32>, vector<16xi32>], vector<16xf32>,
      %add3A_1657 = arith.constant 16 : i32
      %add3A_1658 = vector.broadcast %add3A_1657 : i32 to vector<16xi32>
      %add3A_1659 = arith.addi %iota3A, %add3A_1658 : vector<16xi32>
      %gather3A_1660 = tpu.vector_load_idx %arg19[%add3A_1659, %add3A_1655] : memref<32x256xf32, #tpu.memory_space<vmem>>[vector<16xi32>, vector<16xi32>], vector<16xf32>,
      %and3A_1661 = arith.constant 127 : i32
      %and3A_1662 = arith.andi %squeeze3A_1636, %and3A_1661 : i32
      %broadcast_in_dim3A_1663 = vector.broadcast %and3A_1662 : i32 to vector<16xi32>
      %add3A_1664 = arith.constant 0 : i32
      %add3A_1665 = vector.broadcast %add3A_1664 : i32 to vector<16xi32>
      %add3A_1666 = arith.addi %broadcast_in_dim3A_1663, %add3A_1665 : vector<16xi32>
      %gather3A_1667 = tpu.vector_load_idx %arg20[%iota3A, %add3A_1666] : memref<32x256xf32, #tpu.memory_space<vmem>>[vector<16xi32>, vector<16xi32>], vector<16xf32>,
      %add3A_1668 = arith.constant 16 : i32
      %add3A_1669 = vector.broadcast %add3A_1668 : i32 to vector<16xi32>
      %add3A_1670 = arith.addi %iota3A, %add3A_1669 : vector<16xi32>
      %gather3A_1671 = tpu.vector_load_idx %arg20[%add3A_1670, %add3A_1666] : memref<32x256xf32, #tpu.memory_space<vmem>>[vector<16xi32>, vector<16xi32>], vector<16xf32>,
      %and3A_1672 = arith.constant 127 : i32
      %and3A_1673 = arith.andi %squeeze3A_1638, %and3A_1672 : i32
      %broadcast_in_dim3A_1674 = vector.broadcast %and3A_1673 : i32 to vector<16xi32>
      %add3A_1675 = arith.constant 128 : i32
      %add3A_1676 = vector.broadcast %add3A_1675 : i32 to vector<16xi32>
      %add3A_1677 = arith.addi %broadcast_in_dim3A_1674, %add3A_1676 : vector<16xi32>
      %gather3A_1678 = tpu.vector_load_idx %arg20[%iota3A, %add3A_1677] : memref<32x256xf32, #tpu.memory_space<vmem>>[vector<16xi32>, vector<16xi32>], vector<16xf32>,
      %add3A_1679 = arith.constant 16 : i32
      %add3A_1680 = vector.broadcast %add3A_1679 : i32 to vector<16xi32>
      %add3A_1681 = arith.addi %iota3A, %add3A_1680 : vector<16xi32>
      %gather3A_1682 = tpu.vector_load_idx %arg20[%add3A_1681, %add3A_1677] : memref<32x256xf32, #tpu.memory_space<vmem>>[vector<16xi32>, vector<16xi32>], vector<16xf32>,
      %mul3A_1683 = arith.mulf %gather3A_1645, %gather3A_1656 : vector<16xf32>
      %mul3A_1684 = arith.mulf %gather3A_1649, %gather3A_1660 : vector<16xf32>
      %add3A_1685 = arith.addf %mul3A_1683, %mul3A_1684 : vector<16xf32>
      %mul3A_1686 = arith.mulf %gather3A_1667, %gather3A_1678 : vector<16xf32>
      %add3A_1687 = arith.addf %add3A_1685, %mul3A_1686 : vector<16xf32>
      %mul3A_1688 = arith.mulf %gather3A_1671, %gather3A_1682 : vector<16xf32>
      %add3A_1689 = arith.addf %add3A_1687, %mul3A_1688 : vector<16xf32>
      %reduce_sum3A_1690 = arith.constant true
      %reduce_sum3A_1691 = vector.broadcast %reduce_sum3A_1690 : i1 to vector<16xi1>
      %reduce_sum3A_1692 = tpu.scan <sum>, %add3A_1689 masked %reduce_sum3A_1691 : vector<16xf32>, vector<16xi1> -> vector<16xf32>
      %reduce_sum3A_1693 = vector.extract %reduce_sum3A_1692[15] : f32 from vector<16xf32>
      %eq3A_1694 = arith.constant 7 : i32
      %eq3A_1695 = vector.broadcast %eq3A_1694 : i32 to vector<16xi32>
      %eq3A_1696 = arith.cmpi eq, %iota3A, %eq3A_1695 : vector<16xi32>
      %broadcast_in_dim3A_1697 = vector.broadcast %reduce_sum3A_1693 : f32 to vector<16xf32>
      %select_n3A_1698 = arith.select %eq3A_1696, %broadcast_in_dim3A_1697, %select_n3A_1514 : vector<16xi1>, vector<16xf32>
      %slice3A_1699 = vector.extract_strided_slice %get3A_250 {offsets = [11], sizes = [1], strides = [1]} : vector<16xi32> to vector<1xi32>
      %squeeze3A_1700 = vector.extract %slice3A_1699[0] : i32 from vector<1xi32>
      %slice3A_1701 = vector.extract_strided_slice %get3A_254 {offsets = [11], sizes = [1], strides = [1]} : vector<16xi32> to vector<1xi32>
      %squeeze3A_1702 = vector.extract %slice3A_1701[0] : i32 from vector<1xi32>
      %shift_right_arithmetic3A_1703 = arith.constant 7 : i32
      %shift_right_arithmetic3A_1704 = arith.shrsi %squeeze3A_1700, %shift_right_arithmetic3A_1703 : i32
      %mul3A_1705 = arith.constant 128 : i32
      %mul3A_1706 = arith.muli %shift_right_arithmetic3A_1704, %mul3A_1705 : i32
      %multiple_of3A_1707 = tpu.assume_multiple %mul3A_1706, 128 : i32
      %dma_start3A_1708 = arith.constant 0 : i32
      %dma_start3A_1709 = arith.constant 0 : i32
      %dma_start3A_1710 = tpu.memref_slice %arg19[%dma_start3A_1708, %dma_start3A_1709] : memref<32x256xf32, #tpu.memory_space<vmem>> -> memref<32x128xf32, #tpu.memory_space<vmem>>
      %dma_start3A_1711 = arith.constant 0 : i32
      %dma_start3A_1712 = tpu.memref_slice %arg5[%dma_start3A_1711, %multiple_of3A_1707] : memref<32x1000000xf32, #tpu.memory_space<hbm>> -> memref<32x128xf32, #tpu.memory_space<hbm>>
      %dma_start3A_1713 = arith.constant 0 : i32
      %dma_start3A_1714 = arith.constant 0 : i32
      %dma_start3A_1715 = tpu.memref_slice %arg19[%dma_start3A_1713, %dma_start3A_1714] : memref<32x256xf32, #tpu.memory_space<vmem>> -> memref<32x128xf32, #tpu.memory_space<vmem>>
      %dma_start3A_1716 = arith.constant 0 : i32
      %dma_start3A_1717 = tpu.memref_slice %arg5[%dma_start3A_1716, %multiple_of3A_1707] : memref<32x1000000xf32, #tpu.memory_space<hbm>> -> memref<32x128xf32, #tpu.memory_space<hbm>>
      tpu.enqueue_dma source(%dma_start3A_1717 : memref<32x128xf32, #tpu.memory_space<hbm>>) target(%dma_start3A_1715 : memref<32x128xf32, #tpu.memory_space<vmem>>) target_semaphore(%arg28 : memref<!tpu.dma_semaphore, #tpu.memory_space<semaphore_mem>>)
      %shift_right_arithmetic3A_1718 = arith.constant 7 : i32
      %shift_right_arithmetic3A_1719 = arith.shrsi %squeeze3A_1702, %shift_right_arithmetic3A_1718 : i32
      %mul3A_1720 = arith.constant 128 : i32
      %mul3A_1721 = arith.muli %shift_right_arithmetic3A_1719, %mul3A_1720 : i32
      %multiple_of3A_1722 = tpu.assume_multiple %mul3A_1721, 128 : i32
      %dma_start3A_1723 = arith.constant 0 : i32
      %dma_start3A_1724 = arith.constant 128 : i32
      %dma_start3A_1725 = tpu.memref_slice %arg19[%dma_start3A_1723, %dma_start3A_1724] : memref<32x256xf32, #tpu.memory_space<vmem>> -> memref<32x128xf32, #tpu.memory_space<vmem>>
      %dma_start3A_1726 = arith.constant 0 : i32
      %dma_start3A_1727 = tpu.memref_slice %arg6[%dma_start3A_1726, %multiple_of3A_1722] : memref<32x1000000xf32, #tpu.memory_space<hbm>> -> memref<32x128xf32, #tpu.memory_space<hbm>>
      %dma_start3A_1728 = arith.constant 0 : i32
      %dma_start3A_1729 = arith.constant 128 : i32
      %dma_start3A_1730 = tpu.memref_slice %arg19[%dma_start3A_1728, %dma_start3A_1729] : memref<32x256xf32, #tpu.memory_space<vmem>> -> memref<32x128xf32, #tpu.memory_space<vmem>>
      %dma_start3A_1731 = arith.constant 0 : i32
      %dma_start3A_1732 = tpu.memref_slice %arg6[%dma_start3A_1731, %multiple_of3A_1722] : memref<32x1000000xf32, #tpu.memory_space<hbm>> -> memref<32x128xf32, #tpu.memory_space<hbm>>
      tpu.enqueue_dma source(%dma_start3A_1732 : memref<32x128xf32, #tpu.memory_space<hbm>>) target(%dma_start3A_1730 : memref<32x128xf32, #tpu.memory_space<vmem>>) target_semaphore(%arg28 : memref<!tpu.dma_semaphore, #tpu.memory_space<semaphore_mem>>)
      %dma_wait3A_1733 = arith.constant 0 : i32
      %dma_wait3A_1734 = arith.constant 0 : i32
      %dma_wait3A_1735 = tpu.memref_slice %arg13[%dma_wait3A_1733, %dma_wait3A_1734] : memref<32x256xf32, #tpu.memory_space<vmem>> -> memref<32x128xf32, #tpu.memory_space<vmem>>
      %dma_wait3A_1736 = arith.constant 0 : i32
      %dma_wait3A_1737 = arith.constant 0 : i32
      %dma_wait3A_1738 = tpu.memref_slice %arg5[%dma_wait3A_1736, %dma_wait3A_1737] : memref<32x1000000xf32, #tpu.memory_space<hbm>> -> memref<32x128xf32, #tpu.memory_space<hbm>>
      %dma_wait3A_1739 = arith.constant 0 : i32
      %dma_wait3A_1740 = arith.constant 0 : i32
      %dma_wait3A_1741 = tpu.memref_slice %arg13[%dma_wait3A_1739, %dma_wait3A_1740] : memref<32x256xf32, #tpu.memory_space<vmem>> -> memref<32x128xf32, #tpu.memory_space<vmem>>
      %dma_wait3A_1742 = arith.constant 0 : i32
      %dma_wait3A_1743 = arith.constant 0 : i32
      %dma_wait3A_1744 = tpu.memref_slice %arg5[%dma_wait3A_1742, %dma_wait3A_1743] : memref<32x1000000xf32, #tpu.memory_space<hbm>> -> memref<32x128xf32, #tpu.memory_space<hbm>>
      tpu.wait_dma2 semaphore(%arg22 : memref<!tpu.dma_semaphore, #tpu.memory_space<semaphore_mem>>) src(%dma_wait3A_1744 : memref<32x128xf32, #tpu.memory_space<hbm>>) dst(%dma_wait3A_1741 : memref<32x128xf32, #tpu.memory_space<vmem>>)
      %dma_wait3A_1745 = arith.constant 0 : i32
      %dma_wait3A_1746 = arith.constant 128 : i32
      %dma_wait3A_1747 = tpu.memref_slice %arg13[%dma_wait3A_1745, %dma_wait3A_1746] : memref<32x256xf32, #tpu.memory_space<vmem>> -> memref<32x128xf32, #tpu.memory_space<vmem>>
      %dma_wait3A_1748 = arith.constant 0 : i32
      %dma_wait3A_1749 = arith.constant 0 : i32
      %dma_wait3A_1750 = tpu.memref_slice %arg5[%dma_wait3A_1748, %dma_wait3A_1749] : memref<32x1000000xf32, #tpu.memory_space<hbm>> -> memref<32x128xf32, #tpu.memory_space<hbm>>
      %dma_wait3A_1751 = arith.constant 0 : i32
      %dma_wait3A_1752 = arith.constant 128 : i32
      %dma_wait3A_1753 = tpu.memref_slice %arg13[%dma_wait3A_1751, %dma_wait3A_1752] : memref<32x256xf32, #tpu.memory_space<vmem>> -> memref<32x128xf32, #tpu.memory_space<vmem>>
      %dma_wait3A_1754 = arith.constant 0 : i32
      %dma_wait3A_1755 = arith.constant 0 : i32
      %dma_wait3A_1756 = tpu.memref_slice %arg5[%dma_wait3A_1754, %dma_wait3A_1755] : memref<32x1000000xf32, #tpu.memory_space<hbm>> -> memref<32x128xf32, #tpu.memory_space<hbm>>
      tpu.wait_dma2 semaphore(%arg22 : memref<!tpu.dma_semaphore, #tpu.memory_space<semaphore_mem>>) src(%dma_wait3A_1756 : memref<32x128xf32, #tpu.memory_space<hbm>>) dst(%dma_wait3A_1753 : memref<32x128xf32, #tpu.memory_space<vmem>>)
      %slice3A_1757 = vector.extract_strided_slice %get3A_252 {offsets = [11], sizes = [1], strides = [1]} : vector<16xi32> to vector<1xi32>
      %squeeze3A_1758 = vector.extract %slice3A_1757[0] : i32 from vector<1xi32>
      %slice3A_1759 = vector.extract_strided_slice %get3A_254 {offsets = [11], sizes = [1], strides = [1]} : vector<16xi32> to vector<1xi32>
      %squeeze3A_1760 = vector.extract %slice3A_1759[0] : i32 from vector<1xi32>
      %shift_right_arithmetic3A_1761 = arith.constant 7 : i32
      %shift_right_arithmetic3A_1762 = arith.shrsi %squeeze3A_1758, %shift_right_arithmetic3A_1761 : i32
      %mul3A_1763 = arith.constant 128 : i32
      %mul3A_1764 = arith.muli %shift_right_arithmetic3A_1762, %mul3A_1763 : i32
      %multiple_of3A_1765 = tpu.assume_multiple %mul3A_1764, 128 : i32
      %dma_start3A_1766 = arith.constant 0 : i32
      %dma_start3A_1767 = arith.constant 0 : i32
      %dma_start3A_1768 = tpu.memref_slice %arg20[%dma_start3A_1766, %dma_start3A_1767] : memref<32x256xf32, #tpu.memory_space<vmem>> -> memref<32x128xf32, #tpu.memory_space<vmem>>
      %dma_start3A_1769 = arith.constant 0 : i32
      %dma_start3A_1770 = tpu.memref_slice %arg7[%dma_start3A_1769, %multiple_of3A_1765] : memref<32x1000000xf32, #tpu.memory_space<hbm>> -> memref<32x128xf32, #tpu.memory_space<hbm>>
      %dma_start3A_1771 = arith.constant 0 : i32
      %dma_start3A_1772 = arith.constant 0 : i32
      %dma_start3A_1773 = tpu.memref_slice %arg20[%dma_start3A_1771, %dma_start3A_1772] : memref<32x256xf32, #tpu.memory_space<vmem>> -> memref<32x128xf32, #tpu.memory_space<vmem>>
      %dma_start3A_1774 = arith.constant 0 : i32
      %dma_start3A_1775 = tpu.memref_slice %arg7[%dma_start3A_1774, %multiple_of3A_1765] : memref<32x1000000xf32, #tpu.memory_space<hbm>> -> memref<32x128xf32, #tpu.memory_space<hbm>>
      tpu.enqueue_dma source(%dma_start3A_1775 : memref<32x128xf32, #tpu.memory_space<hbm>>) target(%dma_start3A_1773 : memref<32x128xf32, #tpu.memory_space<vmem>>) target_semaphore(%arg29 : memref<!tpu.dma_semaphore, #tpu.memory_space<semaphore_mem>>)
      %shift_right_arithmetic3A_1776 = arith.constant 7 : i32
      %shift_right_arithmetic3A_1777 = arith.shrsi %squeeze3A_1760, %shift_right_arithmetic3A_1776 : i32
      %mul3A_1778 = arith.constant 128 : i32
      %mul3A_1779 = arith.muli %shift_right_arithmetic3A_1777, %mul3A_1778 : i32
      %multiple_of3A_1780 = tpu.assume_multiple %mul3A_1779, 128 : i32
      %dma_start3A_1781 = arith.constant 0 : i32
      %dma_start3A_1782 = arith.constant 128 : i32
      %dma_start3A_1783 = tpu.memref_slice %arg20[%dma_start3A_1781, %dma_start3A_1782] : memref<32x256xf32, #tpu.memory_space<vmem>> -> memref<32x128xf32, #tpu.memory_space<vmem>>
      %dma_start3A_1784 = arith.constant 0 : i32
      %dma_start3A_1785 = tpu.memref_slice %arg8[%dma_start3A_1784, %multiple_of3A_1780] : memref<32x1000000xf32, #tpu.memory_space<hbm>> -> memref<32x128xf32, #tpu.memory_space<hbm>>
      %dma_start3A_1786 = arith.constant 0 : i32
      %dma_start3A_1787 = arith.constant 128 : i32
      %dma_start3A_1788 = tpu.memref_slice %arg20[%dma_start3A_1786, %dma_start3A_1787] : memref<32x256xf32, #tpu.memory_space<vmem>> -> memref<32x128xf32, #tpu.memory_space<vmem>>
      %dma_start3A_1789 = arith.constant 0 : i32
      %dma_start3A_1790 = tpu.memref_slice %arg8[%dma_start3A_1789, %multiple_of3A_1780] : memref<32x1000000xf32, #tpu.memory_space<hbm>> -> memref<32x128xf32, #tpu.memory_space<hbm>>
      tpu.enqueue_dma source(%dma_start3A_1790 : memref<32x128xf32, #tpu.memory_space<hbm>>) target(%dma_start3A_1788 : memref<32x128xf32, #tpu.memory_space<vmem>>) target_semaphore(%arg29 : memref<!tpu.dma_semaphore, #tpu.memory_space<semaphore_mem>>)
      %dma_wait3A_1791 = arith.constant 0 : i32
      %dma_wait3A_1792 = arith.constant 0 : i32
      %dma_wait3A_1793 = tpu.memref_slice %arg14[%dma_wait3A_1791, %dma_wait3A_1792] : memref<32x256xf32, #tpu.memory_space<vmem>> -> memref<32x128xf32, #tpu.memory_space<vmem>>
      %dma_wait3A_1794 = arith.constant 0 : i32
      %dma_wait3A_1795 = arith.constant 0 : i32
      %dma_wait3A_1796 = tpu.memref_slice %arg5[%dma_wait3A_1794, %dma_wait3A_1795] : memref<32x1000000xf32, #tpu.memory_space<hbm>> -> memref<32x128xf32, #tpu.memory_space<hbm>>
      %dma_wait3A_1797 = arith.constant 0 : i32
      %dma_wait3A_1798 = arith.constant 0 : i32
      %dma_wait3A_1799 = tpu.memref_slice %arg14[%dma_wait3A_1797, %dma_wait3A_1798] : memref<32x256xf32, #tpu.memory_space<vmem>> -> memref<32x128xf32, #tpu.memory_space<vmem>>
      %dma_wait3A_1800 = arith.constant 0 : i32
      %dma_wait3A_1801 = arith.constant 0 : i32
      %dma_wait3A_1802 = tpu.memref_slice %arg5[%dma_wait3A_1800, %dma_wait3A_1801] : memref<32x1000000xf32, #tpu.memory_space<hbm>> -> memref<32x128xf32, #tpu.memory_space<hbm>>
      tpu.wait_dma2 semaphore(%arg23 : memref<!tpu.dma_semaphore, #tpu.memory_space<semaphore_mem>>) src(%dma_wait3A_1802 : memref<32x128xf32, #tpu.memory_space<hbm>>) dst(%dma_wait3A_1799 : memref<32x128xf32, #tpu.memory_space<vmem>>)
      %dma_wait3A_1803 = arith.constant 0 : i32
      %dma_wait3A_1804 = arith.constant 128 : i32
      %dma_wait3A_1805 = tpu.memref_slice %arg14[%dma_wait3A_1803, %dma_wait3A_1804] : memref<32x256xf32, #tpu.memory_space<vmem>> -> memref<32x128xf32, #tpu.memory_space<vmem>>
      %dma_wait3A_1806 = arith.constant 0 : i32
      %dma_wait3A_1807 = arith.constant 0 : i32
      %dma_wait3A_1808 = tpu.memref_slice %arg5[%dma_wait3A_1806, %dma_wait3A_1807] : memref<32x1000000xf32, #tpu.memory_space<hbm>> -> memref<32x128xf32, #tpu.memory_space<hbm>>
      %dma_wait3A_1809 = arith.constant 0 : i32
      %dma_wait3A_1810 = arith.constant 128 : i32
      %dma_wait3A_1811 = tpu.memref_slice %arg14[%dma_wait3A_1809, %dma_wait3A_1810] : memref<32x256xf32, #tpu.memory_space<vmem>> -> memref<32x128xf32, #tpu.memory_space<vmem>>
      %dma_wait3A_1812 = arith.constant 0 : i32
      %dma_wait3A_1813 = arith.constant 0 : i32
      %dma_wait3A_1814 = tpu.memref_slice %arg5[%dma_wait3A_1812, %dma_wait3A_1813] : memref<32x1000000xf32, #tpu.memory_space<hbm>> -> memref<32x128xf32, #tpu.memory_space<hbm>>
      tpu.wait_dma2 semaphore(%arg23 : memref<!tpu.dma_semaphore, #tpu.memory_space<semaphore_mem>>) src(%dma_wait3A_1814 : memref<32x128xf32, #tpu.memory_space<hbm>>) dst(%dma_wait3A_1811 : memref<32x128xf32, #tpu.memory_space<vmem>>)
      %slice3A_1815 = vector.extract_strided_slice %get3A_250 {offsets = [8], sizes = [1], strides = [1]} : vector<16xi32> to vector<1xi32>
      %squeeze3A_1816 = vector.extract %slice3A_1815[0] : i32 from vector<1xi32>
      %slice3A_1817 = vector.extract_strided_slice %get3A_254 {offsets = [8], sizes = [1], strides = [1]} : vector<16xi32> to vector<1xi32>
      %squeeze3A_1818 = vector.extract %slice3A_1817[0] : i32 from vector<1xi32>
      %slice3A_1819 = vector.extract_strided_slice %get3A_252 {offsets = [8], sizes = [1], strides = [1]} : vector<16xi32> to vector<1xi32>
      %squeeze3A_1820 = vector.extract %slice3A_1819[0] : i32 from vector<1xi32>
      %slice3A_1821 = vector.extract_strided_slice %get3A_254 {offsets = [8], sizes = [1], strides = [1]} : vector<16xi32> to vector<1xi32>
      %squeeze3A_1822 = vector.extract %slice3A_1821[0] : i32 from vector<1xi32>
      %and3A_1823 = arith.constant 127 : i32
      %and3A_1824 = arith.andi %squeeze3A_1816, %and3A_1823 : i32
      %broadcast_in_dim3A_1825 = vector.broadcast %and3A_1824 : i32 to vector<16xi32>
      %add3A_1826 = arith.constant 0 : i32
      %add3A_1827 = vector.broadcast %add3A_1826 : i32 to vector<16xi32>
      %add3A_1828 = arith.addi %broadcast_in_dim3A_1825, %add3A_1827 : vector<16xi32>
      %gather3A_1829 = tpu.vector_load_idx %arg13[%iota3A, %add3A_1828] : memref<32x256xf32, #tpu.memory_space<vmem>>[vector<16xi32>, vector<16xi32>], vector<16xf32>,
      %add3A_1830 = arith.constant 16 : i32
      %add3A_1831 = vector.broadcast %add3A_1830 : i32 to vector<16xi32>
      %add3A_1832 = arith.addi %iota3A, %add3A_1831 : vector<16xi32>
      %gather3A_1833 = tpu.vector_load_idx %arg13[%add3A_1832, %add3A_1828] : memref<32x256xf32, #tpu.memory_space<vmem>>[vector<16xi32>, vector<16xi32>], vector<16xf32>,
      %and3A_1834 = arith.constant 127 : i32
      %and3A_1835 = arith.andi %squeeze3A_1818, %and3A_1834 : i32
      %broadcast_in_dim3A_1836 = vector.broadcast %and3A_1835 : i32 to vector<16xi32>
      %add3A_1837 = arith.constant 128 : i32
      %add3A_1838 = vector.broadcast %add3A_1837 : i32 to vector<16xi32>
      %add3A_1839 = arith.addi %broadcast_in_dim3A_1836, %add3A_1838 : vector<16xi32>
      %gather3A_1840 = tpu.vector_load_idx %arg13[%iota3A, %add3A_1839] : memref<32x256xf32, #tpu.memory_space<vmem>>[vector<16xi32>, vector<16xi32>], vector<16xf32>,
      %add3A_1841 = arith.constant 16 : i32
      %add3A_1842 = vector.broadcast %add3A_1841 : i32 to vector<16xi32>
      %add3A_1843 = arith.addi %iota3A, %add3A_1842 : vector<16xi32>
      %gather3A_1844 = tpu.vector_load_idx %arg13[%add3A_1843, %add3A_1839] : memref<32x256xf32, #tpu.memory_space<vmem>>[vector<16xi32>, vector<16xi32>], vector<16xf32>,
      %and3A_1845 = arith.constant 127 : i32
      %and3A_1846 = arith.andi %squeeze3A_1820, %and3A_1845 : i32
      %broadcast_in_dim3A_1847 = vector.broadcast %and3A_1846 : i32 to vector<16xi32>
      %add3A_1848 = arith.constant 0 : i32
      %add3A_1849 = vector.broadcast %add3A_1848 : i32 to vector<16xi32>
      %add3A_1850 = arith.addi %broadcast_in_dim3A_1847, %add3A_1849 : vector<16xi32>
      %gather3A_1851 = tpu.vector_load_idx %arg14[%iota3A, %add3A_1850] : memref<32x256xf32, #tpu.memory_space<vmem>>[vector<16xi32>, vector<16xi32>], vector<16xf32>,
      %add3A_1852 = arith.constant 16 : i32
      %add3A_1853 = vector.broadcast %add3A_1852 : i32 to vector<16xi32>
      %add3A_1854 = arith.addi %iota3A, %add3A_1853 : vector<16xi32>
      %gather3A_1855 = tpu.vector_load_idx %arg14[%add3A_1854, %add3A_1850] : memref<32x256xf32, #tpu.memory_space<vmem>>[vector<16xi32>, vector<16xi32>], vector<16xf32>,
      %and3A_1856 = arith.constant 127 : i32
      %and3A_1857 = arith.andi %squeeze3A_1822, %and3A_1856 : i32
      %broadcast_in_dim3A_1858 = vector.broadcast %and3A_1857 : i32 to vector<16xi32>
      %add3A_1859 = arith.constant 128 : i32
      %add3A_1860 = vector.broadcast %add3A_1859 : i32 to vector<16xi32>
      %add3A_1861 = arith.addi %broadcast_in_dim3A_1858, %add3A_1860 : vector<16xi32>
      %gather3A_1862 = tpu.vector_load_idx %arg14[%iota3A, %add3A_1861] : memref<32x256xf32, #tpu.memory_space<vmem>>[vector<16xi32>, vector<16xi32>], vector<16xf32>,
      %add3A_1863 = arith.constant 16 : i32
      %add3A_1864 = vector.broadcast %add3A_1863 : i32 to vector<16xi32>
      %add3A_1865 = arith.addi %iota3A, %add3A_1864 : vector<16xi32>
      %gather3A_1866 = tpu.vector_load_idx %arg14[%add3A_1865, %add3A_1861] : memref<32x256xf32, #tpu.memory_space<vmem>>[vector<16xi32>, vector<16xi32>], vector<16xf32>,
      %mul3A_1867 = arith.mulf %gather3A_1829, %gather3A_1840 : vector<16xf32>
      %mul3A_1868 = arith.mulf %gather3A_1833, %gather3A_1844 : vector<16xf32>
      %add3A_1869 = arith.addf %mul3A_1867, %mul3A_1868 : vector<16xf32>
      %mul3A_1870 = arith.mulf %gather3A_1851, %gather3A_1862 : vector<16xf32>
      %add3A_1871 = arith.addf %add3A_1869, %mul3A_1870 : vector<16xf32>
      %mul3A_1872 = arith.mulf %gather3A_1855, %gather3A_1866 : vector<16xf32>
      %add3A_1873 = arith.addf %add3A_1871, %mul3A_1872 : vector<16xf32>
      %reduce_sum3A_1874 = arith.constant true
      %reduce_sum3A_1875 = vector.broadcast %reduce_sum3A_1874 : i1 to vector<16xi1>
      %reduce_sum3A_1876 = tpu.scan <sum>, %add3A_1873 masked %reduce_sum3A_1875 : vector<16xf32>, vector<16xi1> -> vector<16xf32>
      %reduce_sum3A_1877 = vector.extract %reduce_sum3A_1876[15] : f32 from vector<16xf32>
      %eq3A_1878 = arith.constant 8 : i32
      %eq3A_1879 = vector.broadcast %eq3A_1878 : i32 to vector<16xi32>
      %eq3A_1880 = arith.cmpi eq, %iota3A, %eq3A_1879 : vector<16xi32>
      %broadcast_in_dim3A_1881 = vector.broadcast %reduce_sum3A_1877 : f32 to vector<16xf32>
      %select_n3A_1882 = arith.select %eq3A_1880, %broadcast_in_dim3A_1881, %select_n3A_1698 : vector<16xi1>, vector<16xf32>
      %slice3A_1883 = vector.extract_strided_slice %get3A_250 {offsets = [12], sizes = [1], strides = [1]} : vector<16xi32> to vector<1xi32>
      %squeeze3A_1884 = vector.extract %slice3A_1883[0] : i32 from vector<1xi32>
      %slice3A_1885 = vector.extract_strided_slice %get3A_254 {offsets = [12], sizes = [1], strides = [1]} : vector<16xi32> to vector<1xi32>
      %squeeze3A_1886 = vector.extract %slice3A_1885[0] : i32 from vector<1xi32>
      %shift_right_arithmetic3A_1887 = arith.constant 7 : i32
      %shift_right_arithmetic3A_1888 = arith.shrsi %squeeze3A_1884, %shift_right_arithmetic3A_1887 : i32
      %mul3A_1889 = arith.constant 128 : i32
      %mul3A_1890 = arith.muli %shift_right_arithmetic3A_1888, %mul3A_1889 : i32
      %multiple_of3A_1891 = tpu.assume_multiple %mul3A_1890, 128 : i32
      %dma_start3A_1892 = arith.constant 0 : i32
      %dma_start3A_1893 = arith.constant 0 : i32
      %dma_start3A_1894 = tpu.memref_slice %arg13[%dma_start3A_1892, %dma_start3A_1893] : memref<32x256xf32, #tpu.memory_space<vmem>> -> memref<32x128xf32, #tpu.memory_space<vmem>>
      %dma_start3A_1895 = arith.constant 0 : i32
      %dma_start3A_1896 = tpu.memref_slice %arg5[%dma_start3A_1895, %multiple_of3A_1891] : memref<32x1000000xf32, #tpu.memory_space<hbm>> -> memref<32x128xf32, #tpu.memory_space<hbm>>
      %dma_start3A_1897 = arith.constant 0 : i32
      %dma_start3A_1898 = arith.constant 0 : i32
      %dma_start3A_1899 = tpu.memref_slice %arg13[%dma_start3A_1897, %dma_start3A_1898] : memref<32x256xf32, #tpu.memory_space<vmem>> -> memref<32x128xf32, #tpu.memory_space<vmem>>
      %dma_start3A_1900 = arith.constant 0 : i32
      %dma_start3A_1901 = tpu.memref_slice %arg5[%dma_start3A_1900, %multiple_of3A_1891] : memref<32x1000000xf32, #tpu.memory_space<hbm>> -> memref<32x128xf32, #tpu.memory_space<hbm>>
      tpu.enqueue_dma source(%dma_start3A_1901 : memref<32x128xf32, #tpu.memory_space<hbm>>) target(%dma_start3A_1899 : memref<32x128xf32, #tpu.memory_space<vmem>>) target_semaphore(%arg22 : memref<!tpu.dma_semaphore, #tpu.memory_space<semaphore_mem>>)
      %shift_right_arithmetic3A_1902 = arith.constant 7 : i32
      %shift_right_arithmetic3A_1903 = arith.shrsi %squeeze3A_1886, %shift_right_arithmetic3A_1902 : i32
      %mul3A_1904 = arith.constant 128 : i32
      %mul3A_1905 = arith.muli %shift_right_arithmetic3A_1903, %mul3A_1904 : i32
      %multiple_of3A_1906 = tpu.assume_multiple %mul3A_1905, 128 : i32
      %dma_start3A_1907 = arith.constant 0 : i32
      %dma_start3A_1908 = arith.constant 128 : i32
      %dma_start3A_1909 = tpu.memref_slice %arg13[%dma_start3A_1907, %dma_start3A_1908] : memref<32x256xf32, #tpu.memory_space<vmem>> -> memref<32x128xf32, #tpu.memory_space<vmem>>
      %dma_start3A_1910 = arith.constant 0 : i32
      %dma_start3A_1911 = tpu.memref_slice %arg6[%dma_start3A_1910, %multiple_of3A_1906] : memref<32x1000000xf32, #tpu.memory_space<hbm>> -> memref<32x128xf32, #tpu.memory_space<hbm>>
      %dma_start3A_1912 = arith.constant 0 : i32
      %dma_start3A_1913 = arith.constant 128 : i32
      %dma_start3A_1914 = tpu.memref_slice %arg13[%dma_start3A_1912, %dma_start3A_1913] : memref<32x256xf32, #tpu.memory_space<vmem>> -> memref<32x128xf32, #tpu.memory_space<vmem>>
      %dma_start3A_1915 = arith.constant 0 : i32
      %dma_start3A_1916 = tpu.memref_slice %arg6[%dma_start3A_1915, %multiple_of3A_1906] : memref<32x1000000xf32, #tpu.memory_space<hbm>> -> memref<32x128xf32, #tpu.memory_space<hbm>>
      tpu.enqueue_dma source(%dma_start3A_1916 : memref<32x128xf32, #tpu.memory_space<hbm>>) target(%dma_start3A_1914 : memref<32x128xf32, #tpu.memory_space<vmem>>) target_semaphore(%arg22 : memref<!tpu.dma_semaphore, #tpu.memory_space<semaphore_mem>>)
      %dma_wait3A_1917 = arith.constant 0 : i32
      %dma_wait3A_1918 = arith.constant 0 : i32
      %dma_wait3A_1919 = tpu.memref_slice %arg15[%dma_wait3A_1917, %dma_wait3A_1918] : memref<32x256xf32, #tpu.memory_space<vmem>> -> memref<32x128xf32, #tpu.memory_space<vmem>>
      %dma_wait3A_1920 = arith.constant 0 : i32
      %dma_wait3A_1921 = arith.constant 0 : i32
      %dma_wait3A_1922 = tpu.memref_slice %arg5[%dma_wait3A_1920, %dma_wait3A_1921] : memref<32x1000000xf32, #tpu.memory_space<hbm>> -> memref<32x128xf32, #tpu.memory_space<hbm>>
      %dma_wait3A_1923 = arith.constant 0 : i32
      %dma_wait3A_1924 = arith.constant 0 : i32
      %dma_wait3A_1925 = tpu.memref_slice %arg15[%dma_wait3A_1923, %dma_wait3A_1924] : memref<32x256xf32, #tpu.memory_space<vmem>> -> memref<32x128xf32, #tpu.memory_space<vmem>>
      %dma_wait3A_1926 = arith.constant 0 : i32
      %dma_wait3A_1927 = arith.constant 0 : i32
      %dma_wait3A_1928 = tpu.memref_slice %arg5[%dma_wait3A_1926, %dma_wait3A_1927] : memref<32x1000000xf32, #tpu.memory_space<hbm>> -> memref<32x128xf32, #tpu.memory_space<hbm>>
      tpu.wait_dma2 semaphore(%arg24 : memref<!tpu.dma_semaphore, #tpu.memory_space<semaphore_mem>>) src(%dma_wait3A_1928 : memref<32x128xf32, #tpu.memory_space<hbm>>) dst(%dma_wait3A_1925 : memref<32x128xf32, #tpu.memory_space<vmem>>)
      %dma_wait3A_1929 = arith.constant 0 : i32
      %dma_wait3A_1930 = arith.constant 128 : i32
      %dma_wait3A_1931 = tpu.memref_slice %arg15[%dma_wait3A_1929, %dma_wait3A_1930] : memref<32x256xf32, #tpu.memory_space<vmem>> -> memref<32x128xf32, #tpu.memory_space<vmem>>
      %dma_wait3A_1932 = arith.constant 0 : i32
      %dma_wait3A_1933 = arith.constant 0 : i32
      %dma_wait3A_1934 = tpu.memref_slice %arg5[%dma_wait3A_1932, %dma_wait3A_1933] : memref<32x1000000xf32, #tpu.memory_space<hbm>> -> memref<32x128xf32, #tpu.memory_space<hbm>>
      %dma_wait3A_1935 = arith.constant 0 : i32
      %dma_wait3A_1936 = arith.constant 128 : i32
      %dma_wait3A_1937 = tpu.memref_slice %arg15[%dma_wait3A_1935, %dma_wait3A_1936] : memref<32x256xf32, #tpu.memory_space<vmem>> -> memref<32x128xf32, #tpu.memory_space<vmem>>
      %dma_wait3A_1938 = arith.constant 0 : i32
      %dma_wait3A_1939 = arith.constant 0 : i32
      %dma_wait3A_1940 = tpu.memref_slice %arg5[%dma_wait3A_1938, %dma_wait3A_1939] : memref<32x1000000xf32, #tpu.memory_space<hbm>> -> memref<32x128xf32, #tpu.memory_space<hbm>>
      tpu.wait_dma2 semaphore(%arg24 : memref<!tpu.dma_semaphore, #tpu.memory_space<semaphore_mem>>) src(%dma_wait3A_1940 : memref<32x128xf32, #tpu.memory_space<hbm>>) dst(%dma_wait3A_1937 : memref<32x128xf32, #tpu.memory_space<vmem>>)
      %slice3A_1941 = vector.extract_strided_slice %get3A_252 {offsets = [12], sizes = [1], strides = [1]} : vector<16xi32> to vector<1xi32>
      %squeeze3A_1942 = vector.extract %slice3A_1941[0] : i32 from vector<1xi32>
      %slice3A_1943 = vector.extract_strided_slice %get3A_254 {offsets = [12], sizes = [1], strides = [1]} : vector<16xi32> to vector<1xi32>
      %squeeze3A_1944 = vector.extract %slice3A_1943[0] : i32 from vector<1xi32>
      %shift_right_arithmetic3A_1945 = arith.constant 7 : i32
      %shift_right_arithmetic3A_1946 = arith.shrsi %squeeze3A_1942, %shift_right_arithmetic3A_1945 : i32
      %mul3A_1947 = arith.constant 128 : i32
      %mul3A_1948 = arith.muli %shift_right_arithmetic3A_1946, %mul3A_1947 : i32
      %multiple_of3A_1949 = tpu.assume_multiple %mul3A_1948, 128 : i32
      %dma_start3A_1950 = arith.constant 0 : i32
      %dma_start3A_1951 = arith.constant 0 : i32
      %dma_start3A_1952 = tpu.memref_slice %arg14[%dma_start3A_1950, %dma_start3A_1951] : memref<32x256xf32, #tpu.memory_space<vmem>> -> memref<32x128xf32, #tpu.memory_space<vmem>>
      %dma_start3A_1953 = arith.constant 0 : i32
      %dma_start3A_1954 = tpu.memref_slice %arg7[%dma_start3A_1953, %multiple_of3A_1949] : memref<32x1000000xf32, #tpu.memory_space<hbm>> -> memref<32x128xf32, #tpu.memory_space<hbm>>
      %dma_start3A_1955 = arith.constant 0 : i32
      %dma_start3A_1956 = arith.constant 0 : i32
      %dma_start3A_1957 = tpu.memref_slice %arg14[%dma_start3A_1955, %dma_start3A_1956] : memref<32x256xf32, #tpu.memory_space<vmem>> -> memref<32x128xf32, #tpu.memory_space<vmem>>
      %dma_start3A_1958 = arith.constant 0 : i32
      %dma_start3A_1959 = tpu.memref_slice %arg7[%dma_start3A_1958, %multiple_of3A_1949] : memref<32x1000000xf32, #tpu.memory_space<hbm>> -> memref<32x128xf32, #tpu.memory_space<hbm>>
      tpu.enqueue_dma source(%dma_start3A_1959 : memref<32x128xf32, #tpu.memory_space<hbm>>) target(%dma_start3A_1957 : memref<32x128xf32, #tpu.memory_space<vmem>>) target_semaphore(%arg23 : memref<!tpu.dma_semaphore, #tpu.memory_space<semaphore_mem>>)
      %shift_right_arithmetic3A_1960 = arith.constant 7 : i32
      %shift_right_arithmetic3A_1961 = arith.shrsi %squeeze3A_1944, %shift_right_arithmetic3A_1960 : i32
      %mul3A_1962 = arith.constant 128 : i32
      %mul3A_1963 = arith.muli %shift_right_arithmetic3A_1961, %mul3A_1962 : i32
      %multiple_of3A_1964 = tpu.assume_multiple %mul3A_1963, 128 : i32
      %dma_start3A_1965 = arith.constant 0 : i32
      %dma_start3A_1966 = arith.constant 128 : i32
      %dma_start3A_1967 = tpu.memref_slice %arg14[%dma_start3A_1965, %dma_start3A_1966] : memref<32x256xf32, #tpu.memory_space<vmem>> -> memref<32x128xf32, #tpu.memory_space<vmem>>
      %dma_start3A_1968 = arith.constant 0 : i32
      %dma_start3A_1969 = tpu.memref_slice %arg8[%dma_start3A_1968, %multiple_of3A_1964] : memref<32x1000000xf32, #tpu.memory_space<hbm>> -> memref<32x128xf32, #tpu.memory_space<hbm>>
      %dma_start3A_1970 = arith.constant 0 : i32
      %dma_start3A_1971 = arith.constant 128 : i32
      %dma_start3A_1972 = tpu.memref_slice %arg14[%dma_start3A_1970, %dma_start3A_1971] : memref<32x256xf32, #tpu.memory_space<vmem>> -> memref<32x128xf32, #tpu.memory_space<vmem>>
      %dma_start3A_1973 = arith.constant 0 : i32
      %dma_start3A_1974 = tpu.memref_slice %arg8[%dma_start3A_1973, %multiple_of3A_1964] : memref<32x1000000xf32, #tpu.memory_space<hbm>> -> memref<32x128xf32, #tpu.memory_space<hbm>>
      tpu.enqueue_dma source(%dma_start3A_1974 : memref<32x128xf32, #tpu.memory_space<hbm>>) target(%dma_start3A_1972 : memref<32x128xf32, #tpu.memory_space<vmem>>) target_semaphore(%arg23 : memref<!tpu.dma_semaphore, #tpu.memory_space<semaphore_mem>>)
      %dma_wait3A_1975 = arith.constant 0 : i32
      %dma_wait3A_1976 = arith.constant 0 : i32
      %dma_wait3A_1977 = tpu.memref_slice %arg16[%dma_wait3A_1975, %dma_wait3A_1976] : memref<32x256xf32, #tpu.memory_space<vmem>> -> memref<32x128xf32, #tpu.memory_space<vmem>>
      %dma_wait3A_1978 = arith.constant 0 : i32
      %dma_wait3A_1979 = arith.constant 0 : i32
      %dma_wait3A_1980 = tpu.memref_slice %arg5[%dma_wait3A_1978, %dma_wait3A_1979] : memref<32x1000000xf32, #tpu.memory_space<hbm>> -> memref<32x128xf32, #tpu.memory_space<hbm>>
      %dma_wait3A_1981 = arith.constant 0 : i32
      %dma_wait3A_1982 = arith.constant 0 : i32
      %dma_wait3A_1983 = tpu.memref_slice %arg16[%dma_wait3A_1981, %dma_wait3A_1982] : memref<32x256xf32, #tpu.memory_space<vmem>> -> memref<32x128xf32, #tpu.memory_space<vmem>>
      %dma_wait3A_1984 = arith.constant 0 : i32
      %dma_wait3A_1985 = arith.constant 0 : i32
      %dma_wait3A_1986 = tpu.memref_slice %arg5[%dma_wait3A_1984, %dma_wait3A_1985] : memref<32x1000000xf32, #tpu.memory_space<hbm>> -> memref<32x128xf32, #tpu.memory_space<hbm>>
      tpu.wait_dma2 semaphore(%arg25 : memref<!tpu.dma_semaphore, #tpu.memory_space<semaphore_mem>>) src(%dma_wait3A_1986 : memref<32x128xf32, #tpu.memory_space<hbm>>) dst(%dma_wait3A_1983 : memref<32x128xf32, #tpu.memory_space<vmem>>)
      %dma_wait3A_1987 = arith.constant 0 : i32
      %dma_wait3A_1988 = arith.constant 128 : i32
      %dma_wait3A_1989 = tpu.memref_slice %arg16[%dma_wait3A_1987, %dma_wait3A_1988] : memref<32x256xf32, #tpu.memory_space<vmem>> -> memref<32x128xf32, #tpu.memory_space<vmem>>
      %dma_wait3A_1990 = arith.constant 0 : i32
      %dma_wait3A_1991 = arith.constant 0 : i32
      %dma_wait3A_1992 = tpu.memref_slice %arg5[%dma_wait3A_1990, %dma_wait3A_1991] : memref<32x1000000xf32, #tpu.memory_space<hbm>> -> memref<32x128xf32, #tpu.memory_space<hbm>>
      %dma_wait3A_1993 = arith.constant 0 : i32
      %dma_wait3A_1994 = arith.constant 128 : i32
      %dma_wait3A_1995 = tpu.memref_slice %arg16[%dma_wait3A_1993, %dma_wait3A_1994] : memref<32x256xf32, #tpu.memory_space<vmem>> -> memref<32x128xf32, #tpu.memory_space<vmem>>
      %dma_wait3A_1996 = arith.constant 0 : i32
      %dma_wait3A_1997 = arith.constant 0 : i32
      %dma_wait3A_1998 = tpu.memref_slice %arg5[%dma_wait3A_1996, %dma_wait3A_1997] : memref<32x1000000xf32, #tpu.memory_space<hbm>> -> memref<32x128xf32, #tpu.memory_space<hbm>>
      tpu.wait_dma2 semaphore(%arg25 : memref<!tpu.dma_semaphore, #tpu.memory_space<semaphore_mem>>) src(%dma_wait3A_1998 : memref<32x128xf32, #tpu.memory_space<hbm>>) dst(%dma_wait3A_1995 : memref<32x128xf32, #tpu.memory_space<vmem>>)
      %slice3A_1999 = vector.extract_strided_slice %get3A_250 {offsets = [9], sizes = [1], strides = [1]} : vector<16xi32> to vector<1xi32>
      %squeeze3A_2000 = vector.extract %slice3A_1999[0] : i32 from vector<1xi32>
      %slice3A_2001 = vector.extract_strided_slice %get3A_254 {offsets = [9], sizes = [1], strides = [1]} : vector<16xi32> to vector<1xi32>
      %squeeze3A_2002 = vector.extract %slice3A_2001[0] : i32 from vector<1xi32>
      %slice3A_2003 = vector.extract_strided_slice %get3A_252 {offsets = [9], sizes = [1], strides = [1]} : vector<16xi32> to vector<1xi32>
      %squeeze3A_2004 = vector.extract %slice3A_2003[0] : i32 from vector<1xi32>
      %slice3A_2005 = vector.extract_strided_slice %get3A_254 {offsets = [9], sizes = [1], strides = [1]} : vector<16xi32> to vector<1xi32>
      %squeeze3A_2006 = vector.extract %slice3A_2005[0] : i32 from vector<1xi32>
      %and3A_2007 = arith.constant 127 : i32
      %and3A_2008 = arith.andi %squeeze3A_2000, %and3A_2007 : i32
      %broadcast_in_dim3A_2009 = vector.broadcast %and3A_2008 : i32 to vector<16xi32>
      %add3A_2010 = arith.constant 0 : i32
      %add3A_2011 = vector.broadcast %add3A_2010 : i32 to vector<16xi32>
      %add3A_2012 = arith.addi %broadcast_in_dim3A_2009, %add3A_2011 : vector<16xi32>
      %gather3A_2013 = tpu.vector_load_idx %arg15[%iota3A, %add3A_2012] : memref<32x256xf32, #tpu.memory_space<vmem>>[vector<16xi32>, vector<16xi32>], vector<16xf32>,
      %add3A_2014 = arith.constant 16 : i32
      %add3A_2015 = vector.broadcast %add3A_2014 : i32 to vector<16xi32>
      %add3A_2016 = arith.addi %iota3A, %add3A_2015 : vector<16xi32>
      %gather3A_2017 = tpu.vector_load_idx %arg15[%add3A_2016, %add3A_2012] : memref<32x256xf32, #tpu.memory_space<vmem>>[vector<16xi32>, vector<16xi32>], vector<16xf32>,
      %and3A_2018 = arith.constant 127 : i32
      %and3A_2019 = arith.andi %squeeze3A_2002, %and3A_2018 : i32
      %broadcast_in_dim3A_2020 = vector.broadcast %and3A_2019 : i32 to vector<16xi32>
      %add3A_2021 = arith.constant 128 : i32
      %add3A_2022 = vector.broadcast %add3A_2021 : i32 to vector<16xi32>
      %add3A_2023 = arith.addi %broadcast_in_dim3A_2020, %add3A_2022 : vector<16xi32>
      %gather3A_2024 = tpu.vector_load_idx %arg15[%iota3A, %add3A_2023] : memref<32x256xf32, #tpu.memory_space<vmem>>[vector<16xi32>, vector<16xi32>], vector<16xf32>,
      %add3A_2025 = arith.constant 16 : i32
      %add3A_2026 = vector.broadcast %add3A_2025 : i32 to vector<16xi32>
      %add3A_2027 = arith.addi %iota3A, %add3A_2026 : vector<16xi32>
      %gather3A_2028 = tpu.vector_load_idx %arg15[%add3A_2027, %add3A_2023] : memref<32x256xf32, #tpu.memory_space<vmem>>[vector<16xi32>, vector<16xi32>], vector<16xf32>,
      %and3A_2029 = arith.constant 127 : i32
      %and3A_2030 = arith.andi %squeeze3A_2004, %and3A_2029 : i32
      %broadcast_in_dim3A_2031 = vector.broadcast %and3A_2030 : i32 to vector<16xi32>
      %add3A_2032 = arith.constant 0 : i32
      %add3A_2033 = vector.broadcast %add3A_2032 : i32 to vector<16xi32>
      %add3A_2034 = arith.addi %broadcast_in_dim3A_2031, %add3A_2033 : vector<16xi32>
      %gather3A_2035 = tpu.vector_load_idx %arg16[%iota3A, %add3A_2034] : memref<32x256xf32, #tpu.memory_space<vmem>>[vector<16xi32>, vector<16xi32>], vector<16xf32>,
      %add3A_2036 = arith.constant 16 : i32
      %add3A_2037 = vector.broadcast %add3A_2036 : i32 to vector<16xi32>
      %add3A_2038 = arith.addi %iota3A, %add3A_2037 : vector<16xi32>
      %gather3A_2039 = tpu.vector_load_idx %arg16[%add3A_2038, %add3A_2034] : memref<32x256xf32, #tpu.memory_space<vmem>>[vector<16xi32>, vector<16xi32>], vector<16xf32>,
      %and3A_2040 = arith.constant 127 : i32
      %and3A_2041 = arith.andi %squeeze3A_2006, %and3A_2040 : i32
      %broadcast_in_dim3A_2042 = vector.broadcast %and3A_2041 : i32 to vector<16xi32>
      %add3A_2043 = arith.constant 128 : i32
      %add3A_2044 = vector.broadcast %add3A_2043 : i32 to vector<16xi32>
      %add3A_2045 = arith.addi %broadcast_in_dim3A_2042, %add3A_2044 : vector<16xi32>
      %gather3A_2046 = tpu.vector_load_idx %arg16[%iota3A, %add3A_2045] : memref<32x256xf32, #tpu.memory_space<vmem>>[vector<16xi32>, vector<16xi32>], vector<16xf32>,
      %add3A_2047 = arith.constant 16 : i32
      %add3A_2048 = vector.broadcast %add3A_2047 : i32 to vector<16xi32>
      %add3A_2049 = arith.addi %iota3A, %add3A_2048 : vector<16xi32>
      %gather3A_2050 = tpu.vector_load_idx %arg16[%add3A_2049, %add3A_2045] : memref<32x256xf32, #tpu.memory_space<vmem>>[vector<16xi32>, vector<16xi32>], vector<16xf32>,
      %mul3A_2051 = arith.mulf %gather3A_2013, %gather3A_2024 : vector<16xf32>
      %mul3A_2052 = arith.mulf %gather3A_2017, %gather3A_2028 : vector<16xf32>
      %add3A_2053 = arith.addf %mul3A_2051, %mul3A_2052 : vector<16xf32>
      %mul3A_2054 = arith.mulf %gather3A_2035, %gather3A_2046 : vector<16xf32>
      %add3A_2055 = arith.addf %add3A_2053, %mul3A_2054 : vector<16xf32>
      %mul3A_2056 = arith.mulf %gather3A_2039, %gather3A_2050 : vector<16xf32>
      %add3A_2057 = arith.addf %add3A_2055, %mul3A_2056 : vector<16xf32>
      %reduce_sum3A_2058 = arith.constant true
      %reduce_sum3A_2059 = vector.broadcast %reduce_sum3A_2058 : i1 to vector<16xi1>
      %reduce_sum3A_2060 = tpu.scan <sum>, %add3A_2057 masked %reduce_sum3A_2059 : vector<16xf32>, vector<16xi1> -> vector<16xf32>
      %reduce_sum3A_2061 = vector.extract %reduce_sum3A_2060[15] : f32 from vector<16xf32>
      %eq3A_2062 = arith.constant 9 : i32
      %eq3A_2063 = vector.broadcast %eq3A_2062 : i32 to vector<16xi32>
      %eq3A_2064 = arith.cmpi eq, %iota3A, %eq3A_2063 : vector<16xi32>
      %broadcast_in_dim3A_2065 = vector.broadcast %reduce_sum3A_2061 : f32 to vector<16xf32>
      %select_n3A_2066 = arith.select %eq3A_2064, %broadcast_in_dim3A_2065, %select_n3A_1882 : vector<16xi1>, vector<16xf32>
      %slice3A_2067 = vector.extract_strided_slice %get3A_250 {offsets = [13], sizes = [1], strides = [1]} : vector<16xi32> to vector<1xi32>
      %squeeze3A_2068 = vector.extract %slice3A_2067[0] : i32 from vector<1xi32>
      %slice3A_2069 = vector.extract_strided_slice %get3A_254 {offsets = [13], sizes = [1], strides = [1]} : vector<16xi32> to vector<1xi32>
      %squeeze3A_2070 = vector.extract %slice3A_2069[0] : i32 from vector<1xi32>
      %shift_right_arithmetic3A_2071 = arith.constant 7 : i32
      %shift_right_arithmetic3A_2072 = arith.shrsi %squeeze3A_2068, %shift_right_arithmetic3A_2071 : i32
      %mul3A_2073 = arith.constant 128 : i32
      %mul3A_2074 = arith.muli %shift_right_arithmetic3A_2072, %mul3A_2073 : i32
      %multiple_of3A_2075 = tpu.assume_multiple %mul3A_2074, 128 : i32
      %dma_start3A_2076 = arith.constant 0 : i32
      %dma_start3A_2077 = arith.constant 0 : i32
      %dma_start3A_2078 = tpu.memref_slice %arg15[%dma_start3A_2076, %dma_start3A_2077] : memref<32x256xf32, #tpu.memory_space<vmem>> -> memref<32x128xf32, #tpu.memory_space<vmem>>
      %dma_start3A_2079 = arith.constant 0 : i32
      %dma_start3A_2080 = tpu.memref_slice %arg5[%dma_start3A_2079, %multiple_of3A_2075] : memref<32x1000000xf32, #tpu.memory_space<hbm>> -> memref<32x128xf32, #tpu.memory_space<hbm>>
      %dma_start3A_2081 = arith.constant 0 : i32
      %dma_start3A_2082 = arith.constant 0 : i32
      %dma_start3A_2083 = tpu.memref_slice %arg15[%dma_start3A_2081, %dma_start3A_2082] : memref<32x256xf32, #tpu.memory_space<vmem>> -> memref<32x128xf32, #tpu.memory_space<vmem>>
      %dma_start3A_2084 = arith.constant 0 : i32
      %dma_start3A_2085 = tpu.memref_slice %arg5[%dma_start3A_2084, %multiple_of3A_2075] : memref<32x1000000xf32, #tpu.memory_space<hbm>> -> memref<32x128xf32, #tpu.memory_space<hbm>>
      tpu.enqueue_dma source(%dma_start3A_2085 : memref<32x128xf32, #tpu.memory_space<hbm>>) target(%dma_start3A_2083 : memref<32x128xf32, #tpu.memory_space<vmem>>) target_semaphore(%arg24 : memref<!tpu.dma_semaphore, #tpu.memory_space<semaphore_mem>>)
      %shift_right_arithmetic3A_2086 = arith.constant 7 : i32
      %shift_right_arithmetic3A_2087 = arith.shrsi %squeeze3A_2070, %shift_right_arithmetic3A_2086 : i32
      %mul3A_2088 = arith.constant 128 : i32
      %mul3A_2089 = arith.muli %shift_right_arithmetic3A_2087, %mul3A_2088 : i32
      %multiple_of3A_2090 = tpu.assume_multiple %mul3A_2089, 128 : i32
      %dma_start3A_2091 = arith.constant 0 : i32
      %dma_start3A_2092 = arith.constant 128 : i32
      %dma_start3A_2093 = tpu.memref_slice %arg15[%dma_start3A_2091, %dma_start3A_2092] : memref<32x256xf32, #tpu.memory_space<vmem>> -> memref<32x128xf32, #tpu.memory_space<vmem>>
      %dma_start3A_2094 = arith.constant 0 : i32
      %dma_start3A_2095 = tpu.memref_slice %arg6[%dma_start3A_2094, %multiple_of3A_2090] : memref<32x1000000xf32, #tpu.memory_space<hbm>> -> memref<32x128xf32, #tpu.memory_space<hbm>>
      %dma_start3A_2096 = arith.constant 0 : i32
      %dma_start3A_2097 = arith.constant 128 : i32
      %dma_start3A_2098 = tpu.memref_slice %arg15[%dma_start3A_2096, %dma_start3A_2097] : memref<32x256xf32, #tpu.memory_space<vmem>> -> memref<32x128xf32, #tpu.memory_space<vmem>>
      %dma_start3A_2099 = arith.constant 0 : i32
      %dma_start3A_2100 = tpu.memref_slice %arg6[%dma_start3A_2099, %multiple_of3A_2090] : memref<32x1000000xf32, #tpu.memory_space<hbm>> -> memref<32x128xf32, #tpu.memory_space<hbm>>
      tpu.enqueue_dma source(%dma_start3A_2100 : memref<32x128xf32, #tpu.memory_space<hbm>>) target(%dma_start3A_2098 : memref<32x128xf32, #tpu.memory_space<vmem>>) target_semaphore(%arg24 : memref<!tpu.dma_semaphore, #tpu.memory_space<semaphore_mem>>)
      %dma_wait3A_2101 = arith.constant 0 : i32
      %dma_wait3A_2102 = arith.constant 0 : i32
      %dma_wait3A_2103 = tpu.memref_slice %arg17[%dma_wait3A_2101, %dma_wait3A_2102] : memref<32x256xf32, #tpu.memory_space<vmem>> -> memref<32x128xf32, #tpu.memory_space<vmem>>
      %dma_wait3A_2104 = arith.constant 0 : i32
      %dma_wait3A_2105 = arith.constant 0 : i32
      %dma_wait3A_2106 = tpu.memref_slice %arg5[%dma_wait3A_2104, %dma_wait3A_2105] : memref<32x1000000xf32, #tpu.memory_space<hbm>> -> memref<32x128xf32, #tpu.memory_space<hbm>>
      %dma_wait3A_2107 = arith.constant 0 : i32
      %dma_wait3A_2108 = arith.constant 0 : i32
      %dma_wait3A_2109 = tpu.memref_slice %arg17[%dma_wait3A_2107, %dma_wait3A_2108] : memref<32x256xf32, #tpu.memory_space<vmem>> -> memref<32x128xf32, #tpu.memory_space<vmem>>
      %dma_wait3A_2110 = arith.constant 0 : i32
      %dma_wait3A_2111 = arith.constant 0 : i32
      %dma_wait3A_2112 = tpu.memref_slice %arg5[%dma_wait3A_2110, %dma_wait3A_2111] : memref<32x1000000xf32, #tpu.memory_space<hbm>> -> memref<32x128xf32, #tpu.memory_space<hbm>>
      tpu.wait_dma2 semaphore(%arg26 : memref<!tpu.dma_semaphore, #tpu.memory_space<semaphore_mem>>) src(%dma_wait3A_2112 : memref<32x128xf32, #tpu.memory_space<hbm>>) dst(%dma_wait3A_2109 : memref<32x128xf32, #tpu.memory_space<vmem>>)
      %dma_wait3A_2113 = arith.constant 0 : i32
      %dma_wait3A_2114 = arith.constant 128 : i32
      %dma_wait3A_2115 = tpu.memref_slice %arg17[%dma_wait3A_2113, %dma_wait3A_2114] : memref<32x256xf32, #tpu.memory_space<vmem>> -> memref<32x128xf32, #tpu.memory_space<vmem>>
      %dma_wait3A_2116 = arith.constant 0 : i32
      %dma_wait3A_2117 = arith.constant 0 : i32
      %dma_wait3A_2118 = tpu.memref_slice %arg5[%dma_wait3A_2116, %dma_wait3A_2117] : memref<32x1000000xf32, #tpu.memory_space<hbm>> -> memref<32x128xf32, #tpu.memory_space<hbm>>
      %dma_wait3A_2119 = arith.constant 0 : i32
      %dma_wait3A_2120 = arith.constant 128 : i32
      %dma_wait3A_2121 = tpu.memref_slice %arg17[%dma_wait3A_2119, %dma_wait3A_2120] : memref<32x256xf32, #tpu.memory_space<vmem>> -> memref<32x128xf32, #tpu.memory_space<vmem>>
      %dma_wait3A_2122 = arith.constant 0 : i32
      %dma_wait3A_2123 = arith.constant 0 : i32
      %dma_wait3A_2124 = tpu.memref_slice %arg5[%dma_wait3A_2122, %dma_wait3A_2123] : memref<32x1000000xf32, #tpu.memory_space<hbm>> -> memref<32x128xf32, #tpu.memory_space<hbm>>
      tpu.wait_dma2 semaphore(%arg26 : memref<!tpu.dma_semaphore, #tpu.memory_space<semaphore_mem>>) src(%dma_wait3A_2124 : memref<32x128xf32, #tpu.memory_space<hbm>>) dst(%dma_wait3A_2121 : memref<32x128xf32, #tpu.memory_space<vmem>>)
      %slice3A_2125 = vector.extract_strided_slice %get3A_252 {offsets = [13], sizes = [1], strides = [1]} : vector<16xi32> to vector<1xi32>
      %squeeze3A_2126 = vector.extract %slice3A_2125[0] : i32 from vector<1xi32>
      %slice3A_2127 = vector.extract_strided_slice %get3A_254 {offsets = [13], sizes = [1], strides = [1]} : vector<16xi32> to vector<1xi32>
      %squeeze3A_2128 = vector.extract %slice3A_2127[0] : i32 from vector<1xi32>
      %shift_right_arithmetic3A_2129 = arith.constant 7 : i32
      %shift_right_arithmetic3A_2130 = arith.shrsi %squeeze3A_2126, %shift_right_arithmetic3A_2129 : i32
      %mul3A_2131 = arith.constant 128 : i32
      %mul3A_2132 = arith.muli %shift_right_arithmetic3A_2130, %mul3A_2131 : i32
      %multiple_of3A_2133 = tpu.assume_multiple %mul3A_2132, 128 : i32
      %dma_start3A_2134 = arith.constant 0 : i32
      %dma_start3A_2135 = arith.constant 0 : i32
      %dma_start3A_2136 = tpu.memref_slice %arg16[%dma_start3A_2134, %dma_start3A_2135] : memref<32x256xf32, #tpu.memory_space<vmem>> -> memref<32x128xf32, #tpu.memory_space<vmem>>
      %dma_start3A_2137 = arith.constant 0 : i32
      %dma_start3A_2138 = tpu.memref_slice %arg7[%dma_start3A_2137, %multiple_of3A_2133] : memref<32x1000000xf32, #tpu.memory_space<hbm>> -> memref<32x128xf32, #tpu.memory_space<hbm>>
      %dma_start3A_2139 = arith.constant 0 : i32
      %dma_start3A_2140 = arith.constant 0 : i32
      %dma_start3A_2141 = tpu.memref_slice %arg16[%dma_start3A_2139, %dma_start3A_2140] : memref<32x256xf32, #tpu.memory_space<vmem>> -> memref<32x128xf32, #tpu.memory_space<vmem>>
      %dma_start3A_2142 = arith.constant 0 : i32
      %dma_start3A_2143 = tpu.memref_slice %arg7[%dma_start3A_2142, %multiple_of3A_2133] : memref<32x1000000xf32, #tpu.memory_space<hbm>> -> memref<32x128xf32, #tpu.memory_space<hbm>>
      tpu.enqueue_dma source(%dma_start3A_2143 : memref<32x128xf32, #tpu.memory_space<hbm>>) target(%dma_start3A_2141 : memref<32x128xf32, #tpu.memory_space<vmem>>) target_semaphore(%arg25 : memref<!tpu.dma_semaphore, #tpu.memory_space<semaphore_mem>>)
      %shift_right_arithmetic3A_2144 = arith.constant 7 : i32
      %shift_right_arithmetic3A_2145 = arith.shrsi %squeeze3A_2128, %shift_right_arithmetic3A_2144 : i32
      %mul3A_2146 = arith.constant 128 : i32
      %mul3A_2147 = arith.muli %shift_right_arithmetic3A_2145, %mul3A_2146 : i32
      %multiple_of3A_2148 = tpu.assume_multiple %mul3A_2147, 128 : i32
      %dma_start3A_2149 = arith.constant 0 : i32
      %dma_start3A_2150 = arith.constant 128 : i32
      %dma_start3A_2151 = tpu.memref_slice %arg16[%dma_start3A_2149, %dma_start3A_2150] : memref<32x256xf32, #tpu.memory_space<vmem>> -> memref<32x128xf32, #tpu.memory_space<vmem>>
      %dma_start3A_2152 = arith.constant 0 : i32
      %dma_start3A_2153 = tpu.memref_slice %arg8[%dma_start3A_2152, %multiple_of3A_2148] : memref<32x1000000xf32, #tpu.memory_space<hbm>> -> memref<32x128xf32, #tpu.memory_space<hbm>>
      %dma_start3A_2154 = arith.constant 0 : i32
      %dma_start3A_2155 = arith.constant 128 : i32
      %dma_start3A_2156 = tpu.memref_slice %arg16[%dma_start3A_2154, %dma_start3A_2155] : memref<32x256xf32, #tpu.memory_space<vmem>> -> memref<32x128xf32, #tpu.memory_space<vmem>>
      %dma_start3A_2157 = arith.constant 0 : i32
      %dma_start3A_2158 = tpu.memref_slice %arg8[%dma_start3A_2157, %multiple_of3A_2148] : memref<32x1000000xf32, #tpu.memory_space<hbm>> -> memref<32x128xf32, #tpu.memory_space<hbm>>
      tpu.enqueue_dma source(%dma_start3A_2158 : memref<32x128xf32, #tpu.memory_space<hbm>>) target(%dma_start3A_2156 : memref<32x128xf32, #tpu.memory_space<vmem>>) target_semaphore(%arg25 : memref<!tpu.dma_semaphore, #tpu.memory_space<semaphore_mem>>)
      %dma_wait3A_2159 = arith.constant 0 : i32
      %dma_wait3A_2160 = arith.constant 0 : i32
      %dma_wait3A_2161 = tpu.memref_slice %arg18[%dma_wait3A_2159, %dma_wait3A_2160] : memref<32x256xf32, #tpu.memory_space<vmem>> -> memref<32x128xf32, #tpu.memory_space<vmem>>
      %dma_wait3A_2162 = arith.constant 0 : i32
      %dma_wait3A_2163 = arith.constant 0 : i32
      %dma_wait3A_2164 = tpu.memref_slice %arg5[%dma_wait3A_2162, %dma_wait3A_2163] : memref<32x1000000xf32, #tpu.memory_space<hbm>> -> memref<32x128xf32, #tpu.memory_space<hbm>>
      %dma_wait3A_2165 = arith.constant 0 : i32
      %dma_wait3A_2166 = arith.constant 0 : i32
      %dma_wait3A_2167 = tpu.memref_slice %arg18[%dma_wait3A_2165, %dma_wait3A_2166] : memref<32x256xf32, #tpu.memory_space<vmem>> -> memref<32x128xf32, #tpu.memory_space<vmem>>
      %dma_wait3A_2168 = arith.constant 0 : i32
      %dma_wait3A_2169 = arith.constant 0 : i32
      %dma_wait3A_2170 = tpu.memref_slice %arg5[%dma_wait3A_2168, %dma_wait3A_2169] : memref<32x1000000xf32, #tpu.memory_space<hbm>> -> memref<32x128xf32, #tpu.memory_space<hbm>>
      tpu.wait_dma2 semaphore(%arg27 : memref<!tpu.dma_semaphore, #tpu.memory_space<semaphore_mem>>) src(%dma_wait3A_2170 : memref<32x128xf32, #tpu.memory_space<hbm>>) dst(%dma_wait3A_2167 : memref<32x128xf32, #tpu.memory_space<vmem>>)
      %dma_wait3A_2171 = arith.constant 0 : i32
      %dma_wait3A_2172 = arith.constant 128 : i32
      %dma_wait3A_2173 = tpu.memref_slice %arg18[%dma_wait3A_2171, %dma_wait3A_2172] : memref<32x256xf32, #tpu.memory_space<vmem>> -> memref<32x128xf32, #tpu.memory_space<vmem>>
      %dma_wait3A_2174 = arith.constant 0 : i32
      %dma_wait3A_2175 = arith.constant 0 : i32
      %dma_wait3A_2176 = tpu.memref_slice %arg5[%dma_wait3A_2174, %dma_wait3A_2175] : memref<32x1000000xf32, #tpu.memory_space<hbm>> -> memref<32x128xf32, #tpu.memory_space<hbm>>
      %dma_wait3A_2177 = arith.constant 0 : i32
      %dma_wait3A_2178 = arith.constant 128 : i32
      %dma_wait3A_2179 = tpu.memref_slice %arg18[%dma_wait3A_2177, %dma_wait3A_2178] : memref<32x256xf32, #tpu.memory_space<vmem>> -> memref<32x128xf32, #tpu.memory_space<vmem>>
      %dma_wait3A_2180 = arith.constant 0 : i32
      %dma_wait3A_2181 = arith.constant 0 : i32
      %dma_wait3A_2182 = tpu.memref_slice %arg5[%dma_wait3A_2180, %dma_wait3A_2181] : memref<32x1000000xf32, #tpu.memory_space<hbm>> -> memref<32x128xf32, #tpu.memory_space<hbm>>
      tpu.wait_dma2 semaphore(%arg27 : memref<!tpu.dma_semaphore, #tpu.memory_space<semaphore_mem>>) src(%dma_wait3A_2182 : memref<32x128xf32, #tpu.memory_space<hbm>>) dst(%dma_wait3A_2179 : memref<32x128xf32, #tpu.memory_space<vmem>>)
      %slice3A_2183 = vector.extract_strided_slice %get3A_250 {offsets = [10], sizes = [1], strides = [1]} : vector<16xi32> to vector<1xi32>
      %squeeze3A_2184 = vector.extract %slice3A_2183[0] : i32 from vector<1xi32>
      %slice3A_2185 = vector.extract_strided_slice %get3A_254 {offsets = [10], sizes = [1], strides = [1]} : vector<16xi32> to vector<1xi32>
      %squeeze3A_2186 = vector.extract %slice3A_2185[0] : i32 from vector<1xi32>
      %slice3A_2187 = vector.extract_strided_slice %get3A_252 {offsets = [10], sizes = [1], strides = [1]} : vector<16xi32> to vector<1xi32>
      %squeeze3A_2188 = vector.extract %slice3A_2187[0] : i32 from vector<1xi32>
      %slice3A_2189 = vector.extract_strided_slice %get3A_254 {offsets = [10], sizes = [1], strides = [1]} : vector<16xi32> to vector<1xi32>
      %squeeze3A_2190 = vector.extract %slice3A_2189[0] : i32 from vector<1xi32>
      %and3A_2191 = arith.constant 127 : i32
      %and3A_2192 = arith.andi %squeeze3A_2184, %and3A_2191 : i32
      %broadcast_in_dim3A_2193 = vector.broadcast %and3A_2192 : i32 to vector<16xi32>
      %add3A_2194 = arith.constant 0 : i32
      %add3A_2195 = vector.broadcast %add3A_2194 : i32 to vector<16xi32>
      %add3A_2196 = arith.addi %broadcast_in_dim3A_2193, %add3A_2195 : vector<16xi32>
      %gather3A_2197 = tpu.vector_load_idx %arg17[%iota3A, %add3A_2196] : memref<32x256xf32, #tpu.memory_space<vmem>>[vector<16xi32>, vector<16xi32>], vector<16xf32>,
      %add3A_2198 = arith.constant 16 : i32
      %add3A_2199 = vector.broadcast %add3A_2198 : i32 to vector<16xi32>
      %add3A_2200 = arith.addi %iota3A, %add3A_2199 : vector<16xi32>
      %gather3A_2201 = tpu.vector_load_idx %arg17[%add3A_2200, %add3A_2196] : memref<32x256xf32, #tpu.memory_space<vmem>>[vector<16xi32>, vector<16xi32>], vector<16xf32>,
      %and3A_2202 = arith.constant 127 : i32
      %and3A_2203 = arith.andi %squeeze3A_2186, %and3A_2202 : i32
      %broadcast_in_dim3A_2204 = vector.broadcast %and3A_2203 : i32 to vector<16xi32>
      %add3A_2205 = arith.constant 128 : i32
      %add3A_2206 = vector.broadcast %add3A_2205 : i32 to vector<16xi32>
      %add3A_2207 = arith.addi %broadcast_in_dim3A_2204, %add3A_2206 : vector<16xi32>
      %gather3A_2208 = tpu.vector_load_idx %arg17[%iota3A, %add3A_2207] : memref<32x256xf32, #tpu.memory_space<vmem>>[vector<16xi32>, vector<16xi32>], vector<16xf32>,
      %add3A_2209 = arith.constant 16 : i32
      %add3A_2210 = vector.broadcast %add3A_2209 : i32 to vector<16xi32>
      %add3A_2211 = arith.addi %iota3A, %add3A_2210 : vector<16xi32>
      %gather3A_2212 = tpu.vector_load_idx %arg17[%add3A_2211, %add3A_2207] : memref<32x256xf32, #tpu.memory_space<vmem>>[vector<16xi32>, vector<16xi32>], vector<16xf32>,
      %and3A_2213 = arith.constant 127 : i32
      %and3A_2214 = arith.andi %squeeze3A_2188, %and3A_2213 : i32
      %broadcast_in_dim3A_2215 = vector.broadcast %and3A_2214 : i32 to vector<16xi32>
      %add3A_2216 = arith.constant 0 : i32
      %add3A_2217 = vector.broadcast %add3A_2216 : i32 to vector<16xi32>
      %add3A_2218 = arith.addi %broadcast_in_dim3A_2215, %add3A_2217 : vector<16xi32>
      %gather3A_2219 = tpu.vector_load_idx %arg18[%iota3A, %add3A_2218] : memref<32x256xf32, #tpu.memory_space<vmem>>[vector<16xi32>, vector<16xi32>], vector<16xf32>,
      %add3A_2220 = arith.constant 16 : i32
      %add3A_2221 = vector.broadcast %add3A_2220 : i32 to vector<16xi32>
      %add3A_2222 = arith.addi %iota3A, %add3A_2221 : vector<16xi32>
      %gather3A_2223 = tpu.vector_load_idx %arg18[%add3A_2222, %add3A_2218] : memref<32x256xf32, #tpu.memory_space<vmem>>[vector<16xi32>, vector<16xi32>], vector<16xf32>,
      %and3A_2224 = arith.constant 127 : i32
      %and3A_2225 = arith.andi %squeeze3A_2190, %and3A_2224 : i32
      %broadcast_in_dim3A_2226 = vector.broadcast %and3A_2225 : i32 to vector<16xi32>
      %add3A_2227 = arith.constant 128 : i32
      %add3A_2228 = vector.broadcast %add3A_2227 : i32 to vector<16xi32>
      %add3A_2229 = arith.addi %broadcast_in_dim3A_2226, %add3A_2228 : vector<16xi32>
      %gather3A_2230 = tpu.vector_load_idx %arg18[%iota3A, %add3A_2229] : memref<32x256xf32, #tpu.memory_space<vmem>>[vector<16xi32>, vector<16xi32>], vector<16xf32>,
      %add3A_2231 = arith.constant 16 : i32
      %add3A_2232 = vector.broadcast %add3A_2231 : i32 to vector<16xi32>
      %add3A_2233 = arith.addi %iota3A, %add3A_2232 : vector<16xi32>
      %gather3A_2234 = tpu.vector_load_idx %arg18[%add3A_2233, %add3A_2229] : memref<32x256xf32, #tpu.memory_space<vmem>>[vector<16xi32>, vector<16xi32>], vector<16xf32>,
      %mul3A_2235 = arith.mulf %gather3A_2197, %gather3A_2208 : vector<16xf32>
      %mul3A_2236 = arith.mulf %gather3A_2201, %gather3A_2212 : vector<16xf32>
      %add3A_2237 = arith.addf %mul3A_2235, %mul3A_2236 : vector<16xf32>
      %mul3A_2238 = arith.mulf %gather3A_2219, %gather3A_2230 : vector<16xf32>
      %add3A_2239 = arith.addf %add3A_2237, %mul3A_2238 : vector<16xf32>
      %mul3A_2240 = arith.mulf %gather3A_2223, %gather3A_2234 : vector<16xf32>
      %add3A_2241 = arith.addf %add3A_2239, %mul3A_2240 : vector<16xf32>
      %reduce_sum3A_2242 = arith.constant true
      %reduce_sum3A_2243 = vector.broadcast %reduce_sum3A_2242 : i1 to vector<16xi1>
      %reduce_sum3A_2244 = tpu.scan <sum>, %add3A_2241 masked %reduce_sum3A_2243 : vector<16xf32>, vector<16xi1> -> vector<16xf32>
      %reduce_sum3A_2245 = vector.extract %reduce_sum3A_2244[15] : f32 from vector<16xf32>
      %eq3A_2246 = arith.constant 10 : i32
      %eq3A_2247 = vector.broadcast %eq3A_2246 : i32 to vector<16xi32>
      %eq3A_2248 = arith.cmpi eq, %iota3A, %eq3A_2247 : vector<16xi32>
      %broadcast_in_dim3A_2249 = vector.broadcast %reduce_sum3A_2245 : f32 to vector<16xf32>
      %select_n3A_2250 = arith.select %eq3A_2248, %broadcast_in_dim3A_2249, %select_n3A_2066 : vector<16xi1>, vector<16xf32>
      %slice3A_2251 = vector.extract_strided_slice %get3A_250 {offsets = [14], sizes = [1], strides = [1]} : vector<16xi32> to vector<1xi32>
      %squeeze3A_2252 = vector.extract %slice3A_2251[0] : i32 from vector<1xi32>
      %slice3A_2253 = vector.extract_strided_slice %get3A_254 {offsets = [14], sizes = [1], strides = [1]} : vector<16xi32> to vector<1xi32>
      %squeeze3A_2254 = vector.extract %slice3A_2253[0] : i32 from vector<1xi32>
      %shift_right_arithmetic3A_2255 = arith.constant 7 : i32
      %shift_right_arithmetic3A_2256 = arith.shrsi %squeeze3A_2252, %shift_right_arithmetic3A_2255 : i32
      %mul3A_2257 = arith.constant 128 : i32
      %mul3A_2258 = arith.muli %shift_right_arithmetic3A_2256, %mul3A_2257 : i32
      %multiple_of3A_2259 = tpu.assume_multiple %mul3A_2258, 128 : i32
      %dma_start3A_2260 = arith.constant 0 : i32
      %dma_start3A_2261 = arith.constant 0 : i32
      %dma_start3A_2262 = tpu.memref_slice %arg17[%dma_start3A_2260, %dma_start3A_2261] : memref<32x256xf32, #tpu.memory_space<vmem>> -> memref<32x128xf32, #tpu.memory_space<vmem>>
      %dma_start3A_2263 = arith.constant 0 : i32
      %dma_start3A_2264 = tpu.memref_slice %arg5[%dma_start3A_2263, %multiple_of3A_2259] : memref<32x1000000xf32, #tpu.memory_space<hbm>> -> memref<32x128xf32, #tpu.memory_space<hbm>>
      %dma_start3A_2265 = arith.constant 0 : i32
      %dma_start3A_2266 = arith.constant 0 : i32
      %dma_start3A_2267 = tpu.memref_slice %arg17[%dma_start3A_2265, %dma_start3A_2266] : memref<32x256xf32, #tpu.memory_space<vmem>> -> memref<32x128xf32, #tpu.memory_space<vmem>>
      %dma_start3A_2268 = arith.constant 0 : i32
      %dma_start3A_2269 = tpu.memref_slice %arg5[%dma_start3A_2268, %multiple_of3A_2259] : memref<32x1000000xf32, #tpu.memory_space<hbm>> -> memref<32x128xf32, #tpu.memory_space<hbm>>
      tpu.enqueue_dma source(%dma_start3A_2269 : memref<32x128xf32, #tpu.memory_space<hbm>>) target(%dma_start3A_2267 : memref<32x128xf32, #tpu.memory_space<vmem>>) target_semaphore(%arg26 : memref<!tpu.dma_semaphore, #tpu.memory_space<semaphore_mem>>)
      %shift_right_arithmetic3A_2270 = arith.constant 7 : i32
      %shift_right_arithmetic3A_2271 = arith.shrsi %squeeze3A_2254, %shift_right_arithmetic3A_2270 : i32
      %mul3A_2272 = arith.constant 128 : i32
      %mul3A_2273 = arith.muli %shift_right_arithmetic3A_2271, %mul3A_2272 : i32
      %multiple_of3A_2274 = tpu.assume_multiple %mul3A_2273, 128 : i32
      %dma_start3A_2275 = arith.constant 0 : i32
      %dma_start3A_2276 = arith.constant 128 : i32
      %dma_start3A_2277 = tpu.memref_slice %arg17[%dma_start3A_2275, %dma_start3A_2276] : memref<32x256xf32, #tpu.memory_space<vmem>> -> memref<32x128xf32, #tpu.memory_space<vmem>>
      %dma_start3A_2278 = arith.constant 0 : i32
      %dma_start3A_2279 = tpu.memref_slice %arg6[%dma_start3A_2278, %multiple_of3A_2274] : memref<32x1000000xf32, #tpu.memory_space<hbm>> -> memref<32x128xf32, #tpu.memory_space<hbm>>
      %dma_start3A_2280 = arith.constant 0 : i32
      %dma_start3A_2281 = arith.constant 128 : i32
      %dma_start3A_2282 = tpu.memref_slice %arg17[%dma_start3A_2280, %dma_start3A_2281] : memref<32x256xf32, #tpu.memory_space<vmem>> -> memref<32x128xf32, #tpu.memory_space<vmem>>
      %dma_start3A_2283 = arith.constant 0 : i32
      %dma_start3A_2284 = tpu.memref_slice %arg6[%dma_start3A_2283, %multiple_of3A_2274] : memref<32x1000000xf32, #tpu.memory_space<hbm>> -> memref<32x128xf32, #tpu.memory_space<hbm>>
      tpu.enqueue_dma source(%dma_start3A_2284 : memref<32x128xf32, #tpu.memory_space<hbm>>) target(%dma_start3A_2282 : memref<32x128xf32, #tpu.memory_space<vmem>>) target_semaphore(%arg26 : memref<!tpu.dma_semaphore, #tpu.memory_space<semaphore_mem>>)
      %dma_wait3A_2285 = arith.constant 0 : i32
      %dma_wait3A_2286 = arith.constant 0 : i32
      %dma_wait3A_2287 = tpu.memref_slice %arg19[%dma_wait3A_2285, %dma_wait3A_2286] : memref<32x256xf32, #tpu.memory_space<vmem>> -> memref<32x128xf32, #tpu.memory_space<vmem>>
      %dma_wait3A_2288 = arith.constant 0 : i32
      %dma_wait3A_2289 = arith.constant 0 : i32
      %dma_wait3A_2290 = tpu.memref_slice %arg5[%dma_wait3A_2288, %dma_wait3A_2289] : memref<32x1000000xf32, #tpu.memory_space<hbm>> -> memref<32x128xf32, #tpu.memory_space<hbm>>
      %dma_wait3A_2291 = arith.constant 0 : i32
      %dma_wait3A_2292 = arith.constant 0 : i32
      %dma_wait3A_2293 = tpu.memref_slice %arg19[%dma_wait3A_2291, %dma_wait3A_2292] : memref<32x256xf32, #tpu.memory_space<vmem>> -> memref<32x128xf32, #tpu.memory_space<vmem>>
      %dma_wait3A_2294 = arith.constant 0 : i32
      %dma_wait3A_2295 = arith.constant 0 : i32
      %dma_wait3A_2296 = tpu.memref_slice %arg5[%dma_wait3A_2294, %dma_wait3A_2295] : memref<32x1000000xf32, #tpu.memory_space<hbm>> -> memref<32x128xf32, #tpu.memory_space<hbm>>
      tpu.wait_dma2 semaphore(%arg28 : memref<!tpu.dma_semaphore, #tpu.memory_space<semaphore_mem>>) src(%dma_wait3A_2296 : memref<32x128xf32, #tpu.memory_space<hbm>>) dst(%dma_wait3A_2293 : memref<32x128xf32, #tpu.memory_space<vmem>>)
      %dma_wait3A_2297 = arith.constant 0 : i32
      %dma_wait3A_2298 = arith.constant 128 : i32
      %dma_wait3A_2299 = tpu.memref_slice %arg19[%dma_wait3A_2297, %dma_wait3A_2298] : memref<32x256xf32, #tpu.memory_space<vmem>> -> memref<32x128xf32, #tpu.memory_space<vmem>>
      %dma_wait3A_2300 = arith.constant 0 : i32
      %dma_wait3A_2301 = arith.constant 0 : i32
      %dma_wait3A_2302 = tpu.memref_slice %arg5[%dma_wait3A_2300, %dma_wait3A_2301] : memref<32x1000000xf32, #tpu.memory_space<hbm>> -> memref<32x128xf32, #tpu.memory_space<hbm>>
      %dma_wait3A_2303 = arith.constant 0 : i32
      %dma_wait3A_2304 = arith.constant 128 : i32
      %dma_wait3A_2305 = tpu.memref_slice %arg19[%dma_wait3A_2303, %dma_wait3A_2304] : memref<32x256xf32, #tpu.memory_space<vmem>> -> memref<32x128xf32, #tpu.memory_space<vmem>>
      %dma_wait3A_2306 = arith.constant 0 : i32
      %dma_wait3A_2307 = arith.constant 0 : i32
      %dma_wait3A_2308 = tpu.memref_slice %arg5[%dma_wait3A_2306, %dma_wait3A_2307] : memref<32x1000000xf32, #tpu.memory_space<hbm>> -> memref<32x128xf32, #tpu.memory_space<hbm>>
      tpu.wait_dma2 semaphore(%arg28 : memref<!tpu.dma_semaphore, #tpu.memory_space<semaphore_mem>>) src(%dma_wait3A_2308 : memref<32x128xf32, #tpu.memory_space<hbm>>) dst(%dma_wait3A_2305 : memref<32x128xf32, #tpu.memory_space<vmem>>)
      %slice3A_2309 = vector.extract_strided_slice %get3A_252 {offsets = [14], sizes = [1], strides = [1]} : vector<16xi32> to vector<1xi32>
      %squeeze3A_2310 = vector.extract %slice3A_2309[0] : i32 from vector<1xi32>
      %slice3A_2311 = vector.extract_strided_slice %get3A_254 {offsets = [14], sizes = [1], strides = [1]} : vector<16xi32> to vector<1xi32>
      %squeeze3A_2312 = vector.extract %slice3A_2311[0] : i32 from vector<1xi32>
      %shift_right_arithmetic3A_2313 = arith.constant 7 : i32
      %shift_right_arithmetic3A_2314 = arith.shrsi %squeeze3A_2310, %shift_right_arithmetic3A_2313 : i32
      %mul3A_2315 = arith.constant 128 : i32
      %mul3A_2316 = arith.muli %shift_right_arithmetic3A_2314, %mul3A_2315 : i32
      %multiple_of3A_2317 = tpu.assume_multiple %mul3A_2316, 128 : i32
      %dma_start3A_2318 = arith.constant 0 : i32
      %dma_start3A_2319 = arith.constant 0 : i32
      %dma_start3A_2320 = tpu.memref_slice %arg18[%dma_start3A_2318, %dma_start3A_2319] : memref<32x256xf32, #tpu.memory_space<vmem>> -> memref<32x128xf32, #tpu.memory_space<vmem>>
      %dma_start3A_2321 = arith.constant 0 : i32
      %dma_start3A_2322 = tpu.memref_slice %arg7[%dma_start3A_2321, %multiple_of3A_2317] : memref<32x1000000xf32, #tpu.memory_space<hbm>> -> memref<32x128xf32, #tpu.memory_space<hbm>>
      %dma_start3A_2323 = arith.constant 0 : i32
      %dma_start3A_2324 = arith.constant 0 : i32
      %dma_start3A_2325 = tpu.memref_slice %arg18[%dma_start3A_2323, %dma_start3A_2324] : memref<32x256xf32, #tpu.memory_space<vmem>> -> memref<32x128xf32, #tpu.memory_space<vmem>>
      %dma_start3A_2326 = arith.constant 0 : i32
      %dma_start3A_2327 = tpu.memref_slice %arg7[%dma_start3A_2326, %multiple_of3A_2317] : memref<32x1000000xf32, #tpu.memory_space<hbm>> -> memref<32x128xf32, #tpu.memory_space<hbm>>
      tpu.enqueue_dma source(%dma_start3A_2327 : memref<32x128xf32, #tpu.memory_space<hbm>>) target(%dma_start3A_2325 : memref<32x128xf32, #tpu.memory_space<vmem>>) target_semaphore(%arg27 : memref<!tpu.dma_semaphore, #tpu.memory_space<semaphore_mem>>)
      %shift_right_arithmetic3A_2328 = arith.constant 7 : i32
      %shift_right_arithmetic3A_2329 = arith.shrsi %squeeze3A_2312, %shift_right_arithmetic3A_2328 : i32
      %mul3A_2330 = arith.constant 128 : i32
      %mul3A_2331 = arith.muli %shift_right_arithmetic3A_2329, %mul3A_2330 : i32
      %multiple_of3A_2332 = tpu.assume_multiple %mul3A_2331, 128 : i32
      %dma_start3A_2333 = arith.constant 0 : i32
      %dma_start3A_2334 = arith.constant 128 : i32
      %dma_start3A_2335 = tpu.memref_slice %arg18[%dma_start3A_2333, %dma_start3A_2334] : memref<32x256xf32, #tpu.memory_space<vmem>> -> memref<32x128xf32, #tpu.memory_space<vmem>>
      %dma_start3A_2336 = arith.constant 0 : i32
      %dma_start3A_2337 = tpu.memref_slice %arg8[%dma_start3A_2336, %multiple_of3A_2332] : memref<32x1000000xf32, #tpu.memory_space<hbm>> -> memref<32x128xf32, #tpu.memory_space<hbm>>
      %dma_start3A_2338 = arith.constant 0 : i32
      %dma_start3A_2339 = arith.constant 128 : i32
      %dma_start3A_2340 = tpu.memref_slice %arg18[%dma_start3A_2338, %dma_start3A_2339] : memref<32x256xf32, #tpu.memory_space<vmem>> -> memref<32x128xf32, #tpu.memory_space<vmem>>
      %dma_start3A_2341 = arith.constant 0 : i32
      %dma_start3A_2342 = tpu.memref_slice %arg8[%dma_start3A_2341, %multiple_of3A_2332] : memref<32x1000000xf32, #tpu.memory_space<hbm>> -> memref<32x128xf32, #tpu.memory_space<hbm>>
      tpu.enqueue_dma source(%dma_start3A_2342 : memref<32x128xf32, #tpu.memory_space<hbm>>) target(%dma_start3A_2340 : memref<32x128xf32, #tpu.memory_space<vmem>>) target_semaphore(%arg27 : memref<!tpu.dma_semaphore, #tpu.memory_space<semaphore_mem>>)
      %dma_wait3A_2343 = arith.constant 0 : i32
      %dma_wait3A_2344 = arith.constant 0 : i32
      %dma_wait3A_2345 = tpu.memref_slice %arg20[%dma_wait3A_2343, %dma_wait3A_2344] : memref<32x256xf32, #tpu.memory_space<vmem>> -> memref<32x128xf32, #tpu.memory_space<vmem>>
      %dma_wait3A_2346 = arith.constant 0 : i32
      %dma_wait3A_2347 = arith.constant 0 : i32
      %dma_wait3A_2348 = tpu.memref_slice %arg5[%dma_wait3A_2346, %dma_wait3A_2347] : memref<32x1000000xf32, #tpu.memory_space<hbm>> -> memref<32x128xf32, #tpu.memory_space<hbm>>
      %dma_wait3A_2349 = arith.constant 0 : i32
      %dma_wait3A_2350 = arith.constant 0 : i32
      %dma_wait3A_2351 = tpu.memref_slice %arg20[%dma_wait3A_2349, %dma_wait3A_2350] : memref<32x256xf32, #tpu.memory_space<vmem>> -> memref<32x128xf32, #tpu.memory_space<vmem>>
      %dma_wait3A_2352 = arith.constant 0 : i32
      %dma_wait3A_2353 = arith.constant 0 : i32
      %dma_wait3A_2354 = tpu.memref_slice %arg5[%dma_wait3A_2352, %dma_wait3A_2353] : memref<32x1000000xf32, #tpu.memory_space<hbm>> -> memref<32x128xf32, #tpu.memory_space<hbm>>
      tpu.wait_dma2 semaphore(%arg29 : memref<!tpu.dma_semaphore, #tpu.memory_space<semaphore_mem>>) src(%dma_wait3A_2354 : memref<32x128xf32, #tpu.memory_space<hbm>>) dst(%dma_wait3A_2351 : memref<32x128xf32, #tpu.memory_space<vmem>>)
      %dma_wait3A_2355 = arith.constant 0 : i32
      %dma_wait3A_2356 = arith.constant 128 : i32
      %dma_wait3A_2357 = tpu.memref_slice %arg20[%dma_wait3A_2355, %dma_wait3A_2356] : memref<32x256xf32, #tpu.memory_space<vmem>> -> memref<32x128xf32, #tpu.memory_space<vmem>>
      %dma_wait3A_2358 = arith.constant 0 : i32
      %dma_wait3A_2359 = arith.constant 0 : i32
      %dma_wait3A_2360 = tpu.memref_slice %arg5[%dma_wait3A_2358, %dma_wait3A_2359] : memref<32x1000000xf32, #tpu.memory_space<hbm>> -> memref<32x128xf32, #tpu.memory_space<hbm>>
      %dma_wait3A_2361 = arith.constant 0 : i32
      %dma_wait3A_2362 = arith.constant 128 : i32
      %dma_wait3A_2363 = tpu.memref_slice %arg20[%dma_wait3A_2361, %dma_wait3A_2362] : memref<32x256xf32, #tpu.memory_space<vmem>> -> memref<32x128xf32, #tpu.memory_space<vmem>>
      %dma_wait3A_2364 = arith.constant 0 : i32
      %dma_wait3A_2365 = arith.constant 0 : i32
      %dma_wait3A_2366 = tpu.memref_slice %arg5[%dma_wait3A_2364, %dma_wait3A_2365] : memref<32x1000000xf32, #tpu.memory_space<hbm>> -> memref<32x128xf32, #tpu.memory_space<hbm>>
      tpu.wait_dma2 semaphore(%arg29 : memref<!tpu.dma_semaphore, #tpu.memory_space<semaphore_mem>>) src(%dma_wait3A_2366 : memref<32x128xf32, #tpu.memory_space<hbm>>) dst(%dma_wait3A_2363 : memref<32x128xf32, #tpu.memory_space<vmem>>)
      %slice3A_2367 = vector.extract_strided_slice %get3A_250 {offsets = [11], sizes = [1], strides = [1]} : vector<16xi32> to vector<1xi32>
      %squeeze3A_2368 = vector.extract %slice3A_2367[0] : i32 from vector<1xi32>
      %slice3A_2369 = vector.extract_strided_slice %get3A_254 {offsets = [11], sizes = [1], strides = [1]} : vector<16xi32> to vector<1xi32>
      %squeeze3A_2370 = vector.extract %slice3A_2369[0] : i32 from vector<1xi32>
      %slice3A_2371 = vector.extract_strided_slice %get3A_252 {offsets = [11], sizes = [1], strides = [1]} : vector<16xi32> to vector<1xi32>
      %squeeze3A_2372 = vector.extract %slice3A_2371[0] : i32 from vector<1xi32>
      %slice3A_2373 = vector.extract_strided_slice %get3A_254 {offsets = [11], sizes = [1], strides = [1]} : vector<16xi32> to vector<1xi32>
      %squeeze3A_2374 = vector.extract %slice3A_2373[0] : i32 from vector<1xi32>
      %and3A_2375 = arith.constant 127 : i32
      %and3A_2376 = arith.andi %squeeze3A_2368, %and3A_2375 : i32
      %broadcast_in_dim3A_2377 = vector.broadcast %and3A_2376 : i32 to vector<16xi32>
      %add3A_2378 = arith.constant 0 : i32
      %add3A_2379 = vector.broadcast %add3A_2378 : i32 to vector<16xi32>
      %add3A_2380 = arith.addi %broadcast_in_dim3A_2377, %add3A_2379 : vector<16xi32>
      %gather3A_2381 = tpu.vector_load_idx %arg19[%iota3A, %add3A_2380] : memref<32x256xf32, #tpu.memory_space<vmem>>[vector<16xi32>, vector<16xi32>], vector<16xf32>,
      %add3A_2382 = arith.constant 16 : i32
      %add3A_2383 = vector.broadcast %add3A_2382 : i32 to vector<16xi32>
      %add3A_2384 = arith.addi %iota3A, %add3A_2383 : vector<16xi32>
      %gather3A_2385 = tpu.vector_load_idx %arg19[%add3A_2384, %add3A_2380] : memref<32x256xf32, #tpu.memory_space<vmem>>[vector<16xi32>, vector<16xi32>], vector<16xf32>,
      %and3A_2386 = arith.constant 127 : i32
      %and3A_2387 = arith.andi %squeeze3A_2370, %and3A_2386 : i32
      %broadcast_in_dim3A_2388 = vector.broadcast %and3A_2387 : i32 to vector<16xi32>
      %add3A_2389 = arith.constant 128 : i32
      %add3A_2390 = vector.broadcast %add3A_2389 : i32 to vector<16xi32>
      %add3A_2391 = arith.addi %broadcast_in_dim3A_2388, %add3A_2390 : vector<16xi32>
      %gather3A_2392 = tpu.vector_load_idx %arg19[%iota3A, %add3A_2391] : memref<32x256xf32, #tpu.memory_space<vmem>>[vector<16xi32>, vector<16xi32>], vector<16xf32>,
      %add3A_2393 = arith.constant 16 : i32
      %add3A_2394 = vector.broadcast %add3A_2393 : i32 to vector<16xi32>
      %add3A_2395 = arith.addi %iota3A, %add3A_2394 : vector<16xi32>
      %gather3A_2396 = tpu.vector_load_idx %arg19[%add3A_2395, %add3A_2391] : memref<32x256xf32, #tpu.memory_space<vmem>>[vector<16xi32>, vector<16xi32>], vector<16xf32>,
      %and3A_2397 = arith.constant 127 : i32
      %and3A_2398 = arith.andi %squeeze3A_2372, %and3A_2397 : i32
      %broadcast_in_dim3A_2399 = vector.broadcast %and3A_2398 : i32 to vector<16xi32>
      %add3A_2400 = arith.constant 0 : i32
      %add3A_2401 = vector.broadcast %add3A_2400 : i32 to vector<16xi32>
      %add3A_2402 = arith.addi %broadcast_in_dim3A_2399, %add3A_2401 : vector<16xi32>
      %gather3A_2403 = tpu.vector_load_idx %arg20[%iota3A, %add3A_2402] : memref<32x256xf32, #tpu.memory_space<vmem>>[vector<16xi32>, vector<16xi32>], vector<16xf32>,
      %add3A_2404 = arith.constant 16 : i32
      %add3A_2405 = vector.broadcast %add3A_2404 : i32 to vector<16xi32>
      %add3A_2406 = arith.addi %iota3A, %add3A_2405 : vector<16xi32>
      %gather3A_2407 = tpu.vector_load_idx %arg20[%add3A_2406, %add3A_2402] : memref<32x256xf32, #tpu.memory_space<vmem>>[vector<16xi32>, vector<16xi32>], vector<16xf32>,
      %and3A_2408 = arith.constant 127 : i32
      %and3A_2409 = arith.andi %squeeze3A_2374, %and3A_2408 : i32
      %broadcast_in_dim3A_2410 = vector.broadcast %and3A_2409 : i32 to vector<16xi32>
      %add3A_2411 = arith.constant 128 : i32
      %add3A_2412 = vector.broadcast %add3A_2411 : i32 to vector<16xi32>
      %add3A_2413 = arith.addi %broadcast_in_dim3A_2410, %add3A_2412 : vector<16xi32>
      %gather3A_2414 = tpu.vector_load_idx %arg20[%iota3A, %add3A_2413] : memref<32x256xf32, #tpu.memory_space<vmem>>[vector<16xi32>, vector<16xi32>], vector<16xf32>,
      %add3A_2415 = arith.constant 16 : i32
      %add3A_2416 = vector.broadcast %add3A_2415 : i32 to vector<16xi32>
      %add3A_2417 = arith.addi %iota3A, %add3A_2416 : vector<16xi32>
      %gather3A_2418 = tpu.vector_load_idx %arg20[%add3A_2417, %add3A_2413] : memref<32x256xf32, #tpu.memory_space<vmem>>[vector<16xi32>, vector<16xi32>], vector<16xf32>,
      %mul3A_2419 = arith.mulf %gather3A_2381, %gather3A_2392 : vector<16xf32>
      %mul3A_2420 = arith.mulf %gather3A_2385, %gather3A_2396 : vector<16xf32>
      %add3A_2421 = arith.addf %mul3A_2419, %mul3A_2420 : vector<16xf32>
      %mul3A_2422 = arith.mulf %gather3A_2403, %gather3A_2414 : vector<16xf32>
      %add3A_2423 = arith.addf %add3A_2421, %mul3A_2422 : vector<16xf32>
      %mul3A_2424 = arith.mulf %gather3A_2407, %gather3A_2418 : vector<16xf32>
      %add3A_2425 = arith.addf %add3A_2423, %mul3A_2424 : vector<16xf32>
      %reduce_sum3A_2426 = arith.constant true
      %reduce_sum3A_2427 = vector.broadcast %reduce_sum3A_2426 : i1 to vector<16xi1>
      %reduce_sum3A_2428 = tpu.scan <sum>, %add3A_2425 masked %reduce_sum3A_2427 : vector<16xf32>, vector<16xi1> -> vector<16xf32>
      %reduce_sum3A_2429 = vector.extract %reduce_sum3A_2428[15] : f32 from vector<16xf32>
      %eq3A_2430 = arith.constant 11 : i32
      %eq3A_2431 = vector.broadcast %eq3A_2430 : i32 to vector<16xi32>
      %eq3A_2432 = arith.cmpi eq, %iota3A, %eq3A_2431 : vector<16xi32>
      %broadcast_in_dim3A_2433 = vector.broadcast %reduce_sum3A_2429 : f32 to vector<16xf32>
      %select_n3A_2434 = arith.select %eq3A_2432, %broadcast_in_dim3A_2433, %select_n3A_2250 : vector<16xi1>, vector<16xf32>
      %slice3A_2435 = vector.extract_strided_slice %get3A_250 {offsets = [15], sizes = [1], strides = [1]} : vector<16xi32> to vector<1xi32>
      %squeeze3A_2436 = vector.extract %slice3A_2435[0] : i32 from vector<1xi32>
      %slice3A_2437 = vector.extract_strided_slice %get3A_254 {offsets = [15], sizes = [1], strides = [1]} : vector<16xi32> to vector<1xi32>
      %squeeze3A_2438 = vector.extract %slice3A_2437[0] : i32 from vector<1xi32>
      %shift_right_arithmetic3A_2439 = arith.constant 7 : i32
      %shift_right_arithmetic3A_2440 = arith.shrsi %squeeze3A_2436, %shift_right_arithmetic3A_2439 : i32
      %mul3A_2441 = arith.constant 128 : i32
      %mul3A_2442 = arith.muli %shift_right_arithmetic3A_2440, %mul3A_2441 : i32
      %multiple_of3A_2443 = tpu.assume_multiple %mul3A_2442, 128 : i32
      %dma_start3A_2444 = arith.constant 0 : i32
      %dma_start3A_2445 = arith.constant 0 : i32
      %dma_start3A_2446 = tpu.memref_slice %arg19[%dma_start3A_2444, %dma_start3A_2445] : memref<32x256xf32, #tpu.memory_space<vmem>> -> memref<32x128xf32, #tpu.memory_space<vmem>>
      %dma_start3A_2447 = arith.constant 0 : i32
      %dma_start3A_2448 = tpu.memref_slice %arg5[%dma_start3A_2447, %multiple_of3A_2443] : memref<32x1000000xf32, #tpu.memory_space<hbm>> -> memref<32x128xf32, #tpu.memory_space<hbm>>
      %dma_start3A_2449 = arith.constant 0 : i32
      %dma_start3A_2450 = arith.constant 0 : i32
      %dma_start3A_2451 = tpu.memref_slice %arg19[%dma_start3A_2449, %dma_start3A_2450] : memref<32x256xf32, #tpu.memory_space<vmem>> -> memref<32x128xf32, #tpu.memory_space<vmem>>
      %dma_start3A_2452 = arith.constant 0 : i32
      %dma_start3A_2453 = tpu.memref_slice %arg5[%dma_start3A_2452, %multiple_of3A_2443] : memref<32x1000000xf32, #tpu.memory_space<hbm>> -> memref<32x128xf32, #tpu.memory_space<hbm>>
      tpu.enqueue_dma source(%dma_start3A_2453 : memref<32x128xf32, #tpu.memory_space<hbm>>) target(%dma_start3A_2451 : memref<32x128xf32, #tpu.memory_space<vmem>>) target_semaphore(%arg28 : memref<!tpu.dma_semaphore, #tpu.memory_space<semaphore_mem>>)
      %shift_right_arithmetic3A_2454 = arith.constant 7 : i32
      %shift_right_arithmetic3A_2455 = arith.shrsi %squeeze3A_2438, %shift_right_arithmetic3A_2454 : i32
      %mul3A_2456 = arith.constant 128 : i32
      %mul3A_2457 = arith.muli %shift_right_arithmetic3A_2455, %mul3A_2456 : i32
      %multiple_of3A_2458 = tpu.assume_multiple %mul3A_2457, 128 : i32
      %dma_start3A_2459 = arith.constant 0 : i32
      %dma_start3A_2460 = arith.constant 128 : i32
      %dma_start3A_2461 = tpu.memref_slice %arg19[%dma_start3A_2459, %dma_start3A_2460] : memref<32x256xf32, #tpu.memory_space<vmem>> -> memref<32x128xf32, #tpu.memory_space<vmem>>
      %dma_start3A_2462 = arith.constant 0 : i32
      %dma_start3A_2463 = tpu.memref_slice %arg6[%dma_start3A_2462, %multiple_of3A_2458] : memref<32x1000000xf32, #tpu.memory_space<hbm>> -> memref<32x128xf32, #tpu.memory_space<hbm>>
      %dma_start3A_2464 = arith.constant 0 : i32
      %dma_start3A_2465 = arith.constant 128 : i32
      %dma_start3A_2466 = tpu.memref_slice %arg19[%dma_start3A_2464, %dma_start3A_2465] : memref<32x256xf32, #tpu.memory_space<vmem>> -> memref<32x128xf32, #tpu.memory_space<vmem>>
      %dma_start3A_2467 = arith.constant 0 : i32
      %dma_start3A_2468 = tpu.memref_slice %arg6[%dma_start3A_2467, %multiple_of3A_2458] : memref<32x1000000xf32, #tpu.memory_space<hbm>> -> memref<32x128xf32, #tpu.memory_space<hbm>>
      tpu.enqueue_dma source(%dma_start3A_2468 : memref<32x128xf32, #tpu.memory_space<hbm>>) target(%dma_start3A_2466 : memref<32x128xf32, #tpu.memory_space<vmem>>) target_semaphore(%arg28 : memref<!tpu.dma_semaphore, #tpu.memory_space<semaphore_mem>>)
      %dma_wait3A_2469 = arith.constant 0 : i32
      %dma_wait3A_2470 = arith.constant 0 : i32
      %dma_wait3A_2471 = tpu.memref_slice %arg13[%dma_wait3A_2469, %dma_wait3A_2470] : memref<32x256xf32, #tpu.memory_space<vmem>> -> memref<32x128xf32, #tpu.memory_space<vmem>>
      %dma_wait3A_2472 = arith.constant 0 : i32
      %dma_wait3A_2473 = arith.constant 0 : i32
      %dma_wait3A_2474 = tpu.memref_slice %arg5[%dma_wait3A_2472, %dma_wait3A_2473] : memref<32x1000000xf32, #tpu.memory_space<hbm>> -> memref<32x128xf32, #tpu.memory_space<hbm>>
      %dma_wait3A_2475 = arith.constant 0 : i32
      %dma_wait3A_2476 = arith.constant 0 : i32
      %dma_wait3A_2477 = tpu.memref_slice %arg13[%dma_wait3A_2475, %dma_wait3A_2476] : memref<32x256xf32, #tpu.memory_space<vmem>> -> memref<32x128xf32, #tpu.memory_space<vmem>>
      %dma_wait3A_2478 = arith.constant 0 : i32
      %dma_wait3A_2479 = arith.constant 0 : i32
      %dma_wait3A_2480 = tpu.memref_slice %arg5[%dma_wait3A_2478, %dma_wait3A_2479] : memref<32x1000000xf32, #tpu.memory_space<hbm>> -> memref<32x128xf32, #tpu.memory_space<hbm>>
      tpu.wait_dma2 semaphore(%arg22 : memref<!tpu.dma_semaphore, #tpu.memory_space<semaphore_mem>>) src(%dma_wait3A_2480 : memref<32x128xf32, #tpu.memory_space<hbm>>) dst(%dma_wait3A_2477 : memref<32x128xf32, #tpu.memory_space<vmem>>)
      %dma_wait3A_2481 = arith.constant 0 : i32
      %dma_wait3A_2482 = arith.constant 128 : i32
      %dma_wait3A_2483 = tpu.memref_slice %arg13[%dma_wait3A_2481, %dma_wait3A_2482] : memref<32x256xf32, #tpu.memory_space<vmem>> -> memref<32x128xf32, #tpu.memory_space<vmem>>
      %dma_wait3A_2484 = arith.constant 0 : i32
      %dma_wait3A_2485 = arith.constant 0 : i32
      %dma_wait3A_2486 = tpu.memref_slice %arg5[%dma_wait3A_2484, %dma_wait3A_2485] : memref<32x1000000xf32, #tpu.memory_space<hbm>> -> memref<32x128xf32, #tpu.memory_space<hbm>>
      %dma_wait3A_2487 = arith.constant 0 : i32
      %dma_wait3A_2488 = arith.constant 128 : i32
      %dma_wait3A_2489 = tpu.memref_slice %arg13[%dma_wait3A_2487, %dma_wait3A_2488] : memref<32x256xf32, #tpu.memory_space<vmem>> -> memref<32x128xf32, #tpu.memory_space<vmem>>
      %dma_wait3A_2490 = arith.constant 0 : i32
      %dma_wait3A_2491 = arith.constant 0 : i32
      %dma_wait3A_2492 = tpu.memref_slice %arg5[%dma_wait3A_2490, %dma_wait3A_2491] : memref<32x1000000xf32, #tpu.memory_space<hbm>> -> memref<32x128xf32, #tpu.memory_space<hbm>>
      tpu.wait_dma2 semaphore(%arg22 : memref<!tpu.dma_semaphore, #tpu.memory_space<semaphore_mem>>) src(%dma_wait3A_2492 : memref<32x128xf32, #tpu.memory_space<hbm>>) dst(%dma_wait3A_2489 : memref<32x128xf32, #tpu.memory_space<vmem>>)
      %slice3A_2493 = vector.extract_strided_slice %get3A_252 {offsets = [15], sizes = [1], strides = [1]} : vector<16xi32> to vector<1xi32>
      %squeeze3A_2494 = vector.extract %slice3A_2493[0] : i32 from vector<1xi32>
      %slice3A_2495 = vector.extract_strided_slice %get3A_254 {offsets = [15], sizes = [1], strides = [1]} : vector<16xi32> to vector<1xi32>
      %squeeze3A_2496 = vector.extract %slice3A_2495[0] : i32 from vector<1xi32>
      %shift_right_arithmetic3A_2497 = arith.constant 7 : i32
      %shift_right_arithmetic3A_2498 = arith.shrsi %squeeze3A_2494, %shift_right_arithmetic3A_2497 : i32
      %mul3A_2499 = arith.constant 128 : i32
      %mul3A_2500 = arith.muli %shift_right_arithmetic3A_2498, %mul3A_2499 : i32
      %multiple_of3A_2501 = tpu.assume_multiple %mul3A_2500, 128 : i32
      %dma_start3A_2502 = arith.constant 0 : i32
      %dma_start3A_2503 = arith.constant 0 : i32
      %dma_start3A_2504 = tpu.memref_slice %arg20[%dma_start3A_2502, %dma_start3A_2503] : memref<32x256xf32, #tpu.memory_space<vmem>> -> memref<32x128xf32, #tpu.memory_space<vmem>>
      %dma_start3A_2505 = arith.constant 0 : i32
      %dma_start3A_2506 = tpu.memref_slice %arg7[%dma_start3A_2505, %multiple_of3A_2501] : memref<32x1000000xf32, #tpu.memory_space<hbm>> -> memref<32x128xf32, #tpu.memory_space<hbm>>
      %dma_start3A_2507 = arith.constant 0 : i32
      %dma_start3A_2508 = arith.constant 0 : i32
      %dma_start3A_2509 = tpu.memref_slice %arg20[%dma_start3A_2507, %dma_start3A_2508] : memref<32x256xf32, #tpu.memory_space<vmem>> -> memref<32x128xf32, #tpu.memory_space<vmem>>
      %dma_start3A_2510 = arith.constant 0 : i32
      %dma_start3A_2511 = tpu.memref_slice %arg7[%dma_start3A_2510, %multiple_of3A_2501] : memref<32x1000000xf32, #tpu.memory_space<hbm>> -> memref<32x128xf32, #tpu.memory_space<hbm>>
      tpu.enqueue_dma source(%dma_start3A_2511 : memref<32x128xf32, #tpu.memory_space<hbm>>) target(%dma_start3A_2509 : memref<32x128xf32, #tpu.memory_space<vmem>>) target_semaphore(%arg29 : memref<!tpu.dma_semaphore, #tpu.memory_space<semaphore_mem>>)
      %shift_right_arithmetic3A_2512 = arith.constant 7 : i32
      %shift_right_arithmetic3A_2513 = arith.shrsi %squeeze3A_2496, %shift_right_arithmetic3A_2512 : i32
      %mul3A_2514 = arith.constant 128 : i32
      %mul3A_2515 = arith.muli %shift_right_arithmetic3A_2513, %mul3A_2514 : i32
      %multiple_of3A_2516 = tpu.assume_multiple %mul3A_2515, 128 : i32
      %dma_start3A_2517 = arith.constant 0 : i32
      %dma_start3A_2518 = arith.constant 128 : i32
      %dma_start3A_2519 = tpu.memref_slice %arg20[%dma_start3A_2517, %dma_start3A_2518] : memref<32x256xf32, #tpu.memory_space<vmem>> -> memref<32x128xf32, #tpu.memory_space<vmem>>
      %dma_start3A_2520 = arith.constant 0 : i32
      %dma_start3A_2521 = tpu.memref_slice %arg8[%dma_start3A_2520, %multiple_of3A_2516] : memref<32x1000000xf32, #tpu.memory_space<hbm>> -> memref<32x128xf32, #tpu.memory_space<hbm>>
      %dma_start3A_2522 = arith.constant 0 : i32
      %dma_start3A_2523 = arith.constant 128 : i32
      %dma_start3A_2524 = tpu.memref_slice %arg20[%dma_start3A_2522, %dma_start3A_2523] : memref<32x256xf32, #tpu.memory_space<vmem>> -> memref<32x128xf32, #tpu.memory_space<vmem>>
      %dma_start3A_2525 = arith.constant 0 : i32
      %dma_start3A_2526 = tpu.memref_slice %arg8[%dma_start3A_2525, %multiple_of3A_2516] : memref<32x1000000xf32, #tpu.memory_space<hbm>> -> memref<32x128xf32, #tpu.memory_space<hbm>>
      tpu.enqueue_dma source(%dma_start3A_2526 : memref<32x128xf32, #tpu.memory_space<hbm>>) target(%dma_start3A_2524 : memref<32x128xf32, #tpu.memory_space<vmem>>) target_semaphore(%arg29 : memref<!tpu.dma_semaphore, #tpu.memory_space<semaphore_mem>>)
      %dma_wait3A_2527 = arith.constant 0 : i32
      %dma_wait3A_2528 = arith.constant 0 : i32
      %dma_wait3A_2529 = tpu.memref_slice %arg14[%dma_wait3A_2527, %dma_wait3A_2528] : memref<32x256xf32, #tpu.memory_space<vmem>> -> memref<32x128xf32, #tpu.memory_space<vmem>>
      %dma_wait3A_2530 = arith.constant 0 : i32
      %dma_wait3A_2531 = arith.constant 0 : i32
      %dma_wait3A_2532 = tpu.memref_slice %arg5[%dma_wait3A_2530, %dma_wait3A_2531] : memref<32x1000000xf32, #tpu.memory_space<hbm>> -> memref<32x128xf32, #tpu.memory_space<hbm>>
      %dma_wait3A_2533 = arith.constant 0 : i32
      %dma_wait3A_2534 = arith.constant 0 : i32
      %dma_wait3A_2535 = tpu.memref_slice %arg14[%dma_wait3A_2533, %dma_wait3A_2534] : memref<32x256xf32, #tpu.memory_space<vmem>> -> memref<32x128xf32, #tpu.memory_space<vmem>>
      %dma_wait3A_2536 = arith.constant 0 : i32
      %dma_wait3A_2537 = arith.constant 0 : i32
      %dma_wait3A_2538 = tpu.memref_slice %arg5[%dma_wait3A_2536, %dma_wait3A_2537] : memref<32x1000000xf32, #tpu.memory_space<hbm>> -> memref<32x128xf32, #tpu.memory_space<hbm>>
      tpu.wait_dma2 semaphore(%arg23 : memref<!tpu.dma_semaphore, #tpu.memory_space<semaphore_mem>>) src(%dma_wait3A_2538 : memref<32x128xf32, #tpu.memory_space<hbm>>) dst(%dma_wait3A_2535 : memref<32x128xf32, #tpu.memory_space<vmem>>)
      %dma_wait3A_2539 = arith.constant 0 : i32
      %dma_wait3A_2540 = arith.constant 128 : i32
      %dma_wait3A_2541 = tpu.memref_slice %arg14[%dma_wait3A_2539, %dma_wait3A_2540] : memref<32x256xf32, #tpu.memory_space<vmem>> -> memref<32x128xf32, #tpu.memory_space<vmem>>
      %dma_wait3A_2542 = arith.constant 0 : i32
      %dma_wait3A_2543 = arith.constant 0 : i32
      %dma_wait3A_2544 = tpu.memref_slice %arg5[%dma_wait3A_2542, %dma_wait3A_2543] : memref<32x1000000xf32, #tpu.memory_space<hbm>> -> memref<32x128xf32, #tpu.memory_space<hbm>>
      %dma_wait3A_2545 = arith.constant 0 : i32
      %dma_wait3A_2546 = arith.constant 128 : i32
      %dma_wait3A_2547 = tpu.memref_slice %arg14[%dma_wait3A_2545, %dma_wait3A_2546] : memref<32x256xf32, #tpu.memory_space<vmem>> -> memref<32x128xf32, #tpu.memory_space<vmem>>
      %dma_wait3A_2548 = arith.constant 0 : i32
      %dma_wait3A_2549 = arith.constant 0 : i32
      %dma_wait3A_2550 = tpu.memref_slice %arg5[%dma_wait3A_2548, %dma_wait3A_2549] : memref<32x1000000xf32, #tpu.memory_space<hbm>> -> memref<32x128xf32, #tpu.memory_space<hbm>>
      tpu.wait_dma2 semaphore(%arg23 : memref<!tpu.dma_semaphore, #tpu.memory_space<semaphore_mem>>) src(%dma_wait3A_2550 : memref<32x128xf32, #tpu.memory_space<hbm>>) dst(%dma_wait3A_2547 : memref<32x128xf32, #tpu.memory_space<vmem>>)
      %slice3A_2551 = vector.extract_strided_slice %get3A_250 {offsets = [12], sizes = [1], strides = [1]} : vector<16xi32> to vector<1xi32>
      %squeeze3A_2552 = vector.extract %slice3A_2551[0] : i32 from vector<1xi32>
      %slice3A_2553 = vector.extract_strided_slice %get3A_254 {offsets = [12], sizes = [1], strides = [1]} : vector<16xi32> to vector<1xi32>
      %squeeze3A_2554 = vector.extract %slice3A_2553[0] : i32 from vector<1xi32>
      %slice3A_2555 = vector.extract_strided_slice %get3A_252 {offsets = [12], sizes = [1], strides = [1]} : vector<16xi32> to vector<1xi32>
      %squeeze3A_2556 = vector.extract %slice3A_2555[0] : i32 from vector<1xi32>
      %slice3A_2557 = vector.extract_strided_slice %get3A_254 {offsets = [12], sizes = [1], strides = [1]} : vector<16xi32> to vector<1xi32>
      %squeeze3A_2558 = vector.extract %slice3A_2557[0] : i32 from vector<1xi32>
      %and3A_2559 = arith.constant 127 : i32
      %and3A_2560 = arith.andi %squeeze3A_2552, %and3A_2559 : i32
      %broadcast_in_dim3A_2561 = vector.broadcast %and3A_2560 : i32 to vector<16xi32>
      %add3A_2562 = arith.constant 0 : i32
      %add3A_2563 = vector.broadcast %add3A_2562 : i32 to vector<16xi32>
      %add3A_2564 = arith.addi %broadcast_in_dim3A_2561, %add3A_2563 : vector<16xi32>
      %gather3A_2565 = tpu.vector_load_idx %arg13[%iota3A, %add3A_2564] : memref<32x256xf32, #tpu.memory_space<vmem>>[vector<16xi32>, vector<16xi32>], vector<16xf32>,
      %add3A_2566 = arith.constant 16 : i32
      %add3A_2567 = vector.broadcast %add3A_2566 : i32 to vector<16xi32>
      %add3A_2568 = arith.addi %iota3A, %add3A_2567 : vector<16xi32>
      %gather3A_2569 = tpu.vector_load_idx %arg13[%add3A_2568, %add3A_2564] : memref<32x256xf32, #tpu.memory_space<vmem>>[vector<16xi32>, vector<16xi32>], vector<16xf32>,
      %and3A_2570 = arith.constant 127 : i32
      %and3A_2571 = arith.andi %squeeze3A_2554, %and3A_2570 : i32
      %broadcast_in_dim3A_2572 = vector.broadcast %and3A_2571 : i32 to vector<16xi32>
      %add3A_2573 = arith.constant 128 : i32
      %add3A_2574 = vector.broadcast %add3A_2573 : i32 to vector<16xi32>
      %add3A_2575 = arith.addi %broadcast_in_dim3A_2572, %add3A_2574 : vector<16xi32>
      %gather3A_2576 = tpu.vector_load_idx %arg13[%iota3A, %add3A_2575] : memref<32x256xf32, #tpu.memory_space<vmem>>[vector<16xi32>, vector<16xi32>], vector<16xf32>,
      %add3A_2577 = arith.constant 16 : i32
      %add3A_2578 = vector.broadcast %add3A_2577 : i32 to vector<16xi32>
      %add3A_2579 = arith.addi %iota3A, %add3A_2578 : vector<16xi32>
      %gather3A_2580 = tpu.vector_load_idx %arg13[%add3A_2579, %add3A_2575] : memref<32x256xf32, #tpu.memory_space<vmem>>[vector<16xi32>, vector<16xi32>], vector<16xf32>,
      %and3A_2581 = arith.constant 127 : i32
      %and3A_2582 = arith.andi %squeeze3A_2556, %and3A_2581 : i32
      %broadcast_in_dim3A_2583 = vector.broadcast %and3A_2582 : i32 to vector<16xi32>
      %add3A_2584 = arith.constant 0 : i32
      %add3A_2585 = vector.broadcast %add3A_2584 : i32 to vector<16xi32>
      %add3A_2586 = arith.addi %broadcast_in_dim3A_2583, %add3A_2585 : vector<16xi32>
      %gather3A_2587 = tpu.vector_load_idx %arg14[%iota3A, %add3A_2586] : memref<32x256xf32, #tpu.memory_space<vmem>>[vector<16xi32>, vector<16xi32>], vector<16xf32>,
      %add3A_2588 = arith.constant 16 : i32
      %add3A_2589 = vector.broadcast %add3A_2588 : i32 to vector<16xi32>
      %add3A_2590 = arith.addi %iota3A, %add3A_2589 : vector<16xi32>
      %gather3A_2591 = tpu.vector_load_idx %arg14[%add3A_2590, %add3A_2586] : memref<32x256xf32, #tpu.memory_space<vmem>>[vector<16xi32>, vector<16xi32>], vector<16xf32>,
      %and3A_2592 = arith.constant 127 : i32
      %and3A_2593 = arith.andi %squeeze3A_2558, %and3A_2592 : i32
      %broadcast_in_dim3A_2594 = vector.broadcast %and3A_2593 : i32 to vector<16xi32>
      %add3A_2595 = arith.constant 128 : i32
      %add3A_2596 = vector.broadcast %add3A_2595 : i32 to vector<16xi32>
      %add3A_2597 = arith.addi %broadcast_in_dim3A_2594, %add3A_2596 : vector<16xi32>
      %gather3A_2598 = tpu.vector_load_idx %arg14[%iota3A, %add3A_2597] : memref<32x256xf32, #tpu.memory_space<vmem>>[vector<16xi32>, vector<16xi32>], vector<16xf32>,
      %add3A_2599 = arith.constant 16 : i32
      %add3A_2600 = vector.broadcast %add3A_2599 : i32 to vector<16xi32>
      %add3A_2601 = arith.addi %iota3A, %add3A_2600 : vector<16xi32>
      %gather3A_2602 = tpu.vector_load_idx %arg14[%add3A_2601, %add3A_2597] : memref<32x256xf32, #tpu.memory_space<vmem>>[vector<16xi32>, vector<16xi32>], vector<16xf32>,
      %mul3A_2603 = arith.mulf %gather3A_2565, %gather3A_2576 : vector<16xf32>
      %mul3A_2604 = arith.mulf %gather3A_2569, %gather3A_2580 : vector<16xf32>
      %add3A_2605 = arith.addf %mul3A_2603, %mul3A_2604 : vector<16xf32>
      %mul3A_2606 = arith.mulf %gather3A_2587, %gather3A_2598 : vector<16xf32>
      %add3A_2607 = arith.addf %add3A_2605, %mul3A_2606 : vector<16xf32>
      %mul3A_2608 = arith.mulf %gather3A_2591, %gather3A_2602 : vector<16xf32>
      %add3A_2609 = arith.addf %add3A_2607, %mul3A_2608 : vector<16xf32>
      %reduce_sum3A_2610 = arith.constant true
      %reduce_sum3A_2611 = vector.broadcast %reduce_sum3A_2610 : i1 to vector<16xi1>
      %reduce_sum3A_2612 = tpu.scan <sum>, %add3A_2609 masked %reduce_sum3A_2611 : vector<16xf32>, vector<16xi1> -> vector<16xf32>
      %reduce_sum3A_2613 = vector.extract %reduce_sum3A_2612[15] : f32 from vector<16xf32>
      %eq3A_2614 = arith.constant 12 : i32
      %eq3A_2615 = vector.broadcast %eq3A_2614 : i32 to vector<16xi32>
      %eq3A_2616 = arith.cmpi eq, %iota3A, %eq3A_2615 : vector<16xi32>
      %broadcast_in_dim3A_2617 = vector.broadcast %reduce_sum3A_2613 : f32 to vector<16xf32>
      %select_n3A_2618 = arith.select %eq3A_2616, %broadcast_in_dim3A_2617, %select_n3A_2434 : vector<16xi1>, vector<16xf32>
      %add3A_2619 = arith.constant 1 : i32
      %add3A_2620 = arith.addi %scan3A_246, %add3A_2619 : i32
      %lt3A = arith.constant 32 : i32
      %lt3A_2621 = arith.cmpi slt, %add3A_2620, %lt3A : i32
      %convert_element_type3A = arith.extui %lt3A_2621 : i1 to i32
      %cond3A = arith.constant 0 : i32
      %cond3A_2622 = arith.cmpi ne, %convert_element_type3A, %cond3A : i32
      scf.if %cond3A_2622 {
        %slice3A_3023 = vector.extract_strided_slice %get3A_261 {offsets = [0], sizes = [1], strides = [1]} : vector<16xi32> to vector<1xi32>
        %squeeze3A_3024 = vector.extract %slice3A_3023[0] : i32 from vector<1xi32>
        %slice3A_3025 = vector.extract_strided_slice %get3A_265 {offsets = [0], sizes = [1], strides = [1]} : vector<16xi32> to vector<1xi32>
        %squeeze3A_3026 = vector.extract %slice3A_3025[0] : i32 from vector<1xi32>
        %shift_right_arithmetic3A_3027 = arith.constant 7 : i32
        %shift_right_arithmetic3A_3028 = arith.shrsi %squeeze3A_3024, %shift_right_arithmetic3A_3027 : i32
        %mul3A_3029 = arith.constant 128 : i32
        %mul3A_3030 = arith.muli %shift_right_arithmetic3A_3028, %mul3A_3029 : i32
        %multiple_of3A_3031 = tpu.assume_multiple %mul3A_3030, 128 : i32
        %dma_start3A_3032 = arith.constant 0 : i32
        %dma_start3A_3033 = arith.constant 0 : i32
        %dma_start3A_3034 = tpu.memref_slice %arg13[%dma_start3A_3032, %dma_start3A_3033] : memref<32x256xf32, #tpu.memory_space<vmem>> -> memref<32x128xf32, #tpu.memory_space<vmem>>
        %dma_start3A_3035 = arith.constant 0 : i32
        %dma_start3A_3036 = tpu.memref_slice %arg5[%dma_start3A_3035, %multiple_of3A_3031] : memref<32x1000000xf32, #tpu.memory_space<hbm>> -> memref<32x128xf32, #tpu.memory_space<hbm>>
        %dma_start3A_3037 = arith.constant 0 : i32
        %dma_start3A_3038 = arith.constant 0 : i32
        %dma_start3A_3039 = tpu.memref_slice %arg13[%dma_start3A_3037, %dma_start3A_3038] : memref<32x256xf32, #tpu.memory_space<vmem>> -> memref<32x128xf32, #tpu.memory_space<vmem>>
        %dma_start3A_3040 = arith.constant 0 : i32
        %dma_start3A_3041 = tpu.memref_slice %arg5[%dma_start3A_3040, %multiple_of3A_3031] : memref<32x1000000xf32, #tpu.memory_space<hbm>> -> memref<32x128xf32, #tpu.memory_space<hbm>>
        tpu.enqueue_dma source(%dma_start3A_3041 : memref<32x128xf32, #tpu.memory_space<hbm>>) target(%dma_start3A_3039 : memref<32x128xf32, #tpu.memory_space<vmem>>) target_semaphore(%arg22 : memref<!tpu.dma_semaphore, #tpu.memory_space<semaphore_mem>>)
        %shift_right_arithmetic3A_3042 = arith.constant 7 : i32
        %shift_right_arithmetic3A_3043 = arith.shrsi %squeeze3A_3026, %shift_right_arithmetic3A_3042 : i32
        %mul3A_3044 = arith.constant 128 : i32
        %mul3A_3045 = arith.muli %shift_right_arithmetic3A_3043, %mul3A_3044 : i32
        %multiple_of3A_3046 = tpu.assume_multiple %mul3A_3045, 128 : i32
        %dma_start3A_3047 = arith.constant 0 : i32
        %dma_start3A_3048 = arith.constant 128 : i32
        %dma_start3A_3049 = tpu.memref_slice %arg13[%dma_start3A_3047, %dma_start3A_3048] : memref<32x256xf32, #tpu.memory_space<vmem>> -> memref<32x128xf32, #tpu.memory_space<vmem>>
        %dma_start3A_3050 = arith.constant 0 : i32
        %dma_start3A_3051 = tpu.memref_slice %arg6[%dma_start3A_3050, %multiple_of3A_3046] : memref<32x1000000xf32, #tpu.memory_space<hbm>> -> memref<32x128xf32, #tpu.memory_space<hbm>>
        %dma_start3A_3052 = arith.constant 0 : i32
        %dma_start3A_3053 = arith.constant 128 : i32
        %dma_start3A_3054 = tpu.memref_slice %arg13[%dma_start3A_3052, %dma_start3A_3053] : memref<32x256xf32, #tpu.memory_space<vmem>> -> memref<32x128xf32, #tpu.memory_space<vmem>>
        %dma_start3A_3055 = arith.constant 0 : i32
        %dma_start3A_3056 = tpu.memref_slice %arg6[%dma_start3A_3055, %multiple_of3A_3046] : memref<32x1000000xf32, #tpu.memory_space<hbm>> -> memref<32x128xf32, #tpu.memory_space<hbm>>
        tpu.enqueue_dma source(%dma_start3A_3056 : memref<32x128xf32, #tpu.memory_space<hbm>>) target(%dma_start3A_3054 : memref<32x128xf32, #tpu.memory_space<vmem>>) target_semaphore(%arg22 : memref<!tpu.dma_semaphore, #tpu.memory_space<semaphore_mem>>)
      } else {
      }
      %dma_wait3A_2623 = arith.constant 0 : i32
      %dma_wait3A_2624 = arith.constant 0 : i32
      %dma_wait3A_2625 = tpu.memref_slice %arg15[%dma_wait3A_2623, %dma_wait3A_2624] : memref<32x256xf32, #tpu.memory_space<vmem>> -> memref<32x128xf32, #tpu.memory_space<vmem>>
      %dma_wait3A_2626 = arith.constant 0 : i32
      %dma_wait3A_2627 = arith.constant 0 : i32
      %dma_wait3A_2628 = tpu.memref_slice %arg5[%dma_wait3A_2626, %dma_wait3A_2627] : memref<32x1000000xf32, #tpu.memory_space<hbm>> -> memref<32x128xf32, #tpu.memory_space<hbm>>
      %dma_wait3A_2629 = arith.constant 0 : i32
      %dma_wait3A_2630 = arith.constant 0 : i32
      %dma_wait3A_2631 = tpu.memref_slice %arg15[%dma_wait3A_2629, %dma_wait3A_2630] : memref<32x256xf32, #tpu.memory_space<vmem>> -> memref<32x128xf32, #tpu.memory_space<vmem>>
      %dma_wait3A_2632 = arith.constant 0 : i32
      %dma_wait3A_2633 = arith.constant 0 : i32
      %dma_wait3A_2634 = tpu.memref_slice %arg5[%dma_wait3A_2632, %dma_wait3A_2633] : memref<32x1000000xf32, #tpu.memory_space<hbm>> -> memref<32x128xf32, #tpu.memory_space<hbm>>
      tpu.wait_dma2 semaphore(%arg24 : memref<!tpu.dma_semaphore, #tpu.memory_space<semaphore_mem>>) src(%dma_wait3A_2634 : memref<32x128xf32, #tpu.memory_space<hbm>>) dst(%dma_wait3A_2631 : memref<32x128xf32, #tpu.memory_space<vmem>>)
      %dma_wait3A_2635 = arith.constant 0 : i32
      %dma_wait3A_2636 = arith.constant 128 : i32
      %dma_wait3A_2637 = tpu.memref_slice %arg15[%dma_wait3A_2635, %dma_wait3A_2636] : memref<32x256xf32, #tpu.memory_space<vmem>> -> memref<32x128xf32, #tpu.memory_space<vmem>>
      %dma_wait3A_2638 = arith.constant 0 : i32
      %dma_wait3A_2639 = arith.constant 0 : i32
      %dma_wait3A_2640 = tpu.memref_slice %arg5[%dma_wait3A_2638, %dma_wait3A_2639] : memref<32x1000000xf32, #tpu.memory_space<hbm>> -> memref<32x128xf32, #tpu.memory_space<hbm>>
      %dma_wait3A_2641 = arith.constant 0 : i32
      %dma_wait3A_2642 = arith.constant 128 : i32
      %dma_wait3A_2643 = tpu.memref_slice %arg15[%dma_wait3A_2641, %dma_wait3A_2642] : memref<32x256xf32, #tpu.memory_space<vmem>> -> memref<32x128xf32, #tpu.memory_space<vmem>>
      %dma_wait3A_2644 = arith.constant 0 : i32
      %dma_wait3A_2645 = arith.constant 0 : i32
      %dma_wait3A_2646 = tpu.memref_slice %arg5[%dma_wait3A_2644, %dma_wait3A_2645] : memref<32x1000000xf32, #tpu.memory_space<hbm>> -> memref<32x128xf32, #tpu.memory_space<hbm>>
      tpu.wait_dma2 semaphore(%arg24 : memref<!tpu.dma_semaphore, #tpu.memory_space<semaphore_mem>>) src(%dma_wait3A_2646 : memref<32x128xf32, #tpu.memory_space<hbm>>) dst(%dma_wait3A_2643 : memref<32x128xf32, #tpu.memory_space<vmem>>)
      %add3A_2647 = arith.constant 1 : i32
      %add3A_2648 = arith.addi %scan3A_246, %add3A_2647 : i32
      %lt3A_2649 = arith.constant 32 : i32
      %lt3A_2650 = arith.cmpi slt, %add3A_2648, %lt3A_2649 : i32
      %convert_element_type3A_2651 = arith.extui %lt3A_2650 : i1 to i32
      %cond3A_2652 = arith.constant 0 : i32
      %cond3A_2653 = arith.cmpi ne, %convert_element_type3A_2651, %cond3A_2652 : i32
      scf.if %cond3A_2653 {
        %slice3A_3023 = vector.extract_strided_slice %get3A_263 {offsets = [0], sizes = [1], strides = [1]} : vector<16xi32> to vector<1xi32>
        %squeeze3A_3024 = vector.extract %slice3A_3023[0] : i32 from vector<1xi32>
        %slice3A_3025 = vector.extract_strided_slice %get3A_265 {offsets = [0], sizes = [1], strides = [1]} : vector<16xi32> to vector<1xi32>
        %squeeze3A_3026 = vector.extract %slice3A_3025[0] : i32 from vector<1xi32>
        %shift_right_arithmetic3A_3027 = arith.constant 7 : i32
        %shift_right_arithmetic3A_3028 = arith.shrsi %squeeze3A_3024, %shift_right_arithmetic3A_3027 : i32
        %mul3A_3029 = arith.constant 128 : i32
        %mul3A_3030 = arith.muli %shift_right_arithmetic3A_3028, %mul3A_3029 : i32
        %multiple_of3A_3031 = tpu.assume_multiple %mul3A_3030, 128 : i32
        %dma_start3A_3032 = arith.constant 0 : i32
        %dma_start3A_3033 = arith.constant 0 : i32
        %dma_start3A_3034 = tpu.memref_slice %arg14[%dma_start3A_3032, %dma_start3A_3033] : memref<32x256xf32, #tpu.memory_space<vmem>> -> memref<32x128xf32, #tpu.memory_space<vmem>>
        %dma_start3A_3035 = arith.constant 0 : i32
        %dma_start3A_3036 = tpu.memref_slice %arg7[%dma_start3A_3035, %multiple_of3A_3031] : memref<32x1000000xf32, #tpu.memory_space<hbm>> -> memref<32x128xf32, #tpu.memory_space<hbm>>
        %dma_start3A_3037 = arith.constant 0 : i32
        %dma_start3A_3038 = arith.constant 0 : i32
        %dma_start3A_3039 = tpu.memref_slice %arg14[%dma_start3A_3037, %dma_start3A_3038] : memref<32x256xf32, #tpu.memory_space<vmem>> -> memref<32x128xf32, #tpu.memory_space<vmem>>
        %dma_start3A_3040 = arith.constant 0 : i32
        %dma_start3A_3041 = tpu.memref_slice %arg7[%dma_start3A_3040, %multiple_of3A_3031] : memref<32x1000000xf32, #tpu.memory_space<hbm>> -> memref<32x128xf32, #tpu.memory_space<hbm>>
        tpu.enqueue_dma source(%dma_start3A_3041 : memref<32x128xf32, #tpu.memory_space<hbm>>) target(%dma_start3A_3039 : memref<32x128xf32, #tpu.memory_space<vmem>>) target_semaphore(%arg23 : memref<!tpu.dma_semaphore, #tpu.memory_space<semaphore_mem>>)
        %shift_right_arithmetic3A_3042 = arith.constant 7 : i32
        %shift_right_arithmetic3A_3043 = arith.shrsi %squeeze3A_3026, %shift_right_arithmetic3A_3042 : i32
        %mul3A_3044 = arith.constant 128 : i32
        %mul3A_3045 = arith.muli %shift_right_arithmetic3A_3043, %mul3A_3044 : i32
        %multiple_of3A_3046 = tpu.assume_multiple %mul3A_3045, 128 : i32
        %dma_start3A_3047 = arith.constant 0 : i32
        %dma_start3A_3048 = arith.constant 128 : i32
        %dma_start3A_3049 = tpu.memref_slice %arg14[%dma_start3A_3047, %dma_start3A_3048] : memref<32x256xf32, #tpu.memory_space<vmem>> -> memref<32x128xf32, #tpu.memory_space<vmem>>
        %dma_start3A_3050 = arith.constant 0 : i32
        %dma_start3A_3051 = tpu.memref_slice %arg8[%dma_start3A_3050, %multiple_of3A_3046] : memref<32x1000000xf32, #tpu.memory_space<hbm>> -> memref<32x128xf32, #tpu.memory_space<hbm>>
        %dma_start3A_3052 = arith.constant 0 : i32
        %dma_start3A_3053 = arith.constant 128 : i32
        %dma_start3A_3054 = tpu.memref_slice %arg14[%dma_start3A_3052, %dma_start3A_3053] : memref<32x256xf32, #tpu.memory_space<vmem>> -> memref<32x128xf32, #tpu.memory_space<vmem>>
        %dma_start3A_3055 = arith.constant 0 : i32
        %dma_start3A_3056 = tpu.memref_slice %arg8[%dma_start3A_3055, %multiple_of3A_3046] : memref<32x1000000xf32, #tpu.memory_space<hbm>> -> memref<32x128xf32, #tpu.memory_space<hbm>>
        tpu.enqueue_dma source(%dma_start3A_3056 : memref<32x128xf32, #tpu.memory_space<hbm>>) target(%dma_start3A_3054 : memref<32x128xf32, #tpu.memory_space<vmem>>) target_semaphore(%arg23 : memref<!tpu.dma_semaphore, #tpu.memory_space<semaphore_mem>>)
      } else {
      }
      %dma_wait3A_2654 = arith.constant 0 : i32
      %dma_wait3A_2655 = arith.constant 0 : i32
      %dma_wait3A_2656 = tpu.memref_slice %arg16[%dma_wait3A_2654, %dma_wait3A_2655] : memref<32x256xf32, #tpu.memory_space<vmem>> -> memref<32x128xf32, #tpu.memory_space<vmem>>
      %dma_wait3A_2657 = arith.constant 0 : i32
      %dma_wait3A_2658 = arith.constant 0 : i32
      %dma_wait3A_2659 = tpu.memref_slice %arg5[%dma_wait3A_2657, %dma_wait3A_2658] : memref<32x1000000xf32, #tpu.memory_space<hbm>> -> memref<32x128xf32, #tpu.memory_space<hbm>>
      %dma_wait3A_2660 = arith.constant 0 : i32
      %dma_wait3A_2661 = arith.constant 0 : i32
      %dma_wait3A_2662 = tpu.memref_slice %arg16[%dma_wait3A_2660, %dma_wait3A_2661] : memref<32x256xf32, #tpu.memory_space<vmem>> -> memref<32x128xf32, #tpu.memory_space<vmem>>
      %dma_wait3A_2663 = arith.constant 0 : i32
      %dma_wait3A_2664 = arith.constant 0 : i32
      %dma_wait3A_2665 = tpu.memref_slice %arg5[%dma_wait3A_2663, %dma_wait3A_2664] : memref<32x1000000xf32, #tpu.memory_space<hbm>> -> memref<32x128xf32, #tpu.memory_space<hbm>>
      tpu.wait_dma2 semaphore(%arg25 : memref<!tpu.dma_semaphore, #tpu.memory_space<semaphore_mem>>) src(%dma_wait3A_2665 : memref<32x128xf32, #tpu.memory_space<hbm>>) dst(%dma_wait3A_2662 : memref<32x128xf32, #tpu.memory_space<vmem>>)
      %dma_wait3A_2666 = arith.constant 0 : i32
      %dma_wait3A_2667 = arith.constant 128 : i32
      %dma_wait3A_2668 = tpu.memref_slice %arg16[%dma_wait3A_2666, %dma_wait3A_2667] : memref<32x256xf32, #tpu.memory_space<vmem>> -> memref<32x128xf32, #tpu.memory_space<vmem>>
      %dma_wait3A_2669 = arith.constant 0 : i32
      %dma_wait3A_2670 = arith.constant 0 : i32
      %dma_wait3A_2671 = tpu.memref_slice %arg5[%dma_wait3A_2669, %dma_wait3A_2670] : memref<32x1000000xf32, #tpu.memory_space<hbm>> -> memref<32x128xf32, #tpu.memory_space<hbm>>
      %dma_wait3A_2672 = arith.constant 0 : i32
      %dma_wait3A_2673 = arith.constant 128 : i32
      %dma_wait3A_2674 = tpu.memref_slice %arg16[%dma_wait3A_2672, %dma_wait3A_2673] : memref<32x256xf32, #tpu.memory_space<vmem>> -> memref<32x128xf32, #tpu.memory_space<vmem>>
      %dma_wait3A_2675 = arith.constant 0 : i32
      %dma_wait3A_2676 = arith.constant 0 : i32
      %dma_wait3A_2677 = tpu.memref_slice %arg5[%dma_wait3A_2675, %dma_wait3A_2676] : memref<32x1000000xf32, #tpu.memory_space<hbm>> -> memref<32x128xf32, #tpu.memory_space<hbm>>
      tpu.wait_dma2 semaphore(%arg25 : memref<!tpu.dma_semaphore, #tpu.memory_space<semaphore_mem>>) src(%dma_wait3A_2677 : memref<32x128xf32, #tpu.memory_space<hbm>>) dst(%dma_wait3A_2674 : memref<32x128xf32, #tpu.memory_space<vmem>>)
      %slice3A_2678 = vector.extract_strided_slice %get3A_250 {offsets = [13], sizes = [1], strides = [1]} : vector<16xi32> to vector<1xi32>
      %squeeze3A_2679 = vector.extract %slice3A_2678[0] : i32 from vector<1xi32>
      %slice3A_2680 = vector.extract_strided_slice %get3A_254 {offsets = [13], sizes = [1], strides = [1]} : vector<16xi32> to vector<1xi32>
      %squeeze3A_2681 = vector.extract %slice3A_2680[0] : i32 from vector<1xi32>
      %slice3A_2682 = vector.extract_strided_slice %get3A_252 {offsets = [13], sizes = [1], strides = [1]} : vector<16xi32> to vector<1xi32>
      %squeeze3A_2683 = vector.extract %slice3A_2682[0] : i32 from vector<1xi32>
      %slice3A_2684 = vector.extract_strided_slice %get3A_254 {offsets = [13], sizes = [1], strides = [1]} : vector<16xi32> to vector<1xi32>
      %squeeze3A_2685 = vector.extract %slice3A_2684[0] : i32 from vector<1xi32>
      %and3A_2686 = arith.constant 127 : i32
      %and3A_2687 = arith.andi %squeeze3A_2679, %and3A_2686 : i32
      %broadcast_in_dim3A_2688 = vector.broadcast %and3A_2687 : i32 to vector<16xi32>
      %add3A_2689 = arith.constant 0 : i32
      %add3A_2690 = vector.broadcast %add3A_2689 : i32 to vector<16xi32>
      %add3A_2691 = arith.addi %broadcast_in_dim3A_2688, %add3A_2690 : vector<16xi32>
      %gather3A_2692 = tpu.vector_load_idx %arg15[%iota3A, %add3A_2691] : memref<32x256xf32, #tpu.memory_space<vmem>>[vector<16xi32>, vector<16xi32>], vector<16xf32>,
      %add3A_2693 = arith.constant 16 : i32
      %add3A_2694 = vector.broadcast %add3A_2693 : i32 to vector<16xi32>
      %add3A_2695 = arith.addi %iota3A, %add3A_2694 : vector<16xi32>
      %gather3A_2696 = tpu.vector_load_idx %arg15[%add3A_2695, %add3A_2691] : memref<32x256xf32, #tpu.memory_space<vmem>>[vector<16xi32>, vector<16xi32>], vector<16xf32>,
      %and3A_2697 = arith.constant 127 : i32
      %and3A_2698 = arith.andi %squeeze3A_2681, %and3A_2697 : i32
      %broadcast_in_dim3A_2699 = vector.broadcast %and3A_2698 : i32 to vector<16xi32>
      %add3A_2700 = arith.constant 128 : i32
      %add3A_2701 = vector.broadcast %add3A_2700 : i32 to vector<16xi32>
      %add3A_2702 = arith.addi %broadcast_in_dim3A_2699, %add3A_2701 : vector<16xi32>
      %gather3A_2703 = tpu.vector_load_idx %arg15[%iota3A, %add3A_2702] : memref<32x256xf32, #tpu.memory_space<vmem>>[vector<16xi32>, vector<16xi32>], vector<16xf32>,
      %add3A_2704 = arith.constant 16 : i32
      %add3A_2705 = vector.broadcast %add3A_2704 : i32 to vector<16xi32>
      %add3A_2706 = arith.addi %iota3A, %add3A_2705 : vector<16xi32>
      %gather3A_2707 = tpu.vector_load_idx %arg15[%add3A_2706, %add3A_2702] : memref<32x256xf32, #tpu.memory_space<vmem>>[vector<16xi32>, vector<16xi32>], vector<16xf32>,
      %and3A_2708 = arith.constant 127 : i32
      %and3A_2709 = arith.andi %squeeze3A_2683, %and3A_2708 : i32
      %broadcast_in_dim3A_2710 = vector.broadcast %and3A_2709 : i32 to vector<16xi32>
      %add3A_2711 = arith.constant 0 : i32
      %add3A_2712 = vector.broadcast %add3A_2711 : i32 to vector<16xi32>
      %add3A_2713 = arith.addi %broadcast_in_dim3A_2710, %add3A_2712 : vector<16xi32>
      %gather3A_2714 = tpu.vector_load_idx %arg16[%iota3A, %add3A_2713] : memref<32x256xf32, #tpu.memory_space<vmem>>[vector<16xi32>, vector<16xi32>], vector<16xf32>,
      %add3A_2715 = arith.constant 16 : i32
      %add3A_2716 = vector.broadcast %add3A_2715 : i32 to vector<16xi32>
      %add3A_2717 = arith.addi %iota3A, %add3A_2716 : vector<16xi32>
      %gather3A_2718 = tpu.vector_load_idx %arg16[%add3A_2717, %add3A_2713] : memref<32x256xf32, #tpu.memory_space<vmem>>[vector<16xi32>, vector<16xi32>], vector<16xf32>,
      %and3A_2719 = arith.constant 127 : i32
      %and3A_2720 = arith.andi %squeeze3A_2685, %and3A_2719 : i32
      %broadcast_in_dim3A_2721 = vector.broadcast %and3A_2720 : i32 to vector<16xi32>
      %add3A_2722 = arith.constant 128 : i32
      %add3A_2723 = vector.broadcast %add3A_2722 : i32 to vector<16xi32>
      %add3A_2724 = arith.addi %broadcast_in_dim3A_2721, %add3A_2723 : vector<16xi32>
      %gather3A_2725 = tpu.vector_load_idx %arg16[%iota3A, %add3A_2724] : memref<32x256xf32, #tpu.memory_space<vmem>>[vector<16xi32>, vector<16xi32>], vector<16xf32>,
      %add3A_2726 = arith.constant 16 : i32
      %add3A_2727 = vector.broadcast %add3A_2726 : i32 to vector<16xi32>
      %add3A_2728 = arith.addi %iota3A, %add3A_2727 : vector<16xi32>
      %gather3A_2729 = tpu.vector_load_idx %arg16[%add3A_2728, %add3A_2724] : memref<32x256xf32, #tpu.memory_space<vmem>>[vector<16xi32>, vector<16xi32>], vector<16xf32>,
      %mul3A_2730 = arith.mulf %gather3A_2692, %gather3A_2703 : vector<16xf32>
      %mul3A_2731 = arith.mulf %gather3A_2696, %gather3A_2707 : vector<16xf32>
      %add3A_2732 = arith.addf %mul3A_2730, %mul3A_2731 : vector<16xf32>
      %mul3A_2733 = arith.mulf %gather3A_2714, %gather3A_2725 : vector<16xf32>
      %add3A_2734 = arith.addf %add3A_2732, %mul3A_2733 : vector<16xf32>
      %mul3A_2735 = arith.mulf %gather3A_2718, %gather3A_2729 : vector<16xf32>
      %add3A_2736 = arith.addf %add3A_2734, %mul3A_2735 : vector<16xf32>
      %reduce_sum3A_2737 = arith.constant true
      %reduce_sum3A_2738 = vector.broadcast %reduce_sum3A_2737 : i1 to vector<16xi1>
      %reduce_sum3A_2739 = tpu.scan <sum>, %add3A_2736 masked %reduce_sum3A_2738 : vector<16xf32>, vector<16xi1> -> vector<16xf32>
      %reduce_sum3A_2740 = vector.extract %reduce_sum3A_2739[15] : f32 from vector<16xf32>
      %eq3A_2741 = arith.constant 13 : i32
      %eq3A_2742 = vector.broadcast %eq3A_2741 : i32 to vector<16xi32>
      %eq3A_2743 = arith.cmpi eq, %iota3A, %eq3A_2742 : vector<16xi32>
      %broadcast_in_dim3A_2744 = vector.broadcast %reduce_sum3A_2740 : f32 to vector<16xf32>
      %select_n3A_2745 = arith.select %eq3A_2743, %broadcast_in_dim3A_2744, %select_n3A_2618 : vector<16xi1>, vector<16xf32>
      %add3A_2746 = arith.constant 1 : i32
      %add3A_2747 = arith.addi %scan3A_246, %add3A_2746 : i32
      %lt3A_2748 = arith.constant 32 : i32
      %lt3A_2749 = arith.cmpi slt, %add3A_2747, %lt3A_2748 : i32
      %convert_element_type3A_2750 = arith.extui %lt3A_2749 : i1 to i32
      %cond3A_2751 = arith.constant 0 : i32
      %cond3A_2752 = arith.cmpi ne, %convert_element_type3A_2750, %cond3A_2751 : i32
      scf.if %cond3A_2752 {
        %slice3A_3023 = vector.extract_strided_slice %get3A_261 {offsets = [1], sizes = [1], strides = [1]} : vector<16xi32> to vector<1xi32>
        %squeeze3A_3024 = vector.extract %slice3A_3023[0] : i32 from vector<1xi32>
        %slice3A_3025 = vector.extract_strided_slice %get3A_265 {offsets = [1], sizes = [1], strides = [1]} : vector<16xi32> to vector<1xi32>
        %squeeze3A_3026 = vector.extract %slice3A_3025[0] : i32 from vector<1xi32>
        %shift_right_arithmetic3A_3027 = arith.constant 7 : i32
        %shift_right_arithmetic3A_3028 = arith.shrsi %squeeze3A_3024, %shift_right_arithmetic3A_3027 : i32
        %mul3A_3029 = arith.constant 128 : i32
        %mul3A_3030 = arith.muli %shift_right_arithmetic3A_3028, %mul3A_3029 : i32
        %multiple_of3A_3031 = tpu.assume_multiple %mul3A_3030, 128 : i32
        %dma_start3A_3032 = arith.constant 0 : i32
        %dma_start3A_3033 = arith.constant 0 : i32
        %dma_start3A_3034 = tpu.memref_slice %arg15[%dma_start3A_3032, %dma_start3A_3033] : memref<32x256xf32, #tpu.memory_space<vmem>> -> memref<32x128xf32, #tpu.memory_space<vmem>>
        %dma_start3A_3035 = arith.constant 0 : i32
        %dma_start3A_3036 = tpu.memref_slice %arg5[%dma_start3A_3035, %multiple_of3A_3031] : memref<32x1000000xf32, #tpu.memory_space<hbm>> -> memref<32x128xf32, #tpu.memory_space<hbm>>
        %dma_start3A_3037 = arith.constant 0 : i32
        %dma_start3A_3038 = arith.constant 0 : i32
        %dma_start3A_3039 = tpu.memref_slice %arg15[%dma_start3A_3037, %dma_start3A_3038] : memref<32x256xf32, #tpu.memory_space<vmem>> -> memref<32x128xf32, #tpu.memory_space<vmem>>
        %dma_start3A_3040 = arith.constant 0 : i32
        %dma_start3A_3041 = tpu.memref_slice %arg5[%dma_start3A_3040, %multiple_of3A_3031] : memref<32x1000000xf32, #tpu.memory_space<hbm>> -> memref<32x128xf32, #tpu.memory_space<hbm>>
        tpu.enqueue_dma source(%dma_start3A_3041 : memref<32x128xf32, #tpu.memory_space<hbm>>) target(%dma_start3A_3039 : memref<32x128xf32, #tpu.memory_space<vmem>>) target_semaphore(%arg24 : memref<!tpu.dma_semaphore, #tpu.memory_space<semaphore_mem>>)
        %shift_right_arithmetic3A_3042 = arith.constant 7 : i32
        %shift_right_arithmetic3A_3043 = arith.shrsi %squeeze3A_3026, %shift_right_arithmetic3A_3042 : i32
        %mul3A_3044 = arith.constant 128 : i32
        %mul3A_3045 = arith.muli %shift_right_arithmetic3A_3043, %mul3A_3044 : i32
        %multiple_of3A_3046 = tpu.assume_multiple %mul3A_3045, 128 : i32
        %dma_start3A_3047 = arith.constant 0 : i32
        %dma_start3A_3048 = arith.constant 128 : i32
        %dma_start3A_3049 = tpu.memref_slice %arg15[%dma_start3A_3047, %dma_start3A_3048] : memref<32x256xf32, #tpu.memory_space<vmem>> -> memref<32x128xf32, #tpu.memory_space<vmem>>
        %dma_start3A_3050 = arith.constant 0 : i32
        %dma_start3A_3051 = tpu.memref_slice %arg6[%dma_start3A_3050, %multiple_of3A_3046] : memref<32x1000000xf32, #tpu.memory_space<hbm>> -> memref<32x128xf32, #tpu.memory_space<hbm>>
        %dma_start3A_3052 = arith.constant 0 : i32
        %dma_start3A_3053 = arith.constant 128 : i32
        %dma_start3A_3054 = tpu.memref_slice %arg15[%dma_start3A_3052, %dma_start3A_3053] : memref<32x256xf32, #tpu.memory_space<vmem>> -> memref<32x128xf32, #tpu.memory_space<vmem>>
        %dma_start3A_3055 = arith.constant 0 : i32
        %dma_start3A_3056 = tpu.memref_slice %arg6[%dma_start3A_3055, %multiple_of3A_3046] : memref<32x1000000xf32, #tpu.memory_space<hbm>> -> memref<32x128xf32, #tpu.memory_space<hbm>>
        tpu.enqueue_dma source(%dma_start3A_3056 : memref<32x128xf32, #tpu.memory_space<hbm>>) target(%dma_start3A_3054 : memref<32x128xf32, #tpu.memory_space<vmem>>) target_semaphore(%arg24 : memref<!tpu.dma_semaphore, #tpu.memory_space<semaphore_mem>>)
      } else {
      }
      %dma_wait3A_2753 = arith.constant 0 : i32
      %dma_wait3A_2754 = arith.constant 0 : i32
      %dma_wait3A_2755 = tpu.memref_slice %arg17[%dma_wait3A_2753, %dma_wait3A_2754] : memref<32x256xf32, #tpu.memory_space<vmem>> -> memref<32x128xf32, #tpu.memory_space<vmem>>
      %dma_wait3A_2756 = arith.constant 0 : i32
      %dma_wait3A_2757 = arith.constant 0 : i32
      %dma_wait3A_2758 = tpu.memref_slice %arg5[%dma_wait3A_2756, %dma_wait3A_2757] : memref<32x1000000xf32, #tpu.memory_space<hbm>> -> memref<32x128xf32, #tpu.memory_space<hbm>>
      %dma_wait3A_2759 = arith.constant 0 : i32
      %dma_wait3A_2760 = arith.constant 0 : i32
      %dma_wait3A_2761 = tpu.memref_slice %arg17[%dma_wait3A_2759, %dma_wait3A_2760] : memref<32x256xf32, #tpu.memory_space<vmem>> -> memref<32x128xf32, #tpu.memory_space<vmem>>
      %dma_wait3A_2762 = arith.constant 0 : i32
      %dma_wait3A_2763 = arith.constant 0 : i32
      %dma_wait3A_2764 = tpu.memref_slice %arg5[%dma_wait3A_2762, %dma_wait3A_2763] : memref<32x1000000xf32, #tpu.memory_space<hbm>> -> memref<32x128xf32, #tpu.memory_space<hbm>>
      tpu.wait_dma2 semaphore(%arg26 : memref<!tpu.dma_semaphore, #tpu.memory_space<semaphore_mem>>) src(%dma_wait3A_2764 : memref<32x128xf32, #tpu.memory_space<hbm>>) dst(%dma_wait3A_2761 : memref<32x128xf32, #tpu.memory_space<vmem>>)
      %dma_wait3A_2765 = arith.constant 0 : i32
      %dma_wait3A_2766 = arith.constant 128 : i32
      %dma_wait3A_2767 = tpu.memref_slice %arg17[%dma_wait3A_2765, %dma_wait3A_2766] : memref<32x256xf32, #tpu.memory_space<vmem>> -> memref<32x128xf32, #tpu.memory_space<vmem>>
      %dma_wait3A_2768 = arith.constant 0 : i32
      %dma_wait3A_2769 = arith.constant 0 : i32
      %dma_wait3A_2770 = tpu.memref_slice %arg5[%dma_wait3A_2768, %dma_wait3A_2769] : memref<32x1000000xf32, #tpu.memory_space<hbm>> -> memref<32x128xf32, #tpu.memory_space<hbm>>
      %dma_wait3A_2771 = arith.constant 0 : i32
      %dma_wait3A_2772 = arith.constant 128 : i32
      %dma_wait3A_2773 = tpu.memref_slice %arg17[%dma_wait3A_2771, %dma_wait3A_2772] : memref<32x256xf32, #tpu.memory_space<vmem>> -> memref<32x128xf32, #tpu.memory_space<vmem>>
      %dma_wait3A_2774 = arith.constant 0 : i32
      %dma_wait3A_2775 = arith.constant 0 : i32
      %dma_wait3A_2776 = tpu.memref_slice %arg5[%dma_wait3A_2774, %dma_wait3A_2775] : memref<32x1000000xf32, #tpu.memory_space<hbm>> -> memref<32x128xf32, #tpu.memory_space<hbm>>
      tpu.wait_dma2 semaphore(%arg26 : memref<!tpu.dma_semaphore, #tpu.memory_space<semaphore_mem>>) src(%dma_wait3A_2776 : memref<32x128xf32, #tpu.memory_space<hbm>>) dst(%dma_wait3A_2773 : memref<32x128xf32, #tpu.memory_space<vmem>>)
      %add3A_2777 = arith.constant 1 : i32
      %add3A_2778 = arith.addi %scan3A_246, %add3A_2777 : i32
      %lt3A_2779 = arith.constant 32 : i32
      %lt3A_2780 = arith.cmpi slt, %add3A_2778, %lt3A_2779 : i32
      %convert_element_type3A_2781 = arith.extui %lt3A_2780 : i1 to i32
      %cond3A_2782 = arith.constant 0 : i32
      %cond3A_2783 = arith.cmpi ne, %convert_element_type3A_2781, %cond3A_2782 : i32
      scf.if %cond3A_2783 {
        %slice3A_3023 = vector.extract_strided_slice %get3A_263 {offsets = [1], sizes = [1], strides = [1]} : vector<16xi32> to vector<1xi32>
        %squeeze3A_3024 = vector.extract %slice3A_3023[0] : i32 from vector<1xi32>
        %slice3A_3025 = vector.extract_strided_slice %get3A_265 {offsets = [1], sizes = [1], strides = [1]} : vector<16xi32> to vector<1xi32>
        %squeeze3A_3026 = vector.extract %slice3A_3025[0] : i32 from vector<1xi32>
        %shift_right_arithmetic3A_3027 = arith.constant 7 : i32
        %shift_right_arithmetic3A_3028 = arith.shrsi %squeeze3A_3024, %shift_right_arithmetic3A_3027 : i32
        %mul3A_3029 = arith.constant 128 : i32
        %mul3A_3030 = arith.muli %shift_right_arithmetic3A_3028, %mul3A_3029 : i32
        %multiple_of3A_3031 = tpu.assume_multiple %mul3A_3030, 128 : i32
        %dma_start3A_3032 = arith.constant 0 : i32
        %dma_start3A_3033 = arith.constant 0 : i32
        %dma_start3A_3034 = tpu.memref_slice %arg16[%dma_start3A_3032, %dma_start3A_3033] : memref<32x256xf32, #tpu.memory_space<vmem>> -> memref<32x128xf32, #tpu.memory_space<vmem>>
        %dma_start3A_3035 = arith.constant 0 : i32
        %dma_start3A_3036 = tpu.memref_slice %arg7[%dma_start3A_3035, %multiple_of3A_3031] : memref<32x1000000xf32, #tpu.memory_space<hbm>> -> memref<32x128xf32, #tpu.memory_space<hbm>>
        %dma_start3A_3037 = arith.constant 0 : i32
        %dma_start3A_3038 = arith.constant 0 : i32
        %dma_start3A_3039 = tpu.memref_slice %arg16[%dma_start3A_3037, %dma_start3A_3038] : memref<32x256xf32, #tpu.memory_space<vmem>> -> memref<32x128xf32, #tpu.memory_space<vmem>>
        %dma_start3A_3040 = arith.constant 0 : i32
        %dma_start3A_3041 = tpu.memref_slice %arg7[%dma_start3A_3040, %multiple_of3A_3031] : memref<32x1000000xf32, #tpu.memory_space<hbm>> -> memref<32x128xf32, #tpu.memory_space<hbm>>
        tpu.enqueue_dma source(%dma_start3A_3041 : memref<32x128xf32, #tpu.memory_space<hbm>>) target(%dma_start3A_3039 : memref<32x128xf32, #tpu.memory_space<vmem>>) target_semaphore(%arg25 : memref<!tpu.dma_semaphore, #tpu.memory_space<semaphore_mem>>)
        %shift_right_arithmetic3A_3042 = arith.constant 7 : i32
        %shift_right_arithmetic3A_3043 = arith.shrsi %squeeze3A_3026, %shift_right_arithmetic3A_3042 : i32
        %mul3A_3044 = arith.constant 128 : i32
        %mul3A_3045 = arith.muli %shift_right_arithmetic3A_3043, %mul3A_3044 : i32
        %multiple_of3A_3046 = tpu.assume_multiple %mul3A_3045, 128 : i32
        %dma_start3A_3047 = arith.constant 0 : i32
        %dma_start3A_3048 = arith.constant 128 : i32
        %dma_start3A_3049 = tpu.memref_slice %arg16[%dma_start3A_3047, %dma_start3A_3048] : memref<32x256xf32, #tpu.memory_space<vmem>> -> memref<32x128xf32, #tpu.memory_space<vmem>>
        %dma_start3A_3050 = arith.constant 0 : i32
        %dma_start3A_3051 = tpu.memref_slice %arg8[%dma_start3A_3050, %multiple_of3A_3046] : memref<32x1000000xf32, #tpu.memory_space<hbm>> -> memref<32x128xf32, #tpu.memory_space<hbm>>
        %dma_start3A_3052 = arith.constant 0 : i32
        %dma_start3A_3053 = arith.constant 128 : i32
        %dma_start3A_3054 = tpu.memref_slice %arg16[%dma_start3A_3052, %dma_start3A_3053] : memref<32x256xf32, #tpu.memory_space<vmem>> -> memref<32x128xf32, #tpu.memory_space<vmem>>
        %dma_start3A_3055 = arith.constant 0 : i32
        %dma_start3A_3056 = tpu.memref_slice %arg8[%dma_start3A_3055, %multiple_of3A_3046] : memref<32x1000000xf32, #tpu.memory_space<hbm>> -> memref<32x128xf32, #tpu.memory_space<hbm>>
        tpu.enqueue_dma source(%dma_start3A_3056 : memref<32x128xf32, #tpu.memory_space<hbm>>) target(%dma_start3A_3054 : memref<32x128xf32, #tpu.memory_space<vmem>>) target_semaphore(%arg25 : memref<!tpu.dma_semaphore, #tpu.memory_space<semaphore_mem>>)
      } else {
      }
      %dma_wait3A_2784 = arith.constant 0 : i32
      %dma_wait3A_2785 = arith.constant 0 : i32
      %dma_wait3A_2786 = tpu.memref_slice %arg18[%dma_wait3A_2784, %dma_wait3A_2785] : memref<32x256xf32, #tpu.memory_space<vmem>> -> memref<32x128xf32, #tpu.memory_space<vmem>>
      %dma_wait3A_2787 = arith.constant 0 : i32
      %dma_wait3A_2788 = arith.constant 0 : i32
      %dma_wait3A_2789 = tpu.memref_slice %arg5[%dma_wait3A_2787, %dma_wait3A_2788] : memref<32x1000000xf32, #tpu.memory_space<hbm>> -> memref<32x128xf32, #tpu.memory_space<hbm>>
      %dma_wait3A_2790 = arith.constant 0 : i32
      %dma_wait3A_2791 = arith.constant 0 : i32
      %dma_wait3A_2792 = tpu.memref_slice %arg18[%dma_wait3A_2790, %dma_wait3A_2791] : memref<32x256xf32, #tpu.memory_space<vmem>> -> memref<32x128xf32, #tpu.memory_space<vmem>>
      %dma_wait3A_2793 = arith.constant 0 : i32
      %dma_wait3A_2794 = arith.constant 0 : i32
      %dma_wait3A_2795 = tpu.memref_slice %arg5[%dma_wait3A_2793, %dma_wait3A_2794] : memref<32x1000000xf32, #tpu.memory_space<hbm>> -> memref<32x128xf32, #tpu.memory_space<hbm>>
      tpu.wait_dma2 semaphore(%arg27 : memref<!tpu.dma_semaphore, #tpu.memory_space<semaphore_mem>>) src(%dma_wait3A_2795 : memref<32x128xf32, #tpu.memory_space<hbm>>) dst(%dma_wait3A_2792 : memref<32x128xf32, #tpu.memory_space<vmem>>)
      %dma_wait3A_2796 = arith.constant 0 : i32
      %dma_wait3A_2797 = arith.constant 128 : i32
      %dma_wait3A_2798 = tpu.memref_slice %arg18[%dma_wait3A_2796, %dma_wait3A_2797] : memref<32x256xf32, #tpu.memory_space<vmem>> -> memref<32x128xf32, #tpu.memory_space<vmem>>
      %dma_wait3A_2799 = arith.constant 0 : i32
      %dma_wait3A_2800 = arith.constant 0 : i32
      %dma_wait3A_2801 = tpu.memref_slice %arg5[%dma_wait3A_2799, %dma_wait3A_2800] : memref<32x1000000xf32, #tpu.memory_space<hbm>> -> memref<32x128xf32, #tpu.memory_space<hbm>>
      %dma_wait3A_2802 = arith.constant 0 : i32
      %dma_wait3A_2803 = arith.constant 128 : i32
      %dma_wait3A_2804 = tpu.memref_slice %arg18[%dma_wait3A_2802, %dma_wait3A_2803] : memref<32x256xf32, #tpu.memory_space<vmem>> -> memref<32x128xf32, #tpu.memory_space<vmem>>
      %dma_wait3A_2805 = arith.constant 0 : i32
      %dma_wait3A_2806 = arith.constant 0 : i32
      %dma_wait3A_2807 = tpu.memref_slice %arg5[%dma_wait3A_2805, %dma_wait3A_2806] : memref<32x1000000xf32, #tpu.memory_space<hbm>> -> memref<32x128xf32, #tpu.memory_space<hbm>>
      tpu.wait_dma2 semaphore(%arg27 : memref<!tpu.dma_semaphore, #tpu.memory_space<semaphore_mem>>) src(%dma_wait3A_2807 : memref<32x128xf32, #tpu.memory_space<hbm>>) dst(%dma_wait3A_2804 : memref<32x128xf32, #tpu.memory_space<vmem>>)
      %slice3A_2808 = vector.extract_strided_slice %get3A_250 {offsets = [14], sizes = [1], strides = [1]} : vector<16xi32> to vector<1xi32>
      %squeeze3A_2809 = vector.extract %slice3A_2808[0] : i32 from vector<1xi32>
      %slice3A_2810 = vector.extract_strided_slice %get3A_254 {offsets = [14], sizes = [1], strides = [1]} : vector<16xi32> to vector<1xi32>
      %squeeze3A_2811 = vector.extract %slice3A_2810[0] : i32 from vector<1xi32>
      %slice3A_2812 = vector.extract_strided_slice %get3A_252 {offsets = [14], sizes = [1], strides = [1]} : vector<16xi32> to vector<1xi32>
      %squeeze3A_2813 = vector.extract %slice3A_2812[0] : i32 from vector<1xi32>
      %slice3A_2814 = vector.extract_strided_slice %get3A_254 {offsets = [14], sizes = [1], strides = [1]} : vector<16xi32> to vector<1xi32>
      %squeeze3A_2815 = vector.extract %slice3A_2814[0] : i32 from vector<1xi32>
      %and3A_2816 = arith.constant 127 : i32
      %and3A_2817 = arith.andi %squeeze3A_2809, %and3A_2816 : i32
      %broadcast_in_dim3A_2818 = vector.broadcast %and3A_2817 : i32 to vector<16xi32>
      %add3A_2819 = arith.constant 0 : i32
      %add3A_2820 = vector.broadcast %add3A_2819 : i32 to vector<16xi32>
      %add3A_2821 = arith.addi %broadcast_in_dim3A_2818, %add3A_2820 : vector<16xi32>
      %gather3A_2822 = tpu.vector_load_idx %arg17[%iota3A, %add3A_2821] : memref<32x256xf32, #tpu.memory_space<vmem>>[vector<16xi32>, vector<16xi32>], vector<16xf32>,
      %add3A_2823 = arith.constant 16 : i32
      %add3A_2824 = vector.broadcast %add3A_2823 : i32 to vector<16xi32>
      %add3A_2825 = arith.addi %iota3A, %add3A_2824 : vector<16xi32>
      %gather3A_2826 = tpu.vector_load_idx %arg17[%add3A_2825, %add3A_2821] : memref<32x256xf32, #tpu.memory_space<vmem>>[vector<16xi32>, vector<16xi32>], vector<16xf32>,
      %and3A_2827 = arith.constant 127 : i32
      %and3A_2828 = arith.andi %squeeze3A_2811, %and3A_2827 : i32
      %broadcast_in_dim3A_2829 = vector.broadcast %and3A_2828 : i32 to vector<16xi32>
      %add3A_2830 = arith.constant 128 : i32
      %add3A_2831 = vector.broadcast %add3A_2830 : i32 to vector<16xi32>
      %add3A_2832 = arith.addi %broadcast_in_dim3A_2829, %add3A_2831 : vector<16xi32>
      %gather3A_2833 = tpu.vector_load_idx %arg17[%iota3A, %add3A_2832] : memref<32x256xf32, #tpu.memory_space<vmem>>[vector<16xi32>, vector<16xi32>], vector<16xf32>,
      %add3A_2834 = arith.constant 16 : i32
      %add3A_2835 = vector.broadcast %add3A_2834 : i32 to vector<16xi32>
      %add3A_2836 = arith.addi %iota3A, %add3A_2835 : vector<16xi32>
      %gather3A_2837 = tpu.vector_load_idx %arg17[%add3A_2836, %add3A_2832] : memref<32x256xf32, #tpu.memory_space<vmem>>[vector<16xi32>, vector<16xi32>], vector<16xf32>,
      %and3A_2838 = arith.constant 127 : i32
      %and3A_2839 = arith.andi %squeeze3A_2813, %and3A_2838 : i32
      %broadcast_in_dim3A_2840 = vector.broadcast %and3A_2839 : i32 to vector<16xi32>
      %add3A_2841 = arith.constant 0 : i32
      %add3A_2842 = vector.broadcast %add3A_2841 : i32 to vector<16xi32>
      %add3A_2843 = arith.addi %broadcast_in_dim3A_2840, %add3A_2842 : vector<16xi32>
      %gather3A_2844 = tpu.vector_load_idx %arg18[%iota3A, %add3A_2843] : memref<32x256xf32, #tpu.memory_space<vmem>>[vector<16xi32>, vector<16xi32>], vector<16xf32>,
      %add3A_2845 = arith.constant 16 : i32
      %add3A_2846 = vector.broadcast %add3A_2845 : i32 to vector<16xi32>
      %add3A_2847 = arith.addi %iota3A, %add3A_2846 : vector<16xi32>
      %gather3A_2848 = tpu.vector_load_idx %arg18[%add3A_2847, %add3A_2843] : memref<32x256xf32, #tpu.memory_space<vmem>>[vector<16xi32>, vector<16xi32>], vector<16xf32>,
      %and3A_2849 = arith.constant 127 : i32
      %and3A_2850 = arith.andi %squeeze3A_2815, %and3A_2849 : i32
      %broadcast_in_dim3A_2851 = vector.broadcast %and3A_2850 : i32 to vector<16xi32>
      %add3A_2852 = arith.constant 128 : i32
      %add3A_2853 = vector.broadcast %add3A_2852 : i32 to vector<16xi32>
      %add3A_2854 = arith.addi %broadcast_in_dim3A_2851, %add3A_2853 : vector<16xi32>
      %gather3A_2855 = tpu.vector_load_idx %arg18[%iota3A, %add3A_2854] : memref<32x256xf32, #tpu.memory_space<vmem>>[vector<16xi32>, vector<16xi32>], vector<16xf32>,
      %add3A_2856 = arith.constant 16 : i32
      %add3A_2857 = vector.broadcast %add3A_2856 : i32 to vector<16xi32>
      %add3A_2858 = arith.addi %iota3A, %add3A_2857 : vector<16xi32>
      %gather3A_2859 = tpu.vector_load_idx %arg18[%add3A_2858, %add3A_2854] : memref<32x256xf32, #tpu.memory_space<vmem>>[vector<16xi32>, vector<16xi32>], vector<16xf32>,
      %mul3A_2860 = arith.mulf %gather3A_2822, %gather3A_2833 : vector<16xf32>
      %mul3A_2861 = arith.mulf %gather3A_2826, %gather3A_2837 : vector<16xf32>
      %add3A_2862 = arith.addf %mul3A_2860, %mul3A_2861 : vector<16xf32>
      %mul3A_2863 = arith.mulf %gather3A_2844, %gather3A_2855 : vector<16xf32>
      %add3A_2864 = arith.addf %add3A_2862, %mul3A_2863 : vector<16xf32>
      %mul3A_2865 = arith.mulf %gather3A_2848, %gather3A_2859 : vector<16xf32>
      %add3A_2866 = arith.addf %add3A_2864, %mul3A_2865 : vector<16xf32>
      %reduce_sum3A_2867 = arith.constant true
      %reduce_sum3A_2868 = vector.broadcast %reduce_sum3A_2867 : i1 to vector<16xi1>
      %reduce_sum3A_2869 = tpu.scan <sum>, %add3A_2866 masked %reduce_sum3A_2868 : vector<16xf32>, vector<16xi1> -> vector<16xf32>
      %reduce_sum3A_2870 = vector.extract %reduce_sum3A_2869[15] : f32 from vector<16xf32>
      %eq3A_2871 = arith.constant 14 : i32
      %eq3A_2872 = vector.broadcast %eq3A_2871 : i32 to vector<16xi32>
      %eq3A_2873 = arith.cmpi eq, %iota3A, %eq3A_2872 : vector<16xi32>
      %broadcast_in_dim3A_2874 = vector.broadcast %reduce_sum3A_2870 : f32 to vector<16xf32>
      %select_n3A_2875 = arith.select %eq3A_2873, %broadcast_in_dim3A_2874, %select_n3A_2745 : vector<16xi1>, vector<16xf32>
      %add3A_2876 = arith.constant 1 : i32
      %add3A_2877 = arith.addi %scan3A_246, %add3A_2876 : i32
      %lt3A_2878 = arith.constant 32 : i32
      %lt3A_2879 = arith.cmpi slt, %add3A_2877, %lt3A_2878 : i32
      %convert_element_type3A_2880 = arith.extui %lt3A_2879 : i1 to i32
      %cond3A_2881 = arith.constant 0 : i32
      %cond3A_2882 = arith.cmpi ne, %convert_element_type3A_2880, %cond3A_2881 : i32
      scf.if %cond3A_2882 {
        %slice3A_3023 = vector.extract_strided_slice %get3A_261 {offsets = [2], sizes = [1], strides = [1]} : vector<16xi32> to vector<1xi32>
        %squeeze3A_3024 = vector.extract %slice3A_3023[0] : i32 from vector<1xi32>
        %slice3A_3025 = vector.extract_strided_slice %get3A_265 {offsets = [2], sizes = [1], strides = [1]} : vector<16xi32> to vector<1xi32>
        %squeeze3A_3026 = vector.extract %slice3A_3025[0] : i32 from vector<1xi32>
        %shift_right_arithmetic3A_3027 = arith.constant 7 : i32
        %shift_right_arithmetic3A_3028 = arith.shrsi %squeeze3A_3024, %shift_right_arithmetic3A_3027 : i32
        %mul3A_3029 = arith.constant 128 : i32
        %mul3A_3030 = arith.muli %shift_right_arithmetic3A_3028, %mul3A_3029 : i32
        %multiple_of3A_3031 = tpu.assume_multiple %mul3A_3030, 128 : i32
        %dma_start3A_3032 = arith.constant 0 : i32
        %dma_start3A_3033 = arith.constant 0 : i32
        %dma_start3A_3034 = tpu.memref_slice %arg17[%dma_start3A_3032, %dma_start3A_3033] : memref<32x256xf32, #tpu.memory_space<vmem>> -> memref<32x128xf32, #tpu.memory_space<vmem>>
        %dma_start3A_3035 = arith.constant 0 : i32
        %dma_start3A_3036 = tpu.memref_slice %arg5[%dma_start3A_3035, %multiple_of3A_3031] : memref<32x1000000xf32, #tpu.memory_space<hbm>> -> memref<32x128xf32, #tpu.memory_space<hbm>>
        %dma_start3A_3037 = arith.constant 0 : i32
        %dma_start3A_3038 = arith.constant 0 : i32
        %dma_start3A_3039 = tpu.memref_slice %arg17[%dma_start3A_3037, %dma_start3A_3038] : memref<32x256xf32, #tpu.memory_space<vmem>> -> memref<32x128xf32, #tpu.memory_space<vmem>>
        %dma_start3A_3040 = arith.constant 0 : i32
        %dma_start3A_3041 = tpu.memref_slice %arg5[%dma_start3A_3040, %multiple_of3A_3031] : memref<32x1000000xf32, #tpu.memory_space<hbm>> -> memref<32x128xf32, #tpu.memory_space<hbm>>
        tpu.enqueue_dma source(%dma_start3A_3041 : memref<32x128xf32, #tpu.memory_space<hbm>>) target(%dma_start3A_3039 : memref<32x128xf32, #tpu.memory_space<vmem>>) target_semaphore(%arg26 : memref<!tpu.dma_semaphore, #tpu.memory_space<semaphore_mem>>)
        %shift_right_arithmetic3A_3042 = arith.constant 7 : i32
        %shift_right_arithmetic3A_3043 = arith.shrsi %squeeze3A_3026, %shift_right_arithmetic3A_3042 : i32
        %mul3A_3044 = arith.constant 128 : i32
        %mul3A_3045 = arith.muli %shift_right_arithmetic3A_3043, %mul3A_3044 : i32
        %multiple_of3A_3046 = tpu.assume_multiple %mul3A_3045, 128 : i32
        %dma_start3A_3047 = arith.constant 0 : i32
        %dma_start3A_3048 = arith.constant 128 : i32
        %dma_start3A_3049 = tpu.memref_slice %arg17[%dma_start3A_3047, %dma_start3A_3048] : memref<32x256xf32, #tpu.memory_space<vmem>> -> memref<32x128xf32, #tpu.memory_space<vmem>>
        %dma_start3A_3050 = arith.constant 0 : i32
        %dma_start3A_3051 = tpu.memref_slice %arg6[%dma_start3A_3050, %multiple_of3A_3046] : memref<32x1000000xf32, #tpu.memory_space<hbm>> -> memref<32x128xf32, #tpu.memory_space<hbm>>
        %dma_start3A_3052 = arith.constant 0 : i32
        %dma_start3A_3053 = arith.constant 128 : i32
        %dma_start3A_3054 = tpu.memref_slice %arg17[%dma_start3A_3052, %dma_start3A_3053] : memref<32x256xf32, #tpu.memory_space<vmem>> -> memref<32x128xf32, #tpu.memory_space<vmem>>
        %dma_start3A_3055 = arith.constant 0 : i32
        %dma_start3A_3056 = tpu.memref_slice %arg6[%dma_start3A_3055, %multiple_of3A_3046] : memref<32x1000000xf32, #tpu.memory_space<hbm>> -> memref<32x128xf32, #tpu.memory_space<hbm>>
        tpu.enqueue_dma source(%dma_start3A_3056 : memref<32x128xf32, #tpu.memory_space<hbm>>) target(%dma_start3A_3054 : memref<32x128xf32, #tpu.memory_space<vmem>>) target_semaphore(%arg26 : memref<!tpu.dma_semaphore, #tpu.memory_space<semaphore_mem>>)
      } else {
      }
      %dma_wait3A_2883 = arith.constant 0 : i32
      %dma_wait3A_2884 = arith.constant 0 : i32
      %dma_wait3A_2885 = tpu.memref_slice %arg19[%dma_wait3A_2883, %dma_wait3A_2884] : memref<32x256xf32, #tpu.memory_space<vmem>> -> memref<32x128xf32, #tpu.memory_space<vmem>>
      %dma_wait3A_2886 = arith.constant 0 : i32
      %dma_wait3A_2887 = arith.constant 0 : i32
      %dma_wait3A_2888 = tpu.memref_slice %arg5[%dma_wait3A_2886, %dma_wait3A_2887] : memref<32x1000000xf32, #tpu.memory_space<hbm>> -> memref<32x128xf32, #tpu.memory_space<hbm>>
      %dma_wait3A_2889 = arith.constant 0 : i32
      %dma_wait3A_2890 = arith.constant 0 : i32
      %dma_wait3A_2891 = tpu.memref_slice %arg19[%dma_wait3A_2889, %dma_wait3A_2890] : memref<32x256xf32, #tpu.memory_space<vmem>> -> memref<32x128xf32, #tpu.memory_space<vmem>>
      %dma_wait3A_2892 = arith.constant 0 : i32
      %dma_wait3A_2893 = arith.constant 0 : i32
      %dma_wait3A_2894 = tpu.memref_slice %arg5[%dma_wait3A_2892, %dma_wait3A_2893] : memref<32x1000000xf32, #tpu.memory_space<hbm>> -> memref<32x128xf32, #tpu.memory_space<hbm>>
      tpu.wait_dma2 semaphore(%arg28 : memref<!tpu.dma_semaphore, #tpu.memory_space<semaphore_mem>>) src(%dma_wait3A_2894 : memref<32x128xf32, #tpu.memory_space<hbm>>) dst(%dma_wait3A_2891 : memref<32x128xf32, #tpu.memory_space<vmem>>)
      %dma_wait3A_2895 = arith.constant 0 : i32
      %dma_wait3A_2896 = arith.constant 128 : i32
      %dma_wait3A_2897 = tpu.memref_slice %arg19[%dma_wait3A_2895, %dma_wait3A_2896] : memref<32x256xf32, #tpu.memory_space<vmem>> -> memref<32x128xf32, #tpu.memory_space<vmem>>
      %dma_wait3A_2898 = arith.constant 0 : i32
      %dma_wait3A_2899 = arith.constant 0 : i32
      %dma_wait3A_2900 = tpu.memref_slice %arg5[%dma_wait3A_2898, %dma_wait3A_2899] : memref<32x1000000xf32, #tpu.memory_space<hbm>> -> memref<32x128xf32, #tpu.memory_space<hbm>>
      %dma_wait3A_2901 = arith.constant 0 : i32
      %dma_wait3A_2902 = arith.constant 128 : i32
      %dma_wait3A_2903 = tpu.memref_slice %arg19[%dma_wait3A_2901, %dma_wait3A_2902] : memref<32x256xf32, #tpu.memory_space<vmem>> -> memref<32x128xf32, #tpu.memory_space<vmem>>
      %dma_wait3A_2904 = arith.constant 0 : i32
      %dma_wait3A_2905 = arith.constant 0 : i32
      %dma_wait3A_2906 = tpu.memref_slice %arg5[%dma_wait3A_2904, %dma_wait3A_2905] : memref<32x1000000xf32, #tpu.memory_space<hbm>> -> memref<32x128xf32, #tpu.memory_space<hbm>>
      tpu.wait_dma2 semaphore(%arg28 : memref<!tpu.dma_semaphore, #tpu.memory_space<semaphore_mem>>) src(%dma_wait3A_2906 : memref<32x128xf32, #tpu.memory_space<hbm>>) dst(%dma_wait3A_2903 : memref<32x128xf32, #tpu.memory_space<vmem>>)
      %add3A_2907 = arith.constant 1 : i32
      %add3A_2908 = arith.addi %scan3A_246, %add3A_2907 : i32
      %lt3A_2909 = arith.constant 32 : i32
      %lt3A_2910 = arith.cmpi slt, %add3A_2908, %lt3A_2909 : i32
      %convert_element_type3A_2911 = arith.extui %lt3A_2910 : i1 to i32
      %cond3A_2912 = arith.constant 0 : i32
      %cond3A_2913 = arith.cmpi ne, %convert_element_type3A_2911, %cond3A_2912 : i32
      scf.if %cond3A_2913 {
        %slice3A_3023 = vector.extract_strided_slice %get3A_263 {offsets = [2], sizes = [1], strides = [1]} : vector<16xi32> to vector<1xi32>
        %squeeze3A_3024 = vector.extract %slice3A_3023[0] : i32 from vector<1xi32>
        %slice3A_3025 = vector.extract_strided_slice %get3A_265 {offsets = [2], sizes = [1], strides = [1]} : vector<16xi32> to vector<1xi32>
        %squeeze3A_3026 = vector.extract %slice3A_3025[0] : i32 from vector<1xi32>
        %shift_right_arithmetic3A_3027 = arith.constant 7 : i32
        %shift_right_arithmetic3A_3028 = arith.shrsi %squeeze3A_3024, %shift_right_arithmetic3A_3027 : i32
        %mul3A_3029 = arith.constant 128 : i32
        %mul3A_3030 = arith.muli %shift_right_arithmetic3A_3028, %mul3A_3029 : i32
        %multiple_of3A_3031 = tpu.assume_multiple %mul3A_3030, 128 : i32
        %dma_start3A_3032 = arith.constant 0 : i32
        %dma_start3A_3033 = arith.constant 0 : i32
        %dma_start3A_3034 = tpu.memref_slice %arg18[%dma_start3A_3032, %dma_start3A_3033] : memref<32x256xf32, #tpu.memory_space<vmem>> -> memref<32x128xf32, #tpu.memory_space<vmem>>
        %dma_start3A_3035 = arith.constant 0 : i32
        %dma_start3A_3036 = tpu.memref_slice %arg7[%dma_start3A_3035, %multiple_of3A_3031] : memref<32x1000000xf32, #tpu.memory_space<hbm>> -> memref<32x128xf32, #tpu.memory_space<hbm>>
        %dma_start3A_3037 = arith.constant 0 : i32
        %dma_start3A_3038 = arith.constant 0 : i32
        %dma_start3A_3039 = tpu.memref_slice %arg18[%dma_start3A_3037, %dma_start3A_3038] : memref<32x256xf32, #tpu.memory_space<vmem>> -> memref<32x128xf32, #tpu.memory_space<vmem>>
        %dma_start3A_3040 = arith.constant 0 : i32
        %dma_start3A_3041 = tpu.memref_slice %arg7[%dma_start3A_3040, %multiple_of3A_3031] : memref<32x1000000xf32, #tpu.memory_space<hbm>> -> memref<32x128xf32, #tpu.memory_space<hbm>>
        tpu.enqueue_dma source(%dma_start3A_3041 : memref<32x128xf32, #tpu.memory_space<hbm>>) target(%dma_start3A_3039 : memref<32x128xf32, #tpu.memory_space<vmem>>) target_semaphore(%arg27 : memref<!tpu.dma_semaphore, #tpu.memory_space<semaphore_mem>>)
        %shift_right_arithmetic3A_3042 = arith.constant 7 : i32
        %shift_right_arithmetic3A_3043 = arith.shrsi %squeeze3A_3026, %shift_right_arithmetic3A_3042 : i32
        %mul3A_3044 = arith.constant 128 : i32
        %mul3A_3045 = arith.muli %shift_right_arithmetic3A_3043, %mul3A_3044 : i32
        %multiple_of3A_3046 = tpu.assume_multiple %mul3A_3045, 128 : i32
        %dma_start3A_3047 = arith.constant 0 : i32
        %dma_start3A_3048 = arith.constant 128 : i32
        %dma_start3A_3049 = tpu.memref_slice %arg18[%dma_start3A_3047, %dma_start3A_3048] : memref<32x256xf32, #tpu.memory_space<vmem>> -> memref<32x128xf32, #tpu.memory_space<vmem>>
        %dma_start3A_3050 = arith.constant 0 : i32
        %dma_start3A_3051 = tpu.memref_slice %arg8[%dma_start3A_3050, %multiple_of3A_3046] : memref<32x1000000xf32, #tpu.memory_space<hbm>> -> memref<32x128xf32, #tpu.memory_space<hbm>>
        %dma_start3A_3052 = arith.constant 0 : i32
        %dma_start3A_3053 = arith.constant 128 : i32
        %dma_start3A_3054 = tpu.memref_slice %arg18[%dma_start3A_3052, %dma_start3A_3053] : memref<32x256xf32, #tpu.memory_space<vmem>> -> memref<32x128xf32, #tpu.memory_space<vmem>>
        %dma_start3A_3055 = arith.constant 0 : i32
        %dma_start3A_3056 = tpu.memref_slice %arg8[%dma_start3A_3055, %multiple_of3A_3046] : memref<32x1000000xf32, #tpu.memory_space<hbm>> -> memref<32x128xf32, #tpu.memory_space<hbm>>
        tpu.enqueue_dma source(%dma_start3A_3056 : memref<32x128xf32, #tpu.memory_space<hbm>>) target(%dma_start3A_3054 : memref<32x128xf32, #tpu.memory_space<vmem>>) target_semaphore(%arg27 : memref<!tpu.dma_semaphore, #tpu.memory_space<semaphore_mem>>)
      } else {
      }
      %dma_wait3A_2914 = arith.constant 0 : i32
      %dma_wait3A_2915 = arith.constant 0 : i32
      %dma_wait3A_2916 = tpu.memref_slice %arg20[%dma_wait3A_2914, %dma_wait3A_2915] : memref<32x256xf32, #tpu.memory_space<vmem>> -> memref<32x128xf32, #tpu.memory_space<vmem>>
      %dma_wait3A_2917 = arith.constant 0 : i32
      %dma_wait3A_2918 = arith.constant 0 : i32
      %dma_wait3A_2919 = tpu.memref_slice %arg5[%dma_wait3A_2917, %dma_wait3A_2918] : memref<32x1000000xf32, #tpu.memory_space<hbm>> -> memref<32x128xf32, #tpu.memory_space<hbm>>
      %dma_wait3A_2920 = arith.constant 0 : i32
      %dma_wait3A_2921 = arith.constant 0 : i32
      %dma_wait3A_2922 = tpu.memref_slice %arg20[%dma_wait3A_2920, %dma_wait3A_2921] : memref<32x256xf32, #tpu.memory_space<vmem>> -> memref<32x128xf32, #tpu.memory_space<vmem>>
      %dma_wait3A_2923 = arith.constant 0 : i32
      %dma_wait3A_2924 = arith.constant 0 : i32
      %dma_wait3A_2925 = tpu.memref_slice %arg5[%dma_wait3A_2923, %dma_wait3A_2924] : memref<32x1000000xf32, #tpu.memory_space<hbm>> -> memref<32x128xf32, #tpu.memory_space<hbm>>
      tpu.wait_dma2 semaphore(%arg29 : memref<!tpu.dma_semaphore, #tpu.memory_space<semaphore_mem>>) src(%dma_wait3A_2925 : memref<32x128xf32, #tpu.memory_space<hbm>>) dst(%dma_wait3A_2922 : memref<32x128xf32, #tpu.memory_space<vmem>>)
      %dma_wait3A_2926 = arith.constant 0 : i32
      %dma_wait3A_2927 = arith.constant 128 : i32
      %dma_wait3A_2928 = tpu.memref_slice %arg20[%dma_wait3A_2926, %dma_wait3A_2927] : memref<32x256xf32, #tpu.memory_space<vmem>> -> memref<32x128xf32, #tpu.memory_space<vmem>>
      %dma_wait3A_2929 = arith.constant 0 : i32
      %dma_wait3A_2930 = arith.constant 0 : i32
      %dma_wait3A_2931 = tpu.memref_slice %arg5[%dma_wait3A_2929, %dma_wait3A_2930] : memref<32x1000000xf32, #tpu.memory_space<hbm>> -> memref<32x128xf32, #tpu.memory_space<hbm>>
      %dma_wait3A_2932 = arith.constant 0 : i32
      %dma_wait3A_2933 = arith.constant 128 : i32
      %dma_wait3A_2934 = tpu.memref_slice %arg20[%dma_wait3A_2932, %dma_wait3A_2933] : memref<32x256xf32, #tpu.memory_space<vmem>> -> memref<32x128xf32, #tpu.memory_space<vmem>>
      %dma_wait3A_2935 = arith.constant 0 : i32
      %dma_wait3A_2936 = arith.constant 0 : i32
      %dma_wait3A_2937 = tpu.memref_slice %arg5[%dma_wait3A_2935, %dma_wait3A_2936] : memref<32x1000000xf32, #tpu.memory_space<hbm>> -> memref<32x128xf32, #tpu.memory_space<hbm>>
      tpu.wait_dma2 semaphore(%arg29 : memref<!tpu.dma_semaphore, #tpu.memory_space<semaphore_mem>>) src(%dma_wait3A_2937 : memref<32x128xf32, #tpu.memory_space<hbm>>) dst(%dma_wait3A_2934 : memref<32x128xf32, #tpu.memory_space<vmem>>)
      %slice3A_2938 = vector.extract_strided_slice %get3A_250 {offsets = [15], sizes = [1], strides = [1]} : vector<16xi32> to vector<1xi32>
      %squeeze3A_2939 = vector.extract %slice3A_2938[0] : i32 from vector<1xi32>
      %slice3A_2940 = vector.extract_strided_slice %get3A_254 {offsets = [15], sizes = [1], strides = [1]} : vector<16xi32> to vector<1xi32>
      %squeeze3A_2941 = vector.extract %slice3A_2940[0] : i32 from vector<1xi32>
      %slice3A_2942 = vector.extract_strided_slice %get3A_252 {offsets = [15], sizes = [1], strides = [1]} : vector<16xi32> to vector<1xi32>
      %squeeze3A_2943 = vector.extract %slice3A_2942[0] : i32 from vector<1xi32>
      %slice3A_2944 = vector.extract_strided_slice %get3A_254 {offsets = [15], sizes = [1], strides = [1]} : vector<16xi32> to vector<1xi32>
      %squeeze3A_2945 = vector.extract %slice3A_2944[0] : i32 from vector<1xi32>
      %and3A_2946 = arith.constant 127 : i32
      %and3A_2947 = arith.andi %squeeze3A_2939, %and3A_2946 : i32
      %broadcast_in_dim3A_2948 = vector.broadcast %and3A_2947 : i32 to vector<16xi32>
      %add3A_2949 = arith.constant 0 : i32
      %add3A_2950 = vector.broadcast %add3A_2949 : i32 to vector<16xi32>
      %add3A_2951 = arith.addi %broadcast_in_dim3A_2948, %add3A_2950 : vector<16xi32>
      %gather3A_2952 = tpu.vector_load_idx %arg19[%iota3A, %add3A_2951] : memref<32x256xf32, #tpu.memory_space<vmem>>[vector<16xi32>, vector<16xi32>], vector<16xf32>,
      %add3A_2953 = arith.constant 16 : i32
      %add3A_2954 = vector.broadcast %add3A_2953 : i32 to vector<16xi32>
      %add3A_2955 = arith.addi %iota3A, %add3A_2954 : vector<16xi32>
      %gather3A_2956 = tpu.vector_load_idx %arg19[%add3A_2955, %add3A_2951] : memref<32x256xf32, #tpu.memory_space<vmem>>[vector<16xi32>, vector<16xi32>], vector<16xf32>,
      %and3A_2957 = arith.constant 127 : i32
      %and3A_2958 = arith.andi %squeeze3A_2941, %and3A_2957 : i32
      %broadcast_in_dim3A_2959 = vector.broadcast %and3A_2958 : i32 to vector<16xi32>
      %add3A_2960 = arith.constant 128 : i32
      %add3A_2961 = vector.broadcast %add3A_2960 : i32 to vector<16xi32>
      %add3A_2962 = arith.addi %broadcast_in_dim3A_2959, %add3A_2961 : vector<16xi32>
      %gather3A_2963 = tpu.vector_load_idx %arg19[%iota3A, %add3A_2962] : memref<32x256xf32, #tpu.memory_space<vmem>>[vector<16xi32>, vector<16xi32>], vector<16xf32>,
      %add3A_2964 = arith.constant 16 : i32
      %add3A_2965 = vector.broadcast %add3A_2964 : i32 to vector<16xi32>
      %add3A_2966 = arith.addi %iota3A, %add3A_2965 : vector<16xi32>
      %gather3A_2967 = tpu.vector_load_idx %arg19[%add3A_2966, %add3A_2962] : memref<32x256xf32, #tpu.memory_space<vmem>>[vector<16xi32>, vector<16xi32>], vector<16xf32>,
      %and3A_2968 = arith.constant 127 : i32
      %and3A_2969 = arith.andi %squeeze3A_2943, %and3A_2968 : i32
      %broadcast_in_dim3A_2970 = vector.broadcast %and3A_2969 : i32 to vector<16xi32>
      %add3A_2971 = arith.constant 0 : i32
      %add3A_2972 = vector.broadcast %add3A_2971 : i32 to vector<16xi32>
      %add3A_2973 = arith.addi %broadcast_in_dim3A_2970, %add3A_2972 : vector<16xi32>
      %gather3A_2974 = tpu.vector_load_idx %arg20[%iota3A, %add3A_2973] : memref<32x256xf32, #tpu.memory_space<vmem>>[vector<16xi32>, vector<16xi32>], vector<16xf32>,
      %add3A_2975 = arith.constant 16 : i32
      %add3A_2976 = vector.broadcast %add3A_2975 : i32 to vector<16xi32>
      %add3A_2977 = arith.addi %iota3A, %add3A_2976 : vector<16xi32>
      %gather3A_2978 = tpu.vector_load_idx %arg20[%add3A_2977, %add3A_2973] : memref<32x256xf32, #tpu.memory_space<vmem>>[vector<16xi32>, vector<16xi32>], vector<16xf32>,
      %and3A_2979 = arith.constant 127 : i32
      %and3A_2980 = arith.andi %squeeze3A_2945, %and3A_2979 : i32
      %broadcast_in_dim3A_2981 = vector.broadcast %and3A_2980 : i32 to vector<16xi32>
      %add3A_2982 = arith.constant 128 : i32
      %add3A_2983 = vector.broadcast %add3A_2982 : i32 to vector<16xi32>
      %add3A_2984 = arith.addi %broadcast_in_dim3A_2981, %add3A_2983 : vector<16xi32>
      %gather3A_2985 = tpu.vector_load_idx %arg20[%iota3A, %add3A_2984] : memref<32x256xf32, #tpu.memory_space<vmem>>[vector<16xi32>, vector<16xi32>], vector<16xf32>,
      %add3A_2986 = arith.constant 16 : i32
      %add3A_2987 = vector.broadcast %add3A_2986 : i32 to vector<16xi32>
      %add3A_2988 = arith.addi %iota3A, %add3A_2987 : vector<16xi32>
      %gather3A_2989 = tpu.vector_load_idx %arg20[%add3A_2988, %add3A_2984] : memref<32x256xf32, #tpu.memory_space<vmem>>[vector<16xi32>, vector<16xi32>], vector<16xf32>,
      %mul3A_2990 = arith.mulf %gather3A_2952, %gather3A_2963 : vector<16xf32>
      %mul3A_2991 = arith.mulf %gather3A_2956, %gather3A_2967 : vector<16xf32>
      %add3A_2992 = arith.addf %mul3A_2990, %mul3A_2991 : vector<16xf32>
      %mul3A_2993 = arith.mulf %gather3A_2974, %gather3A_2985 : vector<16xf32>
      %add3A_2994 = arith.addf %add3A_2992, %mul3A_2993 : vector<16xf32>
      %mul3A_2995 = arith.mulf %gather3A_2978, %gather3A_2989 : vector<16xf32>
      %add3A_2996 = arith.addf %add3A_2994, %mul3A_2995 : vector<16xf32>
      %reduce_sum3A_2997 = arith.constant true
      %reduce_sum3A_2998 = vector.broadcast %reduce_sum3A_2997 : i1 to vector<16xi1>
      %reduce_sum3A_2999 = tpu.scan <sum>, %add3A_2996 masked %reduce_sum3A_2998 : vector<16xf32>, vector<16xi1> -> vector<16xf32>
      %reduce_sum3A_3000 = vector.extract %reduce_sum3A_2999[15] : f32 from vector<16xf32>
      %eq3A_3001 = arith.constant 15 : i32
      %eq3A_3002 = vector.broadcast %eq3A_3001 : i32 to vector<16xi32>
      %eq3A_3003 = arith.cmpi eq, %iota3A, %eq3A_3002 : vector<16xi32>
      %broadcast_in_dim3A_3004 = vector.broadcast %reduce_sum3A_3000 : f32 to vector<16xf32>
      %select_n3A_3005 = arith.select %eq3A_3003, %broadcast_in_dim3A_3004, %select_n3A_2875 : vector<16xi1>, vector<16xf32>
      %add3A_3006 = arith.constant 1 : i32
      %add3A_3007 = arith.addi %scan3A_246, %add3A_3006 : i32
      %lt3A_3008 = arith.constant 32 : i32
      %lt3A_3009 = arith.cmpi slt, %add3A_3007, %lt3A_3008 : i32
      %convert_element_type3A_3010 = arith.extui %lt3A_3009 : i1 to i32
      %cond3A_3011 = arith.constant 0 : i32
      %cond3A_3012 = arith.cmpi ne, %convert_element_type3A_3010, %cond3A_3011 : i32
      scf.if %cond3A_3012 {
        %slice3A_3023 = vector.extract_strided_slice %get3A_261 {offsets = [3], sizes = [1], strides = [1]} : vector<16xi32> to vector<1xi32>
        %squeeze3A_3024 = vector.extract %slice3A_3023[0] : i32 from vector<1xi32>
        %slice3A_3025 = vector.extract_strided_slice %get3A_265 {offsets = [3], sizes = [1], strides = [1]} : vector<16xi32> to vector<1xi32>
        %squeeze3A_3026 = vector.extract %slice3A_3025[0] : i32 from vector<1xi32>
        %shift_right_arithmetic3A_3027 = arith.constant 7 : i32
        %shift_right_arithmetic3A_3028 = arith.shrsi %squeeze3A_3024, %shift_right_arithmetic3A_3027 : i32
        %mul3A_3029 = arith.constant 128 : i32
        %mul3A_3030 = arith.muli %shift_right_arithmetic3A_3028, %mul3A_3029 : i32
        %multiple_of3A_3031 = tpu.assume_multiple %mul3A_3030, 128 : i32
        %dma_start3A_3032 = arith.constant 0 : i32
        %dma_start3A_3033 = arith.constant 0 : i32
        %dma_start3A_3034 = tpu.memref_slice %arg19[%dma_start3A_3032, %dma_start3A_3033] : memref<32x256xf32, #tpu.memory_space<vmem>> -> memref<32x128xf32, #tpu.memory_space<vmem>>
        %dma_start3A_3035 = arith.constant 0 : i32
        %dma_start3A_3036 = tpu.memref_slice %arg5[%dma_start3A_3035, %multiple_of3A_3031] : memref<32x1000000xf32, #tpu.memory_space<hbm>> -> memref<32x128xf32, #tpu.memory_space<hbm>>
        %dma_start3A_3037 = arith.constant 0 : i32
        %dma_start3A_3038 = arith.constant 0 : i32
        %dma_start3A_3039 = tpu.memref_slice %arg19[%dma_start3A_3037, %dma_start3A_3038] : memref<32x256xf32, #tpu.memory_space<vmem>> -> memref<32x128xf32, #tpu.memory_space<vmem>>
        %dma_start3A_3040 = arith.constant 0 : i32
        %dma_start3A_3041 = tpu.memref_slice %arg5[%dma_start3A_3040, %multiple_of3A_3031] : memref<32x1000000xf32, #tpu.memory_space<hbm>> -> memref<32x128xf32, #tpu.memory_space<hbm>>
        tpu.enqueue_dma source(%dma_start3A_3041 : memref<32x128xf32, #tpu.memory_space<hbm>>) target(%dma_start3A_3039 : memref<32x128xf32, #tpu.memory_space<vmem>>) target_semaphore(%arg28 : memref<!tpu.dma_semaphore, #tpu.memory_space<semaphore_mem>>)
        %shift_right_arithmetic3A_3042 = arith.constant 7 : i32
        %shift_right_arithmetic3A_3043 = arith.shrsi %squeeze3A_3026, %shift_right_arithmetic3A_3042 : i32
        %mul3A_3044 = arith.constant 128 : i32
        %mul3A_3045 = arith.muli %shift_right_arithmetic3A_3043, %mul3A_3044 : i32
        %multiple_of3A_3046 = tpu.assume_multiple %mul3A_3045, 128 : i32
        %dma_start3A_3047 = arith.constant 0 : i32
        %dma_start3A_3048 = arith.constant 128 : i32
        %dma_start3A_3049 = tpu.memref_slice %arg19[%dma_start3A_3047, %dma_start3A_3048] : memref<32x256xf32, #tpu.memory_space<vmem>> -> memref<32x128xf32, #tpu.memory_space<vmem>>
        %dma_start3A_3050 = arith.constant 0 : i32
        %dma_start3A_3051 = tpu.memref_slice %arg6[%dma_start3A_3050, %multiple_of3A_3046] : memref<32x1000000xf32, #tpu.memory_space<hbm>> -> memref<32x128xf32, #tpu.memory_space<hbm>>
        %dma_start3A_3052 = arith.constant 0 : i32
        %dma_start3A_3053 = arith.constant 128 : i32
        %dma_start3A_3054 = tpu.memref_slice %arg19[%dma_start3A_3052, %dma_start3A_3053] : memref<32x256xf32, #tpu.memory_space<vmem>> -> memref<32x128xf32, #tpu.memory_space<vmem>>
        %dma_start3A_3055 = arith.constant 0 : i32
        %dma_start3A_3056 = tpu.memref_slice %arg6[%dma_start3A_3055, %multiple_of3A_3046] : memref<32x1000000xf32, #tpu.memory_space<hbm>> -> memref<32x128xf32, #tpu.memory_space<hbm>>
        tpu.enqueue_dma source(%dma_start3A_3056 : memref<32x128xf32, #tpu.memory_space<hbm>>) target(%dma_start3A_3054 : memref<32x128xf32, #tpu.memory_space<vmem>>) target_semaphore(%arg28 : memref<!tpu.dma_semaphore, #tpu.memory_space<semaphore_mem>>)
      } else {
      }
      %neg3A = arith.constant 0.000000e+00 : f32
      %neg3A_3013 = vector.broadcast %neg3A : f32 to vector<16xf32>
      %neg3A_3014 = arith.subf %neg3A_3013, %select_n3A_3005 : vector<16xf32>
      %exp3A = math.exp %neg3A_3014 : vector<16xf32>
      %add3A_3015 = arith.constant 1.000000e+00 : f32
      %add3A_3016 = vector.broadcast %add3A_3015 : f32 to vector<16xf32>
      %add3A_3017 = arith.addf %add3A_3016, %exp3A : vector<16xf32>
      %div3A = arith.constant 1.000000e+00 : f32
      %div3A_3018 = vector.broadcast %div3A : f32 to vector<16xf32>
      %div3A_3019 = arith.divf %div3A_3018, %add3A_3017 : vector<16xf32>
      %mul3A_3020 = arith.constant 16 : i32
      %mul3A_3021 = arith.muli %scan3A_246, %mul3A_3020 : i32
      %swap3A = arith.index_cast %mul3A_3021 : i32 to index
      %swap3A_3022 = tpu.vector_load %arg21[%swap3A] {strides = array<i32>} : memref<512xf32, #tpu.memory_space<vmem>>, vector<16xf32>,
      tpu.vector_store %arg21[%swap3A], %div3A_3019 {strides = array<i32>} : memref<512xf32, #tpu.memory_space<vmem>>, vector<16xf32>,
    }
    %scan3A_245 = arith.constant 32 : i32
    "tpu.region"() ({
      %run_scoped3A = tpu.sem_alloc : memref<!tpu.dma_semaphore, #tpu.memory_space<semaphore_mem>>
      %dma_start3A_246 = tpu.memref_slice %arg9[%mul3A_2] : memref<16384xf32, #tpu.memory_space<hbm>> -> memref<512xf32, #tpu.memory_space<hbm>>
      %dma_start3A_247 = tpu.memref_slice %arg9[%mul3A_2] : memref<16384xf32, #tpu.memory_space<hbm>> -> memref<512xf32, #tpu.memory_space<hbm>>
      tpu.enqueue_dma source(%arg21 : memref<512xf32, #tpu.memory_space<vmem>>) target(%dma_start3A_247 : memref<512xf32, #tpu.memory_space<hbm>>) target_semaphore(%run_scoped3A : memref<!tpu.dma_semaphore, #tpu.memory_space<semaphore_mem>>)
      %dma_wait3A = tpu.memref_slice %arg9[%mul3A_2] : memref<16384xf32, #tpu.memory_space<hbm>> -> memref<512xf32, #tpu.memory_space<hbm>>
      %dma_wait3A_248 = tpu.memref_slice %arg9[%mul3A_2] : memref<16384xf32, #tpu.memory_space<hbm>> -> memref<512xf32, #tpu.memory_space<hbm>>
      tpu.wait_dma2 semaphore(%run_scoped3A : memref<!tpu.dma_semaphore, #tpu.memory_space<semaphore_mem>>) src(%arg21 : memref<512xf32, #tpu.memory_space<vmem>>) dst(%dma_wait3A_248 : memref<512xf32, #tpu.memory_space<hbm>>)
      tpu.yield
    }) : () -> ()
    return
  }
}

</mosaic_0001>

<sc_bundles>
// kernel: _fpmc.3.cloned.1.call-start
scs
__scs_entry_jumppad:
0x0: {  	(pc) =	sbr.rel $0x88, $3  }
0x1: {  	(tag) =	ssettag $0x0;
	lr =	simm.s32 $0x1  }
0x2: {  	[smem:$0x3F9A] =	sst lr;
	_ =	strace $0xD0000000  }
0x3: {  	_ = 	snop  }
0x4: {  	_ = 	snop  }
0x5: {  	_ = 	snop  }
0x6: {  	_ = 	snop  }
0x7: {  	_ = 	snop  }
__scs_overlays_trampoline_lowered:
0x8: {  	[smem:$0x3FA9] =	sst s0  }
0x9: {  	[smem:$0x3FAA] =	sst s1  }
0xa: {  	[smem:$0x3FAB] =	sst s2  }
0xb: {  	[smem:$0x3FAC] =	sst s3  }
0xc: {  	[smem:$0x3FAD] =	sst s4  }
0xd: {  	[smem:$0x3FAE] =	sst s5  }
0xe: {  	[smem:$0x3FAF] =	sst s6  }
0xf: {  	[smem:$0x3FB0] =	sst s7  }
0x10: {  	[smem:$0x3FB1] =	sst s8  }
0x11: {  	[smem:$0x3FB2] =	sst s9;
	s0 =	simm.s32 @!p0 $0x0  }
0x12: {  	s1 =	sld [smem:$0x3F98];
	s0 =	simm.s32 @p0 $0x1  }
0x13: {  	[smem:$0x3FB3] =	sst s0;
	s0 =	simm.s32 @!p1 $0x0  }
0x14: {  	s2 =	sld [smem:$0x3F97];
	s0 =	simm.s32 @p1 $0x1  }
0x15: {  	[smem:$0x3FB4] =	sst s0;
	s0 =	simm.s32 @!p2 $0x0  }
0x16: {  	s3 =	sld [smem:$0x3FDB];
	s0 =	simm.s32 @p2 $0x1  }
0x17: {  	s4 =	simm.s32 $0x1BF5;
	[smem:$0x3FB6] =	sst s0  }
0x18: {  	s0 =	sld [smem:$0x3F99];
	_ =	swait.ge [sflag:s4], $0x0  }
0x19: {  	s7 =	sld [smem:$0x3F9A]  }
0x1a: {  	s8 =	sadd.s32 $0xFFFFE003, lr  }
0x1b: {  	s9 =	sadd.s32 $0xFFFFFEF7, lr;
	s5 =	simm.s32 $0xFFFFFFFF;
	p2 =	slt.u32 s8, $0xFFFFF086  }
0x1c: {  	p1 =	slt.u32 s9, $0xF7A;
	s5 =	simm.s32 @!p2 $0x0  }
0x1d: {  	s5 =	simm.s32 @p1 $0x1;
	p0 =	seq.s32 s7, s2  }
0x1e: {  	s7 =	smul.u32 @!p0 $0xF7A, s2;
	p2 =	seq.s32 @!p0 s5, $0x0  }
0x1f: {  	s9 =	smul.u32 $0xF7A, s1;
	s8 =	simm.s32 @!p0 $0x1BF5;
	p2 =	por !p2, p0  }
0x20: {  	[sflag:s8] =	ssyncset.s32 @!p0 $0xFFFFF086;
	s6 =	sadd.s32 @!p0 s3, s7;
	s7 =	simm.s32 @!p0 $0x108  }
0x21: {  	s3 =	sadd.s32 s3, s9;
	s6 =	sadd.s32 @!p0 $0x88, s6;
	s7 =	simm.s32 @p2 $0x1082  }
0x22: {  	[simem:s7], [sflag:s8] =	dma.local @!p0 [hbm:s6], $0xF7A  }
0x23: {  	s9 =	sor.u32 $0xD0000000, s2;
	s6 =	simm.s32 $0x108;
	_ =	swait.ge @!p0 [sflag:s8], $0x0  }
0x24: {  	s3 =	sadd.s32 $0x88, s3;
	s6 =	simm.s32 @!p1 $0x1082;
	[sflag:s4] =	ssyncset.s32 $0xFFFFF086  }
0x25: {  	[simem:s6], [sflag:s4] =	dma.local [hbm:s3], $0xF7A  }
0x26: {  	[smem:$0x3F9A] =	sst s1;
	(tag) =	ssettag s2;
	_ =	strace s9  }
0x27: {  	s1 =	sld [smem:$0x3FAA]  }
0x28: {  	s2 =	sld [smem:$0x3FAB]  }
0x29: {  	s4 =	sld [smem:$0x3FAD]  }
0x2a: {  	p0 =	seq.s32 s5, $0x0;
	s5 =	sld [smem:$0x3FAE]  }
0x2b: {  	s6 =	sld [smem:$0x3FAF]  }
0x2c: {  	s7 =	sld [smem:$0x3FB0]  }
0x2d: {  	s3 =	simm.s32 $0x108;
	s8 =	sld [smem:$0x3FB1]  }
0x2e: {  	s3 =	simm.s32 @!p0 $0x1082;
	s9 =	sld [smem:$0x3FB2]  }
0x2f: {  	lr =	sadd.s32 s0, s3;
	s0 =	sld [smem:$0x3FA9]  }
0x30: {  	s3 =	sld [smem:$0x3FAC]  }
0x31: {  	[smem:$0x3FB5] =	sst s10  }
0x32: {  	s10 =	sld [smem:$0x3FB3];
	_ =	sdelay $0x3  }
0x33: {  	p0 =	seq.s32 s10, $0x1;
	s10 =	sld [smem:$0x3FB5];
	_ =	sdelay $0x3  }
0x34: {  	[smem:$0x3FB5] =	sst s10  }
0x35: {  	s10 =	sld [smem:$0x3FB4];
	_ =	sdelay $0x3  }
0x36: {  	p1 =	seq.s32 s10, $0x1;
	s10 =	sld [smem:$0x3FB5];
	_ =	sdelay $0x3  }
0x37: {  	[smem:$0x3FB5] =	sst s10  }
0x38: {  	s10 =	sld [smem:$0x3FB6]  }
0x39: {  	_ = 	snop;
	(pc) =	sbr.ind lr, $3  }
0x3a: {  	_ = 	snop  }
0x3b: {  	_ = 	snop  }
0x3c: {  	p2 =	seq.s32 s10, $0x1;
	s10 =	sld [smem:$0x3FB5]  }
0x3d: {  	_ =	shalt  }
0x3e: {  	_ =	shalt  }
0x3f: {  	_ =	shalt  }
0x40: {  	_ =	shalt  }
0x41: {  	_ =	shalt  }
0x42: {  	_ =	shalt  }
0x43: {  	_ =	shalt  }
0x44: {  	_ =	shalt  }
0x45: {  	_ =	shalt  }
0x46: {  	_ =	shalt  }
0x47: {  	_ =	shalt  }
0x48: {  	_ =	shalt  }
0x49: {  	_ =	shalt  }
0x4a: {  	_ =	shalt  }
0x4b: {  	_ =	shalt  }
0x4c: {  	_ =	shalt  }
0x4d: {  	_ =	shalt  }
0x4e: {  	_ =	shalt  }
0x4f: {  	_ =	shalt  }
0x50: {  	_ =	shalt  }
0x51: {  	_ =	shalt  }
0x52: {  	_ =	shalt  }
0x53: {  	_ =	shalt  }
0x54: {  	_ =	shalt  }
0x55: {  	_ =	shalt  }
0x56: {  	_ =	shalt  }
0x57: {  	_ =	shalt  }
0x58: {  	_ =	shalt  }
0x59: {  	_ =	shalt  }
0x5a: {  	_ =	shalt  }
0x5b: {  	_ =	shalt  }
0x5c: {  	_ =	shalt  }
0x5d: {  	_ =	shalt  }
0x5e: {  	_ =	shalt  }
0x5f: {  	_ =	shalt  }
0x60: {  	_ =	shalt  }
0x61: {  	_ =	shalt  }
0x62: {  	_ =	shalt  }
0x63: {  	_ =	shalt  }
0x64: {  	_ =	shalt  }
0x65: {  	_ =	shalt  }
0x66: {  	_ =	shalt  }
0x67: {  	_ =	shalt  }
0x68: {  	_ =	shalt  }
0x69: {  	_ =	shalt  }
0x6a: {  	_ =	shalt  }
0x6b: {  	_ =	shalt  }
0x6c: {  	_ =	shalt  }
0x6d: {  	_ =	shalt  }
0x6e: {  	_ =	shalt  }
0x6f: {  	_ =	shalt  }
0x70: {  	_ =	shalt  }
0x71: {  	_ =	shalt  }
0x72: {  	_ =	shalt  }
0x73: {  	_ =	shalt  }
0x74: {  	_ =	shalt  }
0x75: {  	_ =	shalt  }
0x76: {  	_ =	shalt  }
0x77: {  	_ =	shalt  }
0x78: {  	_ =	shalt  }
0x79: {  	_ =	shalt  }
0x7a: {  	_ =	shalt  }
0x7b: {  	_ =	shalt  }
0x7c: {  	_ =	shalt  }
0x7d: {  	_ =	shalt  }
0x7e: {  	_ =	shalt  }
0x7f: {  	_ =	shalt  }
0x80: {  	_ =	shalt  }
0x81: {  	_ =	shalt  }
0x82: {  	_ =	shalt  }
0x83: {  	_ =	shalt  }
0x84: {  	_ =	shalt  }
0x85: {  	_ =	shalt  }
0x86: {  	_ =	shalt  }
0x87: {  	_ =	shalt  }
.Lfunc_end0:
.L_simem_size_0:
called_computation_lowered:
.L_overlay_start_0:
0x88: {  	s2 =	sld [smem:$0x3FD9]  }
0x89: {  	s3 =	sld [smem:$0x3FFE];
	_ =	sdelay $0x1  }
0x8a: {  	s1 =	srdreg.scid  }
0x8b: {  	s0 =	sand.u32 $0x1, s1  }
0x8c: {  	s18 =	sshll.u32 s0, $0xA;
	s2 =	sadd.s32 s3, s2  }
0x8d: {  	s2 =	sadd.s32 s2, s18  }
0x8e: {  	[smem:$0x3FC1] =	sst s2  }
0x8f: {  	_ = 	snop  }
0x90: {  	s2 =	sld [smem:$0x3FC9]  }
0x91: {  	s19 =	sld [smem:$0x3FC8]  }
0x92: {  	s4 =	sld [smem:$0x3FC7]  }
0x93: {  	s5 =	sld [smem:$0x3FC6]  }
0x94: {  	s6 =	sld [smem:$0x3FC5]  }
0x95: {  	s7 =	sld [smem:$0x3FC4]  }
0x96: {  	s8 =	sld [smem:$0x3FC3]  }
0x97: {  	s9 =	sld [smem:$0x3FD0];
	(tm) =	ssettm $0x1  }
0x98: {  	s10 =	sld [smem:$0x3FFB];
	_ =	sdelay $0x3  }
0x99: {  	_ =	strace s10  }
0x9a: {  	s10 =	sld [smem:$0x3FFC];
	_ =	sdelay $0x3  }
0x9b: {  	_ =	strace s10  }
0x9c: {  	s10 =	sld [smem:$0x3FFD];
	_ =	sdelay $0x3  }
0x9d: {  	_ =	strace s10  }
0x9e: {  	_ =	strace $0x8FFFFFFF  }
0x9f: {  	s20 =	sld [smem:$0x3FDB];
	_ =	sdelay $0x1  }
0xa0: {  	s11 =	simm.s32 $_scs_section_size  }
0xa1: {  	s12 =	simm.s32 $_size__tile_overlayer_lowered;
	s13 =	simm.s32 $_tile_overlayer_lowered  }
0xa2: {  	s23 =	simm.s32 $0x1BFF;
	s22 =	sshll.u32 s13, $0x1;
	s10 =	sadd.s32 s11, s20  }
0xa3: {  	s14 =	simm.s32 $0x0;
	s21 =	sshll.u32 s12, $0x1;
	s12 =	sadd.s32 s22, s10  }
0xa4: {  	[timem:s14], [sflag:s23] =	dma.local [hbm:s12], s21  }
0xa5: {  	_ =	swait.ge [sflag:s23], s21  }
0xa6: {  	s11 =	ssub.s32 $0x0, s21;
	[sflag:s23] =	ssyncset.done $0x0  }
0xa7: {  	[sflag:s23] =	ssyncadd.s32 s11;
	_ =	sdelay $0x1  }
0xa8: {  	s24 =	simm.s32 $0x1B8B  }
0xa9: {  	_ =	swait.ge [sflag:s24], $0x1  }
0xaa: {  	[sflag:s24] =	ssyncset.done $0x0  }
0xab: {  	s25 =	simm.s32 $0x1B8E;
	[sflag:s24] =	ssyncadd.s32 $0xFFFFFFFF  }
0xac: {  	s26 =	simm.s32 $execute0_lowered;
	[smem:$0x3FD2] =	sst s25  }
0xad: {  	s11 =	sshll.u32 s26, $0x1;
	_ =	strace $0x80000046;
	[dreg:$0x1] =	wrdreg $0xFFFFFFFF  }
0xae: {  	s28 =	simm.s32 $_size_execute0_lowered;
	s10 =	sadd.s32 s10, s11;
	[dreg:$0x0] =	wrdreg $0x0  }
0xaf: {  	s11 =	sshll.u32 s28, $0x1;
	[dreg:$0x2] =	wrdreg s10  }
0xb0: {  	[dreg:$0x3] =	wrdreg s11  }
0xb1: {  	[dreg:$0x4] =	wrdreg $0xC0  }
0xb2: {  	_ =	task [dreg:s14], $0x5FFFF  }
0xb3: {  	[dreg:$0x1] =	wrdreg $0xFFFFFFFF  }
0xb4: {  	[dreg:$0x0] =	wrdreg $0x60  }
0xb5: {  	[dreg:$0x2] =	wrdreg s2  }
0xb6: {  	[dreg:$0x3] =	wrdreg s19  }
0xb7: {  	[dreg:$0x4] =	wrdreg s4  }
0xb8: {  	[dreg:$0x5] =	wrdreg s5  }
0xb9: {  	[dreg:$0x6] =	wrdreg s6  }
0xba: {  	[dreg:$0x7] =	wrdreg s7  }
0xbb: {  	[dreg:$0x8] =	wrdreg s8  }
0xbc: {  	[dreg:$0x9] =	wrdreg s9  }
0xbd: {  	[dreg:$0xa] =	wrdreg $0x9  }
0xbe: {  	_ =	task.clear_ibuf [dreg:s14], $0xBFFFF;
	_ =	strace $0x90000046  }
0xbf: {  	s29 =	simm.s32 $0x9;
	_ =	strace $0x80000048  }
0xc0: {  	_ =	swait.ge [sflag:s29], $0x1  }
0xc1: {  	[sflag:s29] =	ssyncadd.s32 $0xFFFFFFFF  }
0xc2: {  	_ =	strace $0x90000048  }
0xc3: {  	_ =	sfence  }
0xc4: {  	s30 =	sld [smem:$0x0];
	_ =	sdelay $0x2  }
0xc5: {  	s31 =	sshll.u32 s1, $0xD;
	s1 =	sshrl.u32 s1, $0x2  }
0xc6: {  	s3 =	sand.u32 $0x4000, s31;
	s1 =	sadd.s32 s1, s30  }
0xc7: {  	s0 =	sor.u32 s3, s0;
	s1 =	sshll.u32 s1, $0x11  }
0xc8: {  	s0 =	sor.u32 s1, s0  }
0xc9: {  	s0 =	sadd.s32 $0x8F2B, s0  }
0xca: {  	[sflag:s0] =	ssyncadd.remote.s32 $0x1  }
0xcb: {  	_ =	sfence.sel $0xFFFF  }
0xcc: {  	[dreg:$0x0] =	wrdreg $0xFFFFFFFF;
	(pc) =	sbr.abs _section_cstart, $3  }
0xcd: {  	[dreg:$0x1] =	wrdreg $0xFFFFFFFF  }
0xce: {  	_ =	task.clear_ibuf [dreg:s14], $0x2FFFF;
	_ =	strace $0x9FFFFFFF  }
0xcf: {  	(tm) =	ssettm $0x7FFFFFFF  }
tec
execute0_lowered:
.L_overlay_start_1:
0x0: {  	(tag) =	ssettag $0x1  }
0x1: {  	v0 =	vimm.s32 $0xB80;
	vm14 =	vcmask $0x300  }
0x2: {  	vm13 =	vcmask $0x704;
	vm12 =	vcmask $0xB08;
	vm11 =	vcmask $0xF0C  }
0x3: {  	vm10 =	vcmask $0x1310;
	vm9 =	vcmask $0x1714;
	vm8 =	vcmask $0x1B18  }
0x4: {  	vm7 =	vcmask $0x1F1C;
	vm6 =	vcmask $0x2320;
	vm5 =	vcmask $0x2724  }
0x5: {  	vm4 =	vcmask $0x2B28;
	vm3 =	vcmask $0x2F2C;
	vm2 =	vcmask $0x3330  }
0x6: {  	vm0 =	vcmask $0x3734;
	vm1 =	vcmask $0x3B38;
	v1 =	vimm.s32 $0x1B80  }
0x7: {  	v2 =	vimm.s32 $0xF80;
	v3 =	vimm.s32 $0x1F80;
	v0 =	vsel vm14, $0x0, v0  }
0x8: {  	v1 =	vsel vm14, $0x1000, v1;
	v2 =	vsel vm14, $0x400, v2;
	v3 =	vsel vm14, $0x1400, v3  }
0x9: {  	vm14 =	vmmov $0x7fff;
	v0 =	vsel vm13, $0x80, v0;
	v1 =	vsel vm13, $0x1080, v1  }
0xa: {  	s0 =	rddreg [dreg:$0x0];
	v2 =	vsel vm13, $0x480, v2;
	v3 =	vsel vm13, $0x1480, v3;
	vm13 =	vmmov $0xfff  }
0xb: {  	s1 =	rddreg [dreg:$0x1];
	v0 =	vsel vm12, $0x100, v0;
	v1 =	vsel vm12, $0x1100, v1;
	v2 =	vsel vm12, $0x500, v2  }
0xc: {  	s2 =	rddreg [dreg:$0x2];
	v3 =	vsel vm12, $0x1500, v3;
	vm12 =	vmmov $0x7ff;
	v0 =	vsel vm11, $0x180, v0  }
0xd: {  	s17 =	rddreg [dreg:$0x3];
	v1 =	vsel vm11, $0x1180, v1;
	v2 =	vsel vm11, $0x580, v2;
	v3 =	vsel vm11, $0x1580, v3  }
0xe: {  	s18 =	rddreg [dreg:$0x4];
	vm11 =	vmmov $0x3ff;
	v0 =	vsel vm10, $0x200, v0;
	v1 =	vsel vm10, $0x1200, v1  }
0xf: {  	s13 =	rddreg [dreg:$0x5];
	v2 =	vsel vm10, $0x600, v2;
	v3 =	vsel vm10, $0x1600, v3;
	vm10 =	vmmov $0x1ff  }
0x10: {  	s10 =	rddreg [dreg:$0x6];
	v0 =	vsel vm9, $0x280, v0;
	v1 =	vsel vm9, $0x1280, v1;
	v2 =	vsel vm9, $0x680, v2  }
0x11: {  	s3 =	rddreg [dreg:$0x7];
	s5 =	simm.s32 $0x0;
	s4 =	srdreg.scid;
	v3 =	vsel vm9, $0x1680, v3;
	vm9 =	vmmov $0xff;
	v0 =	vsel vm8, $0x300, v0  }
0x12: {  	s7 =	stileid.u32;
	s9 =	simm.s32 $0x600;
	s30 =	simm.s32 $0xE00;
	v1 =	vsel vm8, $0x1300, v1;
	v2 =	vsel vm8, $0x700, v2;
	v3 =	vsel vm8, $0x1700, v3  }
0x13: {  	s21 =	simm.s32 $0x1600;
	s19 =	simm.s32 $0x1A00;
	s22 =	simm.s32 $0x2200;
	vm8 =	vmmov $0x7f;
	v0 =	vsel vm7, $0x380, v0;
	v1 =	vsel vm7, $0x1380, v1  }
0x14: {  	s23 =	simm.s32 $0x2E00;
	s14 =	simm.s32 $0x3E00;
	s11 =	simm.s32 $0x4600;
	v2 =	vsel vm7, $0x780, v2;
	v3 =	vsel vm7, $0x1780, v3;
	vm7 =	vmmov $0x3f  }
0x15: {  	s20 =	simm.s32 $0x6600;
	s31 =	simm.s32 $0x8600;
	s16 =	simm.s32 $0xA600;
	v0 =	vsel vm6, $0x800, v0;
	v1 =	vsel vm6, $0x1800, v1;
	v2 =	vsel vm6, $0xC00, v2  }
0x16: {  	s28 =	simm.s32 $0x2;
	[smem:$0x7FF] =	sst s5;
	s4 =	sand.u32 $0x1, s4;
	v3 =	vsel vm6, $0x1C00, v3;
	vm6 =	vmmov $0x1f;
	v0 =	vsel vm5, $0x880, v0  }
0x17: {  	s7 =	sshll.u32 s7, $0x7;
	s6 =	ssub.s32 $0x2, s4;
	s4 =	sshll.u32 s4, $0x6;
	v1 =	vsel vm5, $0x1880, v1;
	v2 =	vsel vm5, $0xC80, v2;
	v3 =	vsel vm5, $0x1C80, v3  }
0x18: {  	_ =	strace $0x80000047;
	s8 =	sshrl.u32 s6, $0x1;
	s4 =	sor.u32 s4, s7;
	vm5 =	vmmov $0xf;
	v0 =	vsel vm4, $0x900, v0;
	v1 =	vsel vm4, $0x1900, v1  }
0x19: {  	s6 =	ssub.s32 s6, s8;
	s0 =	sadd.s32 s0, s4;
	s24 =	sadd.s32 s1, s4;
	v2 =	vsel vm4, $0xD00, v2;
	v3 =	vsel vm4, $0x1D00, v3;
	vm4 =	vmmov $0x7  }
0x1a: {  	s25 =	sadd.s32 s2, s4;
	s26 =	sadd.s32 s3, s4;
	[dreg:$0x9] =	wrdreg s0;
	v0 =	vsel vm3, $0x980, v0;
	v1 =	vsel vm3, $0x1980, v1;
	v2 =	vsel vm3, $0xD80, v2  }
.Ltmp0:
0x1b: {  	s1 =	simm.s32 $0x9;
	[dreg:$0xa] =	wrdreg s24;
	v3 =	vsel vm3, $0x1D80, v3;
	vm3 =	vmmov $0x3;
	v0 =	vsel vm2, $0xA00, v0;
	(pc) =	sbr.rel .LBB2_1-.Ltmp0, $4  }
0x1c: {  	s2 =	simm.s32 $0x1E00;
	s8 =	simm.s32 $0xA00;
	[dreg:$0xb] =	wrdreg s25;
	v1 =	vsel vm2, $0x1A00, v1;
	v2 =	vsel vm2, $0xE00, v2;
	v3 =	vsel vm2, $0x1E00, v3  }
0x1d: {  	s4 =	simm.s32 $0x1200;
	s3 =	simm.s32 $0x0;
	[dreg:$0xc] =	wrdreg s26;
	vm2 =	vmmov $0x1;
	v0 =	vsel vm0, $0xA80, v0;
	v1 =	vsel vm0, $0x1A80, v1  }
0x1e: {  	s29 =	smax.u32 s6, $0x1;
	s24 =	simm.s32 $0x3600;
	s25 =	simm.s32 $0xC600;
	v2 =	vsel vm0, $0xE80, v2;
	v3 =	vsel vm0, $0x1E80, v3;
	v0 =	vsel vm1, $0xB00, v0  }
0x1f: {  	s6 =	simm.s32 $0xE200;
	s26 =	simm.s32 $0x1;
	[dreg:$0xd] =	wrdreg s29;
	v1 =	vsel vm1, $0x1B00, v1;
	v55 =	vsel vm1, $0xF00, v2;
	v3 =	vsel vm1, $0x1F00, v3  }
.LBB2_12:
0x20: {  	s0 =	rddreg [dreg:$0xc];
	s1 =	simm.s32 $0x10600  }
0x21: {  	[hbm4b:s0+s5] =	stream.linear.scatter [tilespmem:s1], [sflag:$0x9], $0x200, $0x38;
	[tilespmem:$0x10800] =	vst v63  }
0x22: {  	s1 =	simm.s32 $0x9  }
0x23: {  	_ =	swait.ge [sflag:s1], $0x200  }
0x24: {  	s3 =	rddreg [dreg:$0xe]  }
0x25: {  	s29 =	rddreg [dreg:$0xd];
	s3 =	sadd.s32 $0x1, s3  }
0x26: {  	p0 =	sne.s32 s3, s29  }
.Ltmp1:
0x27: {  	_ = 	snop;
	(pc) =	sbr.rel @!p0 .LBB2_13-.Ltmp1, $3  }
0x28: {  	_ =	sdelay $0x1  }
0x29: {  	s2 =	simm.s32 $0x1E00;
	s8 =	simm.s32 $0xA00;
	[sflag:s1] =	ssyncset.done $0x0  }
0x2a: {  	s4 =	simm.s32 $0x1200;
	s19 =	simm.s32 $0x1A00;
	[sflag:s1] =	ssyncadd.s32 $0xFFFFFE00  }
.LBB2_1:
0x2b: {  	[dreg:$0xe] =	wrdreg s3  }
0x2c: {  	s0 =	rddreg [dreg:$0x9]  }
0x2d: {  	[tilespmem:s5], [sflag:$0x9] =	stream.linear.gather [hbm4b:s0+s5], $0x200, $0x38;
	[tilespmem:$0x10800] =	vst v63  }
0x2e: {  	_ =	swait.ge [sflag:s1], $0x200  }
0x2f: {  	[sflag:s1] =	ssyncset.done $0x0  }
0x30: {  	s3 =	simm.s32 $0x200;
	s15 =	rddreg [dreg:$0xa];
	[sflag:s1] =	ssyncadd.s32 $0xFFFFFE00  }
0x31: {  	[tilespmem:s3], [sflag:$0x9] =	stream.linear.gather [hbm4b:s15+s5], $0x200, $0x38;
	[tilespmem:$0x10800] =	vst v63  }
0x32: {  	_ =	swait.ge [sflag:s1], $0x200  }
0x33: {  	[sflag:s1] =	ssyncset.done $0x0  }
0x34: {  	s7 =	simm.s32 $0x400;
	s29 =	rddreg [dreg:$0xb];
	[sflag:s1] =	ssyncadd.s32 $0xFFFFFE00  }
0x35: {  	[tilespmem:s7], [sflag:$0x9] =	stream.linear.gather [hbm4b:s29+s5], $0x200, $0x38;
	[tilespmem:$0x10800] =	vst v63  }
0x36: {  	_ =	swait.ge [sflag:s1], $0x200  }
0x37: {  	[sflag:s1] =	ssyncset.done $0x0  }
0x38: {  	[sflag:s1] =	ssyncadd.s32 $0xFFFFFE00  }
0x39: {  	v2 =	vld [tilespmem:$0x0];
	_ =	sdelay $0x4  }
0x3a: {  	(v2sf) =	vpush v2, $0x0;
	_ =	sdelay $0x4  }
0x3b: {  	v4 =	vld [tilespmem:$0x400];
	_ =	sdelay $0x4  }
0x3c: {  	(v2sf) =	vpush v4, $0x0;
	_ =	sdelay $0x2  }
0x3d: {  	v5 =	vld [tilespmem:$0x200];
	_ =	sdelay $0x1  }
0x3e: {  	s12 =	spop (v2sf)  }
0x3f: {  	s0 =	sand.u32 $0xFFFFF80, s12  }
0x40: {  	s0 =	sadd.s32 s17, s0  }
0x41: {  	(v2sf) =	vpush v5, $0x0;
	[tilespmem:s9], [sflag:$0x1] =	stream.linear.gather [hbm4b:s0+s5], $0x400, $0x38;
	[tilespmem:$0x10800] =	vst v63  }
0x42: {  	s15 =	sadd.s32 $0xF4280, s0  }
0x43: {  	[tilespmem:s30], [sflag:$0x1] =	stream.linear.gather [hbm4b:s15+s5], $0x400, $0x38;
	[tilespmem:$0x10800] =	vst v63  }
0x44: {  	s29 =	sadd.s32 $0x1E8500, s0  }
0x45: {  	[tilespmem:s21], [sflag:$0x1] =	stream.linear.gather [hbm4b:s29+s5], $0x400, $0x38;
	[tilespmem:$0x10800] =	vst v63  }
0x46: {  	s0 =	sadd.s32 $0x2DC780, s0  }
0x47: {  	[tilespmem:s2], [sflag:$0x1] =	stream.linear.gather [hbm4b:s0+s5], $0x400, $0x38;
	[tilespmem:$0x10800] =	vst v63  }
0x48: {  	s2 =	spop (v2sf)  }
0x49: {  	s0 =	sand.u32 $0xFFFFF80, s2  }
0x4a: {  	s12 =	sadd.s32 s18, s0  }
0x4b: {  	[tilespmem:s8], [sflag:$0x1] =	stream.linear.gather [hbm4b:s12+s5], $0x400, $0x38;
	[tilespmem:$0x10800] =	vst v63  }
0x4c: {  	s15 =	sadd.s32 $0xF4280, s12  }
0x4d: {  	[tilespmem:s4], [sflag:$0x1] =	stream.linear.gather [hbm4b:s15+s5], $0x400, $0x38;
	[tilespmem:$0x10800] =	vst v63  }
0x4e: {  	s29 =	sadd.s32 $0x1E8500, s12  }
0x4f: {  	[tilespmem:s19], [sflag:$0x1] =	stream.linear.gather [hbm4b:s29+s5], $0x400, $0x38;
	[tilespmem:$0x10800] =	vst v63  }
0x50: {  	s1 =	sadd.s32 $0x2DC780, s12;
	s2 =	spop (v2sf)  }
0x51: {  	[tilespmem:s22], [sflag:$0x1] =	stream.linear.gather [hbm4b:s1+s5], $0x400, $0x38;
	[tilespmem:$0x10800] =	vst v63  }
0x52: {  	(v2sf) =	vpush v2, $0x1;
	s1 =	sand.u32 $0xFFFFF80, s2  }
0x53: {  	s4 =	simm.s32 $0x2600;
	s1 =	sadd.s32 s13, s1  }
0x54: {  	[tilespmem:s4], [sflag:$0x2] =	stream.linear.gather [hbm4b:s1+s5], $0x400, $0x38;
	[tilespmem:$0x10800] =	vst v63  }
0x55: {  	s8 =	sadd.s32 $0xF4280, s1  }
0x56: {  	[tilespmem:s23], [sflag:$0x2] =	stream.linear.gather [hbm4b:s8+s5], $0x400, $0x38;
	[tilespmem:$0x10800] =	vst v63  }
0x57: {  	s12 =	sadd.s32 $0x1E8500, s1  }
0x58: {  	[tilespmem:s24], [sflag:$0x2] =	stream.linear.gather [hbm4b:s12+s5], $0x400, $0x38;
	[tilespmem:$0x10800] =	vst v63  }
0x59: {  	s1 =	sadd.s32 $0x2DC780, s1  }
0x5a: {  	[tilespmem:s14], [sflag:$0x2] =	stream.linear.gather [hbm4b:s1+s5], $0x400, $0x38;
	[tilespmem:$0x10800] =	vst v63  }
0x5b: {  	s0 =	sadd.s32 s10, s0;
	(v2sf) =	vpush v4, $0x1;
	s14 =	simm.s32 $0x2A00  }
0x5c: {  	[tilespmem:s14], [sflag:$0x2] =	stream.linear.gather [hbm4b:s0+s5], $0x400, $0x38;
	[tilespmem:$0x10800] =	vst v63  }
0x5d: {  	s15 =	sadd.s32 $0xF4280, s0;
	s19 =	simm.s32 $0x3200  }
0x5e: {  	[tilespmem:s19], [sflag:$0x2] =	stream.linear.gather [hbm4b:s15+s5], $0x400, $0x38;
	[tilespmem:$0x10800] =	vst v63  }
0x5f: {  	s29 =	simm.s32 $0x3A00;
	s24 =	sadd.s32 $0x1E8500, s0  }
0x60: {  	[tilespmem:s29], [sflag:$0x2] =	stream.linear.gather [hbm4b:s24+s5], $0x400, $0x38;
	[tilespmem:$0x10800] =	vst v63  }
0x61: {  	s2 =	simm.s32 $0x4200;
	s0 =	sadd.s32 $0x2DC780, s0;
	s4 =	spop (v2sf)  }
0x62: {  	[tilespmem:s2], [sflag:$0x2] =	stream.linear.gather [hbm4b:s0+s5], $0x400, $0x38;
	[tilespmem:$0x10800] =	vst v63  }
0x63: {  	s0 =	sand.u32 $0xFFFFF80, s4  }
0x64: {  	(v2sf) =	vpush v5, $0x1;
	s0 =	sadd.s32 s17, s0  }
0x65: {  	[tilespmem:s11], [sflag:$0x3] =	stream.linear.gather [hbm4b:s0+s5], $0x400, $0x38;
	[tilespmem:$0x10800] =	vst v63  }
0x66: {  	s8 =	sadd.s32 $0xF4280, s0;
	s11 =	simm.s32 $0x4E00  }
0x67: {  	[tilespmem:s11], [sflag:$0x3] =	stream.linear.gather [hbm4b:s8+s5], $0x400, $0x38;
	[tilespmem:$0x10800] =	vst v63  }
0x68: {  	s14 =	simm.s32 $0x5600;
	s12 =	sadd.s32 $0x1E8500, s0  }
0x69: {  	[tilespmem:s14], [sflag:$0x3] =	stream.linear.gather [hbm4b:s12+s5], $0x400, $0x38;
	[tilespmem:$0x10800] =	vst v63  }
0x6a: {  	s15 =	simm.s32 $0x5E00;
	s19 =	spop (v2sf);
	s0 =	sadd.s32 $0x2DC780, s0  }
0x6b: {  	[tilespmem:s15], [sflag:$0x3] =	stream.linear.gather [hbm4b:s0+s5], $0x400, $0x38;
	[tilespmem:$0x10800] =	vst v63  }
0x6c: {  	s0 =	sand.u32 $0xFFFFF80, s19  }
0x6d: {  	s29 =	simm.s32 $0x4A00;
	s24 =	sadd.s32 s18, s0  }
0x6e: {  	[tilespmem:s29], [sflag:$0x3] =	stream.linear.gather [hbm4b:s24+s5], $0x400, $0x38;
	[tilespmem:$0x10800] =	vst v63  }
0x6f: {  	s8 =	simm.s32 $0x5200;
	s4 =	sadd.s32 $0xF4280, s24  }
0x70: {  	[tilespmem:s8], [sflag:$0x3] =	stream.linear.gather [hbm4b:s4+s5], $0x400, $0x38;
	[tilespmem:$0x10800] =	vst v63  }
0x71: {  	s12 =	simm.s32 $0x5A00;
	s11 =	sadd.s32 $0x1E8500, s24  }
0x72: {  	[tilespmem:s12], [sflag:$0x3] =	stream.linear.gather [hbm4b:s11+s5], $0x400, $0x38;
	[tilespmem:$0x10800] =	vst v63  }
0x73: {  	s14 =	simm.s32 $0x6200;
	s1 =	sadd.s32 $0x2DC780, s24;
	s15 =	spop (v2sf)  }
0x74: {  	[tilespmem:s14], [sflag:$0x3] =	stream.linear.gather [hbm4b:s1+s5], $0x400, $0x38;
	[tilespmem:$0x10800] =	vst v63  }
0x75: {  	(v2sf) =	vpush v2, $0x2;
	s1 =	sand.u32 $0xFFFFF80, s15  }
0x76: {  	s1 =	sadd.s32 s13, s1  }
0x77: {  	[tilespmem:s20], [sflag:$0x4] =	stream.linear.gather [hbm4b:s1+s5], $0x400, $0x38;
	[tilespmem:$0x10800] =	vst v63  }
0x78: {  	s19 =	sadd.s32 $0xF4280, s1;
	s20 =	simm.s32 $0x6E00  }
0x79: {  	[tilespmem:s20], [sflag:$0x4] =	stream.linear.gather [hbm4b:s19+s5], $0x400, $0x38;
	[tilespmem:$0x10800] =	vst v63  }
0x7a: {  	s29 =	simm.s32 $0x7600;
	s24 =	sadd.s32 $0x1E8500, s1  }
0x7b: {  	[tilespmem:s29], [sflag:$0x4] =	stream.linear.gather [hbm4b:s24+s5], $0x400, $0x38;
	[tilespmem:$0x10800] =	vst v63  }
0x7c: {  	s8 =	simm.s32 $0x7E00;
	s1 =	sadd.s32 $0x2DC780, s1  }
0x7d: {  	[tilespmem:s8], [sflag:$0x4] =	stream.linear.gather [hbm4b:s1+s5], $0x400, $0x38;
	[tilespmem:$0x10800] =	vst v63  }
0x7e: {  	s0 =	sadd.s32 s10, s0;
	(v2sf) =	vpush v4, $0x2;
	s11 =	simm.s32 $0x6A00  }
0x7f: {  	[tilespmem:s11], [sflag:$0x4] =	stream.linear.gather [hbm4b:s0+s5], $0x400, $0x38;
	[tilespmem:$0x10800] =	vst v63  }
0x80: {  	s12 =	sadd.s32 $0xF4280, s0;
	s14 =	simm.s32 $0x7200  }
0x81: {  	[tilespmem:s14], [sflag:$0x4] =	stream.linear.gather [hbm4b:s12+s5], $0x400, $0x38;
	[tilespmem:$0x10800] =	vst v63  }
0x82: {  	s15 =	sadd.s32 $0x1E8500, s0;
	s19 =	simm.s32 $0x7A00  }
0x83: {  	[tilespmem:s19], [sflag:$0x4] =	stream.linear.gather [hbm4b:s15+s5], $0x400, $0x38;
	[tilespmem:$0x10800] =	vst v63  }
0x84: {  	s20 =	simm.s32 $0x8200;
	s0 =	sadd.s32 $0x2DC780, s0;
	s24 =	spop (v2sf)  }
0x85: {  	[tilespmem:s20], [sflag:$0x4] =	stream.linear.gather [hbm4b:s0+s5], $0x400, $0x38;
	[tilespmem:$0x10800] =	vst v63  }
0x86: {  	s0 =	sand.u32 $0xFFFFF80, s24  }
0x87: {  	(v2sf) =	vpush v5, $0x2;
	s0 =	sadd.s32 s17, s0  }
0x88: {  	[tilespmem:s31], [sflag:$0x5] =	stream.linear.gather [hbm4b:s0+s5], $0x400, $0x38;
	[tilespmem:$0x10800] =	vst v63  }
0x89: {  	s29 =	sadd.s32 $0xF4280, s0;
	s31 =	simm.s32 $0x8E00  }
0x8a: {  	[tilespmem:s31], [sflag:$0x5] =	stream.linear.gather [hbm4b:s29+s5], $0x400, $0x38;
	[tilespmem:$0x10800] =	vst v63  }
0x8b: {  	s8 =	simm.s32 $0x9600;
	s4 =	sadd.s32 $0x1E8500, s0  }
0x8c: {  	[tilespmem:s8], [sflag:$0x5] =	stream.linear.gather [hbm4b:s4+s5], $0x400, $0x38;
	[tilespmem:$0x10800] =	vst v63  }
0x8d: {  	s11 =	simm.s32 $0x9E00;
	s12 =	spop (v2sf);
	s0 =	sadd.s32 $0x2DC780, s0  }
0x8e: {  	[tilespmem:s11], [sflag:$0x5] =	stream.linear.gather [hbm4b:s0+s5], $0x400, $0x38;
	[tilespmem:$0x10800] =	vst v63  }
0x8f: {  	s0 =	sand.u32 $0xFFFFF80, s12  }
0x90: {  	s15 =	simm.s32 $0x8A00;
	s14 =	sadd.s32 s18, s0  }
0x91: {  	[tilespmem:s15], [sflag:$0x5] =	stream.linear.gather [hbm4b:s14+s5], $0x400, $0x38;
	[tilespmem:$0x10800] =	vst v63  }
0x92: {  	s20 =	simm.s32 $0x9200;
	s19 =	sadd.s32 $0xF4280, s14  }
0x93: {  	[tilespmem:s20], [sflag:$0x5] =	stream.linear.gather [hbm4b:s19+s5], $0x400, $0x38;
	[tilespmem:$0x10800] =	vst v63  }
0x94: {  	s29 =	simm.s32 $0x9A00;
	s24 =	sadd.s32 $0x1E8500, s14  }
0x95: {  	[tilespmem:s29], [sflag:$0x5] =	stream.linear.gather [hbm4b:s24+s5], $0x400, $0x38;
	[tilespmem:$0x10800] =	vst v63  }
0x96: {  	s31 =	simm.s32 $0xA200;
	s2 =	spop (v2sf);
	(v2sf) =	vpush v2, $0x3;
	s1 =	sadd.s32 $0x2DC780, s14  }
0x97: {  	[tilespmem:s31], [sflag:$0x5] =	stream.linear.gather [hbm4b:s1+s5], $0x400, $0x38;
	[tilespmem:$0x10800] =	vst v63  }
0x98: {  	s1 =	sand.u32 $0xFFFFF80, s2  }
0x99: {  	s1 =	sadd.s32 s13, s1  }
0x9a: {  	[tilespmem:s16], [sflag:$0x6] =	stream.linear.gather [hbm4b:s1+s5], $0x400, $0x38;
	[tilespmem:$0x10800] =	vst v63  }
0x9b: {  	s8 =	simm.s32 $0xAE00;
	s4 =	sadd.s32 $0xF4280, s1  }
0x9c: {  	[tilespmem:s8], [sflag:$0x6] =	stream.linear.gather [hbm4b:s4+s5], $0x400, $0x38;
	[tilespmem:$0x10800] =	vst v63  }
0x9d: {  	s12 =	simm.s32 $0xB600;
	s11 =	sadd.s32 $0x1E8500, s1  }
0x9e: {  	[tilespmem:s12], [sflag:$0x6] =	stream.linear.gather [hbm4b:s11+s5], $0x400, $0x38;
	[tilespmem:$0x10800] =	vst v63  }
0x9f: {  	s14 =	simm.s32 $0xBE00;
	s1 =	sadd.s32 $0x2DC780, s1  }
0xa0: {  	(v2sf) =	vpush v4, $0x3;
	[tilespmem:s14], [sflag:$0x6] =	stream.linear.gather [hbm4b:s1+s5], $0x400, $0x38;
	[tilespmem:$0x10800] =	vst v63  }
0xa1: {  	s0 =	sadd.s32 s10, s0;
	s15 =	simm.s32 $0xAA00  }
0xa2: {  	[tilespmem:s15], [sflag:$0x6] =	stream.linear.gather [hbm4b:s0+s5], $0x400, $0x38;
	[tilespmem:$0x10800] =	vst v63  }
0xa3: {  	s19 =	simm.s32 $0xB200;
	s20 =	sadd.s32 $0x1E8500, s0;
	s16 =	sadd.s32 $0xF4280, s0  }
0xa4: {  	[tilespmem:s19], [sflag:$0x6] =	stream.linear.gather [hbm4b:s16+s5], $0x400, $0x38;
	[tilespmem:$0x10800] =	vst v63  }
0xa5: {  	s24 =	simm.s32 $0xBA00;
	s31 =	simm.s32 $0xC200;
	s29 =	spop (v2sf)  }
0xa6: {  	[tilespmem:s24], [sflag:$0x6] =	stream.linear.gather [hbm4b:s20+s5], $0x400, $0x38;
	[tilespmem:$0x10800] =	vst v63  }
0xa7: {  	s4 =	sand.u32 $0xFFFFF80, s29;
	s0 =	sadd.s32 $0x2DC780, s0  }
0xa8: {  	[tilespmem:s31], [sflag:$0x6] =	stream.linear.gather [hbm4b:s0+s5], $0x400, $0x38;
	[tilespmem:$0x10800] =	vst v63  }
0xa9: {  	s0 =	sadd.s32 s17, s4  }
0xaa: {  	[tilespmem:s25], [sflag:$0x7] =	stream.linear.gather [hbm4b:s0+s5], $0x400, $0x38;
	[tilespmem:$0x10800] =	vst v63  }
0xab: {  	s11 =	simm.s32 $0xCE00;
	s8 =	sadd.s32 $0xF4280, s0  }
0xac: {  	[tilespmem:s11], [sflag:$0x7] =	stream.linear.gather [hbm4b:s8+s5], $0x400, $0x38;
	[tilespmem:$0x10800] =	vst v63  }
0xad: {  	s14 =	simm.s32 $0xD600;
	s12 =	sadd.s32 $0x1E8500, s0  }
0xae: {  	[tilespmem:s14], [sflag:$0x7] =	stream.linear.gather [hbm4b:s12+s5], $0x400, $0x38;
	[tilespmem:$0x10800] =	vst v63  }
0xaf: {  	s15 =	simm.s32 $0xDE00;
	s16 =	spop (v2sf);
	s0 =	sadd.s32 $0x2DC780, s0  }
0xb0: {  	[tilespmem:s15], [sflag:$0x7] =	stream.linear.gather [hbm4b:s0+s5], $0x400, $0x38;
	[tilespmem:$0x10800] =	vst v63  }
0xb1: {  	s0 =	sand.u32 $0xFFFFF80, s16  }
0xb2: {  	s19 =	simm.s32 $0xCA00;
	s0 =	sadd.s32 s18, s0  }
0xb3: {  	[tilespmem:s19], [sflag:$0x7] =	stream.linear.gather [hbm4b:s0+s5], $0x400, $0x38;
	[tilespmem:$0x10800] =	vst v63  }
0xb4: {  	s24 =	simm.s32 $0xD200;
	s20 =	sadd.s32 $0xF4280, s0  }
0xb5: {  	[tilespmem:s24], [sflag:$0x7] =	stream.linear.gather [hbm4b:s20+s5], $0x400, $0x38;
	[tilespmem:$0x10800] =	vst v63  }
.Ltmp2:
0xb6: {  	s31 =	simm.s32 $0xDA00;
	s29 =	sadd.s32 $0x1E8500, s0;
	(pc) =	sbr.rel .LBB2_2-.Ltmp2, $4  }
0xb7: {  	[tilespmem:s31], [sflag:$0x7] =	stream.linear.gather [hbm4b:s29+s5], $0x400, $0x38;
	[tilespmem:$0x10800] =	vst v63  }
0xb8: {  	s8 =	simm.s32 $0xFFFFFFE0;
	s0 =	sadd.s32 $0x2DC780, s0  }
0xb9: {  	[tilespmem:s6], [sflag:$0x7] =	stream.linear.gather [hbm4b:s0+s5], $0x400, $0x38;
	[tilespmem:$0x10800] =	vst v63  }
0xba: {  	s12 =	simm.s32 $0x10600;
	s15 =	simm.s32 $0xE600;
	s0 =	simm.s32 $0x0  }
.LBB2_10:
0xbb: {  	s0 =	simm.s32 $0x7  }
0xbc: {  	_ =	swait.ge [sflag:s0], $0x1000  }
0xbd: {  	[sflag:s0] =	ssyncset.done $0x0  }
0xbe: {  	s16 =	simm.s32 $0xA600;
	[sflag:s0] =	ssyncadd.s32 $0xFFFFF000  }
0xbf: {  	s31 =	simm.s32 $0x8600;
	s14 =	simm.s32 $0x3E00;
	_ =	swait.ge [sflag:s0], $0x1000  }
0xc0: {  	s24 =	simm.s32 $0x3600;
	s22 =	simm.s32 $0x2200;
	[sflag:s0] =	ssyncset.done $0x0  }
0xc1: {  	s23 =	simm.s32 $0x2E00;
	s12 =	rddreg [dreg:$0x12];
	[sflag:s0] =	ssyncadd.s32 $0xFFFFF000  }
.LBB2_11:
0xc2: {  	_ =	swait.ge [sflag:s3], $0x1000;
	s0 =	sand.u32 $0x7F, s19  }
0xc3: {  	v7 =	vbroadcast v7, $0xF;
	[sflag:s3] =	ssyncset.done $0x0;
	v19 =	vor.u32 s0, v0  }
0xc4: {  	v20 =	vor.u32 s0, v1;
	[sflag:s3] =	ssyncadd.s32 $0xFFFFF000  }
0xc5: {  	v21 =	vor.u32 v55, v7;
	_ =	swait.ge [sflag:s3], $0x1000  }
0xc6: {  	s15 =	sand.u32 $0x7F, s25;
	v7 =	vor.u32 v3, v7;
	[sflag:s3] =	ssyncset.done $0x0  }
0xc7: {  	s25 =	simm.s32 $0xC600;
	v22 =	vor.u32 s15, v0;
	[sflag:s3] =	ssyncadd.s32 $0xFFFFF000  }
0xc8: {  	v19 =	vld.idx.msk [tilespmem:v19+s25+$0x0], $0xffff  }
0xc9: {  	v23 =	vor.u32 s15, v1;
	v20 =	vld.idx.msk [tilespmem:v20+s25+$0x0], $0xffff  }
0xca: {  	v24 =	vld.idx.msk [tilespmem:v21+s25+$0x0], $0xffff  }
0xcb: {  	s15 =	simm.s32 $0xE600;
	v25 =	vld.idx.msk [tilespmem:v7+s25+$0x0], $0xffff  }
0xcc: {  	v22 =	vld.idx.msk [tilespmem:v22+s15+$0x0], $0xffff  }
0xcd: {  	v21 =	vld.idx.msk [tilespmem:v21+s15+$0x0], $0xffff  }
0xce: {  	v23 =	vld.idx.msk [tilespmem:v23+s15+$0x0], $0xffff  }
0xcf: {  	v7 =	vld.idx.msk [tilespmem:v7+s15+$0x0], $0xffff  }
0xd0: {  	v19 =	vmul.f32 v24, v19;
	v20 =	vmul.f32 v25, v20  }
0xd1: {  	v13 =	vbroadcast v13, $0xF;
	v17 =	vbroadcast v17, $0xF  }
0xd2: {  	v14 =	vbroadcast v14, $0xF;
	v58 =	vmul.f32 v21, v22;
	v19 =	vadd.f32 v20, v19  }
0xd3: {  	v15 =	vbroadcast v15, $0xF;
	v59 =	vbroadcast v16, $0xF;
	v13 =	vsel vm2, v13, v17  }
0xd4: {  	v13 =	vsel vm3, v13, v14;
	v7 =	vmul.f32 v7, v23;
	v19 =	vadd.f32 v58, v19  }
0xd5: {  	v11 =	vbroadcast v11, $0xF;
	v12 =	vbroadcast v12, $0xF;
	v13 =	vsel vm4, v13, v15  }
0xd6: {  	(v2sf) =	vpush @!p0 v27, $0x3;
	v13 =	vsel vm5, v13, v59;
	v7 =	vadd.f32 v7, v19  }
0xd7: {  	v6 =	vbroadcast v6, $0xF;
	v60 =	vsel vm6, v13, v11  }
0xd8: {  	v8 =	vbroadcast v8, $0xF;
	(xrf2) =	vadd.scan.msk.f32 $0xffff, v7;
	v7 =	vsel vm7, v60, v12  }
0xd9: {  	v61 =	vbroadcast v9, $0xF;
	v6 =	vsel vm8, v7, v6  }
0xda: {  	v4 =	vbroadcast v4, $0xF;
	v6 =	vsel vm9, v6, v8  }
0xdb: {  	v62 =	vbroadcast v10, $0xF;
	v6 =	vsel vm10, v6, v61  }
0xdc: {  	v63 =	vbroadcast v18, $0xF;
	v4 =	vsel vm11, v6, v4  }
0xdd: {  	v5 =	vbroadcast v5, $0xF;
	v4 =	vsel vm12, v4, v62  }
0xde: {  	v4 =	vsel vm13, v4, v63  }
0xdf: {  	v4 =	vsel vm0, v5, v4  }
0xe0: {  	v2 =	vbroadcast v2, $0xF;
	(v2sf) =	vpush @!p0 v26, $0x3;
	_ =	sdelay $0x1  }
0xe1: {  	v2 =	vsel vm1, v2, v4;
	v4, _, _ =	vpop (xrf2)  }
0xe2: {  	v2 =	vsel vm14, v2, v4  }
0xe3: {  	v2 =	vsub.f32 $0.0e+00, v2  }
0xe4: {  	s0 =	spop @!p0 (v2sf)  }
0xe5: {  	s0 =	sand.u32 @!p0 $0xFFFFF80, s0;
	v2 =	vmul.f32 $1.442695020e+00, v2  }
0xe6: {  	s1 =	simm.s32 @!p0 $0x0;
	s2 =	simm.s32 @!p0 $0xC600;
	s0 =	sadd.s32 @!p0 s17, s0  }
0xe7: {  	[tilespmem:s2], [sflag:$0x7] =	stream.linear.gather @!p0 [hbm4b:s0+s1], $0x400, $0x38;
	(erf) = vpow2.f32 v2;
	[tilespmem:$0x10800] =	vst v63  }
0xe8: {  	s4 =	simm.s32 @!p0 $0xCE00;
	s2 =	sadd.s32 @!p0 $0xF4280, s0  }
0xe9: {  	[tilespmem:s4], [sflag:$0x7] =	stream.linear.gather @!p0 [hbm4b:s2+s1], $0x400, $0x38;
	[tilespmem:$0x10800] =	vst v63  }
0xea: {  	s2 =	sadd.s32 @!p0 $0x1E8500, s0;
	s4 =	simm.s32 @!p0 $0xD600  }
0xeb: {  	[tilespmem:s4], [sflag:$0x7] =	stream.linear.gather @!p0 [hbm4b:s2+s1], $0x400, $0x38;
	[tilespmem:$0x10800] =	vst v63  }
0xec: {  	s0 =	sadd.s32 @!p0 $0x2DC780, s0;
	s2 =	simm.s32 @!p0 $0xDE00  }
0xed: {  	[tilespmem:s2], [sflag:$0x7] =	stream.linear.gather @!p0 [hbm4b:s0+s1], $0x400, $0x38;
	[tilespmem:$0x10800] =	vst v63  }
0xee: {  	s0 =	spop @!p0 (v2sf)  }
0xef: {  	s0 =	sand.u32 @!p0 $0xFFFFF80, s0  }
0xf0: {  	s2 =	simm.s32 @!p0 $0xCA00;
	s0 =	sadd.s32 @!p0 s18, s0;
	v2 =	vpop (erf)  }
0xf1: {  	[tilespmem:s2], [sflag:$0x7] =	stream.linear.gather @!p0 [hbm4b:s0+s1], $0x400, $0x38;
	v2 =	vadd.f32 $1.000000000e+00, v2;
	[tilespmem:$0x10800] =	vst v63  }
0xf2: {  	s4 =	simm.s32 @!p0 $0xD200;
	s2 =	sadd.s32 @!p0 $0xF4280, s0  }
0xf3: {  	[tilespmem:s4], [sflag:$0x7] =	stream.linear.gather @!p0 [hbm4b:s2+s1], $0x400, $0x38;
	(erf) = vrcp.f32 v2;
	[tilespmem:$0x10800] =	vst v63  }
0xf4: {  	s2 =	sadd.s32 @!p0 $0x1E8500, s0;
	s4 =	simm.s32 @!p0 $0xDA00  }
0xf5: {  	[tilespmem:s4], [sflag:$0x7] =	stream.linear.gather @!p0 [hbm4b:s2+s1], $0x400, $0x38;
	[tilespmem:$0x10800] =	vst v63  }
0xf6: {  	s8 =	sadd.s32 $0x1, s8;
	s0 =	sadd.s32 @!p0 $0x2DC780, s0;
	s2 =	simm.s32 @!p0 $0xE200  }
0xf7: {  	[tilespmem:s2], [sflag:$0x7] =	stream.linear.gather @!p0 [hbm4b:s0+s1], $0x400, $0x38;
	[tilespmem:$0x10800] =	vst v63  }
0xf8: {  	p0 =	seq.s32 s8, $0x0  }
.Ltmp3:
0xf9: {  	_ = 	snop;
	(pc) =	sbr.rel @p0 .LBB2_12-.Ltmp3, $4  }
0xfa: {  	_ = 	snop  }
0xfb: {  	s19 =	rddreg [dreg:$0x13]  }
0xfc: {  	s7 =	sadd.s32 $0x10, s7;
	s29 =	rddreg [dreg:$0xf];
	v2 =	vpop (erf)  }
0xfd: {  	s3 =	sadd.s32 $0x10, s29;
	s0 =	sadd.s32 $0x10, s19;
	[tilespmem:s12+$0x0] =	vst v2;
	s12 =	sadd.s32 $0x10, s12  }
.LBB2_2:
0xfe: {  	s2 =	sadd.s32 $0x21, s8  }
0xff: {  	[dreg:$0x13] =	wrdreg s0;
	v10 =	vld [tilespmem:s0+$0x0];
	s0 =	smin.u32 s2, $0x1F  }
0x100: {  	s0 =	sshll.u32 s0, $0x4  }
0x101: {  	v2 =	vld [tilespmem:s0+$0x0];
	_ =	sdelay $0x4  }
0x102: {  	[tilespmem:$0x1FD60] =	vst v2;
	v2 =	vld [tilespmem:s0+$0x200];
	_ =	sdelay $0x4  }
0x103: {  	[tilespmem:$0x1FD70] =	vst v2;
	v2 =	vld [tilespmem:s0+$0x400];
	_ =	sdelay $0x1  }
0x104: {  	[dreg:$0x12] =	wrdreg s12  }
0x105: {  	[dreg:$0x11] =	wrdreg s8  }
0x106: {  	[dreg:$0xf] =	wrdreg s3  }
0x107: {  	v8 =	vld [tilespmem:s3+$0x0];
	[dreg:$0x10] =	wrdreg s7;
	[tilespmem:$0x1FD80] =	vst v2  }
0x108: {  	v9 =	vld [tilespmem:s7+$0x0];
	_ =	swait.ge [sflag:s26], $0x1000  }
0x109: {  	[sflag:s26] =	ssyncset.done $0x0  }
0x10a: {  	[sflag:s26] =	ssyncadd.s32 $0xFFFFF000  }
0x10b: {  	_ =	swait.ge [sflag:s26], $0x1000  }
0x10c: {  	(v2sf) =	vpush v8, $0x3;
	_ =	sdelay $0x7  }
0x10d: {  	(v2sf) =	vpush v9, $0x3;
	_ =	sdelay $0x6  }
0x10e: {  	s19 =	spop (v2sf)  }
0x10f: {  	[sflag:s26] =	ssyncset.done $0x0;
	s3 =	sand.u32 $0xFFFFF80, s19  }
0x110: {  	[sflag:s26] =	ssyncadd.s32 $0xFFFFF000;
	s0 =	sadd.s32 s13, s3  }
0x111: {  	[tilespmem:s15], [sflag:$0x8] =	stream.linear.gather [hbm4b:s0+s5], $0x400, $0x38;
	[tilespmem:$0x10800] =	vst v63  }
0x112: {  	s2 =	simm.s32 $0xEE00;
	s1 =	sadd.s32 $0xF4280, s0  }
0x113: {  	[tilespmem:s2], [sflag:$0x8] =	stream.linear.gather [hbm4b:s1+s5], $0x400, $0x38;
	[tilespmem:$0x10800] =	vst v63  }
0x114: {  	s6 =	simm.s32 $0xF600;
	s4 =	sadd.s32 $0x1E8500, s0  }
0x115: {  	[tilespmem:s6], [sflag:$0x8] =	stream.linear.gather [hbm4b:s4+s5], $0x400, $0x38;
	[tilespmem:$0x10800] =	vst v63  }
0x116: {  	s7 =	simm.s32 $0xFE00;
	s8 =	spop (v2sf);
	s0 =	sadd.s32 $0x2DC780, s0  }
0x117: {  	[tilespmem:s7], [sflag:$0x8] =	stream.linear.gather [hbm4b:s0+s5], $0x400, $0x38;
	[tilespmem:$0x10800] =	vst v63  }
0x118: {  	s0 =	sand.u32 $0xFFFFF80, s8  }
0x119: {  	s11 =	simm.s32 $0xEA00;
	s0 =	sadd.s32 s10, s0  }
0x11a: {  	[tilespmem:s11], [sflag:$0x8] =	stream.linear.gather [hbm4b:s0+s5], $0x400, $0x38;
	[tilespmem:$0x10800] =	vst v63  }
0x11b: {  	s14 =	simm.s32 $0xF200;
	s12 =	sadd.s32 $0xF4280, s0  }
0x11c: {  	[tilespmem:s14], [sflag:$0x8] =	stream.linear.gather [hbm4b:s12+s5], $0x400, $0x38;
	[tilespmem:$0x10800] =	vst v63  }
0x11d: {  	s20 =	simm.s32 $0xFA00;
	s16 =	sadd.s32 $0x1E8500, s0  }
0x11e: {  	[tilespmem:s20], [sflag:$0x8] =	stream.linear.gather [hbm4b:s16+s5], $0x400, $0x38;
	[tilespmem:$0x10800] =	vst v63  }
0x11f: {  	s24 =	simm.s32 $0x10200;
	s0 =	sadd.s32 $0x2DC780, s0  }
0x120: {  	[tilespmem:s24], [sflag:$0x8] =	stream.linear.gather [hbm4b:s0+s5], $0x400, $0x38;
	[tilespmem:$0x10800] =	vst v63  }
0x121: {  	_ =	swait.ge [sflag:s28], $0x1000  }
0x122: {  	[sflag:s28] =	ssyncset.done $0x0  }
0x123: {  	[sflag:s28] =	ssyncadd.s32 $0xFFFFF000  }
0x124: {  	_ =	swait.ge [sflag:s28], $0x1000  }
0x125: {  	(v2sf) =	vpush v10, $0x0;
	_ =	sdelay $0x5  }
0x126: {  	(v2sf) =	vpush v8, $0x0;
	_ =	sdelay $0x8  }
0x127: {  	s29 =	spop (v2sf);
	(v2sf) =	vpush v10, $0x4;
	_ =	sdelay $0x1  }
0x128: {  	s0 =	sand.u32 $0x7F, s29  }
0x129: {  	v2 =	vor.u32 s0, v0;
	_ =	sdelay $0x2  }
0x12a: {  	[sflag:s28] =	ssyncset.done $0x0;
	s31 =	spop (v2sf)  }
0x12b: {  	v7 =	vand.u32 $0x7F, v9;
	[sflag:s28] =	ssyncadd.s32 $0xFFFFF000;
	v4 =	vor.u32 s0, v1;
	s1 =	sand.u32 $0x7F, s31  }
0x12c: {  	(v2sf) =	vpush v9, $0x4;
	v6 =	vor.u32 s1, v0;
	v48 =	vld.idx.msk [tilespmem:v2+s9+$0x0], $0xffff;
	v2 =	vbroadcast v7, $0x0  }
0x12d: {  	v11 =	vor.u32 s1, v1  }
0x12e: {  	v5 =	vor.u32 v55, v2  }
0x12f: {  	v2 =	vor.u32 v3, v2  }
0x130: {  	s14 =	simm.s32 $0x2600;
	v49 =	vld.idx.msk [tilespmem:v4+s9+$0x0], $0xffff  }
0x131: {  	v51 =	vld.idx.msk [tilespmem:v6+s14+$0x0], $0xffff  }
0x132: {  	v52 =	vld.idx.msk [tilespmem:v11+s14+$0x0], $0xffff  }
0x133: {  	v50 =	vld.idx.msk [tilespmem:v5+s9+$0x0], $0xffff;
	s2 =	spop (v2sf)  }
0x134: {  	v53 =	vld.idx.msk [tilespmem:v2+s9+$0x0], $0xffff;
	s3 =	sand.u32 $0xFFFFF80, s2  }
0x135: {  	v54 =	vld.idx.msk [tilespmem:v5+s14+$0x0], $0xffff;
	s1 =	sadd.s32 s17, s3  }
0x136: {  	v2 =	vld.idx.msk [tilespmem:v2+s14+$0x0], $0xffff;
	[tilespmem:s9], [sflag:$0x1] =	stream.linear.gather [hbm4b:s1+s5], $0x400, $0x38  }
0x137: {  	s4 =	sadd.s32 $0xF4280, s1  }
0x138: {  	[tilespmem:s30], [sflag:$0x1] =	stream.linear.gather [hbm4b:s4+s5], $0x400, $0x38;
	[tilespmem:$0x10800] =	vst v63  }
0x139: {  	s6 =	sadd.s32 $0x1E8500, s1  }
0x13a: {  	[tilespmem:s21], [sflag:$0x1] =	stream.linear.gather [hbm4b:s6+s5], $0x400, $0x38;
	[tilespmem:$0x10800] =	vst v63  }
0x13b: {  	s7 =	simm.s32 $0x1E00;
	s8 =	spop (v2sf);
	s1 =	sadd.s32 $0x2DC780, s1  }
0x13c: {  	[tilespmem:s7], [sflag:$0x1] =	stream.linear.gather [hbm4b:s1+s5], $0x400, $0x38;
	[tilespmem:$0x10800] =	vst v63  }
0x13d: {  	s1 =	sand.u32 $0xFFFFF80, s8  }
0x13e: {  	s11 =	simm.s32 $0xA00;
	s9 =	sadd.s32 s18, s1  }
0x13f: {  	[tilespmem:s11], [sflag:$0x1] =	stream.linear.gather [hbm4b:s9+s5], $0x400, $0x38;
	[tilespmem:$0x10800] =	vst v63  }
0x140: {  	s12 =	simm.s32 $0x1200;
	s4 =	sadd.s32 $0xF4280, s9  }
0x141: {  	[tilespmem:s12], [sflag:$0x1] =	stream.linear.gather [hbm4b:s4+s5], $0x400, $0x38;
	[tilespmem:$0x10800] =	vst v63  }
0x142: {  	s20 =	simm.s32 $0x1A00;
	s16 =	sadd.s32 $0x1E8500, s9  }
0x143: {  	[tilespmem:s20], [sflag:$0x1] =	stream.linear.gather [hbm4b:s16+s5], $0x400, $0x38;
	[tilespmem:$0x10800] =	vst v63  }
0x144: {  	[dreg:$0x14] =	wrdreg s2;
	[tilespmem:$0x1FDD0] =	vst v2;
	s2 =	sadd.s32 $0x2DC780, s9;
	s12 =	simm.s32 $0x3  }
0x145: {  	[tilespmem:s22], [sflag:$0x1] =	stream.linear.gather [hbm4b:s2+s5], $0x400, $0x38;
	[tilespmem:$0x10800] =	vst v63  }
0x146: {  	_ =	swait.ge [sflag:s12], $0x1000  }
0x147: {  	[sflag:s12] =	ssyncset.done $0x0  }
0x148: {  	[sflag:s12] =	ssyncadd.s32 $0xFFFFF000  }
0x149: {  	_ =	swait.ge [sflag:s12], $0x1000  }
0x14a: {  	(v2sf) =	vpush v8, $0x4;
	_ =	sdelay $0xe  }
0x14b: {  	s22 =	spop (v2sf)  }
0x14c: {  	[sflag:s12] =	ssyncset.done $0x0;
	s21 =	sand.u32 $0xFFFFF80, s22  }
0x14d: {  	[sflag:s12] =	ssyncadd.s32 $0xFFFFF000;
	s2 =	sadd.s32 s13, s21  }
0x14e: {  	[tilespmem:s14], [sflag:$0x2] =	stream.linear.gather [hbm4b:s2+s5], $0x400, $0x38;
	[tilespmem:$0x10800] =	vst v63  }
0x14f: {  	s24 =	sadd.s32 $0xF4280, s2  }
0x150: {  	[tilespmem:s23], [sflag:$0x2] =	stream.linear.gather [hbm4b:s24+s5], $0x400, $0x38;
	[tilespmem:$0x10800] =	vst v63  }
0x151: {  	s31 =	simm.s32 $0x3600;
	s29 =	sadd.s32 $0x1E8500, s2  }
0x152: {  	[tilespmem:s31], [sflag:$0x2] =	stream.linear.gather [hbm4b:s29+s5], $0x400, $0x38;
	[tilespmem:$0x10800] =	vst v63  }
0x153: {  	s3 =	simm.s32 $0x3E00;
	s2 =	sadd.s32 $0x2DC780, s2  }
0x154: {  	[tilespmem:s3], [sflag:$0x2] =	stream.linear.gather [hbm4b:s2+s5], $0x400, $0x38;
	[tilespmem:$0x10800] =	vst v63  }
0x155: {  	s1 =	sadd.s32 s10, s1;
	s4 =	simm.s32 $0x2A00  }
0x156: {  	[tilespmem:s4], [sflag:$0x2] =	stream.linear.gather [hbm4b:s1+s5], $0x400, $0x38;
	[tilespmem:$0x10800] =	vst v63  }
0x157: {  	s7 =	simm.s32 $0x3200;
	s6 =	sadd.s32 $0xF4280, s1  }
0x158: {  	[tilespmem:s7], [sflag:$0x2] =	stream.linear.gather [hbm4b:s6+s5], $0x400, $0x38;
	[tilespmem:$0x10800] =	vst v63  }
0x159: {  	s8 =	sadd.s32 $0x1E8500, s1;
	s9 =	simm.s32 $0x3A00  }
0x15a: {  	[tilespmem:s9], [sflag:$0x2] =	stream.linear.gather [hbm4b:s8+s5], $0x400, $0x38;
	[tilespmem:$0x10800] =	vst v63  }
0x15b: {  	s11 =	simm.s32 $0x4200;
	s3 =	simm.s32 $0x4;
	s1 =	sadd.s32 $0x2DC780, s1  }
0x15c: {  	[tilespmem:s11], [sflag:$0x2] =	stream.linear.gather [hbm4b:s1+s5], $0x400, $0x38;
	[tilespmem:$0x10800] =	vst v63  }
0x15d: {  	_ =	swait.ge [sflag:s3], $0x1000  }
0x15e: {  	[sflag:s3] =	ssyncset.done $0x0  }
0x15f: {  	[sflag:s3] =	ssyncadd.s32 $0xFFFFF000  }
0x160: {  	_ =	swait.ge [sflag:s3], $0x1000  }
0x161: {  	(v2sf) =	vpush v10, $0x1;
	_ =	sdelay $0x9  }
0x162: {  	(v2sf) =	vpush v8, $0x1;
	_ =	sdelay $0x4  }
0x163: {  	s16 =	spop (v2sf)  }
0x164: {  	s1 =	sand.u32 $0x7F, s16  }
0x165: {  	v2 =	vor.u32 s1, v0;
	_ =	sdelay $0x2  }
0x166: {  	[sflag:s3] =	ssyncset.done $0x0  }
0x167: {  	s11 =	simm.s32 $0x4600;
	[sflag:s3] =	ssyncadd.s32 $0xFFFFF000;
	v5 =	vor.u32 s1, v1  }
0x168: {  	v2 =	vld.idx.msk [tilespmem:v2+s11+$0x0], $0xffff;
	_ =	sdelay $0x1  }
0x169: {  	v4 =	vbroadcast v7, $0x1;
	(v2sf) =	vpush v10, $0x5  }
0x16a: {  	s20 =	spop (v2sf)  }
0x16b: {  	v6 =	vor.u32 v55, v4;
	s1 =	sand.u32 $0x7F, s20;
	v5 =	vld.idx.msk [tilespmem:v5+s11+$0x0], $0xffff  }
0x16c: {  	[tilespmem:$0x1FD90] =	vst v2;
	v2 =	vor.u32 s1, v1;
	_ =	sdelay $0x3  }
0x16d: {  	v4 =	vor.u32 v3, v4;
	s20 =	simm.s32 $0x6600;
	[tilespmem:$0x1FDB0] =	vst v5;
	v5 =	vld.idx.msk [tilespmem:v6+s11+$0x0], $0xffff  }
0x16e: {  	(v2sf) =	vpush v9, $0x5;
	v2 =	vld.idx.msk [tilespmem:v2+s20+$0x0], $0xffff;
	_ =	sdelay $0x3  }
0x16f: {  	v11 =	vor.u32 s1, v0;
	[tilespmem:$0x1FDA0] =	vst v5;
	v5 =	vld.idx.msk [tilespmem:v4+s11+$0x0], $0xffff  }
0x170: {  	[tilespmem:$0x1FE00] =	vst v2;
	v2 =	vld.idx.msk [tilespmem:v6+s20+$0x0], $0xffff;
	_ =	sdelay $0x1  }
0x171: {  	s21 =	spop (v2sf)  }
0x172: {  	s23 =	sand.u32 $0xFFFFF80, s21  }
0x173: {  	s2 =	sadd.s32 s17, s23;
	[tilespmem:$0x1FDC0] =	vst v5;
	v5 =	vld.idx.msk [tilespmem:v11+s20+$0x0], $0xffff  }
0x174: {  	[tilespmem:$0x1FDF0] =	vst v2;
	v2 =	vld.idx.msk [tilespmem:v4+s20+$0x0], $0xffff;
	[tilespmem:s11], [sflag:$0x3] =	stream.linear.gather [hbm4b:s2+s5], $0x400, $0x38  }
0x175: {  	s31 =	simm.s32 $0x4E00;
	s24 =	sadd.s32 $0xF4280, s2  }
0x176: {  	[tilespmem:s31], [sflag:$0x3] =	stream.linear.gather [hbm4b:s24+s5], $0x400, $0x38;
	[tilespmem:$0x10800] =	vst v63  }
0x177: {  	s0 =	sadd.s32 $0x1E8500, s2;
	s1 =	simm.s32 $0x5600  }
0x178: {  	[tilespmem:s1], [sflag:$0x3] =	stream.linear.gather [hbm4b:s0+s5], $0x400, $0x38;
	[tilespmem:$0x10800] =	vst v63  }
0x179: {  	s6 =	simm.s32 $0x5E00;
	s7 =	spop (v2sf);
	s2 =	sadd.s32 $0x2DC780, s2  }
0x17a: {  	[tilespmem:s6], [sflag:$0x3] =	stream.linear.gather [hbm4b:s2+s5], $0x400, $0x38;
	[tilespmem:$0x10800] =	vst v63  }
0x17b: {  	s2 =	sand.u32 $0xFFFFF80, s7  }
0x17c: {  	s9 =	simm.s32 $0x4A00;
	s8 =	sadd.s32 s18, s2  }
0x17d: {  	[tilespmem:s9], [sflag:$0x3] =	stream.linear.gather [hbm4b:s8+s5], $0x400, $0x38;
	[tilespmem:$0x10800] =	vst v63  }
0x17e: {  	[dreg:$0x15] =	wrdreg s21;
	s21 =	simm.s32 $0x5200;
	s16 =	sadd.s32 $0xF4280, s8  }
0x17f: {  	[tilespmem:s21], [sflag:$0x3] =	stream.linear.gather [hbm4b:s16+s5], $0x400, $0x38;
	[tilespmem:$0x10800] =	vst v63  }
0x180: {  	[tilespmem:$0x1FDE0] =	vst v5;
	s24 =	simm.s32 $0x5A00;
	s23 =	sadd.s32 $0x1E8500, s8  }
0x181: {  	[tilespmem:s24], [sflag:$0x3] =	stream.linear.gather [hbm4b:s23+s5], $0x400, $0x38;
	[tilespmem:$0x10800] =	vst v63  }
0x182: {  	s31 =	simm.s32 $0x6200;
	[tilespmem:$0x1FE10] =	vst v2;
	s6 =	simm.s32 $0x5;
	s4 =	sadd.s32 $0x2DC780, s8  }
0x183: {  	[tilespmem:s31], [sflag:$0x3] =	stream.linear.gather [hbm4b:s4+s5], $0x400, $0x38;
	[tilespmem:$0x10800] =	vst v63  }
0x184: {  	_ =	swait.ge [sflag:s6], $0x1000  }
0x185: {  	[sflag:s6] =	ssyncset.done $0x0  }
0x186: {  	[sflag:s6] =	ssyncadd.s32 $0xFFFFF000  }
0x187: {  	_ =	swait.ge [sflag:s6], $0x1000  }
0x188: {  	(v2sf) =	vpush v8, $0x5;
	_ =	sdelay $0xe  }
0x189: {  	s23 =	spop (v2sf)  }
0x18a: {  	[sflag:s6] =	ssyncset.done $0x0;
	s1 =	sand.u32 $0xFFFFF80, s23  }
0x18b: {  	[sflag:s6] =	ssyncadd.s32 $0xFFFFF000;
	s4 =	sadd.s32 s13, s1  }
0x18c: {  	[tilespmem:s20], [sflag:$0x4] =	stream.linear.gather [hbm4b:s4+s5], $0x400, $0x38;
	[tilespmem:$0x10800] =	vst v63  }
0x18d: {  	s8 =	simm.s32 $0x6E00;
	s7 =	sadd.s32 $0xF4280, s4  }
0x18e: {  	[tilespmem:s8], [sflag:$0x4] =	stream.linear.gather [hbm4b:s7+s5], $0x400, $0x38;
	[tilespmem:$0x10800] =	vst v63  }
0x18f: {  	s21 =	simm.s32 $0x7600;
	s16 =	sadd.s32 $0x1E8500, s4  }
0x190: {  	[tilespmem:s21], [sflag:$0x4] =	stream.linear.gather [hbm4b:s16+s5], $0x400, $0x38;
	[tilespmem:$0x10800] =	vst v63  }
0x191: {  	s24 =	simm.s32 $0x7E00;
	s4 =	sadd.s32 $0x2DC780, s4  }
0x192: {  	[tilespmem:s24], [sflag:$0x4] =	stream.linear.gather [hbm4b:s4+s5], $0x400, $0x38;
	[tilespmem:$0x10800] =	vst v63  }
0x193: {  	s2 =	sadd.s32 s10, s2;
	s31 =	simm.s32 $0x6A00  }
0x194: {  	[tilespmem:s31], [sflag:$0x4] =	stream.linear.gather [hbm4b:s2+s5], $0x400, $0x38;
	[tilespmem:$0x10800] =	vst v63  }
0x195: {  	s0 =	sadd.s32 $0xF4280, s2;
	s1 =	simm.s32 $0x7200  }
0x196: {  	[tilespmem:s1], [sflag:$0x4] =	stream.linear.gather [hbm4b:s0+s5], $0x400, $0x38;
	[tilespmem:$0x10800] =	vst v63  }
0x197: {  	s7 =	sadd.s32 $0x1E8500, s2;
	s8 =	simm.s32 $0x7A00  }
0x198: {  	[tilespmem:s8], [sflag:$0x4] =	stream.linear.gather [hbm4b:s7+s5], $0x400, $0x38;
	[tilespmem:$0x10800] =	vst v63  }
0x199: {  	s9 =	simm.s32 $0x8200;
	s2 =	sadd.s32 $0x2DC780, s2;
	s7 =	simm.s32 $0x6  }
0x19a: {  	[tilespmem:s9], [sflag:$0x4] =	stream.linear.gather [hbm4b:s2+s5], $0x400, $0x38;
	[tilespmem:$0x10800] =	vst v63  }
0x19b: {  	_ =	swait.ge [sflag:s7], $0x1000  }
0x19c: {  	[sflag:s7] =	ssyncset.done $0x0  }
0x19d: {  	[sflag:s7] =	ssyncadd.s32 $0xFFFFF000  }
0x19e: {  	_ =	swait.ge [sflag:s7], $0x1000  }
0x19f: {  	(v2sf) =	vpush v10, $0x2;
	_ =	sdelay $0x9  }
0x1a0: {  	(v2sf) =	vpush v8, $0x2;
	_ =	sdelay $0x4  }
0x1a1: {  	s16 =	spop (v2sf)  }
0x1a2: {  	s2 =	sand.u32 $0x7F, s16  }
0x1a3: {  	v2 =	vor.u32 s2, v0;
	_ =	sdelay $0x2  }
0x1a4: {  	[sflag:s7] =	ssyncset.done $0x0  }
0x1a5: {  	s31 =	simm.s32 $0x8600;
	[sflag:s7] =	ssyncadd.s32 $0xFFFFF000;
	v5 =	vor.u32 s2, v1  }
0x1a6: {  	v2 =	vld.idx.msk [tilespmem:v2+s31+$0x0], $0xffff;
	_ =	sdelay $0x1  }
0x1a7: {  	v4 =	vbroadcast v7, $0x2;
	(v2sf) =	vpush v10, $0x6  }
0x1a8: {  	s21 =	spop (v2sf)  }
0x1a9: {  	v6 =	vor.u32 v55, v4;
	s2 =	sand.u32 $0x7F, s21;
	v5 =	vld.idx.msk [tilespmem:v5+s31+$0x0], $0xffff  }
0x1aa: {  	[tilespmem:$0x1FE20] =	vst v2;
	v2 =	vor.u32 s2, v1;
	_ =	sdelay $0x3  }
0x1ab: {  	v4 =	vor.u32 v3, v4;
	s16 =	simm.s32 $0xA600;
	[tilespmem:$0x1FE40] =	vst v5;
	v5 =	vld.idx.msk [tilespmem:v6+s31+$0x0], $0xffff  }
0x1ac: {  	(v2sf) =	vpush v9, $0x6;
	v2 =	vld.idx.msk [tilespmem:v2+s16+$0x0], $0xffff;
	_ =	sdelay $0x3  }
0x1ad: {  	v11 =	vor.u32 s2, v0;
	[tilespmem:$0x1FE30] =	vst v5;
	v5 =	vld.idx.msk [tilespmem:v4+s31+$0x0], $0xffff  }
0x1ae: {  	[tilespmem:$0x1FEE0] =	vst v2;
	v2 =	vld.idx.msk [tilespmem:v6+s16+$0x0], $0xffff;
	_ =	sdelay $0x1  }
0x1af: {  	s24 =	spop (v2sf)  }
0x1b0: {  	s0 =	sand.u32 $0xFFFFF80, s24  }
0x1b1: {  	s4 =	sadd.s32 s17, s0;
	[tilespmem:$0x1FE50] =	vst v5;
	v5 =	vld.idx.msk [tilespmem:v11+s16+$0x0], $0xffff  }
0x1b2: {  	[tilespmem:$0x1FEB0] =	vst v2;
	v2 =	vld.idx.msk [tilespmem:v4+s16+$0x0], $0xffff;
	[tilespmem:s31], [sflag:$0x5] =	stream.linear.gather [hbm4b:s4+s5], $0x400, $0x38  }
0x1b3: {  	s1 =	sadd.s32 $0xF4280, s4;
	s2 =	simm.s32 $0x8E00  }
0x1b4: {  	[tilespmem:s2], [sflag:$0x5] =	stream.linear.gather [hbm4b:s1+s5], $0x400, $0x38;
	[tilespmem:$0x10800] =	vst v63  }
0x1b5: {  	s21 =	simm.s32 $0x9600;
	[dreg:$0x16] =	wrdreg s24;
	s8 =	sadd.s32 $0x1E8500, s4  }
0x1b6: {  	[tilespmem:s21], [sflag:$0x5] =	stream.linear.gather [hbm4b:s8+s5], $0x400, $0x38;
	[tilespmem:$0x10800] =	vst v63  }
0x1b7: {  	s24 =	simm.s32 $0x9E00;
	s4 =	sadd.s32 $0x2DC780, s4;
	s1 =	spop (v2sf)  }
0x1b8: {  	[tilespmem:s24], [sflag:$0x5] =	stream.linear.gather [hbm4b:s4+s5], $0x400, $0x38;
	[tilespmem:$0x10800] =	vst v63  }
0x1b9: {  	s4 =	sand.u32 $0xFFFFF80, s1  }
0x1ba: {  	s2 =	simm.s32 $0x8A00;
	s9 =	sadd.s32 s18, s4  }
0x1bb: {  	[tilespmem:s2], [sflag:$0x5] =	stream.linear.gather [hbm4b:s9+s5], $0x400, $0x38;
	[tilespmem:$0x10800] =	vst v63  }
0x1bc: {  	s24 =	simm.s32 $0x9200;
	s8 =	sadd.s32 $0xF4280, s9  }
0x1bd: {  	[tilespmem:s24], [sflag:$0x5] =	stream.linear.gather [hbm4b:s8+s5], $0x400, $0x38;
	[tilespmem:$0x10800] =	vst v63  }
0x1be: {  	s0 =	sadd.s32 $0x1E8500, s9;
	s2 =	simm.s32 $0x9A00  }
0x1bf: {  	[tilespmem:s2], [sflag:$0x5] =	stream.linear.gather [hbm4b:s0+s5], $0x400, $0x38;
	[tilespmem:$0x10800] =	vst v63  }
0x1c0: {  	[tilespmem:$0x1FEA0] =	vst v5;
	s9 =	sadd.s32 $0x2DC780, s9;
	s8 =	simm.s32 $0xA200  }
0x1c1: {  	[tilespmem:s8], [sflag:$0x5] =	stream.linear.gather [hbm4b:s9+s5], $0x400, $0x38;
	[tilespmem:$0x10800] =	vst v63  }
0x1c2: {  	[tilespmem:$0x1FEF0] =	vst v2;
	s8 =	simm.s32 $0x7  }
0x1c3: {  	_ =	swait.ge [sflag:s8], $0x1000  }
0x1c4: {  	[sflag:s8] =	ssyncset.done $0x0  }
0x1c5: {  	[sflag:s8] =	ssyncadd.s32 $0xFFFFF000  }
0x1c6: {  	_ =	swait.ge [sflag:s8], $0x1000  }
0x1c7: {  	(v2sf) =	vpush v8, $0x6;
	_ =	sdelay $0xe  }
0x1c8: {  	s24 =	spop (v2sf)  }
0x1c9: {  	s21 =	smov.u32 s10;
	[sflag:s8] =	ssyncset.done $0x0;
	s10 =	sand.u32 $0xFFFFF80, s24  }
0x1ca: {  	[sflag:s8] =	ssyncadd.s32 $0xFFFFF000;
	s9 =	sadd.s32 s13, s10  }
0x1cb: {  	[tilespmem:s16], [sflag:$0x6] =	stream.linear.gather [hbm4b:s9+s5], $0x400, $0x38;
	[tilespmem:$0x10800] =	vst v63  }
0x1cc: {  	s2 =	simm.s32 $0xAE00;
	s0 =	sadd.s32 $0xF4280, s9  }
0x1cd: {  	[tilespmem:s2], [sflag:$0x6] =	stream.linear.gather [hbm4b:s0+s5], $0x400, $0x38;
	[tilespmem:$0x10800] =	vst v63  }
0x1ce: {  	s0 =	sadd.s32 $0x1E8500, s9;
	s2 =	simm.s32 $0xB600  }
0x1cf: {  	[tilespmem:s2], [sflag:$0x6] =	stream.linear.gather [hbm4b:s0+s5], $0x400, $0x38;
	[tilespmem:$0x10800] =	vst v63  }
0x1d0: {  	s9 =	sadd.s32 $0x2DC780, s9;
	s2 =	simm.s32 $0xBE00  }
0x1d1: {  	[tilespmem:s2], [sflag:$0x6] =	stream.linear.gather [hbm4b:s9+s5], $0x400, $0x38;
	[tilespmem:$0x10800] =	vst v63  }
0x1d2: {  	s4 =	sadd.s32 s21, s4;
	s10 =	simm.s32 $0xAA00  }
0x1d3: {  	[tilespmem:s10], [sflag:$0x6] =	stream.linear.gather [hbm4b:s4+s5], $0x400, $0x38;
	[tilespmem:$0x10800] =	vst v63  }
0x1d4: {  	s2 =	sadd.s32 $0xF4280, s4;
	s10 =	simm.s32 $0xB200  }
0x1d5: {  	[tilespmem:s10], [sflag:$0x6] =	stream.linear.gather [hbm4b:s2+s5], $0x400, $0x38;
	[tilespmem:$0x10800] =	vst v63  }
0x1d6: {  	s0 =	sadd.s32 $0x1E8500, s4;
	s2 =	simm.s32 $0xBA00  }
0x1d7: {  	[tilespmem:s2], [sflag:$0x6] =	stream.linear.gather [hbm4b:s0+s5], $0x400, $0x38;
	[tilespmem:$0x10800] =	vst v63  }
0x1d8: {  	s29 =	simm.s32 $0x8;
	s4 =	sadd.s32 $0x2DC780, s4;
	s10 =	simm.s32 $0xC200  }
0x1d9: {  	[tilespmem:s10], [sflag:$0x6] =	stream.linear.gather [hbm4b:s4+s5], $0x400, $0x38;
	[tilespmem:$0x10800] =	vst v63  }
0x1da: {  	_ =	swait.ge [sflag:s29], $0x1000  }
0x1db: {  	[sflag:s29] =	ssyncset.done $0x0  }
0x1dc: {  	[sflag:s29] =	ssyncadd.s32 $0xFFFFF000  }
0x1dd: {  	_ =	swait.ge [sflag:s29], $0x1000  }
0x1de: {  	(v2sf) =	vpush v10, $0x3;
	_ =	sdelay $0xe  }
0x1df: {  	s0 =	spop (v2sf)  }
0x1e0: {  	s4 =	sand.u32 $0x7F, s0  }
0x1e1: {  	v2 =	vor.u32 s4, v0;
	_ =	sdelay $0x2  }
0x1e2: {  	[sflag:s29] =	ssyncset.done $0x0  }
0x1e3: {  	[sflag:s29] =	ssyncadd.s32 $0xFFFFF000;
	v5 =	vor.u32 s4, v1  }
0x1e4: {  	v2 =	vld.idx.msk [tilespmem:v2+s25+$0x0], $0xffff;
	_ =	sdelay $0x1  }
0x1e5: {  	v4 =	vbroadcast v7, $0x3;
	(v2sf) =	vpush v10, $0x7;
	_ =	sdelay $0x1  }
0x1e6: {  	v6 =	vor.u32 v55, v4;
	s2 =	sand.u32 $0x7F, s19;
	v5 =	vld.idx.msk [tilespmem:v5+s25+$0x0], $0xffff  }
0x1e7: {  	[tilespmem:$0x1FE60] =	vst v2;
	v2 =	vor.u32 s2, v1;
	_ =	sdelay $0x3  }
0x1e8: {  	v4 =	vor.u32 v3, v4;
	[tilespmem:$0x1FE80] =	vst v5;
	v5 =	vld.idx.msk [tilespmem:v6+s25+$0x0], $0xffff  }
0x1e9: {  	(v2sf) =	vpush v9, $0x7;
	v2 =	vld.idx.msk [tilespmem:v2+s15+$0x0], $0xffff;
	_ =	sdelay $0x3  }
0x1ea: {  	v11 =	vor.u32 s2, v0;
	[tilespmem:$0x1FE70] =	vst v5;
	v5 =	vld.idx.msk [tilespmem:v4+s25+$0x0], $0xffff  }
0x1eb: {  	[tilespmem:$0x1FF00] =	vst v2;
	v2 =	vld.idx.msk [tilespmem:v6+s15+$0x0], $0xffff;
	_ =	sdelay $0x1  }
0x1ec: {  	s19 =	spop (v2sf)  }
0x1ed: {  	s9 =	sand.u32 $0xFFFFF80, s19  }
0x1ee: {  	s4 =	sadd.s32 s17, s9;
	[tilespmem:$0x1FE90] =	vst v5;
	v5 =	vld.idx.msk [tilespmem:v11+s15+$0x0], $0xffff  }
0x1ef: {  	[tilespmem:$0x1FED0] =	vst v2;
	v2 =	vld.idx.msk [tilespmem:v4+s15+$0x0], $0xffff;
	[tilespmem:s25], [sflag:$0x7] =	stream.linear.gather [hbm4b:s4+s5], $0x400, $0x38  }
0x1f0: {  	s10 =	sadd.s32 $0xF4280, s4;
	s25 =	simm.s32 $0xCE00  }
0x1f1: {  	[tilespmem:s25], [sflag:$0x7] =	stream.linear.gather [hbm4b:s10+s5], $0x400, $0x38;
	[tilespmem:$0x10800] =	vst v63  }
0x1f2: {  	s0 =	sadd.s32 $0x1E8500, s4;
	s2 =	simm.s32 $0xD600  }
0x1f3: {  	[tilespmem:s2], [sflag:$0x7] =	stream.linear.gather [hbm4b:s0+s5], $0x400, $0x38;
	[tilespmem:$0x10800] =	vst v63  }
0x1f4: {  	s9 =	simm.s32 $0xDE00;
	s4 =	sadd.s32 $0x2DC780, s4;
	s10 =	spop (v2sf)  }
0x1f5: {  	[tilespmem:s9], [sflag:$0x7] =	stream.linear.gather [hbm4b:s4+s5], $0x400, $0x38;
	[tilespmem:$0x10800] =	vst v63  }
0x1f6: {  	s4 =	sand.u32 $0xFFFFF80, s10  }
0x1f7: {  	s25 =	simm.s32 $0xCA00;
	s9 =	sadd.s32 s18, s4  }
0x1f8: {  	[tilespmem:s25], [sflag:$0x7] =	stream.linear.gather [hbm4b:s9+s5], $0x400, $0x38;
	[tilespmem:$0x10800] =	vst v63  }
0x1f9: {  	s2 =	sadd.s32 $0xF4280, s9;
	s25 =	simm.s32 $0xD200  }
0x1fa: {  	[tilespmem:s25], [sflag:$0x7] =	stream.linear.gather [hbm4b:s2+s5], $0x400, $0x38;
	[tilespmem:$0x10800] =	vst v63  }
0x1fb: {  	[tilespmem:$0x1FEC0] =	vst v5;
	s2 =	sadd.s32 $0x1E8500, s9;
	s25 =	simm.s32 $0xDA00  }
0x1fc: {  	[tilespmem:s25], [sflag:$0x7] =	stream.linear.gather [hbm4b:s2+s5], $0x400, $0x38;
	[tilespmem:$0x10800] =	vst v63  }
0x1fd: {  	[tilespmem:$0x1FF10] =	vst v2;
	s9 =	sadd.s32 $0x2DC780, s9;
	s2 =	simm.s32 $0xE200  }
0x1fe: {  	[tilespmem:s2], [sflag:$0x7] =	stream.linear.gather [hbm4b:s9+s5], $0x400, $0x38;
	[tilespmem:$0x10800] =	vst v63  }
0x1ff: {  	_ =	swait.ge [sflag:s26], $0x1000  }
0x200: {  	[sflag:s26] =	ssyncset.done $0x0  }
0x201: {  	[sflag:s26] =	ssyncadd.s32 $0xFFFFF000  }
0x202: {  	_ =	swait.ge [sflag:s26], $0x1000  }
0x203: {  	(v2sf) =	vpush v8, $0x7;
	_ =	sdelay $0xe  }
0x204: {  	s25 =	spop (v2sf)  }
0x205: {  	[sflag:s26] =	ssyncset.done $0x0;
	s10 =	sand.u32 $0xFFFFF80, s25  }
0x206: {  	[sflag:s26] =	ssyncadd.s32 $0xFFFFF000;
	s9 =	sadd.s32 s13, s10  }
0x207: {  	[tilespmem:s15], [sflag:$0x8] =	stream.linear.gather [hbm4b:s9+s5], $0x400, $0x38;
	[tilespmem:$0x10800] =	vst v63  }
0x208: {  	s2 =	simm.s32 $0xEE00;
	s0 =	sadd.s32 $0xF4280, s9  }
0x209: {  	[tilespmem:s2], [sflag:$0x8] =	stream.linear.gather [hbm4b:s0+s5], $0x400, $0x38;
	[tilespmem:$0x10800] =	vst v63  }
0x20a: {  	s0 =	sadd.s32 $0x1E8500, s9;
	s2 =	simm.s32 $0xF600  }
0x20b: {  	[tilespmem:s2], [sflag:$0x8] =	stream.linear.gather [hbm4b:s0+s5], $0x400, $0x38;
	[tilespmem:$0x10800] =	vst v63  }
0x20c: {  	s9 =	sadd.s32 $0x2DC780, s9;
	s2 =	simm.s32 $0xFE00  }
0x20d: {  	[tilespmem:s2], [sflag:$0x8] =	stream.linear.gather [hbm4b:s9+s5], $0x400, $0x38;
	[tilespmem:$0x10800] =	vst v63  }
0x20e: {  	s4 =	sadd.s32 s21, s4;
	s10 =	simm.s32 $0xEA00  }
0x20f: {  	[tilespmem:s10], [sflag:$0x8] =	stream.linear.gather [hbm4b:s4+s5], $0x400, $0x38;
	[tilespmem:$0x10800] =	vst v63  }
0x210: {  	s0 =	sadd.s32 $0xF4280, s4;
	s2 =	simm.s32 $0xF200  }
0x211: {  	[tilespmem:s2], [sflag:$0x8] =	stream.linear.gather [hbm4b:s0+s5], $0x400, $0x38;
	[tilespmem:$0x10800] =	vst v63  }
0x212: {  	s10 =	sadd.s32 $0x1E8500, s4;
	s0 =	simm.s32 $0xFA00  }
0x213: {  	[tilespmem:s0], [sflag:$0x8] =	stream.linear.gather [hbm4b:s10+s5], $0x400, $0x38;
	[tilespmem:$0x10800] =	vst v63  }
0x214: {  	s4 =	sadd.s32 $0x2DC780, s4;
	s2 =	simm.s32 $0x10200  }
0x215: {  	[tilespmem:s2], [sflag:$0x8] =	stream.linear.gather [hbm4b:s4+s5], $0x400, $0x38;
	[tilespmem:$0x10800] =	vst v63  }
0x216: {  	_ =	swait.ge [sflag:s28], $0x1000  }
0x217: {  	[sflag:s28] =	ssyncset.done $0x0  }
0x218: {  	[sflag:s28] =	ssyncadd.s32 $0xFFFFF000  }
0x219: {  	_ =	swait.ge [sflag:s28], $0x1000  }
0x21a: {  	s4 =	rddreg [dreg:$0x14]  }
0x21b: {  	s0 =	sand.u32 $0x7F, s4  }
0x21c: {  	v2 =	vor.u32 s0, v0;
	_ =	sdelay $0x2  }
0x21d: {  	[sflag:s28] =	ssyncset.done $0x0  }
0x21e: {  	s30 =	simm.s32 $0x600;
	[sflag:s28] =	ssyncadd.s32 $0xFFFFF000;
	v5 =	vor.u32 s0, v1  }
0x21f: {  	v2 =	vld.idx.msk [tilespmem:v2+s30+$0x0], $0xffff;
	_ =	sdelay $0x1  }
0x220: {  	v4 =	vbroadcast v7, $0x4;
	(v2sf) =	vpush v10, $0x8;
	_ =	sdelay $0x1  }
0x221: {  	v6 =	vor.u32 v55, v4;
	s9 =	sand.u32 $0x7F, s22;
	v5 =	vld.idx.msk [tilespmem:v5+s30+$0x0], $0xffff  }
0x222: {  	[tilespmem:$0x1FF20] =	vst v2;
	v2 =	vor.u32 s9, v1;
	_ =	sdelay $0x3  }
0x223: {  	v4 =	vor.u32 v3, v4;
	[tilespmem:$0x1FF40] =	vst v5;
	v5 =	vld.idx.msk [tilespmem:v6+s30+$0x0], $0xffff  }
0x224: {  	(v2sf) =	vpush v9, $0x8;
	v2 =	vld.idx.msk [tilespmem:v2+s14+$0x0], $0xffff;
	_ =	sdelay $0x3  }
0x225: {  	v11 =	vor.u32 s9, v0;
	[tilespmem:$0x1FF30] =	vst v5;
	v5 =	vld.idx.msk [tilespmem:v4+s30+$0x0], $0xffff  }
0x226: {  	[tilespmem:$0x1FFA0] =	vst v2;
	v2 =	vld.idx.msk [tilespmem:v6+s14+$0x0], $0xffff;
	_ =	sdelay $0x1  }
0x227: {  	s10 =	spop (v2sf)  }
0x228: {  	s22 =	sand.u32 $0xFFFFF80, s10  }
0x229: {  	s4 =	sadd.s32 s17, s22;
	[tilespmem:$0x1FF50] =	vst v5;
	v5 =	vld.idx.msk [tilespmem:v11+s14+$0x0], $0xffff  }
0x22a: {  	[tilespmem:$0x1FF90] =	vst v2;
	v2 =	vld.idx.msk [tilespmem:v4+s14+$0x0], $0xffff;
	[tilespmem:s30], [sflag:$0x1] =	stream.linear.gather [hbm4b:s4+s5], $0x400, $0x38  }
0x22b: {  	s2 =	simm.s32 $0xE00;
	s0 =	sadd.s32 $0xF4280, s4  }
0x22c: {  	[tilespmem:s2], [sflag:$0x1] =	stream.linear.gather [hbm4b:s0+s5], $0x400, $0x38;
	[tilespmem:$0x10800] =	vst v63  }
0x22d: {  	s1 =	simm.s32 $0x1600;
	[dreg:$0x17] =	wrdreg s10;
	s10 =	sadd.s32 $0x1E8500, s4  }
0x22e: {  	[tilespmem:s1], [sflag:$0x1] =	stream.linear.gather [hbm4b:s10+s5], $0x400, $0x38;
	[tilespmem:$0x10800] =	vst v63  }
0x22f: {  	s22 =	simm.s32 $0x1E00;
	s1 =	spop (v2sf)  }
0x230: {  	s4 =	sadd.s32 $0x2DC780, s4;
	s9 =	sand.u32 $0xFFFFF80, s1  }
0x231: {  	[tilespmem:s22], [sflag:$0x1] =	stream.linear.gather [hbm4b:s4+s5], $0x400, $0x38;
	[tilespmem:$0x10800] =	vst v63  }
0x232: {  	s2 =	simm.s32 $0xA00;
	s4 =	sadd.s32 s18, s9  }
0x233: {  	[tilespmem:s2], [sflag:$0x1] =	stream.linear.gather [hbm4b:s4+s5], $0x400, $0x38;
	[tilespmem:$0x10800] =	vst v63  }
0x234: {  	s0 =	simm.s32 $0x1200;
	s22 =	sadd.s32 $0xF4280, s4  }
0x235: {  	[tilespmem:s0], [sflag:$0x1] =	stream.linear.gather [hbm4b:s22+s5], $0x400, $0x38;
	[tilespmem:$0x10800] =	vst v63  }
0x236: {  	[tilespmem:$0x1FF80] =	vst v5;
	s1 =	sadd.s32 $0x1E8500, s4;
	s2 =	simm.s32 $0x1A00  }
0x237: {  	[tilespmem:s2], [sflag:$0x1] =	stream.linear.gather [hbm4b:s1+s5], $0x400, $0x38;
	[tilespmem:$0x10800] =	vst v63  }
0x238: {  	s10 =	simm.s32 $0x2200;
	[tilespmem:$0x1FFB0] =	vst v2;
	s4 =	sadd.s32 $0x2DC780, s4  }
0x239: {  	[tilespmem:s10], [sflag:$0x1] =	stream.linear.gather [hbm4b:s4+s5], $0x400, $0x38;
	[tilespmem:$0x10800] =	vst v63  }
0x23a: {  	_ =	swait.ge [sflag:s12], $0x1000  }
0x23b: {  	[sflag:s12] =	ssyncset.done $0x0  }
0x23c: {  	[sflag:s12] =	ssyncadd.s32 $0xFFFFF000  }
0x23d: {  	_ =	swait.ge [sflag:s12], $0x1000  }
0x23e: {  	(v2sf) =	vpush v8, $0x8;
	_ =	sdelay $0xe  }
0x23f: {  	s4 =	spop (v2sf)  }
0x240: {  	[sflag:s12] =	ssyncset.done $0x0;
	s22 =	sand.u32 $0xFFFFF80, s4  }
0x241: {  	[sflag:s12] =	ssyncadd.s32 $0xFFFFF000;
	s10 =	sadd.s32 s13, s22  }
0x242: {  	[tilespmem:s14], [sflag:$0x2] =	stream.linear.gather [hbm4b:s10+s5], $0x400, $0x38;
	[tilespmem:$0x10800] =	vst v63  }
0x243: {  	s1 =	simm.s32 $0x2E00;
	s0 =	sadd.s32 $0xF4280, s10  }
0x244: {  	[tilespmem:s1], [sflag:$0x2] =	stream.linear.gather [hbm4b:s0+s5], $0x400, $0x38;
	[tilespmem:$0x10800] =	vst v63  }
0x245: {  	s2 =	sadd.s32 $0x1E8500, s10;
	s0 =	simm.s32 $0x3600  }
0x246: {  	[tilespmem:s0], [sflag:$0x2] =	stream.linear.gather [hbm4b:s2+s5], $0x400, $0x38;
	[tilespmem:$0x10800] =	vst v63  }
0x247: {  	s10 =	sadd.s32 $0x2DC780, s10;
	s2 =	simm.s32 $0x3E00  }
0x248: {  	[tilespmem:s2], [sflag:$0x2] =	stream.linear.gather [hbm4b:s10+s5], $0x400, $0x38;
	[tilespmem:$0x10800] =	vst v63  }
0x249: {  	s9 =	sadd.s32 s21, s9;
	s10 =	simm.s32 $0x2A00  }
0x24a: {  	[tilespmem:s10], [sflag:$0x2] =	stream.linear.gather [hbm4b:s9+s5], $0x400, $0x38;
	[tilespmem:$0x10800] =	vst v63  }
0x24b: {  	s22 =	sadd.s32 $0xF4280, s9;
	s0 =	simm.s32 $0x3200  }
0x24c: {  	[tilespmem:s0], [sflag:$0x2] =	stream.linear.gather [hbm4b:s22+s5], $0x400, $0x38;
	[tilespmem:$0x10800] =	vst v63  }
0x24d: {  	s1 =	sadd.s32 $0x1E8500, s9;
	s2 =	simm.s32 $0x3A00  }
0x24e: {  	[tilespmem:s2], [sflag:$0x2] =	stream.linear.gather [hbm4b:s1+s5], $0x400, $0x38;
	[tilespmem:$0x10800] =	vst v63  }
0x24f: {  	s9 =	sadd.s32 $0x2DC780, s9;
	s10 =	simm.s32 $0x4200  }
0x250: {  	[tilespmem:s10], [sflag:$0x2] =	stream.linear.gather [hbm4b:s9+s5], $0x400, $0x38;
	[tilespmem:$0x10800] =	vst v63  }
0x251: {  	_ =	swait.ge [sflag:s3], $0x1000  }
0x252: {  	[sflag:s3] =	ssyncset.done $0x0  }
0x253: {  	[sflag:s3] =	ssyncadd.s32 $0xFFFFF000  }
0x254: {  	_ =	swait.ge [sflag:s3], $0x1000  }
0x255: {  	s22 =	rddreg [dreg:$0x15]  }
0x256: {  	s0 =	sand.u32 $0x7F, s22  }
0x257: {  	v2 =	vor.u32 s0, v0;
	_ =	sdelay $0x2  }
0x258: {  	[sflag:s3] =	ssyncset.done $0x0  }
0x259: {  	[sflag:s3] =	ssyncadd.s32 $0xFFFFF000  }
0x25a: {  	v2 =	vld.idx.msk [tilespmem:v2+s11+$0x0], $0xffff;
	_ =	sdelay $0x1  }
0x25b: {  	(v2sf) =	vpush v10, $0x9;
	_ =	sdelay $0x1  }
0x25c: {  	s2 =	sand.u32 $0x7F, s23  }
0x25d: {  	[tilespmem:$0x1FF60] =	vst v2;
	v2 =	vor.u32 s2, v1;
	_ =	sdelay $0x2  }
0x25e: {  	v4 =	vbroadcast v7, $0x5  }
0x25f: {  	v5 =	vor.u32 s0, v1  }
0x260: {  	v6 =	vor.u32 v55, v4;
	(v2sf) =	vpush v9, $0x9;
	v2 =	vld.idx.msk [tilespmem:v2+s20+$0x0], $0xffff;
	_ =	sdelay $0x2  }
0x261: {  	v4 =	vor.u32 v3, v4  }
0x262: {  	v11 =	vor.u32 s2, v0;
	v5 =	vld.idx.msk [tilespmem:v5+s11+$0x0], $0xffff  }
0x263: {  	[tilespmem:$0x1FFE0] =	vst v2;
	v2 =	vld.idx.msk [tilespmem:v6+s20+$0x0], $0xffff;
	_ =	sdelay $0x1  }
0x264: {  	v57 =	vld.idx.msk [tilespmem:v6+s11+$0x0], $0xffff;
	s22 =	spop (v2sf)  }
0x265: {  	v58 =	vld.idx.msk [tilespmem:v4+s11+$0x0], $0xffff;
	s9 =	sand.u32 $0xFFFFF80, s22  }
0x266: {  	[tilespmem:$0x1FF70] =	vst v5;
	v5 =	vld.idx.msk [tilespmem:v11+s20+$0x0], $0xffff;
	s1 =	sadd.s32 s17, s9  }
0x267: {  	[tilespmem:$0x1FFD0] =	vst v2;
	v2 =	vld.idx.msk [tilespmem:v4+s20+$0x0], $0xffff;
	[tilespmem:s11], [sflag:$0x3] =	stream.linear.gather [hbm4b:s1+s5], $0x400, $0x38  }
0x268: {  	s23 =	simm.s32 $0x4E00;
	s10 =	sadd.s32 $0xF4280, s1  }
0x269: {  	[tilespmem:s23], [sflag:$0x3] =	stream.linear.gather [hbm4b:s10+s5], $0x400, $0x38;
	[tilespmem:$0x10800] =	vst v63  }
0x26a: {  	s2 =	simm.s32 $0x5600;
	s0 =	sadd.s32 $0x1E8500, s1  }
0x26b: {  	[tilespmem:s2], [sflag:$0x3] =	stream.linear.gather [hbm4b:s0+s5], $0x400, $0x38;
	[tilespmem:$0x10800] =	vst v63  }
0x26c: {  	s1 =	sadd.s32 $0x2DC780, s1;
	s23 =	simm.s32 $0x5E00;
	s0 =	spop (v2sf)  }
0x26d: {  	[tilespmem:s23], [sflag:$0x3] =	stream.linear.gather [hbm4b:s1+s5], $0x400, $0x38;
	[tilespmem:$0x10800] =	vst v63  }
0x26e: {  	s1 =	sand.u32 $0xFFFFF80, s0  }
0x26f: {  	s2 =	simm.s32 $0x4A00;
	s9 =	sadd.s32 s18, s1  }
0x270: {  	[tilespmem:s2], [sflag:$0x3] =	stream.linear.gather [hbm4b:s9+s5], $0x400, $0x38;
	[tilespmem:$0x10800] =	vst v63  }
0x271: {  	s0 =	simm.s32 $0x5200;
	s23 =	sadd.s32 $0xF4280, s9  }
0x272: {  	[tilespmem:s0], [sflag:$0x3] =	stream.linear.gather [hbm4b:s23+s5], $0x400, $0x38;
	[tilespmem:$0x10800] =	vst v63  }
0x273: {  	[tilespmem:$0x1FFC0] =	vst v5;
	s23 =	sadd.s32 $0x1E8500, s9;
	s0 =	simm.s32 $0x5A00  }
0x274: {  	[tilespmem:s0], [sflag:$0x3] =	stream.linear.gather [hbm4b:s23+s5], $0x400, $0x38;
	[tilespmem:$0x10800] =	vst v63  }
0x275: {  	[tilespmem:$0x1FFF0] =	vst v2;
	s9 =	sadd.s32 $0x2DC780, s9;
	s23 =	simm.s32 $0x6200  }
0x276: {  	[tilespmem:s23], [sflag:$0x3] =	stream.linear.gather [hbm4b:s9+s5], $0x400, $0x38;
	[tilespmem:$0x10800] =	vst v63  }
0x277: {  	_ =	swait.ge [sflag:s6], $0x1000  }
0x278: {  	[sflag:s6] =	ssyncset.done $0x0  }
0x279: {  	[sflag:s6] =	ssyncadd.s32 $0xFFFFF000  }
0x27a: {  	_ =	swait.ge [sflag:s6], $0x1000  }
0x27b: {  	(v2sf) =	vpush v8, $0x9;
	_ =	sdelay $0xe  }
0x27c: {  	s9 =	spop (v2sf)  }
0x27d: {  	[sflag:s6] =	ssyncset.done $0x0;
	s0 =	sand.u32 $0xFFFFF80, s9  }
0x27e: {  	[sflag:s6] =	ssyncadd.s32 $0xFFFFF000;
	s10 =	sadd.s32 s13, s0  }
0x27f: {  	[tilespmem:s20], [sflag:$0x4] =	stream.linear.gather [hbm4b:s10+s5], $0x400, $0x38;
	[tilespmem:$0x10800] =	vst v63  }
0x280: {  	s0 =	simm.s32 $0x6E00;
	s2 =	sadd.s32 $0xF4280, s10  }
0x281: {  	[tilespmem:s0], [sflag:$0x4] =	stream.linear.gather [hbm4b:s2+s5], $0x400, $0x38;
	[tilespmem:$0x10800] =	vst v63  }
0x282: {  	s2 =	sadd.s32 $0x1E8500, s10;
	s0 =	simm.s32 $0x7600  }
0x283: {  	[tilespmem:s0], [sflag:$0x4] =	stream.linear.gather [hbm4b:s2+s5], $0x400, $0x38;
	[tilespmem:$0x10800] =	vst v63  }
0x284: {  	s10 =	sadd.s32 $0x2DC780, s10;
	s0 =	simm.s32 $0x7E00  }
0x285: {  	[tilespmem:s0], [sflag:$0x4] =	stream.linear.gather [hbm4b:s10+s5], $0x400, $0x38;
	[tilespmem:$0x10800] =	vst v63  }
0x286: {  	s1 =	sadd.s32 s21, s1;
	s10 =	simm.s32 $0x6A00  }
0x287: {  	[tilespmem:s10], [sflag:$0x4] =	stream.linear.gather [hbm4b:s1+s5], $0x400, $0x38;
	[tilespmem:$0x10800] =	vst v63  }
0x288: {  	s23 =	sadd.s32 $0xF4280, s1;
	s0 =	simm.s32 $0x7200  }
0x289: {  	[tilespmem:s0], [sflag:$0x4] =	stream.linear.gather [hbm4b:s23+s5], $0x400, $0x38;
	[tilespmem:$0x10800] =	vst v63  }
0x28a: {  	s23 =	sadd.s32 $0x1E8500, s1;
	s0 =	simm.s32 $0x7A00  }
0x28b: {  	[tilespmem:s0], [sflag:$0x4] =	stream.linear.gather [hbm4b:s23+s5], $0x400, $0x38;
	[tilespmem:$0x10800] =	vst v63  }
0x28c: {  	s2 =	simm.s32 $0x8200;
	s1 =	sadd.s32 $0x2DC780, s1  }
0x28d: {  	[tilespmem:s2], [sflag:$0x4] =	stream.linear.gather [hbm4b:s1+s5], $0x400, $0x38;
	[tilespmem:$0x10800] =	vst v63  }
0x28e: {  	_ =	swait.ge [sflag:s7], $0x1000  }
0x28f: {  	[sflag:s7] =	ssyncset.done $0x0  }
0x290: {  	[sflag:s7] =	ssyncadd.s32 $0xFFFFF000  }
0x291: {  	_ =	swait.ge [sflag:s7], $0x1000  }
0x292: {  	(v2sf) =	vpush v10, $0xA;
	_ =	sdelay $0x3  }
0x293: {  	v4 =	vbroadcast v7, $0x6;
	_ =	sdelay $0x1  }
0x294: {  	v6 =	vor.u32 v55, v4;
	s23 =	rddreg [dreg:$0x16]  }
0x295: {  	v4 =	vor.u32 v3, v4;
	s0 =	sand.u32 $0x7F, s23  }
0x296: {  	s2 =	sand.u32 $0x7F, s24;
	(v2sf) =	vpush v9, $0xA;
	v2 =	vor.u32 s0, v0  }
0x297: {  	v11 =	vor.u32 s2, v0;
	[sflag:s7] =	ssyncset.done $0x0  }
0x298: {  	[sflag:s7] =	ssyncadd.s32 $0xFFFFF000  }
0x299: {  	v39 =	vld.idx.msk [tilespmem:v6+s31+$0x0], $0xffff  }
0x29a: {  	v5 =	vor.u32 s0, v1;
	v40 =	vld.idx.msk [tilespmem:v4+s31+$0x0], $0xffff  }
0x29b: {  	v63 =	vld.idx.msk [tilespmem:v2+s31+$0x0], $0xffff;
	v2 =	vor.u32 s2, v1  }
0x29c: {  	v61 =	vld.idx.msk [tilespmem:v11+s16+$0x0], $0xffff  }
0x29d: {  	v62 =	vld.idx.msk [tilespmem:v6+s16+$0x0], $0xffff;
	s23 =	spop (v2sf)  }
0x29e: {  	v60 =	vld.idx.msk [tilespmem:v4+s16+$0x0], $0xffff;
	s10 =	sand.u32 $0xFFFFF80, s23  }
0x29f: {  	v41 =	vld.idx.msk [tilespmem:v5+s31+$0x0], $0xffff;
	s1 =	sadd.s32 s17, s10  }
0x2a0: {  	v59 =	vld.idx.msk [tilespmem:v2+s16+$0x0], $0xffff;
	[tilespmem:s31], [sflag:$0x5] =	stream.linear.gather [hbm4b:s1+s5], $0x400, $0x38  }
0x2a1: {  	s0 =	simm.s32 $0x8E00;
	s24 =	sadd.s32 $0xF4280, s1  }
0x2a2: {  	[tilespmem:s0], [sflag:$0x5] =	stream.linear.gather [hbm4b:s24+s5], $0x400, $0x38;
	[tilespmem:$0x10800] =	vst v63  }
0x2a3: {  	s10 =	sadd.s32 $0x1E8500, s1;
	s24 =	simm.s32 $0x9600  }
0x2a4: {  	[tilespmem:s24], [sflag:$0x5] =	stream.linear.gather [hbm4b:s10+s5], $0x400, $0x38;
	[tilespmem:$0x10800] =	vst v63  }
0x2a5: {  	s1 =	sadd.s32 $0x2DC780, s1;
	s0 =	simm.s32 $0x9E00;
	s10 =	spop (v2sf)  }
0x2a6: {  	[tilespmem:s0], [sflag:$0x5] =	stream.linear.gather [hbm4b:s1+s5], $0x400, $0x38;
	[tilespmem:$0x10800] =	vst v63  }
0x2a7: {  	s1 =	sand.u32 $0xFFFFF80, s10  }
0x2a8: {  	s24 =	simm.s32 $0x8A00;
	s2 =	sadd.s32 s18, s1  }
0x2a9: {  	[tilespmem:s24], [sflag:$0x5] =	stream.linear.gather [hbm4b:s2+s5], $0x400, $0x38;
	[tilespmem:$0x10800] =	vst v63  }
0x2aa: {  	s0 =	sadd.s32 $0xF4280, s2;
	s24 =	simm.s32 $0x9200  }
0x2ab: {  	[tilespmem:s24], [sflag:$0x5] =	stream.linear.gather [hbm4b:s0+s5], $0x400, $0x38;
	[tilespmem:$0x10800] =	vst v63  }
0x2ac: {  	s0 =	sadd.s32 $0x1E8500, s2;
	s24 =	simm.s32 $0x9A00  }
0x2ad: {  	[tilespmem:s24], [sflag:$0x5] =	stream.linear.gather [hbm4b:s0+s5], $0x400, $0x38;
	[tilespmem:$0x10800] =	vst v63  }
0x2ae: {  	s2 =	sadd.s32 $0x2DC780, s2;
	s24 =	simm.s32 $0xA200  }
0x2af: {  	[tilespmem:s24], [sflag:$0x5] =	stream.linear.gather [hbm4b:s2+s5], $0x400, $0x38;
	[tilespmem:$0x10800] =	vst v63  }
0x2b0: {  	_ =	swait.ge [sflag:s8], $0x1000  }
0x2b1: {  	[sflag:s8] =	ssyncset.done $0x0  }
0x2b2: {  	[sflag:s8] =	ssyncadd.s32 $0xFFFFF000  }
0x2b3: {  	_ =	swait.ge [sflag:s8], $0x1000  }
0x2b4: {  	(v2sf) =	vpush v8, $0xA;
	_ =	sdelay $0xe  }
0x2b5: {  	s10 =	spop (v2sf)  }
0x2b6: {  	[sflag:s8] =	ssyncset.done $0x0;
	s0 =	sand.u32 $0xFFFFF80, s10  }
0x2b7: {  	[sflag:s8] =	ssyncadd.s32 $0xFFFFF000;
	s2 =	sadd.s32 s13, s0  }
0x2b8: {  	[tilespmem:s16], [sflag:$0x6] =	stream.linear.gather [hbm4b:s2+s5], $0x400, $0x38;
	[tilespmem:$0x10800] =	vst v63  }
0x2b9: {  	s0 =	simm.s32 $0xAE00;
	s24 =	sadd.s32 $0xF4280, s2  }
0x2ba: {  	[tilespmem:s0], [sflag:$0x6] =	stream.linear.gather [hbm4b:s24+s5], $0x400, $0x38;
	[tilespmem:$0x10800] =	vst v63  }
0x2bb: {  	s24 =	sadd.s32 $0x1E8500, s2;
	s0 =	simm.s32 $0xB600  }
0x2bc: {  	[tilespmem:s0], [sflag:$0x6] =	stream.linear.gather [hbm4b:s24+s5], $0x400, $0x38;
	[tilespmem:$0x10800] =	vst v63  }
0x2bd: {  	s2 =	sadd.s32 $0x2DC780, s2;
	s24 =	simm.s32 $0xBE00  }
0x2be: {  	[tilespmem:s24], [sflag:$0x6] =	stream.linear.gather [hbm4b:s2+s5], $0x400, $0x38;
	[tilespmem:$0x10800] =	vst v63  }
0x2bf: {  	s1 =	sadd.s32 s21, s1;
	s24 =	simm.s32 $0xAA00  }
0x2c0: {  	[tilespmem:s24], [sflag:$0x6] =	stream.linear.gather [hbm4b:s1+s5], $0x400, $0x38;
	[tilespmem:$0x10800] =	vst v63  }
0x2c1: {  	s0 =	sadd.s32 $0xF4280, s1;
	s24 =	simm.s32 $0xB200  }
0x2c2: {  	[tilespmem:s24], [sflag:$0x6] =	stream.linear.gather [hbm4b:s0+s5], $0x400, $0x38;
	[tilespmem:$0x10800] =	vst v63  }
0x2c3: {  	s0 =	sadd.s32 $0x1E8500, s1;
	s24 =	simm.s32 $0xBA00  }
0x2c4: {  	[tilespmem:s24], [sflag:$0x6] =	stream.linear.gather [hbm4b:s0+s5], $0x400, $0x38;
	[tilespmem:$0x10800] =	vst v63  }
0x2c5: {  	s2 =	simm.s32 $0xC200;
	s1 =	sadd.s32 $0x2DC780, s1  }
0x2c6: {  	[tilespmem:s2], [sflag:$0x6] =	stream.linear.gather [hbm4b:s1+s5], $0x400, $0x38;
	[tilespmem:$0x10800] =	vst v63  }
0x2c7: {  	_ =	swait.ge [sflag:s29], $0x1000  }
0x2c8: {  	[sflag:s29] =	ssyncset.done $0x0  }
0x2c9: {  	[sflag:s29] =	ssyncadd.s32 $0xFFFFF000  }
0x2ca: {  	_ =	swait.ge [sflag:s29], $0x1000  }
0x2cb: {  	(v2sf) =	vpush v10, $0xB;
	_ =	sdelay $0x4  }
0x2cc: {  	s24 =	sand.u32 $0x7F, s19  }
0x2cd: {  	v2 =	vor.u32 s24, v0  }
0x2ce: {  	s0 =	sand.u32 $0x7F, s25;
	v4 =	vor.u32 s24, v1  }
0x2cf: {  	v5 =	vbroadcast v7, $0x7;
	v6 =	vor.u32 s0, v0;
	(v2sf) =	vpush v9, $0xB  }
0x2d0: {  	v11 =	vor.u32 s0, v1;
	[sflag:s29] =	ssyncset.done $0x0  }
0x2d1: {  	v12 =	vor.u32 v55, v5;
	s2 =	simm.s32 $0xC600;
	[sflag:s29] =	ssyncadd.s32 $0xFFFFF000  }
0x2d2: {  	v16 =	vld.idx.msk [tilespmem:v2+s2+$0x0], $0xffff  }
0x2d3: {  	v17 =	vld.idx.msk [tilespmem:v4+s2+$0x0], $0xffff;
	v2 =	vor.u32 v3, v5  }
0x2d4: {  	v37 =	vld.idx.msk [tilespmem:v6+s15+$0x0], $0xffff  }
0x2d5: {  	v38 =	vld.idx.msk [tilespmem:v11+s15+$0x0], $0xffff  }
0x2d6: {  	v18 =	vld.idx.msk [tilespmem:v12+s2+$0x0], $0xffff;
	s19 =	spop (v2sf)  }
0x2d7: {  	v35 =	vld.idx.msk [tilespmem:v12+s15+$0x0], $0xffff;
	s24 =	sand.u32 $0xFFFFF80, s19  }
0x2d8: {  	v19 =	vld.idx.msk [tilespmem:v2+s2+$0x0], $0xffff;
	s1 =	sadd.s32 s17, s24  }
0x2d9: {  	v36 =	vld.idx.msk [tilespmem:v2+s15+$0x0], $0xffff;
	[tilespmem:s2], [sflag:$0x7] =	stream.linear.gather [hbm4b:s1+s5], $0x400, $0x38  }
0x2da: {  	s29 =	simm.s32 $0xCE00;
	s25 =	sadd.s32 $0xF4280, s1  }
0x2db: {  	[tilespmem:s29], [sflag:$0x7] =	stream.linear.gather [hbm4b:s25+s5], $0x400, $0x38;
	[tilespmem:$0x10800] =	vst v63  }
0x2dc: {  	s24 =	sadd.s32 $0x1E8500, s1;
	s25 =	simm.s32 $0xD600  }
0x2dd: {  	[tilespmem:s25], [sflag:$0x7] =	stream.linear.gather [hbm4b:s24+s5], $0x400, $0x38;
	[tilespmem:$0x10800] =	vst v63  }
0x2de: {  	s1 =	sadd.s32 $0x2DC780, s1;
	s2 =	spop (v2sf);
	s29 =	simm.s32 $0xDE00  }
0x2df: {  	[tilespmem:s29], [sflag:$0x7] =	stream.linear.gather [hbm4b:s1+s5], $0x400, $0x38;
	[tilespmem:$0x10800] =	vst v63  }
0x2e0: {  	s1 =	sand.u32 $0xFFFFF80, s2  }
0x2e1: {  	s24 =	simm.s32 $0xCA00;
	s2 =	sadd.s32 s18, s1  }
0x2e2: {  	[tilespmem:s24], [sflag:$0x7] =	stream.linear.gather [hbm4b:s2+s5], $0x400, $0x38;
	[tilespmem:$0x10800] =	vst v63  }
0x2e3: {  	s29 =	simm.s32 $0xD200;
	s25 =	sadd.s32 $0xF4280, s2  }
0x2e4: {  	[tilespmem:s29], [sflag:$0x7] =	stream.linear.gather [hbm4b:s25+s5], $0x400, $0x38;
	[tilespmem:$0x10800] =	vst v63  }
0x2e5: {  	s25 =	sadd.s32 $0x1E8500, s2;
	s29 =	simm.s32 $0xDA00  }
0x2e6: {  	[tilespmem:s29], [sflag:$0x7] =	stream.linear.gather [hbm4b:s25+s5], $0x400, $0x38;
	[tilespmem:$0x10800] =	vst v63  }
0x2e7: {  	s2 =	sadd.s32 $0x2DC780, s2;
	s25 =	simm.s32 $0xE200  }
0x2e8: {  	[tilespmem:s25], [sflag:$0x7] =	stream.linear.gather [hbm4b:s2+s5], $0x400, $0x38;
	[tilespmem:$0x10800] =	vst v63  }
0x2e9: {  	_ =	swait.ge [sflag:s26], $0x1000  }
0x2ea: {  	[sflag:s26] =	ssyncset.done $0x0  }
0x2eb: {  	[sflag:s26] =	ssyncadd.s32 $0xFFFFF000  }
0x2ec: {  	_ =	swait.ge [sflag:s26], $0x1000  }
0x2ed: {  	(v2sf) =	vpush v8, $0xB;
	_ =	sdelay $0xe  }
0x2ee: {  	s25 =	spop (v2sf)  }
0x2ef: {  	[sflag:s26] =	ssyncset.done $0x0;
	s29 =	sand.u32 $0xFFFFF80, s25  }
0x2f0: {  	[sflag:s26] =	ssyncadd.s32 $0xFFFFF000;
	s2 =	sadd.s32 s13, s29  }
0x2f1: {  	[tilespmem:s15], [sflag:$0x8] =	stream.linear.gather [hbm4b:s2+s5], $0x400, $0x38;
	[tilespmem:$0x10800] =	vst v63  }
0x2f2: {  	s0 =	simm.s32 $0xEE00;
	s24 =	sadd.s32 $0xF4280, s2  }
0x2f3: {  	[tilespmem:s0], [sflag:$0x8] =	stream.linear.gather [hbm4b:s24+s5], $0x400, $0x38;
	[tilespmem:$0x10800] =	vst v63  }
0x2f4: {  	s24 =	sadd.s32 $0x1E8500, s2;
	s0 =	simm.s32 $0xF600  }
0x2f5: {  	[tilespmem:s0], [sflag:$0x8] =	stream.linear.gather [hbm4b:s24+s5], $0x400, $0x38;
	[tilespmem:$0x10800] =	vst v63  }
0x2f6: {  	s2 =	sadd.s32 $0x2DC780, s2;
	s0 =	simm.s32 $0xFE00  }
0x2f7: {  	[tilespmem:s0], [sflag:$0x8] =	stream.linear.gather [hbm4b:s2+s5], $0x400, $0x38;
	[tilespmem:$0x10800] =	vst v63  }
0x2f8: {  	s1 =	sadd.s32 s21, s1;
	s0 =	simm.s32 $0xEA00  }
0x2f9: {  	[tilespmem:s0], [sflag:$0x8] =	stream.linear.gather [hbm4b:s1+s5], $0x400, $0x38;
	[tilespmem:$0x10800] =	vst v63  }
0x2fa: {  	s24 =	sadd.s32 $0xF4280, s1;
	s0 =	simm.s32 $0xF200  }
0x2fb: {  	[tilespmem:s0], [sflag:$0x8] =	stream.linear.gather [hbm4b:s24+s5], $0x400, $0x38;
	[tilespmem:$0x10800] =	vst v63  }
0x2fc: {  	s24 =	sadd.s32 $0x1E8500, s1;
	s0 =	simm.s32 $0xFA00  }
0x2fd: {  	[tilespmem:s0], [sflag:$0x8] =	stream.linear.gather [hbm4b:s24+s5], $0x400, $0x38;
	[tilespmem:$0x10800] =	vst v63  }
0x2fe: {  	s1 =	sadd.s32 $0x2DC780, s1;
	s24 =	simm.s32 $0x10200  }
0x2ff: {  	[tilespmem:s24], [sflag:$0x8] =	stream.linear.gather [hbm4b:s1+s5], $0x400, $0x38;
	[tilespmem:$0x10800] =	vst v63  }
0x300: {  	_ =	swait.ge [sflag:s28], $0x1000  }
0x301: {  	[sflag:s28] =	ssyncset.done $0x0  }
0x302: {  	[sflag:s28] =	ssyncadd.s32 $0xFFFFF000  }
0x303: {  	_ =	swait.ge [sflag:s28], $0x1000  }
0x304: {  	(v2sf) =	vpush v10, $0xC;
	_ =	sdelay $0x4  }
0x305: {  	s2 =	sand.u32 $0x7F, s4;
	s1 =	rddreg [dreg:$0x17]  }
0x306: {  	v6 =	vor.u32 s2, v0;
	s0 =	sand.u32 $0x7F, s1  }
0x307: {  	v5 =	vbroadcast v7, $0x8;
	v2 =	vor.u32 s0, v0  }
0x308: {  	v11 =	vor.u32 s2, v1;
	(v2sf) =	vpush v9, $0xC  }
0x309: {  	v12 =	vor.u32 v55, v5;
	[sflag:s28] =	ssyncset.done $0x0  }
0x30a: {  	[sflag:s28] =	ssyncadd.s32 $0xFFFFF000  }
0x30b: {  	v4 =	vor.u32 s0, v1;
	v22 =	vld.idx.msk [tilespmem:v6+s14+$0x0], $0xffff  }
0x30c: {  	v24 =	vld.idx.msk [tilespmem:v2+s30+$0x0], $0xffff;
	v2 =	vor.u32 v3, v5  }
0x30d: {  	v20 =	vld.idx.msk [tilespmem:v11+s14+$0x0], $0xffff  }
0x30e: {  	v26 =	vld.idx.msk [tilespmem:v12+s30+$0x0], $0xffff  }
0x30f: {  	v25 =	vld.idx.msk [tilespmem:v12+s14+$0x0], $0xffff;
	s2 =	spop (v2sf)  }
0x310: {  	v21 =	vld.idx.msk [tilespmem:v4+s30+$0x0], $0xffff;
	s4 =	sand.u32 $0xFFFFF80, s2  }
0x311: {  	v27 =	vld.idx.msk [tilespmem:v2+s30+$0x0], $0xffff;
	s0 =	sadd.s32 s17, s4  }
0x312: {  	v23 =	vld.idx.msk [tilespmem:v2+s14+$0x0], $0xffff;
	[tilespmem:s30], [sflag:$0x1] =	stream.linear.gather [hbm4b:s0+s5], $0x400, $0x38  }
0x313: {  	s30 =	simm.s32 $0xE00;
	s24 =	sadd.s32 $0xF4280, s0  }
0x314: {  	[tilespmem:s30], [sflag:$0x1] =	stream.linear.gather [hbm4b:s24+s5], $0x400, $0x38;
	[tilespmem:$0x10800] =	vst v63  }
0x315: {  	s4 =	sadd.s32 $0x1E8500, s0;
	s24 =	simm.s32 $0x1600  }
0x316: {  	[tilespmem:s24], [sflag:$0x1] =	stream.linear.gather [hbm4b:s4+s5], $0x400, $0x38;
	[tilespmem:$0x10800] =	vst v63  }
0x317: {  	s0 =	sadd.s32 $0x2DC780, s0;
	s24 =	simm.s32 $0x1E00;
	s4 =	spop (v2sf)  }
0x318: {  	[tilespmem:s24], [sflag:$0x1] =	stream.linear.gather [hbm4b:s0+s5], $0x400, $0x38;
	[tilespmem:$0x10800] =	vst v63  }
0x319: {  	s0 =	sand.u32 $0xFFFFF80, s4  }
0x31a: {  	s24 =	simm.s32 $0xA00;
	s1 =	sadd.s32 s18, s0  }
0x31b: {  	[tilespmem:s24], [sflag:$0x1] =	stream.linear.gather [hbm4b:s1+s5], $0x400, $0x38;
	[tilespmem:$0x10800] =	vst v63  }
0x31c: {  	s4 =	sadd.s32 $0xF4280, s1;
	s24 =	simm.s32 $0x1200  }
0x31d: {  	[tilespmem:s24], [sflag:$0x1] =	stream.linear.gather [hbm4b:s4+s5], $0x400, $0x38;
	[tilespmem:$0x10800] =	vst v63  }
0x31e: {  	s4 =	sadd.s32 $0x1E8500, s1;
	s24 =	simm.s32 $0x1A00  }
0x31f: {  	[tilespmem:s24], [sflag:$0x1] =	stream.linear.gather [hbm4b:s4+s5], $0x400, $0x38;
	[tilespmem:$0x10800] =	vst v63  }
0x320: {  	s1 =	sadd.s32 $0x2DC780, s1;
	s24 =	simm.s32 $0x2200  }
0x321: {  	[tilespmem:s24], [sflag:$0x1] =	stream.linear.gather [hbm4b:s1+s5], $0x400, $0x38;
	[tilespmem:$0x10800] =	vst v63  }
0x322: {  	_ =	swait.ge [sflag:s12], $0x1000  }
0x323: {  	[sflag:s12] =	ssyncset.done $0x0  }
0x324: {  	[sflag:s12] =	ssyncadd.s32 $0xFFFFF000  }
0x325: {  	_ =	swait.ge [sflag:s12], $0x1000  }
0x326: {  	(v2sf) =	vpush v8, $0xC;
	_ =	sdelay $0xe  }
0x327: {  	s1 =	spop (v2sf)  }
0x328: {  	[sflag:s12] =	ssyncset.done $0x0;
	s24 =	sand.u32 $0xFFFFF80, s1  }
0x329: {  	[sflag:s12] =	ssyncadd.s32 $0xFFFFF000;
	s4 =	sadd.s32 s13, s24  }
0x32a: {  	[tilespmem:s14], [sflag:$0x2] =	stream.linear.gather [hbm4b:s4+s5], $0x400, $0x38;
	[tilespmem:$0x10800] =	vst v63  }
0x32b: {  	s29 =	simm.s32 $0x2E00;
	s24 =	sadd.s32 $0xF4280, s4  }
0x32c: {  	[tilespmem:s29], [sflag:$0x2] =	stream.linear.gather [hbm4b:s24+s5], $0x400, $0x38;
	[tilespmem:$0x10800] =	vst v63  }
0x32d: {  	s24 =	sadd.s32 $0x1E8500, s4;
	s29 =	simm.s32 $0x3600  }
0x32e: {  	[tilespmem:s29], [sflag:$0x2] =	stream.linear.gather [hbm4b:s24+s5], $0x400, $0x38;
	[tilespmem:$0x10800] =	vst v63  }
0x32f: {  	s4 =	sadd.s32 $0x2DC780, s4;
	s29 =	simm.s32 $0x3E00  }
0x330: {  	[tilespmem:s29], [sflag:$0x2] =	stream.linear.gather [hbm4b:s4+s5], $0x400, $0x38;
	[tilespmem:$0x10800] =	vst v63  }
0x331: {  	s0 =	sadd.s32 s21, s0;
	s14 =	simm.s32 $0x2A00  }
0x332: {  	[tilespmem:s14], [sflag:$0x2] =	stream.linear.gather [hbm4b:s0+s5], $0x400, $0x38;
	[tilespmem:$0x10800] =	vst v63  }
0x333: {  	s24 =	sadd.s32 $0xF4280, s0;
	s29 =	simm.s32 $0x3200  }
0x334: {  	[tilespmem:s29], [sflag:$0x2] =	stream.linear.gather [hbm4b:s24+s5], $0x400, $0x38;
	[tilespmem:$0x10800] =	vst v63  }
0x335: {  	s24 =	sadd.s32 $0x1E8500, s0;
	s29 =	simm.s32 $0x3A00  }
0x336: {  	[tilespmem:s29], [sflag:$0x2] =	stream.linear.gather [hbm4b:s24+s5], $0x400, $0x38;
	[tilespmem:$0x10800] =	vst v63  }
0x337: {  	s0 =	sadd.s32 $0x2DC780, s0;
	s29 =	simm.s32 $0x4200  }
0x338: {  	[tilespmem:s29], [sflag:$0x2] =	stream.linear.gather [hbm4b:s0+s5], $0x400, $0x38;
	[tilespmem:$0x10800] =	vst v63  }
0x339: {  	_ =	swait.ge [sflag:s3], $0x1000  }
0x33a: {  	[sflag:s3] =	ssyncset.done $0x0  }
0x33b: {  	[sflag:s3] =	ssyncadd.s32 $0xFFFFF000  }
0x33c: {  	_ =	swait.ge [sflag:s3], $0x1000  }
0x33d: {  	(v2sf) =	vpush v10, $0xD;
	_ =	sdelay $0x4  }
0x33e: {  	s24 =	sand.u32 $0x7F, s22  }
0x33f: {  	v2 =	vor.u32 s24, v0;
	(v2sf) =	vpush v9, $0xD  }
0x340: {  	v4 =	vor.u32 s24, v1;
	s29 =	sand.u32 $0x7F, s9  }
0x341: {  	v5 =	vbroadcast v7, $0x9;
	v6 =	vor.u32 s29, v0  }
0x342: {  	v11 =	vor.u32 s29, v1;
	[sflag:s3] =	ssyncset.done $0x0  }
0x343: {  	v12 =	vor.u32 v55, v5;
	[sflag:s3] =	ssyncadd.s32 $0xFFFFF000  }
0x344: {  	v31 =	vld.idx.msk [tilespmem:v2+s11+$0x0], $0xffff  }
0x345: {  	v32 =	vld.idx.msk [tilespmem:v4+s11+$0x0], $0xffff;
	v2 =	vor.u32 v3, v5  }
0x346: {  	v30 =	vld.idx.msk [tilespmem:v6+s20+$0x0], $0xffff  }
0x347: {  	v28 =	vld.idx.msk [tilespmem:v11+s20+$0x0], $0xffff  }
0x348: {  	v33 =	vld.idx.msk [tilespmem:v12+s11+$0x0], $0xffff;
	s24 =	spop (v2sf)  }
0x349: {  	v15 =	vld.idx.msk [tilespmem:v12+s20+$0x0], $0xffff;
	s9 =	sand.u32 $0xFFFFF80, s24  }
0x34a: {  	v34 =	vld.idx.msk [tilespmem:v2+s11+$0x0], $0xffff;
	s0 =	sadd.s32 s17, s9  }
0x34b: {  	v29 =	vld.idx.msk [tilespmem:v2+s20+$0x0], $0xffff;
	[tilespmem:s11], [sflag:$0x3] =	stream.linear.gather [hbm4b:s0+s5], $0x400, $0x38  }
0x34c: {  	s29 =	simm.s32 $0x4E00;
	s22 =	sadd.s32 $0xF4280, s0;
	s11 =	sadd.s32 $0x1E8500, s0  }
0x34d: {  	[tilespmem:s29], [sflag:$0x3] =	stream.linear.gather [hbm4b:s22+s5], $0x400, $0x38;
	[tilespmem:$0x10800] =	vst v63  }
0x34e: {  	s9 =	spop (v2sf);
	s0 =	sadd.s32 $0x2DC780, s0;
	s22 =	simm.s32 $0x5600  }
0x34f: {  	[tilespmem:s22], [sflag:$0x3] =	stream.linear.gather [hbm4b:s11+s5], $0x400, $0x38;
	[tilespmem:$0x10800] =	vst v63  }
0x350: {  	s4 =	sand.u32 $0xFFFFF80, s9;
	s29 =	simm.s32 $0x5E00  }
0x351: {  	[tilespmem:s29], [sflag:$0x3] =	stream.linear.gather [hbm4b:s0+s5], $0x400, $0x38;
	[tilespmem:$0x10800] =	vst v63  }
0x352: {  	s11 =	simm.s32 $0x4A00;
	s0 =	sadd.s32 s18, s4  }
0x353: {  	[tilespmem:s11], [sflag:$0x3] =	stream.linear.gather [hbm4b:s0+s5], $0x400, $0x38;
	[tilespmem:$0x10800] =	vst v63  }
0x354: {  	s29 =	simm.s32 $0x5200;
	s22 =	sadd.s32 $0xF4280, s0  }
0x355: {  	[tilespmem:s29], [sflag:$0x3] =	stream.linear.gather [hbm4b:s22+s5], $0x400, $0x38;
	[tilespmem:$0x10800] =	vst v63  }
0x356: {  	s11 =	sadd.s32 $0x1E8500, s0;
	s22 =	simm.s32 $0x5A00  }
0x357: {  	[tilespmem:s22], [sflag:$0x3] =	stream.linear.gather [hbm4b:s11+s5], $0x400, $0x38;
	[tilespmem:$0x10800] =	vst v63  }
0x358: {  	s0 =	sadd.s32 $0x2DC780, s0;
	s29 =	simm.s32 $0x6200  }
0x359: {  	[tilespmem:s29], [sflag:$0x3] =	stream.linear.gather [hbm4b:s0+s5], $0x400, $0x38;
	[tilespmem:$0x10800] =	vst v63  }
0x35a: {  	_ =	swait.ge [sflag:s6], $0x1000  }
0x35b: {  	[sflag:s6] =	ssyncset.done $0x0  }
0x35c: {  	[sflag:s6] =	ssyncadd.s32 $0xFFFFF000  }
0x35d: {  	_ =	swait.ge [sflag:s6], $0x1000  }
0x35e: {  	(v2sf) =	vpush v8, $0xD;
	_ =	sdelay $0xe  }
0x35f: {  	s0 =	spop (v2sf)  }
0x360: {  	[sflag:s6] =	ssyncset.done $0x0;
	s11 =	sand.u32 $0xFFFFF80, s0  }
0x361: {  	[sflag:s6] =	ssyncadd.s32 $0xFFFFF000;
	s9 =	sadd.s32 s13, s11  }
0x362: {  	[tilespmem:s20], [sflag:$0x4] =	stream.linear.gather [hbm4b:s9+s5], $0x400, $0x38;
	[tilespmem:$0x10800] =	vst v63  }
0x363: {  	s29 =	simm.s32 $0x6E00;
	s20 =	sadd.s32 $0xF4280, s9  }
0x364: {  	[tilespmem:s29], [sflag:$0x4] =	stream.linear.gather [hbm4b:s20+s5], $0x400, $0x38;
	[tilespmem:$0x10800] =	vst v63  }
0x365: {  	s11 =	sadd.s32 $0x1E8500, s9;
	s20 =	simm.s32 $0x7600  }
0x366: {  	[tilespmem:s20], [sflag:$0x4] =	stream.linear.gather [hbm4b:s11+s5], $0x400, $0x38;
	[tilespmem:$0x10800] =	vst v63  }
0x367: {  	s9 =	sadd.s32 $0x2DC780, s9;
	s29 =	simm.s32 $0x7E00  }
0x368: {  	[tilespmem:s29], [sflag:$0x4] =	stream.linear.gather [hbm4b:s9+s5], $0x400, $0x38;
	[tilespmem:$0x10800] =	vst v63  }
0x369: {  	s4 =	sadd.s32 s21, s4;
	s9 =	simm.s32 $0x6A00  }
0x36a: {  	[tilespmem:s9], [sflag:$0x4] =	stream.linear.gather [hbm4b:s4+s5], $0x400, $0x38;
	[tilespmem:$0x10800] =	vst v63  }
0x36b: {  	s11 =	sadd.s32 $0xF4280, s4;
	s20 =	simm.s32 $0x7200  }
0x36c: {  	[tilespmem:s20], [sflag:$0x4] =	stream.linear.gather [hbm4b:s11+s5], $0x400, $0x38;
	[tilespmem:$0x10800] =	vst v63  }
0x36d: {  	s22 =	sadd.s32 $0x1E8500, s4;
	s29 =	simm.s32 $0x7A00  }
0x36e: {  	[tilespmem:s29], [sflag:$0x4] =	stream.linear.gather [hbm4b:s22+s5], $0x400, $0x38;
	[tilespmem:$0x10800] =	vst v63  }
0x36f: {  	s4 =	sadd.s32 $0x2DC780, s4;
	s11 =	simm.s32 $0x8200  }
0x370: {  	[tilespmem:s11], [sflag:$0x4] =	stream.linear.gather [hbm4b:s4+s5], $0x400, $0x38;
	[tilespmem:$0x10800] =	vst v63  }
0x371: {  	_ =	swait.ge [sflag:s7], $0x1000  }
0x372: {  	[sflag:s7] =	ssyncset.done $0x0  }
0x373: {  	[sflag:s7] =	ssyncadd.s32 $0xFFFFF000  }
0x374: {  	_ =	swait.ge [sflag:s7], $0x1000  }
0x375: {  	(v2sf) =	vpush v10, $0xE;
	_ =	sdelay $0x4  }
0x376: {  	s20 =	sand.u32 $0x7F, s23  }
0x377: {  	v2 =	vor.u32 s20, v0  }
0x378: {  	v4 =	vor.u32 s20, v1;
	s22 =	sand.u32 $0x7F, s10  }
0x379: {  	v11 =	vbroadcast v7, $0xA;
	v12 =	vor.u32 s22, v0;
	(v2sf) =	vpush v9, $0xE  }
0x37a: {  	v13 =	vor.u32 s22, v1;
	[sflag:s7] =	ssyncset.done $0x0  }
0x37b: {  	v42 =	vor.u32 v55, v11;
	[sflag:s7] =	ssyncadd.s32 $0xFFFFF000  }
0x37c: {  	v6 =	vld.idx.msk [tilespmem:v2+s31+$0x0], $0xffff  }
0x37d: {  	v11 =	vor.u32 v3, v11;
	v5 =	vld.idx.msk [tilespmem:v4+s31+$0x0], $0xffff  }
0x37e: {  	v12 =	vld.idx.msk [tilespmem:v12+s16+$0x0], $0xffff  }
0x37f: {  	v14 =	vld.idx.msk [tilespmem:v13+s16+$0x0], $0xffff  }
0x380: {  	v4 =	vld.idx.msk [tilespmem:v42+s31+$0x0], $0xffff;
	s22 =	spop (v2sf)  }
0x381: {  	v42 =	vld.idx.msk [tilespmem:v42+s16+$0x0], $0xffff;
	s23 =	sand.u32 $0xFFFFF80, s22  }
0x382: {  	v2 =	vld.idx.msk [tilespmem:v11+s31+$0x0], $0xffff;
	s4 =	sadd.s32 s17, s23  }
0x383: {  	v13 =	vld.idx.msk [tilespmem:v11+s16+$0x0], $0xffff;
	[tilespmem:s31], [sflag:$0x5] =	stream.linear.gather [hbm4b:s4+s5], $0x400, $0x38  }
0x384: {  	s29 =	sadd.s32 $0xF4280, s4;
	s31 =	simm.s32 $0x8E00  }
0x385: {  	[tilespmem:s31], [sflag:$0x5] =	stream.linear.gather [hbm4b:s29+s5], $0x400, $0x38;
	[tilespmem:$0x10800] =	vst v63  }
0x386: {  	s7 =	simm.s32 $0x9600;
	s6 =	sadd.s32 $0x1E8500, s4  }
0x387: {  	[tilespmem:s7], [sflag:$0x5] =	stream.linear.gather [hbm4b:s6+s5], $0x400, $0x38;
	[tilespmem:$0x10800] =	vst v63  }
0x388: {  	s10 =	simm.s32 $0x9E00;
	s11 =	spop (v2sf);
	s4 =	sadd.s32 $0x2DC780, s4  }
0x389: {  	[tilespmem:s10], [sflag:$0x5] =	stream.linear.gather [hbm4b:s4+s5], $0x400, $0x38;
	[tilespmem:$0x10800] =	vst v63  }
0x38a: {  	s4 =	sand.u32 $0xFFFFF80, s11  }
0x38b: {  	s23 =	simm.s32 $0x8A00;
	s20 =	sadd.s32 s18, s4  }
0x38c: {  	[tilespmem:s23], [sflag:$0x5] =	stream.linear.gather [hbm4b:s20+s5], $0x400, $0x38;
	[tilespmem:$0x10800] =	vst v63  }
0x38d: {  	s31 =	simm.s32 $0x9200;
	s29 =	sadd.s32 $0xF4280, s20  }
0x38e: {  	[tilespmem:s31], [sflag:$0x5] =	stream.linear.gather [hbm4b:s29+s5], $0x400, $0x38;
	[tilespmem:$0x10800] =	vst v63  }
0x38f: {  	s7 =	simm.s32 $0x9A00;
	s6 =	sadd.s32 $0x1E8500, s20  }
0x390: {  	[tilespmem:s7], [sflag:$0x5] =	stream.linear.gather [hbm4b:s6+s5], $0x400, $0x38;
	[tilespmem:$0x10800] =	vst v63  }
0x391: {  	s11 =	simm.s32 $0xA200;
	s9 =	sadd.s32 $0x2DC780, s20  }
0x392: {  	[tilespmem:s11], [sflag:$0x5] =	stream.linear.gather [hbm4b:s9+s5], $0x400, $0x38;
	[tilespmem:$0x10800] =	vst v63  }
0x393: {  	_ =	swait.ge [sflag:s8], $0x1000  }
0x394: {  	[sflag:s8] =	ssyncset.done $0x0  }
0x395: {  	[sflag:s8] =	ssyncadd.s32 $0xFFFFF000  }
0x396: {  	_ =	swait.ge [sflag:s8], $0x1000  }
0x397: {  	(v2sf) =	vpush v8, $0xE;
	_ =	sdelay $0xe  }
0x398: {  	s23 =	spop (v2sf)  }
0x399: {  	[sflag:s8] =	ssyncset.done $0x0;
	s20 =	sand.u32 $0xFFFFF80, s23  }
0x39a: {  	[sflag:s8] =	ssyncadd.s32 $0xFFFFF000;
	s9 =	sadd.s32 s13, s20  }
0x39b: {  	[tilespmem:s16], [sflag:$0x6] =	stream.linear.gather [hbm4b:s9+s5], $0x400, $0x38;
	[tilespmem:$0x10800] =	vst v63  }
0x39c: {  	s31 =	simm.s32 $0xAE00;
	s29 =	sadd.s32 $0xF4280, s9  }
0x39d: {  	[tilespmem:s31], [sflag:$0x6] =	stream.linear.gather [hbm4b:s29+s5], $0x400, $0x38;
	[tilespmem:$0x10800] =	vst v63  }
0x39e: {  	s11 =	simm.s32 $0xB600;
	s7 =	sadd.s32 $0x1E8500, s9  }
0x39f: {  	[tilespmem:s11], [sflag:$0x6] =	stream.linear.gather [hbm4b:s7+s5], $0x400, $0x38;
	[tilespmem:$0x10800] =	vst v63  }
0x3a0: {  	s9 =	sadd.s32 $0x2DC780, s9;
	s16 =	simm.s32 $0xBE00  }
0x3a1: {  	[tilespmem:s16], [sflag:$0x6] =	stream.linear.gather [hbm4b:s9+s5], $0x400, $0x38;
	[tilespmem:$0x10800] =	vst v63  }
0x3a2: {  	s4 =	sadd.s32 s21, s4;
	s20 =	simm.s32 $0xAA00  }
0x3a3: {  	[tilespmem:s20], [sflag:$0x6] =	stream.linear.gather [hbm4b:s4+s5], $0x400, $0x38;
	[tilespmem:$0x10800] =	vst v63  }
0x3a4: {  	s29 =	sadd.s32 $0xF4280, s4;
	s31 =	simm.s32 $0xB200  }
0x3a5: {  	[tilespmem:s31], [sflag:$0x6] =	stream.linear.gather [hbm4b:s29+s5], $0x400, $0x38;
	[tilespmem:$0x10800] =	vst v63  }
0x3a6: {  	s6 =	sadd.s32 $0x1E8500, s4;
	s7 =	simm.s32 $0xBA00  }
0x3a7: {  	[tilespmem:s7], [sflag:$0x6] =	stream.linear.gather [hbm4b:s6+s5], $0x400, $0x38;
	[tilespmem:$0x10800] =	vst v63  }
0x3a8: {  	s3 =	simm.s32 $0x8;
	s9 =	simm.s32 $0xC200;
	s4 =	sadd.s32 $0x2DC780, s4  }
0x3a9: {  	[tilespmem:s9], [sflag:$0x6] =	stream.linear.gather [hbm4b:s4+s5], $0x400, $0x38;
	[tilespmem:$0x10800] =	vst v63  }
0x3aa: {  	s8 =	rddreg [dreg:$0x11];
	_ =	swait.ge [sflag:s3], $0x1000  }
0x3ab: {  	[sflag:s3] =	ssyncset.done $0x0  }
0x3ac: {  	[sflag:s3] =	ssyncadd.s32 $0xFFFFF000  }
0x3ad: {  	_ =	swait.ge [sflag:s3], $0x1000  }
0x3ae: {  	(v2sf) =	vpush v10, $0xF;
	_ =	sdelay $0x4  }
0x3af: {  	s10 =	sand.u32 $0x7F, s19  }
0x3b0: {  	v11 =	vor.u32 s10, v1;
	s11 =	sand.u32 $0x7F, s25  }
0x3b1: {  	v43 =	vbroadcast v7, $0xB;
	v44 =	vor.u32 s11, v0  }
0x3b2: {  	v45 =	vor.u32 s11, v1;
	(v2sf) =	vpush v9, $0xF  }
0x3b3: {  	v46 =	vor.u32 v55, v43;
	[sflag:s3] =	ssyncset.done $0x0  }
0x3b4: {  	s16 =	simm.s32 $0xC600;
	[sflag:s3] =	ssyncadd.s32 $0xFFFFF000  }
0x3b5: {  	v43 =	vor.u32 v3, v43;
	v11 =	vld.idx.msk [tilespmem:v11+s16+$0x0], $0xffff  }
0x3b6: {  	v44 =	vld.idx.msk [tilespmem:v44+s15+$0x0], $0xffff  }
0x3b7: {  	v10 =	vor.u32 s10, v0;
	v9 =	vld.idx.msk [tilespmem:v45+s15+$0x0], $0xffff  }
0x3b8: {  	v45 =	vld.idx.msk [tilespmem:v46+s16+$0x0], $0xffff  }
0x3b9: {  	v46 =	vld.idx.msk [tilespmem:v46+s15+$0x0], $0xffff;
	s19 =	spop (v2sf)  }
0x3ba: {  	v47 =	vld.idx.msk [tilespmem:v43+s16+$0x0], $0xffff;
	s20 =	sand.u32 $0xFFFFF80, s19  }
0x3bb: {  	s25 =	simm.s32 $0xC600;
	v43 =	vld.idx.msk [tilespmem:v43+s15+$0x0], $0xffff;
	s4 =	sadd.s32 s17, s20  }
0x3bc: {  	v10 =	vld.idx.msk [tilespmem:v10+s16+$0x0], $0xffff;
	[tilespmem:s25], [sflag:$0x7] =	stream.linear.gather [hbm4b:s4+s5], $0x400, $0x38  }
0x3bd: {  	s31 =	simm.s32 $0xCE00;
	s29 =	sadd.s32 $0xF4280, s4  }
0x3be: {  	[tilespmem:s31], [sflag:$0x7] =	stream.linear.gather [hbm4b:s29+s5], $0x400, $0x38;
	[tilespmem:$0x10800] =	vst v63  }
0x3bf: {  	s10 =	simm.s32 $0xD600;
	s7 =	sadd.s32 $0x1E8500, s4  }
0x3c0: {  	[tilespmem:s10], [sflag:$0x7] =	stream.linear.gather [hbm4b:s7+s5], $0x400, $0x38;
	[tilespmem:$0x10800] =	vst v63  }
0x3c1: {  	s11 =	simm.s32 $0xDE00;
	s16 =	spop (v2sf);
	s4 =	sadd.s32 $0x2DC780, s4  }
0x3c2: {  	[tilespmem:s11], [sflag:$0x7] =	stream.linear.gather [hbm4b:s4+s5], $0x400, $0x38;
	[tilespmem:$0x10800] =	vst v63  }
0x3c3: {  	s4 =	sand.u32 $0xFFFFF80, s16  }
0x3c4: {  	s25 =	simm.s32 $0xCA00;
	s20 =	sadd.s32 s18, s4  }
0x3c5: {  	[tilespmem:s25], [sflag:$0x7] =	stream.linear.gather [hbm4b:s20+s5], $0x400, $0x38;
	[tilespmem:$0x10800] =	vst v63  }
0x3c6: {  	s31 =	simm.s32 $0xD200;
	s29 =	sadd.s32 $0xF4280, s20  }
0x3c7: {  	[tilespmem:s31], [sflag:$0x7] =	stream.linear.gather [hbm4b:s29+s5], $0x400, $0x38;
	[tilespmem:$0x10800] =	vst v63  }
0x3c8: {  	s7 =	simm.s32 $0xDA00;
	s6 =	sadd.s32 $0x1E8500, s20  }
0x3c9: {  	[tilespmem:s7], [sflag:$0x7] =	stream.linear.gather [hbm4b:s6+s5], $0x400, $0x38;
	[tilespmem:$0x10800] =	vst v63  }
0x3ca: {  	s10 =	simm.s32 $0xE200;
	s9 =	sadd.s32 $0x2DC780, s20  }
0x3cb: {  	[tilespmem:s10], [sflag:$0x7] =	stream.linear.gather [hbm4b:s9+s5], $0x400, $0x38;
	[tilespmem:$0x10800] =	vst v63  }
0x3cc: {  	_ =	swait.ge [sflag:s26], $0x1000  }
0x3cd: {  	[sflag:s26] =	ssyncset.done $0x0  }
0x3ce: {  	[sflag:s26] =	ssyncadd.s32 $0xFFFFF000  }
0x3cf: {  	_ =	swait.ge [sflag:s26], $0x1000  }
0x3d0: {  	v56 =	vld [tilespmem:$0x1FD90]  }
0x3d1: {  	(v2sf) =	vpush v8, $0xF;
	v8 =	vmul.f32 v50, v48;
	v48 =	vmul.f32 v53, v49;
	v53 =	vld [tilespmem:$0x1FDA0];
	_ =	sdelay $0x3  }
0x3d2: {  	v50 =	vld [tilespmem:$0x1FDB0]  }
0x3d3: {  	v49 =	vmul.f32 v53, v56;
	v56 =	vld [tilespmem:$0x1FDC0];
	_ =	sdelay $0x4  }
0x3d4: {  	v8 =	vadd.f32 v48, v8;
	v48 =	vmul.f32 v54, v51;
	v54 =	vld [tilespmem:$0x1FDD0];
	v50 =	vmul.f32 v56, v50  }
0x3d5: {  	v56 =	vld [tilespmem:$0x1FDF0]  }
0x3d6: {  	v49 =	vadd.f32 v50, v49;
	v50 =	vld [tilespmem:$0x1FDE0];
	_ =	sdelay $0x1  }
0x3d7: {  	v53 =	vld [tilespmem:$0x1FE40]  }
0x3d8: {  	v51 =	vmul.f32 v54, v52;
	v54 =	vld [tilespmem:$0x1FE50]  }
0x3d9: {  	v52 =	vld [tilespmem:$0x1FE00]  }
0x3da: {  	v50 =	vmul.f32 v56, v50;
	v56 =	vld [tilespmem:$0x1FE10];
	_ =	sdelay $0x1  }
0x3db: {  	v8 =	vadd.f32 v48, v8;
	v48 =	vld [tilespmem:$0x1FE20]  }
0x3dc: {  	v53 =	vmul.f32 v54, v53;
	v54 =	vld [tilespmem:$0x1FE70]  }
0x3dd: {  	v49 =	vadd.f32 v50, v49;
	v50 =	vld [tilespmem:$0x1FE60]  }
0x3de: {  	v52 =	vmul.f32 v56, v52;
	v56 =	vld [tilespmem:$0x1FE30];
	_ =	sdelay $0x3  }
0x3df: {  	v50 =	vmul.f32 v54, v50;
	v54 =	vld [tilespmem:$0x1FE80]  }
0x3e0: {  	v48 =	vmul.f32 v56, v48;
	v56 =	vld [tilespmem:$0x1FE90];
	_ =	sdelay $0x3  }
0x3e1: {  	v8 =	vadd.f32 v51, v8;
	v51 =	vld [tilespmem:$0x1FEA0]  }
0x3e2: {  	v54 =	vmul.f32 v56, v54;
	v56 =	vld [tilespmem:$0x1FEB0];
	_ =	sdelay $0x1  }
0x3e3: {  	v49 =	vadd.f32 v52, v49;
	v52 =	vld [tilespmem:$0x1FEC0]  }
0x3e4: {  	v48 =	vadd.f32 v53, v48;
	v53 =	vld [tilespmem:$0x1FF00]  }
0x3e5: {  	v50 =	vadd.f32 v54, v50;
	v54 =	vld [tilespmem:$0x1FF10]  }
0x3e6: {  	v51 =	vmul.f32 v56, v51;
	v56 =	vld [tilespmem:$0x1FED0];
	_ =	sdelay $0x3  }
0x3e7: {  	v48 =	vadd.f32 v51, v48;
	v51 =	vld [tilespmem:$0x1FEE0]  }
0x3e8: {  	v53 =	vmul.f32 v54, v53;
	v54 =	vld [tilespmem:$0x1FF30];
	v52 =	vmul.f32 v56, v52  }
0x3e9: {  	v56 =	vld [tilespmem:$0x1FEF0]  }
0x3ea: {  	v50 =	vadd.f32 v52, v50;
	v52 =	vld [tilespmem:$0x1FF20];
	_ =	sdelay $0x3  }
0x3eb: {  	v51 =	vmul.f32 v56, v51;
	v56 =	vld [tilespmem:$0x1FF50]  }
0x3ec: {  	v52 =	vmul.f32 v54, v52;
	v54 =	vld [tilespmem:$0x1FF40];
	_ =	sdelay $0x4  }
0x3ed: {  	v54 =	vmul.f32 v56, v54;
	v56 =	vld [tilespmem:$0x1FF60];
	_ =	sdelay $0x4  }
0x3ee: {  	v48 =	vadd.f32 v51, v48;
	v51 =	vmul.f32 v57, v56;
	v56 =	vld [tilespmem:$0x1FF70];
	_ =	sdelay $0x2  }
0x3ef: {  	v16 =	vmul.f32 v18, v16;
	v18 =	vld [tilespmem:$0x1FFE0]  }
0x3f0: {  	v52 =	vadd.f32 v54, v52;
	v54 =	vld [tilespmem:$0x1FFA0]  }
0x3f1: {  	v57 =	vmul.f32 v58, v56;
	v56 =	vld [tilespmem:$0x1FFB0]  }
0x3f2: {  	v17 =	vmul.f32 v19, v17;
	v19 =	vld [tilespmem:$0x1FFF0]  }
0x3f3: {  	v39 =	vmul.f32 v39, v63;
	v50 =	vadd.f32 v53, v50;
	v53 =	vld [tilespmem:$0x1FF80]  }
0x3f4: {  	v40 =	vmul.f32 v40, v41;
	v60 =	vmul.f32 v60, v59;
	v16 =	vadd.f32 v17, v16;
	v58 =	vld [tilespmem:$0x1FF90]  }
0x3f5: {  	v17 =	vmul.f32 v35, v37;
	v24 =	vmul.f32 v26, v24;
	s25 =	spop (v2sf);
	v51 =	vadd.f32 v57, v51;
	v57 =	vld [tilespmem:$0x1FFD0]  }
0x3f6: {  	v21 =	vmul.f32 v27, v21;
	[sflag:s26] =	ssyncset.done $0x0;
	s11 =	sand.u32 $0xFFFFF80, s25;
	v54 =	vmul.f32 v56, v54;
	v56 =	vld [tilespmem:$0x1FFC0]  }
0x3f7: {  	v16 =	vadd.f32 v17, v16;
	v17 =	vmul.f32 v36, v38;
	v22 =	vmul.f32 v25, v22;
	[sflag:s26] =	ssyncadd.s32 $0xFFFFF000;
	s9 =	sadd.s32 s13, s11  }
0x3f8: {  	v21 =	vadd.f32 v21, v24;
	v4 =	vmul.f32 v4, v6;
	v2 =	vmul.f32 v2, v5;
	[tilespmem:s15], [sflag:$0x8] =	stream.linear.gather [hbm4b:s9+s5], $0x400, $0x38;
	[tilespmem:$0x10800] =	vst v63  }
0x3f9: {  	v20 =	vmul.f32 v23, v20;
	v15 =	vmul.f32 v15, v30;
	s16 =	simm.s32 $0xEE00;
	s15 =	sadd.s32 $0xF4280, s9  }
0x3fa: {  	v5 =	vadd.f32 v22, v21;
	v2 =	vadd.f32 v2, v4;
	[tilespmem:s16], [sflag:$0x8] =	stream.linear.gather [hbm4b:s15+s5], $0x400, $0x38;
	v53 =	vmul.f32 v58, v53;
	[tilespmem:$0x10800] =	vst v63  }
0x3fb: {  	s29 =	simm.s32 $0xF600;
	v18 =	vmul.f32 v19, v18;
	v19 =	vadd.f32 v40, v39;
	(xrf2) =	vadd.scan.msk.f32 $0xffff, v8;
	s20 =	sadd.s32 $0x1E8500, s9;
	v56 =	vmul.f32 v57, v56  }
0x3fc: {  	v8 =	vadd.f32 v17, v16;
	[tilespmem:s29], [sflag:$0x8] =	stream.linear.gather [hbm4b:s20+s5], $0x400, $0x38;
	v52 =	vadd.f32 v53, v52;
	v57 =	vmul.f32 v62, v61;
	[tilespmem:$0x10800] =	vst v63  }
0x3fd: {  	v16 =	vmul.f32 v33, v31;
	v17 =	vmul.f32 v34, v32;
	(xrf2) =	vadd.scan.msk.f32 $0xffff, v49;
	v56 =	vadd.f32 v56, v51  }
0x3fe: {  	v6 =	vmul.f32 v45, v10;
	(xrf2) =	vadd.scan.msk.f32 $0xffff, v48;
	v58 =	vadd.f32 v54, v52;
	v19 =	vadd.f32 v57, v19  }
0x3ff: {  	v10 =	vmul.f32 v47, v11;
	v16 =	vadd.f32 v17, v16;
	(xrf2) =	vadd.scan.msk.f32 $0xffff, v50;
	v18 =	vadd.f32 v18, v56  }
0x400: {  	v4 =	vmul.f32 v42, v12;
	v12 =	vmul.f32 v29, v28;
	(xrf2) =	vadd.scan.msk.f32 $0xffff, v58;
	v19 =	vadd.f32 v60, v19  }
0x401: {  	v6 =	vadd.f32 v10, v6;
	v10 =	vmul.f32 v46, v44;
	v11 =	vadd.f32 v15, v16;
	(xrf2) =	vadd.scan.msk.f32 $0xffff, v18  }
0x402: {  	v5 =	vadd.f32 v20, v5;
	v2 =	vadd.f32 v4, v2;
	v4 =	vmul.f32 v13, v14;
	(xrf2) =	vadd.scan.msk.f32 $0xffff, v19  }
0x403: {  	v9 =	vmul.f32 v43, v9;
	v6 =	vadd.f32 v10, v6;
	(xrf2) =	vadd.scan.msk.f32 $0xffff, v8;
	v8 =	vadd.f32 v12, v11  }
0x404: {  	v2 =	vadd.f32 v4, v2;
	(xrf2) =	vadd.scan.msk.f32 $0xffff, v5  }
0x405: {  	v4 =	vadd.f32 v9, v6;
	(xrf2) =	vadd.scan.msk.f32 $0xffff, v8  }
0x406: {  	v13, _, _ =	vpop (xrf2);
	(xrf2) =	vadd.scan.msk.f32 $0xffff, v2  }
0x407: {  	v17, _, _ =	vpop (xrf2);
	(xrf2) =	vadd.scan.msk.f32 $0xffff, v4  }
0x408: {  	s31 =	simm.s32 $0xFE00;
	s10 =	smov.u32 s21;
	s9 =	sadd.s32 $0x2DC780, s9;
	v14, _, _ =	vpop (xrf2)  }
0x409: {  	[tilespmem:s31], [sflag:$0x8] =	stream.linear.gather [hbm4b:s9+s5], $0x400, $0x38;
	v15, _, _ =	vpop (xrf2);
	[tilespmem:$0x10800] =	vst v63  }
0x40a: {  	s4 =	sadd.s32 s10, s4;
	s11 =	simm.s32 $0xEA00;
	v16, _, _ =	vpop (xrf2)  }
0x40b: {  	[tilespmem:s11], [sflag:$0x8] =	stream.linear.gather [hbm4b:s4+s5], $0x400, $0x38;
	v11, _, _ =	vpop (xrf2);
	[tilespmem:$0x10800] =	vst v63  }
0x40c: {  	s15 =	sadd.s32 $0xF4280, s4;
	s16 =	simm.s32 $0xF200;
	v12, _, _ =	vpop (xrf2)  }
0x40d: {  	[tilespmem:s16], [sflag:$0x8] =	stream.linear.gather [hbm4b:s15+s5], $0x400, $0x38;
	v6, _, _ =	vpop (xrf2);
	[tilespmem:$0x10800] =	vst v63  }
0x40e: {  	s20 =	sadd.s32 $0x1E8500, s4;
	s29 =	simm.s32 $0xFA00;
	v8, _, _ =	vpop (xrf2)  }
0x40f: {  	[tilespmem:s29], [sflag:$0x8] =	stream.linear.gather [hbm4b:s20+s5], $0x400, $0x38;
	v9, _, _ =	vpop (xrf2);
	[tilespmem:$0x10800] =	vst v63  }
0x410: {  	s31 =	simm.s32 $0x10200;
	s4 =	sadd.s32 $0x2DC780, s4;
	v4, _, _ =	vpop (xrf2)  }
0x411: {  	[tilespmem:s31], [sflag:$0x8] =	stream.linear.gather [hbm4b:s4+s5], $0x400, $0x38;
	v10, _, _ =	vpop (xrf2);
	[tilespmem:$0x10800] =	vst v63  }
0x412: {  	s2 =	sand.u32 $0x7F, s2;
	_ =	swait.ge [sflag:s28], $0x1000  }
0x413: {  	v5 =	vbroadcast v7, $0xC;
	v2 =	vor.u32 s2, v0;
	[sflag:s28] =	ssyncset.done $0x0  }
0x414: {  	v18 =	vor.u32 s2, v1;
	[sflag:s28] =	ssyncadd.s32 $0xFFFFF000  }
0x415: {  	v19 =	vor.u32 v55, v5;
	_ =	swait.ge [sflag:s28], $0x1000  }
0x416: {  	s1 =	sand.u32 $0x7F, s1;
	v5 =	vor.u32 v3, v5;
	[sflag:s28] =	ssyncset.done $0x0  }
0x417: {  	v20 =	vor.u32 s1, v0;
	s9 =	simm.s32 $0x600;
	[sflag:s28] =	ssyncadd.s32 $0xFFFFF000  }
0x418: {  	v2 =	vld.idx.msk [tilespmem:v2+s9+$0x0], $0xffff  }
0x419: {  	v61 =	vor.u32 s1, v1;
	v18 =	vld.idx.msk [tilespmem:v18+s9+$0x0], $0xffff  }
0x41a: {  	v62 =	vld.idx.msk [tilespmem:v19+s9+$0x0], $0xffff  }
0x41b: {  	s21 =	simm.s32 $0x2600;
	v63 =	vld.idx.msk [tilespmem:v5+s9+$0x0], $0xffff  }
0x41c: {  	v20 =	vld.idx.msk [tilespmem:v20+s21+$0x0], $0xffff  }
0x41d: {  	v19 =	vld.idx.msk [tilespmem:v19+s21+$0x0], $0xffff  }
0x41e: {  	v21 =	vld.idx.msk [tilespmem:v61+s21+$0x0], $0xffff  }
0x41f: {  	v5 =	vld.idx.msk [tilespmem:v5+s21+$0x0], $0xffff  }
0x420: {  	v2 =	vmul.f32 v62, v2;
	v18 =	vmul.f32 v63, v18;
	_ =	sdelay $0x1  }
0x421: {  	v2 =	vadd.f32 v18, v2;
	v18 =	vmul.f32 v19, v20;
	_ =	sdelay $0x1  }
0x422: {  	v5 =	vmul.f32 v5, v21;
	v2 =	vadd.f32 v18, v2;
	_ =	sdelay $0x1  }
0x423: {  	v2 =	vadd.f32 v5, v2;
	_ =	sdelay $0x1  }
0x424: {  	(xrf2) =	vadd.scan.msk.f32 $0xffff, v2;
	_ =	sdelay $0x4  }
0x425: {  	p0 =	seq.s32 s8, $0xFFFFFFFF  }
.Ltmp4:
0x426: {  	_ = 	snop;
	(pc) =	sbr.rel @p0 .LBB2_4-.Ltmp4, $2  }
0x427: {  	_ =	sdelay $0x2  }
0x428: {  	s6 =	simm.s32 $0xE200;
	v18, _, _ =	vpop (xrf2)  }
0x429: {  	v27 =	vld [tilespmem:$0x1FD60];
	_ =	sdelay $0x4  }
0x42a: {  	(v2sf) =	vpush v27, $0x0;
	_ =	sdelay $0x2  }
0x42b: {  	v26 =	vld [tilespmem:$0x1FD80];
	_ =	sdelay $0x4  }
0x42c: {  	(v2sf) =	vpush v26, $0x0;
	_ =	sdelay $0x6  }
0x42d: {  	s1 =	spop (v2sf)  }
0x42e: {  	s1 =	sand.u32 $0xFFFFF80, s1  }
0x42f: {  	s1 =	sadd.s32 s17, s1  }
0x430: {  	[tilespmem:s9], [sflag:$0x1] =	stream.linear.gather [hbm4b:s1+s5], $0x400, $0x38;
	[tilespmem:$0x10800] =	vst v63  }
0x431: {  	s2 =	sadd.s32 $0xF4280, s1  }
0x432: {  	[tilespmem:s30], [sflag:$0x1] =	stream.linear.gather [hbm4b:s2+s5], $0x400, $0x38;
	[tilespmem:$0x10800] =	vst v63  }
0x433: {  	s4 =	simm.s32 $0x1600;
	s11 =	sadd.s32 $0x1E8500, s1  }
0x434: {  	[tilespmem:s4], [sflag:$0x1] =	stream.linear.gather [hbm4b:s11+s5], $0x400, $0x38;
	[tilespmem:$0x10800] =	vst v63  }
0x435: {  	s15 =	simm.s32 $0x1E00;
	s16 =	spop (v2sf);
	s1 =	sadd.s32 $0x2DC780, s1  }
0x436: {  	[tilespmem:s15], [sflag:$0x1] =	stream.linear.gather [hbm4b:s1+s5], $0x400, $0x38;
	[tilespmem:$0x10800] =	vst v63  }
0x437: {  	s1 =	sand.u32 $0xFFFFF80, s16  }
0x438: {  	s29 =	simm.s32 $0xA00;
	s20 =	sadd.s32 s18, s1  }
0x439: {  	[tilespmem:s29], [sflag:$0x1] =	stream.linear.gather [hbm4b:s20+s5], $0x400, $0x38;
	[tilespmem:$0x10800] =	vst v63  }
0x43a: {  	s7 =	simm.s32 $0x1200;
	s31 =	sadd.s32 $0xF4280, s20  }
0x43b: {  	[tilespmem:s7], [sflag:$0x1] =	stream.linear.gather [hbm4b:s31+s5], $0x400, $0x38;
	[tilespmem:$0x10800] =	vst v63  }
0x43c: {  	s15 =	simm.s32 $0x1A00;
	s11 =	sadd.s32 $0x1E8500, s20  }
0x43d: {  	[tilespmem:s15], [sflag:$0x1] =	stream.linear.gather [hbm4b:s11+s5], $0x400, $0x38;
	[tilespmem:$0x10800] =	vst v63  }
0x43e: {  	s16 =	simm.s32 $0x2200;
	s2 =	sadd.s32 $0x2DC780, s20  }
0x43f: {  	[tilespmem:s16], [sflag:$0x1] =	stream.linear.gather [hbm4b:s2+s5], $0x400, $0x38;
	[tilespmem:$0x10800] =	vst v63  }
0x440: {  	_ =	swait.ge [sflag:s12], $0x1000  }
0x441: {  	[sflag:s12] =	ssyncset.done $0x0  }
0x442: {  	[sflag:s12] =	ssyncadd.s32 $0xFFFFF000  }
0x443: {  	_ =	swait.ge [sflag:s12], $0x1000  }
0x444: {  	v28 =	vld [tilespmem:$0x1FD70];
	_ =	sdelay $0x4  }
0x445: {  	(v2sf) =	vpush v28, $0x0;
	_ =	sdelay $0xe  }
0x446: {  	s20 =	spop (v2sf)  }
0x447: {  	[sflag:s12] =	ssyncset.done $0x0;
	s2 =	sand.u32 $0xFFFFF80, s20  }
0x448: {  	[sflag:s12] =	ssyncadd.s32 $0xFFFFF000;
	s2 =	sadd.s32 s13, s2  }
0x449: {  	[tilespmem:s21], [sflag:$0x2] =	stream.linear.gather [hbm4b:s2+s5], $0x400, $0x38;
	[tilespmem:$0x10800] =	vst v63  }
0x44a: {  	s31 =	simm.s32 $0x2E00;
	s29 =	sadd.s32 $0xF4280, s2  }
0x44b: {  	[tilespmem:s31], [sflag:$0x2] =	stream.linear.gather [hbm4b:s29+s5], $0x400, $0x38;
	[tilespmem:$0x10800] =	vst v63  }
0x44c: {  	s12 =	simm.s32 $0x3600;
	s11 =	sadd.s32 $0x1E8500, s2  }
0x44d: {  	[tilespmem:s12], [sflag:$0x2] =	stream.linear.gather [hbm4b:s11+s5], $0x400, $0x38;
	[tilespmem:$0x10800] =	vst v63  }
0x44e: {  	s15 =	simm.s32 $0x3E00;
	s2 =	sadd.s32 $0x2DC780, s2  }
0x44f: {  	[tilespmem:s15], [sflag:$0x2] =	stream.linear.gather [hbm4b:s2+s5], $0x400, $0x38;
	[tilespmem:$0x10800] =	vst v63  }
0x450: {  	s1 =	sadd.s32 s10, s1  }
0x451: {  	[tilespmem:s14], [sflag:$0x2] =	stream.linear.gather [hbm4b:s1+s5], $0x400, $0x38;
	[tilespmem:$0x10800] =	vst v63  }
0x452: {  	s16 =	sadd.s32 $0xF4280, s1;
	s20 =	simm.s32 $0x3200  }
0x453: {  	[tilespmem:s20], [sflag:$0x2] =	stream.linear.gather [hbm4b:s16+s5], $0x400, $0x38;
	[tilespmem:$0x10800] =	vst v63  }
.Ltmp5:
0x454: {  	_ = 	snop;
	(pc) =	sbr.rel .LBB2_5-.Ltmp5, $4  }
0x455: {  	s21 =	sadd.s32 $0x1E8500, s1;
	s29 =	simm.s32 $0x3A00  }
0x456: {  	[tilespmem:s29], [sflag:$0x2] =	stream.linear.gather [hbm4b:s21+s5], $0x400, $0x38;
	[tilespmem:$0x10800] =	vst v63  }
0x457: {  	s31 =	simm.s32 $0x4200;
	s1 =	sadd.s32 $0x2DC780, s1;
	s21 =	simm.s32 $0x1600  }
0x458: {  	[tilespmem:s31], [sflag:$0x2] =	stream.linear.gather [hbm4b:s1+s5], $0x400, $0x38;
	[tilespmem:$0x10800] =	vst v63  }
.LBB2_4:
0x459: {  	_ =	swait.ge [sflag:s12], $0x1000  }
0x45a: {  	[sflag:s12] =	ssyncset.done $0x0  }
0x45b: {  	[sflag:s12] =	ssyncadd.s32 $0xFFFFF000  }
0x45c: {  	_ =	swait.ge [sflag:s12], $0x1000  }
0x45d: {  	v26 =	vld [tilespmem:$0x1FD80]  }
0x45e: {  	[sflag:s12] =	ssyncset.done $0x0;
	v27 =	vld [tilespmem:$0x1FD60]  }
0x45f: {  	s21 =	simm.s32 $0x1600;
	v28 =	vld [tilespmem:$0x1FD70];
	[sflag:s12] =	ssyncadd.s32 $0xFFFFF000  }
.LBB2_5:
0x460: {  	s2 =	simm.s32 $0x4  }
0x461: {  	s1 =	sand.u32 $0x7F, s24;
	_ =	swait.ge [sflag:s2], $0x1000  }
0x462: {  	v5 =	vbroadcast v7, $0xD;
	v2 =	vor.u32 s1, v0;
	[sflag:s2] =	ssyncset.done $0x0  }
0x463: {  	v19 =	vor.u32 s1, v1;
	[sflag:s2] =	ssyncadd.s32 $0xFFFFF000  }
0x464: {  	v20 =	vor.u32 v55, v5;
	_ =	swait.ge [sflag:s2], $0x1000  }
0x465: {  	s0 =	sand.u32 $0x7F, s0;
	v5 =	vor.u32 v3, v5;
	[sflag:s2] =	ssyncset.done $0x0  }
0x466: {  	v21 =	vor.u32 s0, v0;
	s1 =	simm.s32 $0x4600;
	[sflag:s2] =	ssyncadd.s32 $0xFFFFF000  }
0x467: {  	v2 =	vld.idx.msk [tilespmem:v2+s1+$0x0], $0xffff  }
0x468: {  	v22 =	vor.u32 s0, v1;
	v19 =	vld.idx.msk [tilespmem:v19+s1+$0x0], $0xffff  }
0x469: {  	v23 =	vld.idx.msk [tilespmem:v20+s1+$0x0], $0xffff  }
0x46a: {  	s14 =	simm.s32 $0x6600;
	v24 =	vld.idx.msk [tilespmem:v5+s1+$0x0], $0xffff  }
0x46b: {  	v21 =	vld.idx.msk [tilespmem:v21+s14+$0x0], $0xffff  }
0x46c: {  	v20 =	vld.idx.msk [tilespmem:v20+s14+$0x0], $0xffff  }
0x46d: {  	v22 =	vld.idx.msk [tilespmem:v22+s14+$0x0], $0xffff  }
0x46e: {  	v5 =	vld.idx.msk [tilespmem:v5+s14+$0x0], $0xffff  }
0x46f: {  	v2 =	vmul.f32 v23, v2;
	v19 =	vmul.f32 v24, v19;
	_ =	sdelay $0x1  }
0x470: {  	v2 =	vadd.f32 v19, v2;
	v19 =	vmul.f32 v20, v21;
	_ =	sdelay $0x1  }
0x471: {  	v5 =	vmul.f32 v5, v22;
	v2 =	vadd.f32 v19, v2;
	_ =	sdelay $0x1  }
0x472: {  	v2 =	vadd.f32 v5, v2;
	_ =	sdelay $0x1  }
0x473: {  	(xrf2) =	vadd.scan.msk.f32 $0xffff, v2;
	_ =	sdelay $0x5  }
.Ltmp6:
0x474: {  	_ = 	snop;
	(pc) =	sbr.rel @p0 .LBB2_7-.Ltmp6, $2  }
0x475: {  	_ =	sdelay $0x2  }
0x476: {  	s7 =	rddreg [dreg:$0x10];
	v5, _, _ =	vpop (xrf2)  }
0x477: {  	(v2sf) =	vpush v27, $0x1;
	_ =	sdelay $0x7  }
0x478: {  	(v2sf) =	vpush v26, $0x1;
	_ =	sdelay $0x6  }
0x479: {  	s0 =	spop (v2sf)  }
0x47a: {  	s0 =	sand.u32 $0xFFFFF80, s0  }
0x47b: {  	s0 =	sadd.s32 s17, s0  }
0x47c: {  	[tilespmem:s1], [sflag:$0x3] =	stream.linear.gather [hbm4b:s0+s5], $0x400, $0x38;
	[tilespmem:$0x10800] =	vst v63  }
0x47d: {  	s2 =	simm.s32 $0x4E00;
	s4 =	sadd.s32 $0xF4280, s0  }
0x47e: {  	[tilespmem:s2], [sflag:$0x3] =	stream.linear.gather [hbm4b:s4+s5], $0x400, $0x38;
	[tilespmem:$0x10800] =	vst v63  }
0x47f: {  	s15 =	simm.s32 $0x5600;
	s12 =	sadd.s32 $0x1E8500, s0  }
0x480: {  	[tilespmem:s15], [sflag:$0x3] =	stream.linear.gather [hbm4b:s12+s5], $0x400, $0x38;
	[tilespmem:$0x10800] =	vst v63  }
0x481: {  	s16 =	simm.s32 $0x5E00;
	s20 =	spop (v2sf);
	s0 =	sadd.s32 $0x2DC780, s0  }
0x482: {  	[tilespmem:s16], [sflag:$0x3] =	stream.linear.gather [hbm4b:s0+s5], $0x400, $0x38;
	[tilespmem:$0x10800] =	vst v63  }
0x483: {  	s0 =	sand.u32 $0xFFFFF80, s20  }
0x484: {  	s29 =	simm.s32 $0x4A00;
	s24 =	sadd.s32 s18, s0  }
0x485: {  	[tilespmem:s29], [sflag:$0x3] =	stream.linear.gather [hbm4b:s24+s5], $0x400, $0x38;
	[tilespmem:$0x10800] =	vst v63  }
0x486: {  	s4 =	simm.s32 $0x5200;
	s31 =	sadd.s32 $0xF4280, s24  }
0x487: {  	[tilespmem:s4], [sflag:$0x3] =	stream.linear.gather [hbm4b:s31+s5], $0x400, $0x38;
	[tilespmem:$0x10800] =	vst v63  }
0x488: {  	s15 =	simm.s32 $0x5A00;
	s12 =	sadd.s32 $0x1E8500, s24  }
0x489: {  	[tilespmem:s15], [sflag:$0x3] =	stream.linear.gather [hbm4b:s12+s5], $0x400, $0x38;
	[tilespmem:$0x10800] =	vst v63  }
0x48a: {  	s16 =	simm.s32 $0x6200;
	s20 =	simm.s32 $0x5;
	s1 =	sadd.s32 $0x2DC780, s24  }
0x48b: {  	[tilespmem:s16], [sflag:$0x3] =	stream.linear.gather [hbm4b:s1+s5], $0x400, $0x38;
	[tilespmem:$0x10800] =	vst v63  }
0x48c: {  	_ =	swait.ge [sflag:s20], $0x1000  }
0x48d: {  	[sflag:s20] =	ssyncset.done $0x0  }
0x48e: {  	[sflag:s20] =	ssyncadd.s32 $0xFFFFF000  }
0x48f: {  	_ =	swait.ge [sflag:s20], $0x1000  }
0x490: {  	(v2sf) =	vpush v28, $0x1;
	_ =	sdelay $0xe  }
0x491: {  	s24 =	spop (v2sf)  }
0x492: {  	[sflag:s20] =	ssyncset.done $0x0;
	s1 =	sand.u32 $0xFFFFF80, s24  }
0x493: {  	[sflag:s20] =	ssyncadd.s32 $0xFFFFF000;
	s1 =	sadd.s32 s13, s1  }
0x494: {  	[tilespmem:s14], [sflag:$0x4] =	stream.linear.gather [hbm4b:s1+s5], $0x400, $0x38;
	[tilespmem:$0x10800] =	vst v63  }
0x495: {  	s31 =	simm.s32 $0x6E00;
	s29 =	sadd.s32 $0xF4280, s1  }
0x496: {  	[tilespmem:s31], [sflag:$0x4] =	stream.linear.gather [hbm4b:s29+s5], $0x400, $0x38;
	[tilespmem:$0x10800] =	vst v63  }
0x497: {  	s12 =	simm.s32 $0x7600;
	s4 =	sadd.s32 $0x1E8500, s1  }
0x498: {  	[tilespmem:s12], [sflag:$0x4] =	stream.linear.gather [hbm4b:s4+s5], $0x400, $0x38;
	[tilespmem:$0x10800] =	vst v63  }
0x499: {  	s1 =	sadd.s32 $0x2DC780, s1;
	s14 =	simm.s32 $0x7E00  }
0x49a: {  	[tilespmem:s14], [sflag:$0x4] =	stream.linear.gather [hbm4b:s1+s5], $0x400, $0x38;
	[tilespmem:$0x10800] =	vst v63  }
0x49b: {  	s0 =	sadd.s32 s10, s0;
	s15 =	simm.s32 $0x6A00  }
0x49c: {  	[tilespmem:s15], [sflag:$0x4] =	stream.linear.gather [hbm4b:s0+s5], $0x400, $0x38;
	[tilespmem:$0x10800] =	vst v63  }
0x49d: {  	s16 =	sadd.s32 $0xF4280, s0;
	s20 =	simm.s32 $0x7200  }
0x49e: {  	[tilespmem:s20], [sflag:$0x4] =	stream.linear.gather [hbm4b:s16+s5], $0x400, $0x38;
	[tilespmem:$0x10800] =	vst v63  }
.Ltmp7:
0x49f: {  	_ = 	snop;
	(pc) =	sbr.rel .LBB2_8-.Ltmp7, $4  }
0x4a0: {  	s24 =	sadd.s32 $0x1E8500, s0;
	s29 =	simm.s32 $0x7A00  }
0x4a1: {  	[tilespmem:s29], [sflag:$0x4] =	stream.linear.gather [hbm4b:s24+s5], $0x400, $0x38;
	[tilespmem:$0x10800] =	vst v63  }
0x4a2: {  	s11 =	simm.s32 $0x4600;
	s31 =	simm.s32 $0x8200;
	s0 =	sadd.s32 $0x2DC780, s0  }
0x4a3: {  	[tilespmem:s31], [sflag:$0x4] =	stream.linear.gather [hbm4b:s0+s5], $0x400, $0x38;
	[tilespmem:$0x10800] =	vst v63  }
.LBB2_7:
0x4a4: {  	s0 =	simm.s32 $0x5  }
0x4a5: {  	_ =	swait.ge [sflag:s0], $0x1000  }
0x4a6: {  	[sflag:s0] =	ssyncset.done $0x0  }
0x4a7: {  	[sflag:s0] =	ssyncadd.s32 $0xFFFFF000  }
0x4a8: {  	_ =	swait.ge [sflag:s0], $0x1000  }
0x4a9: {  	[sflag:s0] =	ssyncset.done $0x0  }
0x4aa: {  	s11 =	simm.s32 $0x4600;
	[sflag:s0] =	ssyncadd.s32 $0xFFFFF000  }
.LBB2_8:
0x4ab: {  	s1 =	simm.s32 $0x6  }
0x4ac: {  	s0 =	sand.u32 $0x7F, s22;
	_ =	swait.ge [sflag:s1], $0x1000  }
0x4ad: {  	v19 =	vbroadcast v7, $0xE;
	v2 =	vor.u32 s0, v0;
	[sflag:s1] =	ssyncset.done $0x0  }
0x4ae: {  	v20 =	vor.u32 s0, v1;
	[sflag:s1] =	ssyncadd.s32 $0xFFFFF000  }
0x4af: {  	v21 =	vor.u32 v55, v19;
	_ =	swait.ge [sflag:s1], $0x1000  }
0x4b0: {  	s31 =	sand.u32 $0x7F, s23;
	v19 =	vor.u32 v3, v19;
	[sflag:s1] =	ssyncset.done $0x0  }
0x4b1: {  	v22 =	vor.u32 s31, v0;
	[sflag:s1] =	ssyncadd.s32 $0xFFFFF000;
	s1 =	simm.s32 $0x8600  }
0x4b2: {  	v2 =	vld.idx.msk [tilespmem:v2+s1+$0x0], $0xffff  }
0x4b3: {  	v23 =	vor.u32 s31, v1;
	v20 =	vld.idx.msk [tilespmem:v20+s1+$0x0], $0xffff  }
0x4b4: {  	v24 =	vld.idx.msk [tilespmem:v21+s1+$0x0], $0xffff  }
0x4b5: {  	s22 =	simm.s32 $0xA600;
	v25 =	vld.idx.msk [tilespmem:v19+s1+$0x0], $0xffff  }
0x4b6: {  	v22 =	vld.idx.msk [tilespmem:v22+s22+$0x0], $0xffff  }
0x4b7: {  	v21 =	vld.idx.msk [tilespmem:v21+s22+$0x0], $0xffff  }
0x4b8: {  	v23 =	vld.idx.msk [tilespmem:v23+s22+$0x0], $0xffff  }
0x4b9: {  	v19 =	vld.idx.msk [tilespmem:v19+s22+$0x0], $0xffff  }
0x4ba: {  	v2 =	vmul.f32 v24, v2;
	v20 =	vmul.f32 v25, v20;
	_ =	sdelay $0x1  }
0x4bb: {  	v2 =	vadd.f32 v20, v2;
	v20 =	vmul.f32 v21, v22;
	_ =	sdelay $0x1  }
0x4bc: {  	v19 =	vmul.f32 v19, v23;
	v2 =	vadd.f32 v20, v2;
	_ =	sdelay $0x1  }
0x4bd: {  	v2 =	vadd.f32 v19, v2;
	_ =	sdelay $0x1  }
0x4be: {  	(xrf2) =	vadd.scan.msk.f32 $0xffff, v2;
	_ =	sdelay $0x5  }
.Ltmp8:
0x4bf: {  	_ = 	snop;
	(pc) =	sbr.rel @p0 .LBB2_10-.Ltmp8, $2  }
0x4c0: {  	_ =	sdelay $0x2  }
0x4c1: {  	s20 =	simm.s32 $0x6600;
	v2, _, _ =	vpop (xrf2)  }
0x4c2: {  	(v2sf) =	vpush v27, $0x2;
	_ =	sdelay $0x7  }
0x4c3: {  	(v2sf) =	vpush v26, $0x2;
	_ =	sdelay $0x6  }
0x4c4: {  	s0 =	spop (v2sf)  }
0x4c5: {  	s0 =	sand.u32 $0xFFFFF80, s0  }
0x4c6: {  	s0 =	sadd.s32 s17, s0  }
0x4c7: {  	[tilespmem:s1], [sflag:$0x5] =	stream.linear.gather [hbm4b:s0+s5], $0x400, $0x38;
	[tilespmem:$0x10800] =	vst v63  }
0x4c8: {  	s2 =	simm.s32 $0x8E00;
	s4 =	sadd.s32 $0xF4280, s0  }
0x4c9: {  	[tilespmem:s2], [sflag:$0x5] =	stream.linear.gather [hbm4b:s4+s5], $0x400, $0x38;
	[tilespmem:$0x10800] =	vst v63  }
0x4ca: {  	s15 =	simm.s32 $0x9600;
	s12 =	sadd.s32 $0x1E8500, s0  }
0x4cb: {  	[tilespmem:s15], [sflag:$0x5] =	stream.linear.gather [hbm4b:s12+s5], $0x400, $0x38;
	[tilespmem:$0x10800] =	vst v63  }
0x4cc: {  	s16 =	simm.s32 $0x9E00;
	s23 =	spop (v2sf);
	s0 =	sadd.s32 $0x2DC780, s0  }
0x4cd: {  	[tilespmem:s16], [sflag:$0x5] =	stream.linear.gather [hbm4b:s0+s5], $0x400, $0x38;
	[tilespmem:$0x10800] =	vst v63  }
0x4ce: {  	s0 =	sand.u32 $0xFFFFF80, s23  }
0x4cf: {  	s4 =	simm.s32 $0x8A00;
	s29 =	sadd.s32 s18, s0  }
0x4d0: {  	[tilespmem:s4], [sflag:$0x5] =	stream.linear.gather [hbm4b:s29+s5], $0x400, $0x38;
	[tilespmem:$0x10800] =	vst v63  }
0x4d1: {  	s12 =	sadd.s32 $0xF4280, s29;
	s4 =	simm.s32 $0x9200  }
0x4d2: {  	[tilespmem:s4], [sflag:$0x5] =	stream.linear.gather [hbm4b:s12+s5], $0x400, $0x38;
	[tilespmem:$0x10800] =	vst v63  }
0x4d3: {  	s16 =	simm.s32 $0x9A00;
	s15 =	sadd.s32 $0x1E8500, s29  }
0x4d4: {  	[tilespmem:s16], [sflag:$0x5] =	stream.linear.gather [hbm4b:s15+s5], $0x400, $0x38;
	[tilespmem:$0x10800] =	vst v63  }
0x4d5: {  	s23 =	simm.s32 $0xA200;
	s1 =	sadd.s32 $0x2DC780, s29;
	s29 =	simm.s32 $0x7  }
0x4d6: {  	[tilespmem:s23], [sflag:$0x5] =	stream.linear.gather [hbm4b:s1+s5], $0x400, $0x38;
	[tilespmem:$0x10800] =	vst v63  }
0x4d7: {  	_ =	swait.ge [sflag:s29], $0x1000  }
0x4d8: {  	[sflag:s29] =	ssyncset.done $0x0  }
0x4d9: {  	[sflag:s29] =	ssyncadd.s32 $0xFFFFF000  }
0x4da: {  	_ =	swait.ge [sflag:s29], $0x1000  }
0x4db: {  	(v2sf) =	vpush v28, $0x2;
	_ =	sdelay $0xe  }
0x4dc: {  	s4 =	spop (v2sf)  }
0x4dd: {  	[sflag:s29] =	ssyncset.done $0x0;
	s1 =	sand.u32 $0xFFFFF80, s4  }
0x4de: {  	[sflag:s29] =	ssyncadd.s32 $0xFFFFF000;
	s1 =	sadd.s32 s13, s1  }
0x4df: {  	[tilespmem:s22], [sflag:$0x6] =	stream.linear.gather [hbm4b:s1+s5], $0x400, $0x38;
	[tilespmem:$0x10800] =	vst v63  }
0x4e0: {  	s15 =	simm.s32 $0xAE00;
	s12 =	sadd.s32 $0xF4280, s1  }
0x4e1: {  	[tilespmem:s15], [sflag:$0x6] =	stream.linear.gather [hbm4b:s12+s5], $0x400, $0x38;
	[tilespmem:$0x10800] =	vst v63  }
0x4e2: {  	s23 =	simm.s32 $0xB600;
	s22 =	sadd.s32 $0x1E8500, s1  }
0x4e3: {  	[tilespmem:s23], [sflag:$0x6] =	stream.linear.gather [hbm4b:s22+s5], $0x400, $0x38;
	[tilespmem:$0x10800] =	vst v63  }
0x4e4: {  	s14 =	simm.s32 $0x3E00;
	s29 =	simm.s32 $0xBE00;
	s1 =	sadd.s32 $0x2DC780, s1  }
0x4e5: {  	[tilespmem:s29], [sflag:$0x6] =	stream.linear.gather [hbm4b:s1+s5], $0x400, $0x38;
	[tilespmem:$0x10800] =	vst v63  }
0x4e6: {  	s24 =	simm.s32 $0x3600;
	s0 =	sadd.s32 s10, s0;
	s4 =	simm.s32 $0xAA00  }
0x4e7: {  	[tilespmem:s4], [sflag:$0x6] =	stream.linear.gather [hbm4b:s0+s5], $0x400, $0x38;
	[tilespmem:$0x10800] =	vst v63  }
0x4e8: {  	s31 =	simm.s32 $0x8600;
	s12 =	sadd.s32 $0xF4280, s0;
	s15 =	simm.s32 $0xB200  }
0x4e9: {  	[tilespmem:s15], [sflag:$0x6] =	stream.linear.gather [hbm4b:s12+s5], $0x400, $0x38;
	[tilespmem:$0x10800] =	vst v63  }
.Ltmp9:
0x4ea: {  	s16 =	simm.s32 $0xA600;
	s22 =	sadd.s32 $0x1E8500, s0;
	(pc) =	sbr.rel .LBB2_11-.Ltmp9, $4  }
0x4eb: {  	s23 =	simm.s32 $0xBA00;
	s29 =	simm.s32 $0xC200;
	s0 =	sadd.s32 $0x2DC780, s0  }
0x4ec: {  	[tilespmem:s23], [sflag:$0x6] =	stream.linear.gather [hbm4b:s22+s5], $0x400, $0x38;
	[tilespmem:$0x10800] =	vst v63  }
0x4ed: {  	s12 =	rddreg [dreg:$0x12];
	s22 =	simm.s32 $0x2200;
	s23 =	simm.s32 $0x2E00  }
0x4ee: {  	[tilespmem:s29], [sflag:$0x6] =	stream.linear.gather [hbm4b:s0+s5], $0x400, $0x38;
	[tilespmem:$0x10800] =	vst v63  }
.LBB2_13:
0x4ef: {  	_ =	sfence.sel $0x180000  }
0x4f0: {  	[bflag:$0x0] =	sbarrier.arrive $0xFFFF  }
0x4f1: {  	_ =	strace $0x90000047  }
0x4f2: {  	s0 =	stileid.u32;
	[bflag:$0x2] =	sbarrier.arrive $0xFFFF  }
0x4f3: {  	p0 =	sne.s32 s0, $0x0;
	s0 =	rddreg [dreg:$0x8]  }
0x4f4: {  	s0 =	sadd.s32 @!p0 $0x100000, s0  }
0x4f5: {  	[sflag:s0] =	ssyncadd.tile.s32 @!p0 $0x1;
	_ =	shalt  }
.Lfunc_end2:
_tile_overlayer_lowered:
.L_overlay_start_2:
0x4f6: {  	(tag) =	ssettag $0x2  }
0x4f7: {  	s0 =	rddreg [dreg:$0x0];
	s2 =	stileid.u32  }
0x4f8: {  	s1 =	rddreg [dreg:$0x1];
	p0 =	sne.s32 s2, $0x0  }
0x4f9: {  	s3 =	rddreg [dreg:$0x2];
	[bflag:$0x3] =	sbarrier.arrive $0xFFFF;
	s2 =	simm.s32 @!p0 $0x1C09  }
0x4fa: {  	[timem:s3], [sflag:s2] =	dma.local @!p0 [hbm:s0], s1  }
0x4fb: {  	s0 =	simm.s32 @!p0 $0x9  }
0x4fc: {  	_ =	swait.ge @!p0 [sflag:s0], s1  }
0x4fd: {  	s1 =	ssub.s32 @!p0 $0x0, s1;
	[sflag:s0] =	ssyncset.done @!p0 $0x0  }
0x4fe: {  	[sflag:s0] =	ssyncadd.s32 @!p0 s1  }
0x4ff: {  	[bflag:$0x3] =	sbarrier.arrive $0xFFFF  }
0x500: {  	_ =	shalt  }

</sc_bundles>
